<compile_context>
chip_gen: v7x
topology: tpu7x:2x2x1
jax: 0.10.2.dev20260603
libtpu: 0.0.44.dev20260713+nightly
codegen_flags: <defaults>
</compile_context>

<pallas_src>
import functools

import jax
import jax.numpy as jnp
from jax import lax
from jax.experimental import pallas as pl
from jax.experimental.pallas import tpu as pltpu
from jax.experimental.pallas import tpu_sc as plsc

B, L, V, D = 4096, 200, 1000000, 64

_info = plsc.get_sparse_core_info()
_NC, _NS, _LANES = _info.num_cores, _info.num_subcores, _info.num_lanes
NW = _NC * _NS
TOTAL = B * L
ROWS_W = TOTAL // NW
SUB = 128
CH = 256
NSUB = CH // SUB
NIT = ROWS_W // CH
RU = 4


def _build():
    mesh = plsc.VectorSubcoreMesh(core_axis_name="c", subcore_axis_name="s")

    @functools.partial(
        pl.kernel,
        mesh=mesh,
        compiler_params=pltpu.CompilerParams(use_tc_tiling_on_sc=False),
        out_type=jax.ShapeDtypeStruct((TOTAL, 2 * D), jnp.float32),
        scratch_types=[
            pltpu.VMEM((3, NSUB, 2, SUB), jnp.int32),
            pltpu.VMEM((2, CH, D), jnp.float32),
            pltpu.VMEM((2, CH, D), jnp.float32),
            pltpu.SemaphoreType.DMA,
            pltpu.SemaphoreType.DMA,
            pltpu.SemaphoreType.DMA,
            pltpu.SemaphoreType.DMA,
            pltpu.SemaphoreType.DMA,
        ],
    )
    def emb_kernel(i2_hbm, tok_hbm, combo_hbm, out_hbm,
                   i_v, tok_v, cmb_v, gsem, osem0, osem1, isem0, isem1):
        wid = lax.axis_index("s") * _NC + lax.axis_index("c")
        row0 = wid * (ROWS_W // SUB)
        osem = (osem0, osem1)
        isem = (isem0, isem1)

        def idx_issue(it, q, sp):
            r = row0 + it * NSUB
            pltpu.async_copy(i2_hbm.at[pl.ds(r, NSUB)], i_v.at[q], isem[sp])

        def idx_wait(it, q, sp):
            r = row0 + it * NSUB
            pltpu.make_async_copy(i2_hbm.at[pl.ds(r, NSUB)], i_v.at[q],
                                  isem[sp]).wait()

        def gathers(q, p):
            for j in range(NSUB):
                dst = pl.ds(j * SUB, SUB)
                pltpu.async_copy(tok_hbm.at[i_v.at[q, j, 0]], tok_v.at[p, dst], gsem)
                pltpu.async_copy(combo_hbm.at[i_v.at[q, j, 1]], cmb_v.at[p, dst], gsem)

        def drain_g(p):
            dummy = out_hbm.at[pl.ds(0, SUB)]
            for j in range(NSUB):
                dst = pl.ds(j * SUB, SUB)
                pltpu.make_async_copy(dummy, tok_v.at[p, dst], gsem).wait()
                pltpu.make_async_copy(dummy, cmb_v.at[p, dst], gsem).wait()

        def out_issue(it, p):
            base = (row0 + it * NSUB) * SUB
            pltpu.async_copy(tok_v.at[p],
                             out_hbm.at[pl.ds(base, CH), pl.ds(0, D)], osem[p])

        def out_drain(it, p):
            base = (row0 + it * NSUB) * SUB
            pltpu.make_async_copy(tok_v.at[p],
                                  out_hbm.at[pl.ds(base, CH), pl.ds(0, D)],
                                  osem[p]).wait()

        def add(p):
            def body(i, c):
                for rr in range(RU):
                    r = i * RU + rr
                    for c4 in range(D // _LANES):
                        sl = pl.ds(c4 * _LANES, _LANES)
                        tok_v[p, r, sl] = tok_v[p, r, sl] + cmb_v[p, r, sl]
                return c
            lax.fori_loop(0, CH // RU, body, 0, unroll=False)

        def step(it, p, prefetch=True):
            if prefetch:
                idx_issue(it + 2, lax.rem(it + 2, 3), p)
            out_drain(it - 1, 1 - p)
            idx_wait(it + 1, lax.rem(it + 1, 3), 1 - p)
            gathers(lax.rem(it + 1, 3), 1 - p)
            drain_g(p)
            add(p)
            out_issue(it, p)

        idx_issue(0, 0, 0)
        idx_issue(1, 1, 1)
        idx_wait(0, 0, 0)
        gathers(0, 0)
        idx_issue(2, 2, 0)
        idx_wait(1, 1, 1)
        gathers(1, 1)
        drain_g(0)
        add(0)
        out_issue(0, 0)

        def pair(k, c):
            it = 2 * k + 1
            step(it, 1)
            step(it + 1, 0)
            return c

        lax.fori_loop(0, (NIT - 4) // 2, pair, 0)

        step(NIT - 3, 1)
        step(NIT - 2, 0, prefetch=False)
        drain_g(1)
        add(1)
        out_issue(NIT - 1, 1)
        out_drain(NIT - 2, 0)
        out_drain(NIT - 1, 1)

    return emb_kernel


def kernel(x, seg_label, tok_table, seg_table, pos_embed):
    seq = x.shape[1]
    combo = (pos_embed[0, :seq, None, :] + seg_table[None, :, :]).reshape(3 * seq, D)
    combo = jnp.tile(combo, (64, 1))
    cidx = seg_label.astype(jnp.int32) + 3 * jnp.arange(seq, dtype=jnp.int32)[None, :]
    crep = cidx.reshape(TOTAL) + (3 * seq) * (jnp.arange(TOTAL, dtype=jnp.int32) & 63)
    i2 = jnp.stack([x.astype(jnp.int32).reshape(TOTAL // SUB, SUB),
                    crep.reshape(TOTAL // SUB, SUB)], axis=1)
    out = _build()(i2, tok_table, combo)
    return out.reshape(B, L, 2 * D)[:, :, :D]

# --- scband reference (transcript-rebuilt; emitter-appended) ---
"""Pipeline reference for scband-bert-embedding-90709709291713 (READ-ONLY COPY).

The authoritative reference and input builder live on the scoring server;
editing this copy changes nothing except your own understanding.
"""

import jax, jax.numpy as jnp
import numpy as np

B, L, V, D, MAX_LEN = 4096, 200, 1000000, 64, 512

def _sinusoidal(max_len, d_model):
    pos = np.arange(max_len, dtype=np.float32)[:, None]
    _2i = np.arange(0, d_model, 2, dtype=np.float32)
    pe = np.zeros((max_len, d_model), dtype=np.float32)
    pe[:, 0::2] = np.sin(pos / np.power(10000.0, _2i / d_model))
    pe[:, 1::2] = np.cos(pos / np.power(10000.0, _2i / d_model))
    return jnp.asarray(pe[None])  # [1, max_len, d_model]

def setup_inputs(seed: int = 0):
    key = jax.random.key(seed)
    k1, k2, k3, k4 = jax.random.split(key, 4)
    x = jax.random.randint(k1, (B, L), 0, V, dtype=jnp.int64) if jax.config.jax_enable_x64 else jax.random.randint(k1, (B, L), 0, V)
    seg_label = jax.random.randint(k2, (B, L), 0, 3)
    tok_table = jax.random.normal(k3, (V, D), dtype=jnp.float32) * 0.02
    tok_table = tok_table.at[0].set(0.0)  # padding_idx=0
    seg_table = jax.random.normal(k4, (3, D), dtype=jnp.float32) * 0.02
    seg_table = seg_table.at[0].set(0.0)  # padding_idx=0
    pos_embed = _sinusoidal(MAX_LEN, D)
    return {"x": x, "seg_label": seg_label, "tok_table": tok_table, "seg_table": seg_table, "pos_embed": pos_embed}

def reference(x, seg_label, tok_table, seg_table, pos_embed):
    seq_len = x.shape[1]
    y = jnp.take(tok_table, x, axis=0) + pos_embed[:, :seq_len] + jnp.take(seg_table, seg_label, axis=0)
    # dropout is identity in eval mode
    return y

if __name__ == "__main__":
    import jax
    _d = setup_inputs()
    print(jax.jit(kernel)(*tuple(_d.values())))

</pallas_src>

<mosaic_0001>
#map = affine_map<(d0, d1) -> (0, 0, 0)>
#map1 = affine_map<(d0, d1) -> (0, 0)>
module attributes {stable_mosaic.version = 14 : i64} {
  func.func @emb_kernel(%arg0: i32, %arg1: i32, %arg2: memref<6400x2x128xi32, #tpu.memory_space<hbm>>, %arg3: memref<1000000x64xf32, #tpu.memory_space<hbm>>, %arg4: memref<38400x64xf32, #tpu.memory_space<hbm>>, %arg5: memref<819200x128xf32, #tpu.memory_space<hbm>>, %arg6: memref<3x2x2x128xi32, #tpu.memory_space<vmem>>, %arg7: memref<2x256x64xf32, #tpu.memory_space<vmem>>, %arg8: memref<2x256x64xf32, #tpu.memory_space<vmem>>, %arg9: memref<!tpu.dma_semaphore, #tpu.memory_space<semaphore_mem>>, %arg10: memref<!tpu.dma_semaphore, #tpu.memory_space<semaphore_mem>>, %arg11: memref<!tpu.dma_semaphore, #tpu.memory_space<semaphore_mem>>, %arg12: memref<!tpu.dma_semaphore, #tpu.memory_space<semaphore_mem>>, %arg13: memref<!tpu.dma_semaphore, #tpu.memory_space<semaphore_mem>>) attributes {dimension_semantics = [#tpu.dimension_semantics<core_parallel>, #tpu.dimension_semantics<subcore_parallel>], iteration_bounds = array<i64: 2, 16>, scalar_prefetch = 0 : i64, scratch_operands = 8 : i64, tpu.core_type = #tpu.core_type<sc_vector_subcore>, window_params = [{transform_indices = #map}, {transform_indices = #map1}, {transform_indices = #map1}, {transform_indices = #map1}]} {
    %mul3A = arith.constant 2 : i32
    %mul3A_0 = arith.muli %arg1, %mul3A : i32
    %add3A = arith.addi %mul3A_0, %arg0 : i32
    %mul3A_1 = arith.constant 200 : i32
    %mul3A_2 = arith.muli %add3A, %mul3A_1 : i32
    %add3A_3 = arith.constant 0 : i32
    %add3A_4 = arith.addi %mul3A_2, %add3A_3 : i32
    %dma_start3A = arith.constant 0 : i32
    %dma_start3A_5 = arith.constant 0 : i32
    %dma_start3A_6 = arith.constant 0 : i32
    %dma_start3A_7 = arith.constant 0 : i32
    %dma_start3A_8 = tpu.memref_slice %arg6[%dma_start3A, %dma_start3A_5, %dma_start3A_6, %dma_start3A_7] : memref<3x2x2x128xi32, #tpu.memory_space<vmem>> -> memref<1x2x2x128xi32, #tpu.memory_space<vmem>>
    %dma_start3A_9 = tpu.memref_squeeze %dma_start3A_8 : memref<1x2x2x128xi32, #tpu.memory_space<vmem>> -> memref<2x2x128xi32, #tpu.memory_space<vmem>>
    %dma_start3A_10 = arith.constant 0 : i32
    %dma_start3A_11 = arith.constant 0 : i32
    %dma_start3A_12 = tpu.memref_slice %arg2[%add3A_4, %dma_start3A_10, %dma_start3A_11] : memref<6400x2x128xi32, #tpu.memory_space<hbm>> -> memref<2x2x128xi32, #tpu.memory_space<hbm>>
    %dma_start3A_13 = arith.constant 0 : i32
    %dma_start3A_14 = arith.constant 0 : i32
    %dma_start3A_15 = arith.constant 0 : i32
    %dma_start3A_16 = tpu.memref_slice %arg6[%dma_start3A, %dma_start3A_13, %dma_start3A_14, %dma_start3A_15] : memref<3x2x2x128xi32, #tpu.memory_space<vmem>> -> memref<1x2x2x128xi32, #tpu.memory_space<vmem>>
    %dma_start3A_17 = tpu.memref_squeeze %dma_start3A_16 : memref<1x2x2x128xi32, #tpu.memory_space<vmem>> -> memref<2x2x128xi32, #tpu.memory_space<vmem>>
    %dma_start3A_18 = arith.constant 0 : i32
    %dma_start3A_19 = arith.constant 0 : i32
    %dma_start3A_20 = tpu.memref_slice %arg2[%add3A_4, %dma_start3A_18, %dma_start3A_19] : memref<6400x2x128xi32, #tpu.memory_space<hbm>> -> memref<2x2x128xi32, #tpu.memory_space<hbm>>
    tpu.enqueue_dma source(%dma_start3A_20 : memref<2x2x128xi32, #tpu.memory_space<hbm>>) target(%dma_start3A_17 : memref<2x2x128xi32, #tpu.memory_space<vmem>>) target_semaphore(%arg12 : memref<!tpu.dma_semaphore, #tpu.memory_space<semaphore_mem>>)
    %add3A_21 = arith.constant 2 : i32
    %add3A_22 = arith.addi %mul3A_2, %add3A_21 : i32
    %dma_start3A_23 = arith.constant 1 : i32
    %dma_start3A_24 = arith.constant 0 : i32
    %dma_start3A_25 = arith.constant 0 : i32
    %dma_start3A_26 = arith.constant 0 : i32
    %dma_start3A_27 = tpu.memref_slice %arg6[%dma_start3A_23, %dma_start3A_24, %dma_start3A_25, %dma_start3A_26] : memref<3x2x2x128xi32, #tpu.memory_space<vmem>> -> memref<1x2x2x128xi32, #tpu.memory_space<vmem>>
    %dma_start3A_28 = tpu.memref_squeeze %dma_start3A_27 : memref<1x2x2x128xi32, #tpu.memory_space<vmem>> -> memref<2x2x128xi32, #tpu.memory_space<vmem>>
    %dma_start3A_29 = arith.constant 0 : i32
    %dma_start3A_30 = arith.constant 0 : i32
    %dma_start3A_31 = tpu.memref_slice %arg2[%add3A_22, %dma_start3A_29, %dma_start3A_30] : memref<6400x2x128xi32, #tpu.memory_space<hbm>> -> memref<2x2x128xi32, #tpu.memory_space<hbm>>
    %dma_start3A_32 = arith.constant 0 : i32
    %dma_start3A_33 = arith.constant 0 : i32
    %dma_start3A_34 = arith.constant 0 : i32
    %dma_start3A_35 = tpu.memref_slice %arg6[%dma_start3A_23, %dma_start3A_32, %dma_start3A_33, %dma_start3A_34] : memref<3x2x2x128xi32, #tpu.memory_space<vmem>> -> memref<1x2x2x128xi32, #tpu.memory_space<vmem>>
    %dma_start3A_36 = tpu.memref_squeeze %dma_start3A_35 : memref<1x2x2x128xi32, #tpu.memory_space<vmem>> -> memref<2x2x128xi32, #tpu.memory_space<vmem>>
    %dma_start3A_37 = arith.constant 0 : i32
    %dma_start3A_38 = arith.constant 0 : i32
    %dma_start3A_39 = tpu.memref_slice %arg2[%add3A_22, %dma_start3A_37, %dma_start3A_38] : memref<6400x2x128xi32, #tpu.memory_space<hbm>> -> memref<2x2x128xi32, #tpu.memory_space<hbm>>
    tpu.enqueue_dma source(%dma_start3A_39 : memref<2x2x128xi32, #tpu.memory_space<hbm>>) target(%dma_start3A_36 : memref<2x2x128xi32, #tpu.memory_space<vmem>>) target_semaphore(%arg13 : memref<!tpu.dma_semaphore, #tpu.memory_space<semaphore_mem>>)
    %add3A_40 = arith.constant 0 : i32
    %add3A_41 = arith.addi %mul3A_2, %add3A_40 : i32
    %dma_wait3A = arith.constant 0 : i32
    %dma_wait3A_42 = arith.constant 0 : i32
    %dma_wait3A_43 = arith.constant 0 : i32
    %dma_wait3A_44 = arith.constant 0 : i32
    %dma_wait3A_45 = tpu.memref_slice %arg6[%dma_wait3A, %dma_wait3A_42, %dma_wait3A_43, %dma_wait3A_44] : memref<3x2x2x128xi32, #tpu.memory_space<vmem>> -> memref<1x2x2x128xi32, #tpu.memory_space<vmem>>
    %dma_wait3A_46 = tpu.memref_squeeze %dma_wait3A_45 : memref<1x2x2x128xi32, #tpu.memory_space<vmem>> -> memref<2x2x128xi32, #tpu.memory_space<vmem>>
    %dma_wait3A_47 = arith.constant 0 : i32
    %dma_wait3A_48 = arith.constant 0 : i32
    %dma_wait3A_49 = tpu.memref_slice %arg2[%add3A_41, %dma_wait3A_47, %dma_wait3A_48] : memref<6400x2x128xi32, #tpu.memory_space<hbm>> -> memref<2x2x128xi32, #tpu.memory_space<hbm>>
    %dma_wait3A_50 = arith.constant 0 : i32
    %dma_wait3A_51 = arith.constant 0 : i32
    %dma_wait3A_52 = arith.constant 0 : i32
    %dma_wait3A_53 = tpu.memref_slice %arg6[%dma_wait3A, %dma_wait3A_50, %dma_wait3A_51, %dma_wait3A_52] : memref<3x2x2x128xi32, #tpu.memory_space<vmem>> -> memref<1x2x2x128xi32, #tpu.memory_space<vmem>>
    %dma_wait3A_54 = tpu.memref_squeeze %dma_wait3A_53 : memref<1x2x2x128xi32, #tpu.memory_space<vmem>> -> memref<2x2x128xi32, #tpu.memory_space<vmem>>
    %dma_wait3A_55 = arith.constant 0 : i32
    %dma_wait3A_56 = arith.constant 0 : i32
    %dma_wait3A_57 = tpu.memref_slice %arg2[%add3A_41, %dma_wait3A_55, %dma_wait3A_56] : memref<6400x2x128xi32, #tpu.memory_space<hbm>> -> memref<2x2x128xi32, #tpu.memory_space<hbm>>
    tpu.wait_dma2 semaphore(%arg12 : memref<!tpu.dma_semaphore, #tpu.memory_space<semaphore_mem>>) src(%dma_wait3A_57 : memref<2x2x128xi32, #tpu.memory_space<hbm>>) dst(%dma_wait3A_54 : memref<2x2x128xi32, #tpu.memory_space<vmem>>)
    %dma_start3A_58 = arith.constant 0 : i32
    %dma_start3A_59 = arith.constant 0 : i32
    %dma_start3A_60 = arith.constant 0 : i32
    %dma_start3A_61 = arith.constant 0 : i32
    %dma_start3A_62 = arith.constant 0 : i32
    %dma_start3A_63 = arith.constant 0 : i32
    %dma_start3A_64 = tpu.memref_slice %arg7[%dma_start3A_61, %dma_start3A_62, %dma_start3A_63] : memref<2x256x64xf32, #tpu.memory_space<vmem>> -> memref<1x128x64xf32, #tpu.memory_space<vmem>>
    %dma_start3A_65 = tpu.memref_squeeze %dma_start3A_64 : memref<1x128x64xf32, #tpu.memory_space<vmem>> -> memref<128x64xf32, #tpu.memory_space<vmem>>
    %dma_start3A_66 = arith.constant 0 : i32
    %dma_start3A_67 = tpu.memref_slice %arg6[%dma_start3A_58, %dma_start3A_59, %dma_start3A_60, %dma_start3A_66] : memref<3x2x2x128xi32, #tpu.memory_space<vmem>> -> memref<1x1x1x128xi32, #tpu.memory_space<vmem>>
    %dma_start3A_68 = tpu.memref_squeeze %dma_start3A_67 : memref<1x1x1x128xi32, #tpu.memory_space<vmem>> -> memref<128xi32, #tpu.memory_space<vmem>>
    %dma_start3A_69 = arith.constant 0 : i32
    %dma_start3A_70 = arith.constant 0 : i32
    %dma_start3A_71 = tpu.memref_slice %arg3[%dma_start3A_69, %dma_start3A_70] : memref<1000000x64xf32, #tpu.memory_space<hbm>> -> memref<1000000x64xf32, #tpu.memory_space<hbm>>
    tpu.enqueue_indirect_dma source(%dma_start3A_71 : memref<1000000x64xf32, #tpu.memory_space<hbm>>) target(%dma_start3A_65 : memref<128x64xf32, #tpu.memory_space<vmem>>) offsets(%dma_start3A_68 : memref<128xi32, #tpu.memory_space<vmem>>) semaphore(%arg9 : memref<!tpu.dma_semaphore, #tpu.memory_space<semaphore_mem>>)
    %dma_start3A_72 = arith.constant 0 : i32
    %dma_start3A_73 = arith.constant 0 : i32
    %dma_start3A_74 = arith.constant 1 : i32
    %dma_start3A_75 = arith.constant 0 : i32
    %dma_start3A_76 = arith.constant 0 : i32
    %dma_start3A_77 = arith.constant 0 : i32
    %dma_start3A_78 = tpu.memref_slice %arg8[%dma_start3A_75, %dma_start3A_76, %dma_start3A_77] : memref<2x256x64xf32, #tpu.memory_space<vmem>> -> memref<1x128x64xf32, #tpu.memory_space<vmem>>
    %dma_start3A_79 = tpu.memref_squeeze %dma_start3A_78 : memref<1x128x64xf32, #tpu.memory_space<vmem>> -> memref<128x64xf32, #tpu.memory_space<vmem>>
    %dma_start3A_80 = arith.constant 0 : i32
    %dma_start3A_81 = tpu.memref_slice %arg6[%dma_start3A_72, %dma_start3A_73, %dma_start3A_74, %dma_start3A_80] : memref<3x2x2x128xi32, #tpu.memory_space<vmem>> -> memref<1x1x1x128xi32, #tpu.memory_space<vmem>>
    %dma_start3A_82 = tpu.memref_squeeze %dma_start3A_81 : memref<1x1x1x128xi32, #tpu.memory_space<vmem>> -> memref<128xi32, #tpu.memory_space<vmem>>
    %dma_start3A_83 = arith.constant 0 : i32
    %dma_start3A_84 = arith.constant 0 : i32
    %dma_start3A_85 = tpu.memref_slice %arg4[%dma_start3A_83, %dma_start3A_84] : memref<38400x64xf32, #tpu.memory_space<hbm>> -> memref<38400x64xf32, #tpu.memory_space<hbm>>
    tpu.enqueue_indirect_dma source(%dma_start3A_85 : memref<38400x64xf32, #tpu.memory_space<hbm>>) target(%dma_start3A_79 : memref<128x64xf32, #tpu.memory_space<vmem>>) offsets(%dma_start3A_82 : memref<128xi32, #tpu.memory_space<vmem>>) semaphore(%arg9 : memref<!tpu.dma_semaphore, #tpu.memory_space<semaphore_mem>>)
    %dma_start3A_86 = arith.constant 0 : i32
    %dma_start3A_87 = arith.constant 1 : i32
    %dma_start3A_88 = arith.constant 0 : i32
    %dma_start3A_89 = arith.constant 0 : i32
    %dma_start3A_90 = arith.constant 128 : i32
    %dma_start3A_91 = arith.constant 0 : i32
    %dma_start3A_92 = tpu.memref_slice %arg7[%dma_start3A_89, %dma_start3A_90, %dma_start3A_91] : memref<2x256x64xf32, #tpu.memory_space<vmem>> -> memref<1x128x64xf32, #tpu.memory_space<vmem>>
    %dma_start3A_93 = tpu.memref_squeeze %dma_start3A_92 : memref<1x128x64xf32, #tpu.memory_space<vmem>> -> memref<128x64xf32, #tpu.memory_space<vmem>>
    %dma_start3A_94 = arith.constant 0 : i32
    %dma_start3A_95 = tpu.memref_slice %arg6[%dma_start3A_86, %dma_start3A_87, %dma_start3A_88, %dma_start3A_94] : memref<3x2x2x128xi32, #tpu.memory_space<vmem>> -> memref<1x1x1x128xi32, #tpu.memory_space<vmem>>
    %dma_start3A_96 = tpu.memref_squeeze %dma_start3A_95 : memref<1x1x1x128xi32, #tpu.memory_space<vmem>> -> memref<128xi32, #tpu.memory_space<vmem>>
    %dma_start3A_97 = arith.constant 0 : i32
    %dma_start3A_98 = arith.constant 0 : i32
    %dma_start3A_99 = tpu.memref_slice %arg3[%dma_start3A_97, %dma_start3A_98] : memref<1000000x64xf32, #tpu.memory_space<hbm>> -> memref<1000000x64xf32, #tpu.memory_space<hbm>>
    tpu.enqueue_indirect_dma source(%dma_start3A_99 : memref<1000000x64xf32, #tpu.memory_space<hbm>>) target(%dma_start3A_93 : memref<128x64xf32, #tpu.memory_space<vmem>>) offsets(%dma_start3A_96 : memref<128xi32, #tpu.memory_space<vmem>>) semaphore(%arg9 : memref<!tpu.dma_semaphore, #tpu.memory_space<semaphore_mem>>)
    %dma_start3A_100 = arith.constant 0 : i32
    %dma_start3A_101 = arith.constant 1 : i32
    %dma_start3A_102 = arith.constant 1 : i32
    %dma_start3A_103 = arith.constant 0 : i32
    %dma_start3A_104 = arith.constant 128 : i32
    %dma_start3A_105 = arith.constant 0 : i32
    %dma_start3A_106 = tpu.memref_slice %arg8[%dma_start3A_103, %dma_start3A_104, %dma_start3A_105] : memref<2x256x64xf32, #tpu.memory_space<vmem>> -> memref<1x128x64xf32, #tpu.memory_space<vmem>>
    %dma_start3A_107 = tpu.memref_squeeze %dma_start3A_106 : memref<1x128x64xf32, #tpu.memory_space<vmem>> -> memref<128x64xf32, #tpu.memory_space<vmem>>
    %dma_start3A_108 = arith.constant 0 : i32
    %dma_start3A_109 = tpu.memref_slice %arg6[%dma_start3A_100, %dma_start3A_101, %dma_start3A_102, %dma_start3A_108] : memref<3x2x2x128xi32, #tpu.memory_space<vmem>> -> memref<1x1x1x128xi32, #tpu.memory_space<vmem>>
    %dma_start3A_110 = tpu.memref_squeeze %dma_start3A_109 : memref<1x1x1x128xi32, #tpu.memory_space<vmem>> -> memref<128xi32, #tpu.memory_space<vmem>>
    %dma_start3A_111 = arith.constant 0 : i32
    %dma_start3A_112 = arith.constant 0 : i32
    %dma_start3A_113 = tpu.memref_slice %arg4[%dma_start3A_111, %dma_start3A_112] : memref<38400x64xf32, #tpu.memory_space<hbm>> -> memref<38400x64xf32, #tpu.memory_space<hbm>>
    tpu.enqueue_indirect_dma source(%dma_start3A_113 : memref<38400x64xf32, #tpu.memory_space<hbm>>) target(%dma_start3A_107 : memref<128x64xf32, #tpu.memory_space<vmem>>) offsets(%dma_start3A_110 : memref<128xi32, #tpu.memory_space<vmem>>) semaphore(%arg9 : memref<!tpu.dma_semaphore, #tpu.memory_space<semaphore_mem>>)
    %add3A_114 = arith.constant 4 : i32
    %add3A_115 = arith.addi %mul3A_2, %add3A_114 : i32
    %dma_start3A_116 = arith.constant 2 : i32
    %dma_start3A_117 = arith.constant 0 : i32
    %dma_start3A_118 = arith.constant 0 : i32
    %dma_start3A_119 = arith.constant 0 : i32
    %dma_start3A_120 = tpu.memref_slice %arg6[%dma_start3A_116, %dma_start3A_117, %dma_start3A_118, %dma_start3A_119] : memref<3x2x2x128xi32, #tpu.memory_space<vmem>> -> memref<1x2x2x128xi32, #tpu.memory_space<vmem>>
    %dma_start3A_121 = tpu.memref_squeeze %dma_start3A_120 : memref<1x2x2x128xi32, #tpu.memory_space<vmem>> -> memref<2x2x128xi32, #tpu.memory_space<vmem>>
    %dma_start3A_122 = arith.constant 0 : i32
    %dma_start3A_123 = arith.constant 0 : i32
    %dma_start3A_124 = tpu.memref_slice %arg2[%add3A_115, %dma_start3A_122, %dma_start3A_123] : memref<6400x2x128xi32, #tpu.memory_space<hbm>> -> memref<2x2x128xi32, #tpu.memory_space<hbm>>
    %dma_start3A_125 = arith.constant 0 : i32
    %dma_start3A_126 = arith.constant 0 : i32
    %dma_start3A_127 = arith.constant 0 : i32
    %dma_start3A_128 = tpu.memref_slice %arg6[%dma_start3A_116, %dma_start3A_125, %dma_start3A_126, %dma_start3A_127] : memref<3x2x2x128xi32, #tpu.memory_space<vmem>> -> memref<1x2x2x128xi32, #tpu.memory_space<vmem>>
    %dma_start3A_129 = tpu.memref_squeeze %dma_start3A_128 : memref<1x2x2x128xi32, #tpu.memory_space<vmem>> -> memref<2x2x128xi32, #tpu.memory_space<vmem>>
    %dma_start3A_130 = arith.constant 0 : i32
    %dma_start3A_131 = arith.constant 0 : i32
    %dma_start3A_132 = tpu.memref_slice %arg2[%add3A_115, %dma_start3A_130, %dma_start3A_131] : memref<6400x2x128xi32, #tpu.memory_space<hbm>> -> memref<2x2x128xi32, #tpu.memory_space<hbm>>
    tpu.enqueue_dma source(%dma_start3A_132 : memref<2x2x128xi32, #tpu.memory_space<hbm>>) target(%dma_start3A_129 : memref<2x2x128xi32, #tpu.memory_space<vmem>>) target_semaphore(%arg12 : memref<!tpu.dma_semaphore, #tpu.memory_space<semaphore_mem>>)
    %add3A_133 = arith.constant 2 : i32
    %add3A_134 = arith.addi %mul3A_2, %add3A_133 : i32
    %dma_wait3A_135 = arith.constant 1 : i32
    %dma_wait3A_136 = arith.constant 0 : i32
    %dma_wait3A_137 = arith.constant 0 : i32
    %dma_wait3A_138 = arith.constant 0 : i32
    %dma_wait3A_139 = tpu.memref_slice %arg6[%dma_wait3A_135, %dma_wait3A_136, %dma_wait3A_137, %dma_wait3A_138] : memref<3x2x2x128xi32, #tpu.memory_space<vmem>> -> memref<1x2x2x128xi32, #tpu.memory_space<vmem>>
    %dma_wait3A_140 = tpu.memref_squeeze %dma_wait3A_139 : memref<1x2x2x128xi32, #tpu.memory_space<vmem>> -> memref<2x2x128xi32, #tpu.memory_space<vmem>>
    %dma_wait3A_141 = arith.constant 0 : i32
    %dma_wait3A_142 = arith.constant 0 : i32
    %dma_wait3A_143 = tpu.memref_slice %arg2[%add3A_134, %dma_wait3A_141, %dma_wait3A_142] : memref<6400x2x128xi32, #tpu.memory_space<hbm>> -> memref<2x2x128xi32, #tpu.memory_space<hbm>>
    %dma_wait3A_144 = arith.constant 0 : i32
    %dma_wait3A_145 = arith.constant 0 : i32
    %dma_wait3A_146 = arith.constant 0 : i32
    %dma_wait3A_147 = tpu.memref_slice %arg6[%dma_wait3A_135, %dma_wait3A_144, %dma_wait3A_145, %dma_wait3A_146] : memref<3x2x2x128xi32, #tpu.memory_space<vmem>> -> memref<1x2x2x128xi32, #tpu.memory_space<vmem>>
    %dma_wait3A_148 = tpu.memref_squeeze %dma_wait3A_147 : memref<1x2x2x128xi32, #tpu.memory_space<vmem>> -> memref<2x2x128xi32, #tpu.memory_space<vmem>>
    %dma_wait3A_149 = arith.constant 0 : i32
    %dma_wait3A_150 = arith.constant 0 : i32
    %dma_wait3A_151 = tpu.memref_slice %arg2[%add3A_134, %dma_wait3A_149, %dma_wait3A_150] : memref<6400x2x128xi32, #tpu.memory_space<hbm>> -> memref<2x2x128xi32, #tpu.memory_space<hbm>>
    tpu.wait_dma2 semaphore(%arg13 : memref<!tpu.dma_semaphore, #tpu.memory_space<semaphore_mem>>) src(%dma_wait3A_151 : memref<2x2x128xi32, #tpu.memory_space<hbm>>) dst(%dma_wait3A_148 : memref<2x2x128xi32, #tpu.memory_space<vmem>>)
    %dma_start3A_152 = arith.constant 1 : i32
    %dma_start3A_153 = arith.constant 0 : i32
    %dma_start3A_154 = arith.constant 0 : i32
    %dma_start3A_155 = arith.constant 1 : i32
    %dma_start3A_156 = arith.constant 0 : i32
    %dma_start3A_157 = arith.constant 0 : i32
    %dma_start3A_158 = tpu.memref_slice %arg7[%dma_start3A_155, %dma_start3A_156, %dma_start3A_157] : memref<2x256x64xf32, #tpu.memory_space<vmem>> -> memref<1x128x64xf32, #tpu.memory_space<vmem>>
    %dma_start3A_159 = tpu.memref_squeeze %dma_start3A_158 : memref<1x128x64xf32, #tpu.memory_space<vmem>> -> memref<128x64xf32, #tpu.memory_space<vmem>>
    %dma_start3A_160 = arith.constant 0 : i32
    %dma_start3A_161 = tpu.memref_slice %arg6[%dma_start3A_152, %dma_start3A_153, %dma_start3A_154, %dma_start3A_160] : memref<3x2x2x128xi32, #tpu.memory_space<vmem>> -> memref<1x1x1x128xi32, #tpu.memory_space<vmem>>
    %dma_start3A_162 = tpu.memref_squeeze %dma_start3A_161 : memref<1x1x1x128xi32, #tpu.memory_space<vmem>> -> memref<128xi32, #tpu.memory_space<vmem>>
    %dma_start3A_163 = arith.constant 0 : i32
    %dma_start3A_164 = arith.constant 0 : i32
    %dma_start3A_165 = tpu.memref_slice %arg3[%dma_start3A_163, %dma_start3A_164] : memref<1000000x64xf32, #tpu.memory_space<hbm>> -> memref<1000000x64xf32, #tpu.memory_space<hbm>>
    tpu.enqueue_indirect_dma source(%dma_start3A_165 : memref<1000000x64xf32, #tpu.memory_space<hbm>>) target(%dma_start3A_159 : memref<128x64xf32, #tpu.memory_space<vmem>>) offsets(%dma_start3A_162 : memref<128xi32, #tpu.memory_space<vmem>>) semaphore(%arg9 : memref<!tpu.dma_semaphore, #tpu.memory_space<semaphore_mem>>)
    %dma_start3A_166 = arith.constant 1 : i32
    %dma_start3A_167 = arith.constant 0 : i32
    %dma_start3A_168 = arith.constant 1 : i32
    %dma_start3A_169 = arith.constant 1 : i32
    %dma_start3A_170 = arith.constant 0 : i32
    %dma_start3A_171 = arith.constant 0 : i32
    %dma_start3A_172 = tpu.memref_slice %arg8[%dma_start3A_169, %dma_start3A_170, %dma_start3A_171] : memref<2x256x64xf32, #tpu.memory_space<vmem>> -> memref<1x128x64xf32, #tpu.memory_space<vmem>>
    %dma_start3A_173 = tpu.memref_squeeze %dma_start3A_172 : memref<1x128x64xf32, #tpu.memory_space<vmem>> -> memref<128x64xf32, #tpu.memory_space<vmem>>
    %dma_start3A_174 = arith.constant 0 : i32
    %dma_start3A_175 = tpu.memref_slice %arg6[%dma_start3A_166, %dma_start3A_167, %dma_start3A_168, %dma_start3A_174] : memref<3x2x2x128xi32, #tpu.memory_space<vmem>> -> memref<1x1x1x128xi32, #tpu.memory_space<vmem>>
    %dma_start3A_176 = tpu.memref_squeeze %dma_start3A_175 : memref<1x1x1x128xi32, #tpu.memory_space<vmem>> -> memref<128xi32, #tpu.memory_space<vmem>>
    %dma_start3A_177 = arith.constant 0 : i32
    %dma_start3A_178 = arith.constant 0 : i32
    %dma_start3A_179 = tpu.memref_slice %arg4[%dma_start3A_177, %dma_start3A_178] : memref<38400x64xf32, #tpu.memory_space<hbm>> -> memref<38400x64xf32, #tpu.memory_space<hbm>>
    tpu.enqueue_indirect_dma source(%dma_start3A_179 : memref<38400x64xf32, #tpu.memory_space<hbm>>) target(%dma_start3A_173 : memref<128x64xf32, #tpu.memory_space<vmem>>) offsets(%dma_start3A_176 : memref<128xi32, #tpu.memory_space<vmem>>) semaphore(%arg9 : memref<!tpu.dma_semaphore, #tpu.memory_space<semaphore_mem>>)
    %dma_start3A_180 = arith.constant 1 : i32
    %dma_start3A_181 = arith.constant 1 : i32
    %dma_start3A_182 = arith.constant 0 : i32
    %dma_start3A_183 = arith.constant 1 : i32
    %dma_start3A_184 = arith.constant 128 : i32
    %dma_start3A_185 = arith.constant 0 : i32
    %dma_start3A_186 = tpu.memref_slice %arg7[%dma_start3A_183, %dma_start3A_184, %dma_start3A_185] : memref<2x256x64xf32, #tpu.memory_space<vmem>> -> memref<1x128x64xf32, #tpu.memory_space<vmem>>
    %dma_start3A_187 = tpu.memref_squeeze %dma_start3A_186 : memref<1x128x64xf32, #tpu.memory_space<vmem>> -> memref<128x64xf32, #tpu.memory_space<vmem>>
    %dma_start3A_188 = arith.constant 0 : i32
    %dma_start3A_189 = tpu.memref_slice %arg6[%dma_start3A_180, %dma_start3A_181, %dma_start3A_182, %dma_start3A_188] : memref<3x2x2x128xi32, #tpu.memory_space<vmem>> -> memref<1x1x1x128xi32, #tpu.memory_space<vmem>>
    %dma_start3A_190 = tpu.memref_squeeze %dma_start3A_189 : memref<1x1x1x128xi32, #tpu.memory_space<vmem>> -> memref<128xi32, #tpu.memory_space<vmem>>
    %dma_start3A_191 = arith.constant 0 : i32
    %dma_start3A_192 = arith.constant 0 : i32
    %dma_start3A_193 = tpu.memref_slice %arg3[%dma_start3A_191, %dma_start3A_192] : memref<1000000x64xf32, #tpu.memory_space<hbm>> -> memref<1000000x64xf32, #tpu.memory_space<hbm>>
    tpu.enqueue_indirect_dma source(%dma_start3A_193 : memref<1000000x64xf32, #tpu.memory_space<hbm>>) target(%dma_start3A_187 : memref<128x64xf32, #tpu.memory_space<vmem>>) offsets(%dma_start3A_190 : memref<128xi32, #tpu.memory_space<vmem>>) semaphore(%arg9 : memref<!tpu.dma_semaphore, #tpu.memory_space<semaphore_mem>>)
    %dma_start3A_194 = arith.constant 1 : i32
    %dma_start3A_195 = arith.constant 1 : i32
    %dma_start3A_196 = arith.constant 1 : i32
    %dma_start3A_197 = arith.constant 1 : i32
    %dma_start3A_198 = arith.constant 128 : i32
    %dma_start3A_199 = arith.constant 0 : i32
    %dma_start3A_200 = tpu.memref_slice %arg8[%dma_start3A_197, %dma_start3A_198, %dma_start3A_199] : memref<2x256x64xf32, #tpu.memory_space<vmem>> -> memref<1x128x64xf32, #tpu.memory_space<vmem>>
    %dma_start3A_201 = tpu.memref_squeeze %dma_start3A_200 : memref<1x128x64xf32, #tpu.memory_space<vmem>> -> memref<128x64xf32, #tpu.memory_space<vmem>>
    %dma_start3A_202 = arith.constant 0 : i32
    %dma_start3A_203 = tpu.memref_slice %arg6[%dma_start3A_194, %dma_start3A_195, %dma_start3A_196, %dma_start3A_202] : memref<3x2x2x128xi32, #tpu.memory_space<vmem>> -> memref<1x1x1x128xi32, #tpu.memory_space<vmem>>
    %dma_start3A_204 = tpu.memref_squeeze %dma_start3A_203 : memref<1x1x1x128xi32, #tpu.memory_space<vmem>> -> memref<128xi32, #tpu.memory_space<vmem>>
    %dma_start3A_205 = arith.constant 0 : i32
    %dma_start3A_206 = arith.constant 0 : i32
    %dma_start3A_207 = tpu.memref_slice %arg4[%dma_start3A_205, %dma_start3A_206] : memref<38400x64xf32, #tpu.memory_space<hbm>> -> memref<38400x64xf32, #tpu.memory_space<hbm>>
    tpu.enqueue_indirect_dma source(%dma_start3A_207 : memref<38400x64xf32, #tpu.memory_space<hbm>>) target(%dma_start3A_201 : memref<128x64xf32, #tpu.memory_space<vmem>>) offsets(%dma_start3A_204 : memref<128xi32, #tpu.memory_space<vmem>>) semaphore(%arg9 : memref<!tpu.dma_semaphore, #tpu.memory_space<semaphore_mem>>)
    %dma_wait3A_208 = arith.constant 0 : i32
    %dma_wait3A_209 = arith.constant 0 : i32
    %dma_wait3A_210 = arith.constant 0 : i32
    %dma_wait3A_211 = tpu.memref_slice %arg7[%dma_wait3A_208, %dma_wait3A_209, %dma_wait3A_210] : memref<2x256x64xf32, #tpu.memory_space<vmem>> -> memref<1x128x64xf32, #tpu.memory_space<vmem>>
    %dma_wait3A_212 = tpu.memref_squeeze %dma_wait3A_211 : memref<1x128x64xf32, #tpu.memory_space<vmem>> -> memref<128x64xf32, #tpu.memory_space<vmem>>
    %dma_wait3A_213 = arith.constant 0 : i32
    %dma_wait3A_214 = arith.constant 0 : i32
    %dma_wait3A_215 = tpu.memref_slice %arg5[%dma_wait3A_213, %dma_wait3A_214] : memref<819200x128xf32, #tpu.memory_space<hbm>> -> memref<128x128xf32, #tpu.memory_space<hbm>>
    %dma_wait3A_216 = arith.constant 0 : i32
    %dma_wait3A_217 = arith.constant 0 : i32
    %dma_wait3A_218 = tpu.memref_slice %arg7[%dma_wait3A_208, %dma_wait3A_216, %dma_wait3A_217] : memref<2x256x64xf32, #tpu.memory_space<vmem>> -> memref<1x128x64xf32, #tpu.memory_space<vmem>>
    %dma_wait3A_219 = tpu.memref_squeeze %dma_wait3A_218 : memref<1x128x64xf32, #tpu.memory_space<vmem>> -> memref<128x64xf32, #tpu.memory_space<vmem>>
    %dma_wait3A_220 = arith.constant 0 : i32
    %dma_wait3A_221 = arith.constant 0 : i32
    %dma_wait3A_222 = tpu.memref_slice %arg5[%dma_wait3A_220, %dma_wait3A_221] : memref<819200x128xf32, #tpu.memory_space<hbm>> -> memref<128x128xf32, #tpu.memory_space<hbm>>
    tpu.wait_dma2 semaphore(%arg9 : memref<!tpu.dma_semaphore, #tpu.memory_space<semaphore_mem>>) src(%dma_wait3A_222 : memref<128x128xf32, #tpu.memory_space<hbm>>) dst(%dma_wait3A_219 : memref<128x64xf32, #tpu.memory_space<vmem>>)
    %dma_wait3A_223 = arith.constant 0 : i32
    %dma_wait3A_224 = arith.constant 0 : i32
    %dma_wait3A_225 = arith.constant 0 : i32
    %dma_wait3A_226 = tpu.memref_slice %arg8[%dma_wait3A_223, %dma_wait3A_224, %dma_wait3A_225] : memref<2x256x64xf32, #tpu.memory_space<vmem>> -> memref<1x128x64xf32, #tpu.memory_space<vmem>>
    %dma_wait3A_227 = tpu.memref_squeeze %dma_wait3A_226 : memref<1x128x64xf32, #tpu.memory_space<vmem>> -> memref<128x64xf32, #tpu.memory_space<vmem>>
    %dma_wait3A_228 = arith.constant 0 : i32
    %dma_wait3A_229 = arith.constant 0 : i32
    %dma_wait3A_230 = tpu.memref_slice %arg5[%dma_wait3A_228, %dma_wait3A_229] : memref<819200x128xf32, #tpu.memory_space<hbm>> -> memref<128x128xf32, #tpu.memory_space<hbm>>
    %dma_wait3A_231 = arith.constant 0 : i32
    %dma_wait3A_232 = arith.constant 0 : i32
    %dma_wait3A_233 = tpu.memref_slice %arg8[%dma_wait3A_223, %dma_wait3A_231, %dma_wait3A_232] : memref<2x256x64xf32, #tpu.memory_space<vmem>> -> memref<1x128x64xf32, #tpu.memory_space<vmem>>
    %dma_wait3A_234 = tpu.memref_squeeze %dma_wait3A_233 : memref<1x128x64xf32, #tpu.memory_space<vmem>> -> memref<128x64xf32, #tpu.memory_space<vmem>>
    %dma_wait3A_235 = arith.constant 0 : i32
    %dma_wait3A_236 = arith.constant 0 : i32
    %dma_wait3A_237 = tpu.memref_slice %arg5[%dma_wait3A_235, %dma_wait3A_236] : memref<819200x128xf32, #tpu.memory_space<hbm>> -> memref<128x128xf32, #tpu.memory_space<hbm>>
    tpu.wait_dma2 semaphore(%arg9 : memref<!tpu.dma_semaphore, #tpu.memory_space<semaphore_mem>>) src(%dma_wait3A_237 : memref<128x128xf32, #tpu.memory_space<hbm>>) dst(%dma_wait3A_234 : memref<128x64xf32, #tpu.memory_space<vmem>>)
    %dma_wait3A_238 = arith.constant 0 : i32
    %dma_wait3A_239 = arith.constant 128 : i32
    %dma_wait3A_240 = arith.constant 0 : i32
    %dma_wait3A_241 = tpu.memref_slice %arg7[%dma_wait3A_238, %dma_wait3A_239, %dma_wait3A_240] : memref<2x256x64xf32, #tpu.memory_space<vmem>> -> memref<1x128x64xf32, #tpu.memory_space<vmem>>
    %dma_wait3A_242 = tpu.memref_squeeze %dma_wait3A_241 : memref<1x128x64xf32, #tpu.memory_space<vmem>> -> memref<128x64xf32, #tpu.memory_space<vmem>>
    %dma_wait3A_243 = arith.constant 0 : i32
    %dma_wait3A_244 = arith.constant 0 : i32
    %dma_wait3A_245 = tpu.memref_slice %arg5[%dma_wait3A_243, %dma_wait3A_244] : memref<819200x128xf32, #tpu.memory_space<hbm>> -> memref<128x128xf32, #tpu.memory_space<hbm>>
    %dma_wait3A_246 = arith.constant 128 : i32
    %dma_wait3A_247 = arith.constant 0 : i32
    %dma_wait3A_248 = tpu.memref_slice %arg7[%dma_wait3A_238, %dma_wait3A_246, %dma_wait3A_247] : memref<2x256x64xf32, #tpu.memory_space<vmem>> -> memref<1x128x64xf32, #tpu.memory_space<vmem>>
    %dma_wait3A_249 = tpu.memref_squeeze %dma_wait3A_248 : memref<1x128x64xf32, #tpu.memory_space<vmem>> -> memref<128x64xf32, #tpu.memory_space<vmem>>
    %dma_wait3A_250 = arith.constant 0 : i32
    %dma_wait3A_251 = arith.constant 0 : i32
    %dma_wait3A_252 = tpu.memref_slice %arg5[%dma_wait3A_250, %dma_wait3A_251] : memref<819200x128xf32, #tpu.memory_space<hbm>> -> memref<128x128xf32, #tpu.memory_space<hbm>>
    tpu.wait_dma2 semaphore(%arg9 : memref<!tpu.dma_semaphore, #tpu.memory_space<semaphore_mem>>) src(%dma_wait3A_252 : memref<128x128xf32, #tpu.memory_space<hbm>>) dst(%dma_wait3A_249 : memref<128x64xf32, #tpu.memory_space<vmem>>)
    %dma_wait3A_253 = arith.constant 0 : i32
    %dma_wait3A_254 = arith.constant 128 : i32
    %dma_wait3A_255 = arith.constant 0 : i32
    %dma_wait3A_256 = tpu.memref_slice %arg8[%dma_wait3A_253, %dma_wait3A_254, %dma_wait3A_255] : memref<2x256x64xf32, #tpu.memory_space<vmem>> -> memref<1x128x64xf32, #tpu.memory_space<vmem>>
    %dma_wait3A_257 = tpu.memref_squeeze %dma_wait3A_256 : memref<1x128x64xf32, #tpu.memory_space<vmem>> -> memref<128x64xf32, #tpu.memory_space<vmem>>
    %dma_wait3A_258 = arith.constant 0 : i32
    %dma_wait3A_259 = arith.constant 0 : i32
    %dma_wait3A_260 = tpu.memref_slice %arg5[%dma_wait3A_258, %dma_wait3A_259] : memref<819200x128xf32, #tpu.memory_space<hbm>> -> memref<128x128xf32, #tpu.memory_space<hbm>>
    %dma_wait3A_261 = arith.constant 128 : i32
    %dma_wait3A_262 = arith.constant 0 : i32
    %dma_wait3A_263 = tpu.memref_slice %arg8[%dma_wait3A_253, %dma_wait3A_261, %dma_wait3A_262] : memref<2x256x64xf32, #tpu.memory_space<vmem>> -> memref<1x128x64xf32, #tpu.memory_space<vmem>>
    %dma_wait3A_264 = tpu.memref_squeeze %dma_wait3A_263 : memref<1x128x64xf32, #tpu.memory_space<vmem>> -> memref<128x64xf32, #tpu.memory_space<vmem>>
    %dma_wait3A_265 = arith.constant 0 : i32
    %dma_wait3A_266 = arith.constant 0 : i32
    %dma_wait3A_267 = tpu.memref_slice %arg5[%dma_wait3A_265, %dma_wait3A_266] : memref<819200x128xf32, #tpu.memory_space<hbm>> -> memref<128x128xf32, #tpu.memory_space<hbm>>
    tpu.wait_dma2 semaphore(%arg9 : memref<!tpu.dma_semaphore, #tpu.memory_space<semaphore_mem>>) src(%dma_wait3A_267 : memref<128x128xf32, #tpu.memory_space<hbm>>) dst(%dma_wait3A_264 : memref<128x64xf32, #tpu.memory_space<vmem>>)
    %scan3A = arith.constant 0 : i32
    %scan3A_268 = arith.constant 0 : i32
    %scan3A_269 = arith.constant 64 : i32
    %scan3A_270 = arith.addi %scan3A_268, %scan3A_269 : i32
    %scan3A_271 = arith.constant 1 : i32
    scf.for %scan3A_785 = %scan3A_268 to %scan3A_270 step %scan3A_271  : i32 {
      %mul3A_786 = arith.constant 4 : i32
      %mul3A_787 = arith.muli %scan3A_785, %mul3A_786 : i32
      %add3A_788 = arith.constant 0 : i32
      %add3A_789 = arith.addi %mul3A_787, %add3A_788 : i32
      %get3A = arith.constant 0 : i32
      %get3A_790 = arith.index_cast %get3A : i32 to index
      %get3A_791 = arith.index_cast %add3A_789 : i32 to index
      %get3A_792 = arith.constant 0 : index
      %get3A_793 = tpu.vector_load %arg7[%get3A_790, %get3A_791, %get3A_792] {strides = array<i32>} : memref<2x256x64xf32, #tpu.memory_space<vmem>>, vector<1x1x16xf32>,
      %get3A_794 = vector.shape_cast %get3A_793 : vector<1x1x16xf32> to vector<16xf32>
      %get3A_795 = arith.constant 0 : i32
      %get3A_796 = arith.index_cast %get3A_795 : i32 to index
      %get3A_797 = arith.index_cast %add3A_789 : i32 to index
      %get3A_798 = arith.constant 0 : index
      %get3A_799 = tpu.vector_load %arg8[%get3A_796, %get3A_797, %get3A_798] {strides = array<i32>} : memref<2x256x64xf32, #tpu.memory_space<vmem>>, vector<1x1x16xf32>,
      %get3A_800 = vector.shape_cast %get3A_799 : vector<1x1x16xf32> to vector<16xf32>
      %add3A_801 = arith.addf %get3A_794, %get3A_800 : vector<16xf32>
      %swap3A = arith.constant 0 : i32
      %swap3A_802 = arith.index_cast %swap3A : i32 to index
      %swap3A_803 = arith.index_cast %add3A_789 : i32 to index
      %swap3A_804 = arith.constant 0 : index
      %swap3A_805 = tpu.vector_load %arg7[%swap3A_802, %swap3A_803, %swap3A_804] {strides = array<i32>} : memref<2x256x64xf32, #tpu.memory_space<vmem>>, vector<1x1x16xf32>,
      %swap3A_806 = vector.shape_cast %swap3A_805 : vector<1x1x16xf32> to vector<16xf32>
      %swap3A_807 = vector.shape_cast %add3A_801 : vector<16xf32> to vector<1x1x16xf32>
      tpu.vector_store %arg7[%swap3A_802, %swap3A_803, %swap3A_804], %swap3A_807 {strides = array<i32>} : memref<2x256x64xf32, #tpu.memory_space<vmem>>, vector<1x1x16xf32>,
      %get3A_808 = arith.constant 0 : i32
      %get3A_809 = arith.index_cast %get3A_808 : i32 to index
      %get3A_810 = arith.index_cast %add3A_789 : i32 to index
      %get3A_811 = arith.constant 16 : index
      %get3A_812 = tpu.vector_load %arg7[%get3A_809, %get3A_810, %get3A_811] {strides = array<i32>} : memref<2x256x64xf32, #tpu.memory_space<vmem>>, vector<1x1x16xf32>,
      %get3A_813 = vector.shape_cast %get3A_812 : vector<1x1x16xf32> to vector<16xf32>
      %get3A_814 = arith.constant 0 : i32
      %get3A_815 = arith.index_cast %get3A_814 : i32 to index
      %get3A_816 = arith.index_cast %add3A_789 : i32 to index
      %get3A_817 = arith.constant 16 : index
      %get3A_818 = tpu.vector_load %arg8[%get3A_815, %get3A_816, %get3A_817] {strides = array<i32>} : memref<2x256x64xf32, #tpu.memory_space<vmem>>, vector<1x1x16xf32>,
      %get3A_819 = vector.shape_cast %get3A_818 : vector<1x1x16xf32> to vector<16xf32>
      %add3A_820 = arith.addf %get3A_813, %get3A_819 : vector<16xf32>
      %swap3A_821 = arith.constant 0 : i32
      %swap3A_822 = arith.index_cast %swap3A_821 : i32 to index
      %swap3A_823 = arith.index_cast %add3A_789 : i32 to index
      %swap3A_824 = arith.constant 16 : index
      %swap3A_825 = tpu.vector_load %arg7[%swap3A_822, %swap3A_823, %swap3A_824] {strides = array<i32>} : memref<2x256x64xf32, #tpu.memory_space<vmem>>, vector<1x1x16xf32>,
      %swap3A_826 = vector.shape_cast %swap3A_825 : vector<1x1x16xf32> to vector<16xf32>
      %swap3A_827 = vector.shape_cast %add3A_820 : vector<16xf32> to vector<1x1x16xf32>
      tpu.vector_store %arg7[%swap3A_822, %swap3A_823, %swap3A_824], %swap3A_827 {strides = array<i32>} : memref<2x256x64xf32, #tpu.memory_space<vmem>>, vector<1x1x16xf32>,
      %get3A_828 = arith.constant 0 : i32
      %get3A_829 = arith.index_cast %get3A_828 : i32 to index
      %get3A_830 = arith.index_cast %add3A_789 : i32 to index
      %get3A_831 = arith.constant 32 : index
      %get3A_832 = tpu.vector_load %arg7[%get3A_829, %get3A_830, %get3A_831] {strides = array<i32>} : memref<2x256x64xf32, #tpu.memory_space<vmem>>, vector<1x1x16xf32>,
      %get3A_833 = vector.shape_cast %get3A_832 : vector<1x1x16xf32> to vector<16xf32>
      %get3A_834 = arith.constant 0 : i32
      %get3A_835 = arith.index_cast %get3A_834 : i32 to index
      %get3A_836 = arith.index_cast %add3A_789 : i32 to index
      %get3A_837 = arith.constant 32 : index
      %get3A_838 = tpu.vector_load %arg8[%get3A_835, %get3A_836, %get3A_837] {strides = array<i32>} : memref<2x256x64xf32, #tpu.memory_space<vmem>>, vector<1x1x16xf32>,
      %get3A_839 = vector.shape_cast %get3A_838 : vector<1x1x16xf32> to vector<16xf32>
      %add3A_840 = arith.addf %get3A_833, %get3A_839 : vector<16xf32>
      %swap3A_841 = arith.constant 0 : i32
      %swap3A_842 = arith.index_cast %swap3A_841 : i32 to index
      %swap3A_843 = arith.index_cast %add3A_789 : i32 to index
      %swap3A_844 = arith.constant 32 : index
      %swap3A_845 = tpu.vector_load %arg7[%swap3A_842, %swap3A_843, %swap3A_844] {strides = array<i32>} : memref<2x256x64xf32, #tpu.memory_space<vmem>>, vector<1x1x16xf32>,
      %swap3A_846 = vector.shape_cast %swap3A_845 : vector<1x1x16xf32> to vector<16xf32>
      %swap3A_847 = vector.shape_cast %add3A_840 : vector<16xf32> to vector<1x1x16xf32>
      tpu.vector_store %arg7[%swap3A_842, %swap3A_843, %swap3A_844], %swap3A_847 {strides = array<i32>} : memref<2x256x64xf32, #tpu.memory_space<vmem>>, vector<1x1x16xf32>,
      %get3A_848 = arith.constant 0 : i32
      %get3A_849 = arith.index_cast %get3A_848 : i32 to index
      %get3A_850 = arith.index_cast %add3A_789 : i32 to index
      %get3A_851 = arith.constant 48 : index
      %get3A_852 = tpu.vector_load %arg7[%get3A_849, %get3A_850, %get3A_851] {strides = array<i32>} : memref<2x256x64xf32, #tpu.memory_space<vmem>>, vector<1x1x16xf32>,
      %get3A_853 = vector.shape_cast %get3A_852 : vector<1x1x16xf32> to vector<16xf32>
      %get3A_854 = arith.constant 0 : i32
      %get3A_855 = arith.index_cast %get3A_854 : i32 to index
      %get3A_856 = arith.index_cast %add3A_789 : i32 to index
      %get3A_857 = arith.constant 48 : index
      %get3A_858 = tpu.vector_load %arg8[%get3A_855, %get3A_856, %get3A_857] {strides = array<i32>} : memref<2x256x64xf32, #tpu.memory_space<vmem>>, vector<1x1x16xf32>,
      %get3A_859 = vector.shape_cast %get3A_858 : vector<1x1x16xf32> to vector<16xf32>
      %add3A_860 = arith.addf %get3A_853, %get3A_859 : vector<16xf32>
      %swap3A_861 = arith.constant 0 : i32
      %swap3A_862 = arith.index_cast %swap3A_861 : i32 to index
      %swap3A_863 = arith.index_cast %add3A_789 : i32 to index
      %swap3A_864 = arith.constant 48 : index
      %swap3A_865 = tpu.vector_load %arg7[%swap3A_862, %swap3A_863, %swap3A_864] {strides = array<i32>} : memref<2x256x64xf32, #tpu.memory_space<vmem>>, vector<1x1x16xf32>,
      %swap3A_866 = vector.shape_cast %swap3A_865 : vector<1x1x16xf32> to vector<16xf32>
      %swap3A_867 = vector.shape_cast %add3A_860 : vector<16xf32> to vector<1x1x16xf32>
      tpu.vector_store %arg7[%swap3A_862, %swap3A_863, %swap3A_864], %swap3A_867 {strides = array<i32>} : memref<2x256x64xf32, #tpu.memory_space<vmem>>, vector<1x1x16xf32>,
      %mul3A_868 = arith.constant 4 : i32
      %mul3A_869 = arith.muli %scan3A_785, %mul3A_868 : i32
      %add3A_870 = arith.constant 1 : i32
      %add3A_871 = arith.addi %mul3A_869, %add3A_870 : i32
      %get3A_872 = arith.constant 0 : i32
      %get3A_873 = arith.index_cast %get3A_872 : i32 to index
      %get3A_874 = arith.index_cast %add3A_871 : i32 to index
      %get3A_875 = arith.constant 0 : index
      %get3A_876 = tpu.vector_load %arg7[%get3A_873, %get3A_874, %get3A_875] {strides = array<i32>} : memref<2x256x64xf32, #tpu.memory_space<vmem>>, vector<1x1x16xf32>,
      %get3A_877 = vector.shape_cast %get3A_876 : vector<1x1x16xf32> to vector<16xf32>
      %get3A_878 = arith.constant 0 : i32
      %get3A_879 = arith.index_cast %get3A_878 : i32 to index
      %get3A_880 = arith.index_cast %add3A_871 : i32 to index
      %get3A_881 = arith.constant 0 : index
      %get3A_882 = tpu.vector_load %arg8[%get3A_879, %get3A_880, %get3A_881] {strides = array<i32>} : memref<2x256x64xf32, #tpu.memory_space<vmem>>, vector<1x1x16xf32>,
      %get3A_883 = vector.shape_cast %get3A_882 : vector<1x1x16xf32> to vector<16xf32>
      %add3A_884 = arith.addf %get3A_877, %get3A_883 : vector<16xf32>
      %swap3A_885 = arith.constant 0 : i32
      %swap3A_886 = arith.index_cast %swap3A_885 : i32 to index
      %swap3A_887 = arith.index_cast %add3A_871 : i32 to index
      %swap3A_888 = arith.constant 0 : index
      %swap3A_889 = tpu.vector_load %arg7[%swap3A_886, %swap3A_887, %swap3A_888] {strides = array<i32>} : memref<2x256x64xf32, #tpu.memory_space<vmem>>, vector<1x1x16xf32>,
      %swap3A_890 = vector.shape_cast %swap3A_889 : vector<1x1x16xf32> to vector<16xf32>
      %swap3A_891 = vector.shape_cast %add3A_884 : vector<16xf32> to vector<1x1x16xf32>
      tpu.vector_store %arg7[%swap3A_886, %swap3A_887, %swap3A_888], %swap3A_891 {strides = array<i32>} : memref<2x256x64xf32, #tpu.memory_space<vmem>>, vector<1x1x16xf32>,
      %get3A_892 = arith.constant 0 : i32
      %get3A_893 = arith.index_cast %get3A_892 : i32 to index
      %get3A_894 = arith.index_cast %add3A_871 : i32 to index
      %get3A_895 = arith.constant 16 : index
      %get3A_896 = tpu.vector_load %arg7[%get3A_893, %get3A_894, %get3A_895] {strides = array<i32>} : memref<2x256x64xf32, #tpu.memory_space<vmem>>, vector<1x1x16xf32>,
      %get3A_897 = vector.shape_cast %get3A_896 : vector<1x1x16xf32> to vector<16xf32>
      %get3A_898 = arith.constant 0 : i32
      %get3A_899 = arith.index_cast %get3A_898 : i32 to index
      %get3A_900 = arith.index_cast %add3A_871 : i32 to index
      %get3A_901 = arith.constant 16 : index
      %get3A_902 = tpu.vector_load %arg8[%get3A_899, %get3A_900, %get3A_901] {strides = array<i32>} : memref<2x256x64xf32, #tpu.memory_space<vmem>>, vector<1x1x16xf32>,
      %get3A_903 = vector.shape_cast %get3A_902 : vector<1x1x16xf32> to vector<16xf32>
      %add3A_904 = arith.addf %get3A_897, %get3A_903 : vector<16xf32>
      %swap3A_905 = arith.constant 0 : i32
      %swap3A_906 = arith.index_cast %swap3A_905 : i32 to index
      %swap3A_907 = arith.index_cast %add3A_871 : i32 to index
      %swap3A_908 = arith.constant 16 : index
      %swap3A_909 = tpu.vector_load %arg7[%swap3A_906, %swap3A_907, %swap3A_908] {strides = array<i32>} : memref<2x256x64xf32, #tpu.memory_space<vmem>>, vector<1x1x16xf32>,
      %swap3A_910 = vector.shape_cast %swap3A_909 : vector<1x1x16xf32> to vector<16xf32>
      %swap3A_911 = vector.shape_cast %add3A_904 : vector<16xf32> to vector<1x1x16xf32>
      tpu.vector_store %arg7[%swap3A_906, %swap3A_907, %swap3A_908], %swap3A_911 {strides = array<i32>} : memref<2x256x64xf32, #tpu.memory_space<vmem>>, vector<1x1x16xf32>,
      %get3A_912 = arith.constant 0 : i32
      %get3A_913 = arith.index_cast %get3A_912 : i32 to index
      %get3A_914 = arith.index_cast %add3A_871 : i32 to index
      %get3A_915 = arith.constant 32 : index
      %get3A_916 = tpu.vector_load %arg7[%get3A_913, %get3A_914, %get3A_915] {strides = array<i32>} : memref<2x256x64xf32, #tpu.memory_space<vmem>>, vector<1x1x16xf32>,
      %get3A_917 = vector.shape_cast %get3A_916 : vector<1x1x16xf32> to vector<16xf32>
      %get3A_918 = arith.constant 0 : i32
      %get3A_919 = arith.index_cast %get3A_918 : i32 to index
      %get3A_920 = arith.index_cast %add3A_871 : i32 to index
      %get3A_921 = arith.constant 32 : index
      %get3A_922 = tpu.vector_load %arg8[%get3A_919, %get3A_920, %get3A_921] {strides = array<i32>} : memref<2x256x64xf32, #tpu.memory_space<vmem>>, vector<1x1x16xf32>,
      %get3A_923 = vector.shape_cast %get3A_922 : vector<1x1x16xf32> to vector<16xf32>
      %add3A_924 = arith.addf %get3A_917, %get3A_923 : vector<16xf32>
      %swap3A_925 = arith.constant 0 : i32
      %swap3A_926 = arith.index_cast %swap3A_925 : i32 to index
      %swap3A_927 = arith.index_cast %add3A_871 : i32 to index
      %swap3A_928 = arith.constant 32 : index
      %swap3A_929 = tpu.vector_load %arg7[%swap3A_926, %swap3A_927, %swap3A_928] {strides = array<i32>} : memref<2x256x64xf32, #tpu.memory_space<vmem>>, vector<1x1x16xf32>,
      %swap3A_930 = vector.shape_cast %swap3A_929 : vector<1x1x16xf32> to vector<16xf32>
      %swap3A_931 = vector.shape_cast %add3A_924 : vector<16xf32> to vector<1x1x16xf32>
      tpu.vector_store %arg7[%swap3A_926, %swap3A_927, %swap3A_928], %swap3A_931 {strides = array<i32>} : memref<2x256x64xf32, #tpu.memory_space<vmem>>, vector<1x1x16xf32>,
      %get3A_932 = arith.constant 0 : i32
      %get3A_933 = arith.index_cast %get3A_932 : i32 to index
      %get3A_934 = arith.index_cast %add3A_871 : i32 to index
      %get3A_935 = arith.constant 48 : index
      %get3A_936 = tpu.vector_load %arg7[%get3A_933, %get3A_934, %get3A_935] {strides = array<i32>} : memref<2x256x64xf32, #tpu.memory_space<vmem>>, vector<1x1x16xf32>,
      %get3A_937 = vector.shape_cast %get3A_936 : vector<1x1x16xf32> to vector<16xf32>
      %get3A_938 = arith.constant 0 : i32
      %get3A_939 = arith.index_cast %get3A_938 : i32 to index
      %get3A_940 = arith.index_cast %add3A_871 : i32 to index
      %get3A_941 = arith.constant 48 : index
      %get3A_942 = tpu.vector_load %arg8[%get3A_939, %get3A_940, %get3A_941] {strides = array<i32>} : memref<2x256x64xf32, #tpu.memory_space<vmem>>, vector<1x1x16xf32>,
      %get3A_943 = vector.shape_cast %get3A_942 : vector<1x1x16xf32> to vector<16xf32>
      %add3A_944 = arith.addf %get3A_937, %get3A_943 : vector<16xf32>
      %swap3A_945 = arith.constant 0 : i32
      %swap3A_946 = arith.index_cast %swap3A_945 : i32 to index
      %swap3A_947 = arith.index_cast %add3A_871 : i32 to index
      %swap3A_948 = arith.constant 48 : index
      %swap3A_949 = tpu.vector_load %arg7[%swap3A_946, %swap3A_947, %swap3A_948] {strides = array<i32>} : memref<2x256x64xf32, #tpu.memory_space<vmem>>, vector<1x1x16xf32>,
      %swap3A_950 = vector.shape_cast %swap3A_949 : vector<1x1x16xf32> to vector<16xf32>
      %swap3A_951 = vector.shape_cast %add3A_944 : vector<16xf32> to vector<1x1x16xf32>
      tpu.vector_store %arg7[%swap3A_946, %swap3A_947, %swap3A_948], %swap3A_951 {strides = array<i32>} : memref<2x256x64xf32, #tpu.memory_space<vmem>>, vector<1x1x16xf32>,
      %mul3A_952 = arith.constant 4 : i32
      %mul3A_953 = arith.muli %scan3A_785, %mul3A_952 : i32
      %add3A_954 = arith.constant 2 : i32
      %add3A_955 = arith.addi %mul3A_953, %add3A_954 : i32
      %get3A_956 = arith.constant 0 : i32
      %get3A_957 = arith.index_cast %get3A_956 : i32 to index
      %get3A_958 = arith.index_cast %add3A_955 : i32 to index
      %get3A_959 = arith.constant 0 : index
      %get3A_960 = tpu.vector_load %arg7[%get3A_957, %get3A_958, %get3A_959] {strides = array<i32>} : memref<2x256x64xf32, #tpu.memory_space<vmem>>, vector<1x1x16xf32>,
      %get3A_961 = vector.shape_cast %get3A_960 : vector<1x1x16xf32> to vector<16xf32>
      %get3A_962 = arith.constant 0 : i32
      %get3A_963 = arith.index_cast %get3A_962 : i32 to index
      %get3A_964 = arith.index_cast %add3A_955 : i32 to index
      %get3A_965 = arith.constant 0 : index
      %get3A_966 = tpu.vector_load %arg8[%get3A_963, %get3A_964, %get3A_965] {strides = array<i32>} : memref<2x256x64xf32, #tpu.memory_space<vmem>>, vector<1x1x16xf32>,
      %get3A_967 = vector.shape_cast %get3A_966 : vector<1x1x16xf32> to vector<16xf32>
      %add3A_968 = arith.addf %get3A_961, %get3A_967 : vector<16xf32>
      %swap3A_969 = arith.constant 0 : i32
      %swap3A_970 = arith.index_cast %swap3A_969 : i32 to index
      %swap3A_971 = arith.index_cast %add3A_955 : i32 to index
      %swap3A_972 = arith.constant 0 : index
      %swap3A_973 = tpu.vector_load %arg7[%swap3A_970, %swap3A_971, %swap3A_972] {strides = array<i32>} : memref<2x256x64xf32, #tpu.memory_space<vmem>>, vector<1x1x16xf32>,
      %swap3A_974 = vector.shape_cast %swap3A_973 : vector<1x1x16xf32> to vector<16xf32>
      %swap3A_975 = vector.shape_cast %add3A_968 : vector<16xf32> to vector<1x1x16xf32>
      tpu.vector_store %arg7[%swap3A_970, %swap3A_971, %swap3A_972], %swap3A_975 {strides = array<i32>} : memref<2x256x64xf32, #tpu.memory_space<vmem>>, vector<1x1x16xf32>,
      %get3A_976 = arith.constant 0 : i32
      %get3A_977 = arith.index_cast %get3A_976 : i32 to index
      %get3A_978 = arith.index_cast %add3A_955 : i32 to index
      %get3A_979 = arith.constant 16 : index
      %get3A_980 = tpu.vector_load %arg7[%get3A_977, %get3A_978, %get3A_979] {strides = array<i32>} : memref<2x256x64xf32, #tpu.memory_space<vmem>>, vector<1x1x16xf32>,
      %get3A_981 = vector.shape_cast %get3A_980 : vector<1x1x16xf32> to vector<16xf32>
      %get3A_982 = arith.constant 0 : i32
      %get3A_983 = arith.index_cast %get3A_982 : i32 to index
      %get3A_984 = arith.index_cast %add3A_955 : i32 to index
      %get3A_985 = arith.constant 16 : index
      %get3A_986 = tpu.vector_load %arg8[%get3A_983, %get3A_984, %get3A_985] {strides = array<i32>} : memref<2x256x64xf32, #tpu.memory_space<vmem>>, vector<1x1x16xf32>,
      %get3A_987 = vector.shape_cast %get3A_986 : vector<1x1x16xf32> to vector<16xf32>
      %add3A_988 = arith.addf %get3A_981, %get3A_987 : vector<16xf32>
      %swap3A_989 = arith.constant 0 : i32
      %swap3A_990 = arith.index_cast %swap3A_989 : i32 to index
      %swap3A_991 = arith.index_cast %add3A_955 : i32 to index
      %swap3A_992 = arith.constant 16 : index
      %swap3A_993 = tpu.vector_load %arg7[%swap3A_990, %swap3A_991, %swap3A_992] {strides = array<i32>} : memref<2x256x64xf32, #tpu.memory_space<vmem>>, vector<1x1x16xf32>,
      %swap3A_994 = vector.shape_cast %swap3A_993 : vector<1x1x16xf32> to vector<16xf32>
      %swap3A_995 = vector.shape_cast %add3A_988 : vector<16xf32> to vector<1x1x16xf32>
      tpu.vector_store %arg7[%swap3A_990, %swap3A_991, %swap3A_992], %swap3A_995 {strides = array<i32>} : memref<2x256x64xf32, #tpu.memory_space<vmem>>, vector<1x1x16xf32>,
      %get3A_996 = arith.constant 0 : i32
      %get3A_997 = arith.index_cast %get3A_996 : i32 to index
      %get3A_998 = arith.index_cast %add3A_955 : i32 to index
      %get3A_999 = arith.constant 32 : index
      %get3A_1000 = tpu.vector_load %arg7[%get3A_997, %get3A_998, %get3A_999] {strides = array<i32>} : memref<2x256x64xf32, #tpu.memory_space<vmem>>, vector<1x1x16xf32>,
      %get3A_1001 = vector.shape_cast %get3A_1000 : vector<1x1x16xf32> to vector<16xf32>
      %get3A_1002 = arith.constant 0 : i32
      %get3A_1003 = arith.index_cast %get3A_1002 : i32 to index
      %get3A_1004 = arith.index_cast %add3A_955 : i32 to index
      %get3A_1005 = arith.constant 32 : index
      %get3A_1006 = tpu.vector_load %arg8[%get3A_1003, %get3A_1004, %get3A_1005] {strides = array<i32>} : memref<2x256x64xf32, #tpu.memory_space<vmem>>, vector<1x1x16xf32>,
      %get3A_1007 = vector.shape_cast %get3A_1006 : vector<1x1x16xf32> to vector<16xf32>
      %add3A_1008 = arith.addf %get3A_1001, %get3A_1007 : vector<16xf32>
      %swap3A_1009 = arith.constant 0 : i32
      %swap3A_1010 = arith.index_cast %swap3A_1009 : i32 to index
      %swap3A_1011 = arith.index_cast %add3A_955 : i32 to index
      %swap3A_1012 = arith.constant 32 : index
      %swap3A_1013 = tpu.vector_load %arg7[%swap3A_1010, %swap3A_1011, %swap3A_1012] {strides = array<i32>} : memref<2x256x64xf32, #tpu.memory_space<vmem>>, vector<1x1x16xf32>,
      %swap3A_1014 = vector.shape_cast %swap3A_1013 : vector<1x1x16xf32> to vector<16xf32>
      %swap3A_1015 = vector.shape_cast %add3A_1008 : vector<16xf32> to vector<1x1x16xf32>
      tpu.vector_store %arg7[%swap3A_1010, %swap3A_1011, %swap3A_1012], %swap3A_1015 {strides = array<i32>} : memref<2x256x64xf32, #tpu.memory_space<vmem>>, vector<1x1x16xf32>,
      %get3A_1016 = arith.constant 0 : i32
      %get3A_1017 = arith.index_cast %get3A_1016 : i32 to index
      %get3A_1018 = arith.index_cast %add3A_955 : i32 to index
      %get3A_1019 = arith.constant 48 : index
      %get3A_1020 = tpu.vector_load %arg7[%get3A_1017, %get3A_1018, %get3A_1019] {strides = array<i32>} : memref<2x256x64xf32, #tpu.memory_space<vmem>>, vector<1x1x16xf32>,
      %get3A_1021 = vector.shape_cast %get3A_1020 : vector<1x1x16xf32> to vector<16xf32>
      %get3A_1022 = arith.constant 0 : i32
      %get3A_1023 = arith.index_cast %get3A_1022 : i32 to index
      %get3A_1024 = arith.index_cast %add3A_955 : i32 to index
      %get3A_1025 = arith.constant 48 : index
      %get3A_1026 = tpu.vector_load %arg8[%get3A_1023, %get3A_1024, %get3A_1025] {strides = array<i32>} : memref<2x256x64xf32, #tpu.memory_space<vmem>>, vector<1x1x16xf32>,
      %get3A_1027 = vector.shape_cast %get3A_1026 : vector<1x1x16xf32> to vector<16xf32>
      %add3A_1028 = arith.addf %get3A_1021, %get3A_1027 : vector<16xf32>
      %swap3A_1029 = arith.constant 0 : i32
      %swap3A_1030 = arith.index_cast %swap3A_1029 : i32 to index
      %swap3A_1031 = arith.index_cast %add3A_955 : i32 to index
      %swap3A_1032 = arith.constant 48 : index
      %swap3A_1033 = tpu.vector_load %arg7[%swap3A_1030, %swap3A_1031, %swap3A_1032] {strides = array<i32>} : memref<2x256x64xf32, #tpu.memory_space<vmem>>, vector<1x1x16xf32>,
      %swap3A_1034 = vector.shape_cast %swap3A_1033 : vector<1x1x16xf32> to vector<16xf32>
      %swap3A_1035 = vector.shape_cast %add3A_1028 : vector<16xf32> to vector<1x1x16xf32>
      tpu.vector_store %arg7[%swap3A_1030, %swap3A_1031, %swap3A_1032], %swap3A_1035 {strides = array<i32>} : memref<2x256x64xf32, #tpu.memory_space<vmem>>, vector<1x1x16xf32>,
      %mul3A_1036 = arith.constant 4 : i32
      %mul3A_1037 = arith.muli %scan3A_785, %mul3A_1036 : i32
      %add3A_1038 = arith.constant 3 : i32
      %add3A_1039 = arith.addi %mul3A_1037, %add3A_1038 : i32
      %get3A_1040 = arith.constant 0 : i32
      %get3A_1041 = arith.index_cast %get3A_1040 : i32 to index
      %get3A_1042 = arith.index_cast %add3A_1039 : i32 to index
      %get3A_1043 = arith.constant 0 : index
      %get3A_1044 = tpu.vector_load %arg7[%get3A_1041, %get3A_1042, %get3A_1043] {strides = array<i32>} : memref<2x256x64xf32, #tpu.memory_space<vmem>>, vector<1x1x16xf32>,
      %get3A_1045 = vector.shape_cast %get3A_1044 : vector<1x1x16xf32> to vector<16xf32>
      %get3A_1046 = arith.constant 0 : i32
      %get3A_1047 = arith.index_cast %get3A_1046 : i32 to index
      %get3A_1048 = arith.index_cast %add3A_1039 : i32 to index
      %get3A_1049 = arith.constant 0 : index
      %get3A_1050 = tpu.vector_load %arg8[%get3A_1047, %get3A_1048, %get3A_1049] {strides = array<i32>} : memref<2x256x64xf32, #tpu.memory_space<vmem>>, vector<1x1x16xf32>,
      %get3A_1051 = vector.shape_cast %get3A_1050 : vector<1x1x16xf32> to vector<16xf32>
      %add3A_1052 = arith.addf %get3A_1045, %get3A_1051 : vector<16xf32>
      %swap3A_1053 = arith.constant 0 : i32
      %swap3A_1054 = arith.index_cast %swap3A_1053 : i32 to index
      %swap3A_1055 = arith.index_cast %add3A_1039 : i32 to index
      %swap3A_1056 = arith.constant 0 : index
      %swap3A_1057 = tpu.vector_load %arg7[%swap3A_1054, %swap3A_1055, %swap3A_1056] {strides = array<i32>} : memref<2x256x64xf32, #tpu.memory_space<vmem>>, vector<1x1x16xf32>,
      %swap3A_1058 = vector.shape_cast %swap3A_1057 : vector<1x1x16xf32> to vector<16xf32>
      %swap3A_1059 = vector.shape_cast %add3A_1052 : vector<16xf32> to vector<1x1x16xf32>
      tpu.vector_store %arg7[%swap3A_1054, %swap3A_1055, %swap3A_1056], %swap3A_1059 {strides = array<i32>} : memref<2x256x64xf32, #tpu.memory_space<vmem>>, vector<1x1x16xf32>,
      %get3A_1060 = arith.constant 0 : i32
      %get3A_1061 = arith.index_cast %get3A_1060 : i32 to index
      %get3A_1062 = arith.index_cast %add3A_1039 : i32 to index
      %get3A_1063 = arith.constant 16 : index
      %get3A_1064 = tpu.vector_load %arg7[%get3A_1061, %get3A_1062, %get3A_1063] {strides = array<i32>} : memref<2x256x64xf32, #tpu.memory_space<vmem>>, vector<1x1x16xf32>,
      %get3A_1065 = vector.shape_cast %get3A_1064 : vector<1x1x16xf32> to vector<16xf32>
      %get3A_1066 = arith.constant 0 : i32
      %get3A_1067 = arith.index_cast %get3A_1066 : i32 to index
      %get3A_1068 = arith.index_cast %add3A_1039 : i32 to index
      %get3A_1069 = arith.constant 16 : index
      %get3A_1070 = tpu.vector_load %arg8[%get3A_1067, %get3A_1068, %get3A_1069] {strides = array<i32>} : memref<2x256x64xf32, #tpu.memory_space<vmem>>, vector<1x1x16xf32>,
      %get3A_1071 = vector.shape_cast %get3A_1070 : vector<1x1x16xf32> to vector<16xf32>
      %add3A_1072 = arith.addf %get3A_1065, %get3A_1071 : vector<16xf32>
      %swap3A_1073 = arith.constant 0 : i32
      %swap3A_1074 = arith.index_cast %swap3A_1073 : i32 to index
      %swap3A_1075 = arith.index_cast %add3A_1039 : i32 to index
      %swap3A_1076 = arith.constant 16 : index
      %swap3A_1077 = tpu.vector_load %arg7[%swap3A_1074, %swap3A_1075, %swap3A_1076] {strides = array<i32>} : memref<2x256x64xf32, #tpu.memory_space<vmem>>, vector<1x1x16xf32>,
      %swap3A_1078 = vector.shape_cast %swap3A_1077 : vector<1x1x16xf32> to vector<16xf32>
      %swap3A_1079 = vector.shape_cast %add3A_1072 : vector<16xf32> to vector<1x1x16xf32>
      tpu.vector_store %arg7[%swap3A_1074, %swap3A_1075, %swap3A_1076], %swap3A_1079 {strides = array<i32>} : memref<2x256x64xf32, #tpu.memory_space<vmem>>, vector<1x1x16xf32>,
      %get3A_1080 = arith.constant 0 : i32
      %get3A_1081 = arith.index_cast %get3A_1080 : i32 to index
      %get3A_1082 = arith.index_cast %add3A_1039 : i32 to index
      %get3A_1083 = arith.constant 32 : index
      %get3A_1084 = tpu.vector_load %arg7[%get3A_1081, %get3A_1082, %get3A_1083] {strides = array<i32>} : memref<2x256x64xf32, #tpu.memory_space<vmem>>, vector<1x1x16xf32>,
      %get3A_1085 = vector.shape_cast %get3A_1084 : vector<1x1x16xf32> to vector<16xf32>
      %get3A_1086 = arith.constant 0 : i32
      %get3A_1087 = arith.index_cast %get3A_1086 : i32 to index
      %get3A_1088 = arith.index_cast %add3A_1039 : i32 to index
      %get3A_1089 = arith.constant 32 : index
      %get3A_1090 = tpu.vector_load %arg8[%get3A_1087, %get3A_1088, %get3A_1089] {strides = array<i32>} : memref<2x256x64xf32, #tpu.memory_space<vmem>>, vector<1x1x16xf32>,
      %get3A_1091 = vector.shape_cast %get3A_1090 : vector<1x1x16xf32> to vector<16xf32>
      %add3A_1092 = arith.addf %get3A_1085, %get3A_1091 : vector<16xf32>
      %swap3A_1093 = arith.constant 0 : i32
      %swap3A_1094 = arith.index_cast %swap3A_1093 : i32 to index
      %swap3A_1095 = arith.index_cast %add3A_1039 : i32 to index
      %swap3A_1096 = arith.constant 32 : index
      %swap3A_1097 = tpu.vector_load %arg7[%swap3A_1094, %swap3A_1095, %swap3A_1096] {strides = array<i32>} : memref<2x256x64xf32, #tpu.memory_space<vmem>>, vector<1x1x16xf32>,
      %swap3A_1098 = vector.shape_cast %swap3A_1097 : vector<1x1x16xf32> to vector<16xf32>
      %swap3A_1099 = vector.shape_cast %add3A_1092 : vector<16xf32> to vector<1x1x16xf32>
      tpu.vector_store %arg7[%swap3A_1094, %swap3A_1095, %swap3A_1096], %swap3A_1099 {strides = array<i32>} : memref<2x256x64xf32, #tpu.memory_space<vmem>>, vector<1x1x16xf32>,
      %get3A_1100 = arith.constant 0 : i32
      %get3A_1101 = arith.index_cast %get3A_1100 : i32 to index
      %get3A_1102 = arith.index_cast %add3A_1039 : i32 to index
      %get3A_1103 = arith.constant 48 : index
      %get3A_1104 = tpu.vector_load %arg7[%get3A_1101, %get3A_1102, %get3A_1103] {strides = array<i32>} : memref<2x256x64xf32, #tpu.memory_space<vmem>>, vector<1x1x16xf32>,
      %get3A_1105 = vector.shape_cast %get3A_1104 : vector<1x1x16xf32> to vector<16xf32>
      %get3A_1106 = arith.constant 0 : i32
      %get3A_1107 = arith.index_cast %get3A_1106 : i32 to index
      %get3A_1108 = arith.index_cast %add3A_1039 : i32 to index
      %get3A_1109 = arith.constant 48 : index
      %get3A_1110 = tpu.vector_load %arg8[%get3A_1107, %get3A_1108, %get3A_1109] {strides = array<i32>} : memref<2x256x64xf32, #tpu.memory_space<vmem>>, vector<1x1x16xf32>,
      %get3A_1111 = vector.shape_cast %get3A_1110 : vector<1x1x16xf32> to vector<16xf32>
      %add3A_1112 = arith.addf %get3A_1105, %get3A_1111 : vector<16xf32>
      %swap3A_1113 = arith.constant 0 : i32
      %swap3A_1114 = arith.index_cast %swap3A_1113 : i32 to index
      %swap3A_1115 = arith.index_cast %add3A_1039 : i32 to index
      %swap3A_1116 = arith.constant 48 : index
      %swap3A_1117 = tpu.vector_load %arg7[%swap3A_1114, %swap3A_1115, %swap3A_1116] {strides = array<i32>} : memref<2x256x64xf32, #tpu.memory_space<vmem>>, vector<1x1x16xf32>,
      %swap3A_1118 = vector.shape_cast %swap3A_1117 : vector<1x1x16xf32> to vector<16xf32>
      %swap3A_1119 = vector.shape_cast %add3A_1112 : vector<16xf32> to vector<1x1x16xf32>
      tpu.vector_store %arg7[%swap3A_1114, %swap3A_1115, %swap3A_1116], %swap3A_1119 {strides = array<i32>} : memref<2x256x64xf32, #tpu.memory_space<vmem>>, vector<1x1x16xf32>,
    }
    %scan3A_272 = arith.constant 64 : i32
    %add3A_273 = arith.constant 0 : i32
    %add3A_274 = arith.addi %mul3A_2, %add3A_273 : i32
    %mul3A_275 = arith.constant 128 : i32
    %mul3A_276 = arith.muli %add3A_274, %mul3A_275 : i32
    %dma_start3A_277 = arith.constant 0 : i32
    %dma_start3A_278 = arith.constant 0 : i32
    %dma_start3A_279 = arith.constant 0 : i32
    %dma_start3A_280 = tpu.memref_slice %arg7[%dma_start3A_277, %dma_start3A_278, %dma_start3A_279] : memref<2x256x64xf32, #tpu.memory_space<vmem>> -> memref<1x256x64xf32, #tpu.memory_space<vmem>>
    %dma_start3A_281 = tpu.memref_squeeze %dma_start3A_280 : memref<1x256x64xf32, #tpu.memory_space<vmem>> -> memref<256x64xf32, #tpu.memory_space<vmem>>
    %dma_start3A_282 = arith.constant 0 : i32
    %dma_start3A_283 = tpu.memref_slice %arg5[%mul3A_276, %dma_start3A_282] : memref<819200x128xf32, #tpu.memory_space<hbm>> -> memref<256x64xf32, #tpu.memory_space<hbm>>
    %dma_start3A_284 = arith.constant 0 : i32
    %dma_start3A_285 = tpu.memref_slice %arg5[%mul3A_276, %dma_start3A_284] : memref<819200x128xf32, #tpu.memory_space<hbm>> -> memref<256x64xf32, #tpu.memory_space<hbm>>
    %dma_start3A_286 = arith.constant 0 : i32
    %dma_start3A_287 = arith.constant 0 : i32
    %dma_start3A_288 = tpu.memref_slice %arg7[%dma_start3A_277, %dma_start3A_286, %dma_start3A_287] : memref<2x256x64xf32, #tpu.memory_space<vmem>> -> memref<1x256x64xf32, #tpu.memory_space<vmem>>
    %dma_start3A_289 = tpu.memref_squeeze %dma_start3A_288 : memref<1x256x64xf32, #tpu.memory_space<vmem>> -> memref<256x64xf32, #tpu.memory_space<vmem>>
    tpu.enqueue_dma source(%dma_start3A_289 : memref<256x64xf32, #tpu.memory_space<vmem>>) target(%dma_start3A_285 : memref<256x64xf32, #tpu.memory_space<hbm>>) target_semaphore(%arg10 : memref<!tpu.dma_semaphore, #tpu.memory_space<semaphore_mem>>)
    %scan3A_290 = arith.constant 0 : i32
    %scan3A_291 = arith.constant 0 : i32
    %scan3A_292 = arith.constant 48 : i32
    %scan3A_293 = arith.addi %scan3A_291, %scan3A_292 : i32
    %scan3A_294 = arith.constant 1 : i32
    scf.for %scan3A_785 = %scan3A_291 to %scan3A_293 step %scan3A_294  : i32 {
      %mul3A_786 = arith.constant 2 : i32
      %mul3A_787 = arith.muli %mul3A_786, %scan3A_785 : i32
      %add3A_788 = arith.constant 1 : i32
      %add3A_789 = arith.addi %mul3A_787, %add3A_788 : i32
      %add3A_790 = arith.constant 2 : i32
      %add3A_791 = arith.addi %add3A_789, %add3A_790 : i32
      %add3A_792 = arith.constant 2 : i32
      %add3A_793 = arith.addi %add3A_789, %add3A_792 : i32
      %rem3A_794 = arith.constant 3 : i32
      %rem3A_795 = arith.remsi %add3A_793, %rem3A_794 : i32
      %mul3A_796 = arith.constant 2 : i32
      %mul3A_797 = arith.muli %add3A_791, %mul3A_796 : i32
      %add3A_798 = arith.addi %mul3A_2, %mul3A_797 : i32
      %dma_start3A_799 = arith.constant 0 : i32
      %dma_start3A_800 = arith.constant 0 : i32
      %dma_start3A_801 = arith.constant 0 : i32
      %dma_start3A_802 = tpu.memref_slice %arg6[%rem3A_795, %dma_start3A_799, %dma_start3A_800, %dma_start3A_801] : memref<3x2x2x128xi32, #tpu.memory_space<vmem>> -> memref<1x2x2x128xi32, #tpu.memory_space<vmem>>
      %dma_start3A_803 = tpu.memref_squeeze %dma_start3A_802 : memref<1x2x2x128xi32, #tpu.memory_space<vmem>> -> memref<2x2x128xi32, #tpu.memory_space<vmem>>
      %dma_start3A_804 = arith.constant 0 : i32
      %dma_start3A_805 = arith.constant 0 : i32
      %dma_start3A_806 = tpu.memref_slice %arg2[%add3A_798, %dma_start3A_804, %dma_start3A_805] : memref<6400x2x128xi32, #tpu.memory_space<hbm>> -> memref<2x2x128xi32, #tpu.memory_space<hbm>>
      %dma_start3A_807 = arith.constant 0 : i32
      %dma_start3A_808 = arith.constant 0 : i32
      %dma_start3A_809 = arith.constant 0 : i32
      %dma_start3A_810 = tpu.memref_slice %arg6[%rem3A_795, %dma_start3A_807, %dma_start3A_808, %dma_start3A_809] : memref<3x2x2x128xi32, #tpu.memory_space<vmem>> -> memref<1x2x2x128xi32, #tpu.memory_space<vmem>>
      %dma_start3A_811 = tpu.memref_squeeze %dma_start3A_810 : memref<1x2x2x128xi32, #tpu.memory_space<vmem>> -> memref<2x2x128xi32, #tpu.memory_space<vmem>>
      %dma_start3A_812 = arith.constant 0 : i32
      %dma_start3A_813 = arith.constant 0 : i32
      %dma_start3A_814 = tpu.memref_slice %arg2[%add3A_798, %dma_start3A_812, %dma_start3A_813] : memref<6400x2x128xi32, #tpu.memory_space<hbm>> -> memref<2x2x128xi32, #tpu.memory_space<hbm>>
      tpu.enqueue_dma source(%dma_start3A_814 : memref<2x2x128xi32, #tpu.memory_space<hbm>>) target(%dma_start3A_811 : memref<2x2x128xi32, #tpu.memory_space<vmem>>) target_semaphore(%arg13 : memref<!tpu.dma_semaphore, #tpu.memory_space<semaphore_mem>>)
      %sub3A = arith.constant 1 : i32
      %sub3A_815 = arith.subi %add3A_789, %sub3A : i32
      %mul3A_816 = arith.constant 2 : i32
      %mul3A_817 = arith.muli %sub3A_815, %mul3A_816 : i32
      %add3A_818 = arith.addi %mul3A_2, %mul3A_817 : i32
      %mul3A_819 = arith.constant 128 : i32
      %mul3A_820 = arith.muli %add3A_818, %mul3A_819 : i32
      %dma_wait3A_821 = arith.constant 0 : i32
      %dma_wait3A_822 = arith.constant 0 : i32
      %dma_wait3A_823 = arith.constant 0 : i32
      %dma_wait3A_824 = tpu.memref_slice %arg7[%dma_wait3A_821, %dma_wait3A_822, %dma_wait3A_823] : memref<2x256x64xf32, #tpu.memory_space<vmem>> -> memref<1x256x64xf32, #tpu.memory_space<vmem>>
      %dma_wait3A_825 = tpu.memref_squeeze %dma_wait3A_824 : memref<1x256x64xf32, #tpu.memory_space<vmem>> -> memref<256x64xf32, #tpu.memory_space<vmem>>
      %dma_wait3A_826 = arith.constant 0 : i32
      %dma_wait3A_827 = tpu.memref_slice %arg5[%mul3A_820, %dma_wait3A_826] : memref<819200x128xf32, #tpu.memory_space<hbm>> -> memref<256x64xf32, #tpu.memory_space<hbm>>
      %dma_wait3A_828 = arith.constant 0 : i32
      %dma_wait3A_829 = tpu.memref_slice %arg5[%mul3A_820, %dma_wait3A_828] : memref<819200x128xf32, #tpu.memory_space<hbm>> -> memref<256x64xf32, #tpu.memory_space<hbm>>
      %dma_wait3A_830 = arith.constant 0 : i32
      %dma_wait3A_831 = arith.constant 0 : i32
      %dma_wait3A_832 = tpu.memref_slice %arg7[%dma_wait3A_821, %dma_wait3A_830, %dma_wait3A_831] : memref<2x256x64xf32, #tpu.memory_space<vmem>> -> memref<1x256x64xf32, #tpu.memory_space<vmem>>
      %dma_wait3A_833 = tpu.memref_squeeze %dma_wait3A_832 : memref<1x256x64xf32, #tpu.memory_space<vmem>> -> memref<256x64xf32, #tpu.memory_space<vmem>>
      tpu.wait_dma2 semaphore(%arg10 : memref<!tpu.dma_semaphore, #tpu.memory_space<semaphore_mem>>) src(%dma_wait3A_833 : memref<256x64xf32, #tpu.memory_space<vmem>>) dst(%dma_wait3A_829 : memref<256x64xf32, #tpu.memory_space<hbm>>)
      %add3A_834 = arith.constant 1 : i32
      %add3A_835 = arith.addi %add3A_789, %add3A_834 : i32
      %add3A_836 = arith.constant 1 : i32
      %add3A_837 = arith.addi %add3A_789, %add3A_836 : i32
      %rem3A_838 = arith.constant 3 : i32
      %rem3A_839 = arith.remsi %add3A_837, %rem3A_838 : i32
      %mul3A_840 = arith.constant 2 : i32
      %mul3A_841 = arith.muli %add3A_835, %mul3A_840 : i32
      %add3A_842 = arith.addi %mul3A_2, %mul3A_841 : i32
      %dma_wait3A_843 = arith.constant 0 : i32
      %dma_wait3A_844 = arith.constant 0 : i32
      %dma_wait3A_845 = arith.constant 0 : i32
      %dma_wait3A_846 = tpu.memref_slice %arg6[%rem3A_839, %dma_wait3A_843, %dma_wait3A_844, %dma_wait3A_845] : memref<3x2x2x128xi32, #tpu.memory_space<vmem>> -> memref<1x2x2x128xi32, #tpu.memory_space<vmem>>
      %dma_wait3A_847 = tpu.memref_squeeze %dma_wait3A_846 : memref<1x2x2x128xi32, #tpu.memory_space<vmem>> -> memref<2x2x128xi32, #tpu.memory_space<vmem>>
      %dma_wait3A_848 = arith.constant 0 : i32
      %dma_wait3A_849 = arith.constant 0 : i32
      %dma_wait3A_850 = tpu.memref_slice %arg2[%add3A_842, %dma_wait3A_848, %dma_wait3A_849] : memref<6400x2x128xi32, #tpu.memory_space<hbm>> -> memref<2x2x128xi32, #tpu.memory_space<hbm>>
      %dma_wait3A_851 = arith.constant 0 : i32
      %dma_wait3A_852 = arith.constant 0 : i32
      %dma_wait3A_853 = arith.constant 0 : i32
      %dma_wait3A_854 = tpu.memref_slice %arg6[%rem3A_839, %dma_wait3A_851, %dma_wait3A_852, %dma_wait3A_853] : memref<3x2x2x128xi32, #tpu.memory_space<vmem>> -> memref<1x2x2x128xi32, #tpu.memory_space<vmem>>
      %dma_wait3A_855 = tpu.memref_squeeze %dma_wait3A_854 : memref<1x2x2x128xi32, #tpu.memory_space<vmem>> -> memref<2x2x128xi32, #tpu.memory_space<vmem>>
      %dma_wait3A_856 = arith.constant 0 : i32
      %dma_wait3A_857 = arith.constant 0 : i32
      %dma_wait3A_858 = tpu.memref_slice %arg2[%add3A_842, %dma_wait3A_856, %dma_wait3A_857] : memref<6400x2x128xi32, #tpu.memory_space<hbm>> -> memref<2x2x128xi32, #tpu.memory_space<hbm>>
      tpu.wait_dma2 semaphore(%arg12 : memref<!tpu.dma_semaphore, #tpu.memory_space<semaphore_mem>>) src(%dma_wait3A_858 : memref<2x2x128xi32, #tpu.memory_space<hbm>>) dst(%dma_wait3A_855 : memref<2x2x128xi32, #tpu.memory_space<vmem>>)
      %add3A_859 = arith.constant 1 : i32
      %add3A_860 = arith.addi %add3A_789, %add3A_859 : i32
      %rem3A_861 = arith.constant 3 : i32
      %rem3A_862 = arith.remsi %add3A_860, %rem3A_861 : i32
      %dma_start3A_863 = arith.constant 0 : i32
      %dma_start3A_864 = arith.constant 0 : i32
      %dma_start3A_865 = arith.constant 0 : i32
      %dma_start3A_866 = arith.constant 0 : i32
      %dma_start3A_867 = arith.constant 0 : i32
      %dma_start3A_868 = tpu.memref_slice %arg7[%dma_start3A_865, %dma_start3A_866, %dma_start3A_867] : memref<2x256x64xf32, #tpu.memory_space<vmem>> -> memref<1x128x64xf32, #tpu.memory_space<vmem>>
      %dma_start3A_869 = tpu.memref_squeeze %dma_start3A_868 : memref<1x128x64xf32, #tpu.memory_space<vmem>> -> memref<128x64xf32, #tpu.memory_space<vmem>>
      %dma_start3A_870 = arith.constant 0 : i32
      %dma_start3A_871 = tpu.memref_slice %arg6[%rem3A_862, %dma_start3A_863, %dma_start3A_864, %dma_start3A_870] : memref<3x2x2x128xi32, #tpu.memory_space<vmem>> -> memref<1x1x1x128xi32, #tpu.memory_space<vmem>>
      %dma_start3A_872 = tpu.memref_squeeze %dma_start3A_871 : memref<1x1x1x128xi32, #tpu.memory_space<vmem>> -> memref<128xi32, #tpu.memory_space<vmem>>
      %dma_start3A_873 = arith.constant 0 : i32
      %dma_start3A_874 = arith.constant 0 : i32
      %dma_start3A_875 = tpu.memref_slice %arg3[%dma_start3A_873, %dma_start3A_874] : memref<1000000x64xf32, #tpu.memory_space<hbm>> -> memref<1000000x64xf32, #tpu.memory_space<hbm>>
      tpu.enqueue_indirect_dma source(%dma_start3A_875 : memref<1000000x64xf32, #tpu.memory_space<hbm>>) target(%dma_start3A_869 : memref<128x64xf32, #tpu.memory_space<vmem>>) offsets(%dma_start3A_872 : memref<128xi32, #tpu.memory_space<vmem>>) semaphore(%arg9 : memref<!tpu.dma_semaphore, #tpu.memory_space<semaphore_mem>>)
      %dma_start3A_876 = arith.constant 0 : i32
      %dma_start3A_877 = arith.constant 1 : i32
      %dma_start3A_878 = arith.constant 0 : i32
      %dma_start3A_879 = arith.constant 0 : i32
      %dma_start3A_880 = arith.constant 0 : i32
      %dma_start3A_881 = tpu.memref_slice %arg8[%dma_start3A_878, %dma_start3A_879, %dma_start3A_880] : memref<2x256x64xf32, #tpu.memory_space<vmem>> -> memref<1x128x64xf32, #tpu.memory_space<vmem>>
      %dma_start3A_882 = tpu.memref_squeeze %dma_start3A_881 : memref<1x128x64xf32, #tpu.memory_space<vmem>> -> memref<128x64xf32, #tpu.memory_space<vmem>>
      %dma_start3A_883 = arith.constant 0 : i32
      %dma_start3A_884 = tpu.memref_slice %arg6[%rem3A_862, %dma_start3A_876, %dma_start3A_877, %dma_start3A_883] : memref<3x2x2x128xi32, #tpu.memory_space<vmem>> -> memref<1x1x1x128xi32, #tpu.memory_space<vmem>>
      %dma_start3A_885 = tpu.memref_squeeze %dma_start3A_884 : memref<1x1x1x128xi32, #tpu.memory_space<vmem>> -> memref<128xi32, #tpu.memory_space<vmem>>
      %dma_start3A_886 = arith.constant 0 : i32
      %dma_start3A_887 = arith.constant 0 : i32
      %dma_start3A_888 = tpu.memref_slice %arg4[%dma_start3A_886, %dma_start3A_887] : memref<38400x64xf32, #tpu.memory_space<hbm>> -> memref<38400x64xf32, #tpu.memory_space<hbm>>
      tpu.enqueue_indirect_dma source(%dma_start3A_888 : memref<38400x64xf32, #tpu.memory_space<hbm>>) target(%dma_start3A_882 : memref<128x64xf32, #tpu.memory_space<vmem>>) offsets(%dma_start3A_885 : memref<128xi32, #tpu.memory_space<vmem>>) semaphore(%arg9 : memref<!tpu.dma_semaphore, #tpu.memory_space<semaphore_mem>>)
      %dma_start3A_889 = arith.constant 1 : i32
      %dma_start3A_890 = arith.constant 0 : i32
      %dma_start3A_891 = arith.constant 0 : i32
      %dma_start3A_892 = arith.constant 128 : i32
      %dma_start3A_893 = arith.constant 0 : i32
      %dma_start3A_894 = tpu.memref_slice %arg7[%dma_start3A_891, %dma_start3A_892, %dma_start3A_893] : memref<2x256x64xf32, #tpu.memory_space<vmem>> -> memref<1x128x64xf32, #tpu.memory_space<vmem>>
      %dma_start3A_895 = tpu.memref_squeeze %dma_start3A_894 : memref<1x128x64xf32, #tpu.memory_space<vmem>> -> memref<128x64xf32, #tpu.memory_space<vmem>>
      %dma_start3A_896 = arith.constant 0 : i32
      %dma_start3A_897 = tpu.memref_slice %arg6[%rem3A_862, %dma_start3A_889, %dma_start3A_890, %dma_start3A_896] : memref<3x2x2x128xi32, #tpu.memory_space<vmem>> -> memref<1x1x1x128xi32, #tpu.memory_space<vmem>>
      %dma_start3A_898 = tpu.memref_squeeze %dma_start3A_897 : memref<1x1x1x128xi32, #tpu.memory_space<vmem>> -> memref<128xi32, #tpu.memory_space<vmem>>
      %dma_start3A_899 = arith.constant 0 : i32
      %dma_start3A_900 = arith.constant 0 : i32
      %dma_start3A_901 = tpu.memref_slice %arg3[%dma_start3A_899, %dma_start3A_900] : memref<1000000x64xf32, #tpu.memory_space<hbm>> -> memref<1000000x64xf32, #tpu.memory_space<hbm>>
      tpu.enqueue_indirect_dma source(%dma_start3A_901 : memref<1000000x64xf32, #tpu.memory_space<hbm>>) target(%dma_start3A_895 : memref<128x64xf32, #tpu.memory_space<vmem>>) offsets(%dma_start3A_898 : memref<128xi32, #tpu.memory_space<vmem>>) semaphore(%arg9 : memref<!tpu.dma_semaphore, #tpu.memory_space<semaphore_mem>>)
      %dma_start3A_902 = arith.constant 1 : i32
      %dma_start3A_903 = arith.constant 1 : i32
      %dma_start3A_904 = arith.constant 0 : i32
      %dma_start3A_905 = arith.constant 128 : i32
      %dma_start3A_906 = arith.constant 0 : i32
      %dma_start3A_907 = tpu.memref_slice %arg8[%dma_start3A_904, %dma_start3A_905, %dma_start3A_906] : memref<2x256x64xf32, #tpu.memory_space<vmem>> -> memref<1x128x64xf32, #tpu.memory_space<vmem>>
      %dma_start3A_908 = tpu.memref_squeeze %dma_start3A_907 : memref<1x128x64xf32, #tpu.memory_space<vmem>> -> memref<128x64xf32, #tpu.memory_space<vmem>>
      %dma_start3A_909 = arith.constant 0 : i32
      %dma_start3A_910 = tpu.memref_slice %arg6[%rem3A_862, %dma_start3A_902, %dma_start3A_903, %dma_start3A_909] : memref<3x2x2x128xi32, #tpu.memory_space<vmem>> -> memref<1x1x1x128xi32, #tpu.memory_space<vmem>>
      %dma_start3A_911 = tpu.memref_squeeze %dma_start3A_910 : memref<1x1x1x128xi32, #tpu.memory_space<vmem>> -> memref<128xi32, #tpu.memory_space<vmem>>
      %dma_start3A_912 = arith.constant 0 : i32
      %dma_start3A_913 = arith.constant 0 : i32
      %dma_start3A_914 = tpu.memref_slice %arg4[%dma_start3A_912, %dma_start3A_913] : memref<38400x64xf32, #tpu.memory_space<hbm>> -> memref<38400x64xf32, #tpu.memory_space<hbm>>
      tpu.enqueue_indirect_dma source(%dma_start3A_914 : memref<38400x64xf32, #tpu.memory_space<hbm>>) target(%dma_start3A_908 : memref<128x64xf32, #tpu.memory_space<vmem>>) offsets(%dma_start3A_911 : memref<128xi32, #tpu.memory_space<vmem>>) semaphore(%arg9 : memref<!tpu.dma_semaphore, #tpu.memory_space<semaphore_mem>>)
      %dma_wait3A_915 = arith.constant 1 : i32
      %dma_wait3A_916 = arith.constant 0 : i32
      %dma_wait3A_917 = arith.constant 0 : i32
      %dma_wait3A_918 = tpu.memref_slice %arg7[%dma_wait3A_915, %dma_wait3A_916, %dma_wait3A_917] : memref<2x256x64xf32, #tpu.memory_space<vmem>> -> memref<1x128x64xf32, #tpu.memory_space<vmem>>
      %dma_wait3A_919 = tpu.memref_squeeze %dma_wait3A_918 : memref<1x128x64xf32, #tpu.memory_space<vmem>> -> memref<128x64xf32, #tpu.memory_space<vmem>>
      %dma_wait3A_920 = arith.constant 0 : i32
      %dma_wait3A_921 = arith.constant 0 : i32
      %dma_wait3A_922 = tpu.memref_slice %arg5[%dma_wait3A_920, %dma_wait3A_921] : memref<819200x128xf32, #tpu.memory_space<hbm>> -> memref<128x128xf32, #tpu.memory_space<hbm>>
      %dma_wait3A_923 = arith.constant 0 : i32
      %dma_wait3A_924 = arith.constant 0 : i32
      %dma_wait3A_925 = tpu.memref_slice %arg7[%dma_wait3A_915, %dma_wait3A_923, %dma_wait3A_924] : memref<2x256x64xf32, #tpu.memory_space<vmem>> -> memref<1x128x64xf32, #tpu.memory_space<vmem>>
      %dma_wait3A_926 = tpu.memref_squeeze %dma_wait3A_925 : memref<1x128x64xf32, #tpu.memory_space<vmem>> -> memref<128x64xf32, #tpu.memory_space<vmem>>
      %dma_wait3A_927 = arith.constant 0 : i32
      %dma_wait3A_928 = arith.constant 0 : i32
      %dma_wait3A_929 = tpu.memref_slice %arg5[%dma_wait3A_927, %dma_wait3A_928] : memref<819200x128xf32, #tpu.memory_space<hbm>> -> memref<128x128xf32, #tpu.memory_space<hbm>>
      tpu.wait_dma2 semaphore(%arg9 : memref<!tpu.dma_semaphore, #tpu.memory_space<semaphore_mem>>) src(%dma_wait3A_929 : memref<128x128xf32, #tpu.memory_space<hbm>>) dst(%dma_wait3A_926 : memref<128x64xf32, #tpu.memory_space<vmem>>)
      %dma_wait3A_930 = arith.constant 1 : i32
      %dma_wait3A_931 = arith.constant 0 : i32
      %dma_wait3A_932 = arith.constant 0 : i32
      %dma_wait3A_933 = tpu.memref_slice %arg8[%dma_wait3A_930, %dma_wait3A_931, %dma_wait3A_932] : memref<2x256x64xf32, #tpu.memory_space<vmem>> -> memref<1x128x64xf32, #tpu.memory_space<vmem>>
      %dma_wait3A_934 = tpu.memref_squeeze %dma_wait3A_933 : memref<1x128x64xf32, #tpu.memory_space<vmem>> -> memref<128x64xf32, #tpu.memory_space<vmem>>
      %dma_wait3A_935 = arith.constant 0 : i32
      %dma_wait3A_936 = arith.constant 0 : i32
      %dma_wait3A_937 = tpu.memref_slice %arg5[%dma_wait3A_935, %dma_wait3A_936] : memref<819200x128xf32, #tpu.memory_space<hbm>> -> memref<128x128xf32, #tpu.memory_space<hbm>>
      %dma_wait3A_938 = arith.constant 0 : i32
      %dma_wait3A_939 = arith.constant 0 : i32
      %dma_wait3A_940 = tpu.memref_slice %arg8[%dma_wait3A_930, %dma_wait3A_938, %dma_wait3A_939] : memref<2x256x64xf32, #tpu.memory_space<vmem>> -> memref<1x128x64xf32, #tpu.memory_space<vmem>>
      %dma_wait3A_941 = tpu.memref_squeeze %dma_wait3A_940 : memref<1x128x64xf32, #tpu.memory_space<vmem>> -> memref<128x64xf32, #tpu.memory_space<vmem>>
      %dma_wait3A_942 = arith.constant 0 : i32
      %dma_wait3A_943 = arith.constant 0 : i32
      %dma_wait3A_944 = tpu.memref_slice %arg5[%dma_wait3A_942, %dma_wait3A_943] : memref<819200x128xf32, #tpu.memory_space<hbm>> -> memref<128x128xf32, #tpu.memory_space<hbm>>
      tpu.wait_dma2 semaphore(%arg9 : memref<!tpu.dma_semaphore, #tpu.memory_space<semaphore_mem>>) src(%dma_wait3A_944 : memref<128x128xf32, #tpu.memory_space<hbm>>) dst(%dma_wait3A_941 : memref<128x64xf32, #tpu.memory_space<vmem>>)
      %dma_wait3A_945 = arith.constant 1 : i32
      %dma_wait3A_946 = arith.constant 128 : i32
      %dma_wait3A_947 = arith.constant 0 : i32
      %dma_wait3A_948 = tpu.memref_slice %arg7[%dma_wait3A_945, %dma_wait3A_946, %dma_wait3A_947] : memref<2x256x64xf32, #tpu.memory_space<vmem>> -> memref<1x128x64xf32, #tpu.memory_space<vmem>>
      %dma_wait3A_949 = tpu.memref_squeeze %dma_wait3A_948 : memref<1x128x64xf32, #tpu.memory_space<vmem>> -> memref<128x64xf32, #tpu.memory_space<vmem>>
      %dma_wait3A_950 = arith.constant 0 : i32
      %dma_wait3A_951 = arith.constant 0 : i32
      %dma_wait3A_952 = tpu.memref_slice %arg5[%dma_wait3A_950, %dma_wait3A_951] : memref<819200x128xf32, #tpu.memory_space<hbm>> -> memref<128x128xf32, #tpu.memory_space<hbm>>
      %dma_wait3A_953 = arith.constant 128 : i32
      %dma_wait3A_954 = arith.constant 0 : i32
      %dma_wait3A_955 = tpu.memref_slice %arg7[%dma_wait3A_945, %dma_wait3A_953, %dma_wait3A_954] : memref<2x256x64xf32, #tpu.memory_space<vmem>> -> memref<1x128x64xf32, #tpu.memory_space<vmem>>
      %dma_wait3A_956 = tpu.memref_squeeze %dma_wait3A_955 : memref<1x128x64xf32, #tpu.memory_space<vmem>> -> memref<128x64xf32, #tpu.memory_space<vmem>>
      %dma_wait3A_957 = arith.constant 0 : i32
      %dma_wait3A_958 = arith.constant 0 : i32
      %dma_wait3A_959 = tpu.memref_slice %arg5[%dma_wait3A_957, %dma_wait3A_958] : memref<819200x128xf32, #tpu.memory_space<hbm>> -> memref<128x128xf32, #tpu.memory_space<hbm>>
      tpu.wait_dma2 semaphore(%arg9 : memref<!tpu.dma_semaphore, #tpu.memory_space<semaphore_mem>>) src(%dma_wait3A_959 : memref<128x128xf32, #tpu.memory_space<hbm>>) dst(%dma_wait3A_956 : memref<128x64xf32, #tpu.memory_space<vmem>>)
      %dma_wait3A_960 = arith.constant 1 : i32
      %dma_wait3A_961 = arith.constant 128 : i32
      %dma_wait3A_962 = arith.constant 0 : i32
      %dma_wait3A_963 = tpu.memref_slice %arg8[%dma_wait3A_960, %dma_wait3A_961, %dma_wait3A_962] : memref<2x256x64xf32, #tpu.memory_space<vmem>> -> memref<1x128x64xf32, #tpu.memory_space<vmem>>
      %dma_wait3A_964 = tpu.memref_squeeze %dma_wait3A_963 : memref<1x128x64xf32, #tpu.memory_space<vmem>> -> memref<128x64xf32, #tpu.memory_space<vmem>>
      %dma_wait3A_965 = arith.constant 0 : i32
      %dma_wait3A_966 = arith.constant 0 : i32
      %dma_wait3A_967 = tpu.memref_slice %arg5[%dma_wait3A_965, %dma_wait3A_966] : memref<819200x128xf32, #tpu.memory_space<hbm>> -> memref<128x128xf32, #tpu.memory_space<hbm>>
      %dma_wait3A_968 = arith.constant 128 : i32
      %dma_wait3A_969 = arith.constant 0 : i32
      %dma_wait3A_970 = tpu.memref_slice %arg8[%dma_wait3A_960, %dma_wait3A_968, %dma_wait3A_969] : memref<2x256x64xf32, #tpu.memory_space<vmem>> -> memref<1x128x64xf32, #tpu.memory_space<vmem>>
      %dma_wait3A_971 = tpu.memref_squeeze %dma_wait3A_970 : memref<1x128x64xf32, #tpu.memory_space<vmem>> -> memref<128x64xf32, #tpu.memory_space<vmem>>
      %dma_wait3A_972 = arith.constant 0 : i32
      %dma_wait3A_973 = arith.constant 0 : i32
      %dma_wait3A_974 = tpu.memref_slice %arg5[%dma_wait3A_972, %dma_wait3A_973] : memref<819200x128xf32, #tpu.memory_space<hbm>> -> memref<128x128xf32, #tpu.memory_space<hbm>>
      tpu.wait_dma2 semaphore(%arg9 : memref<!tpu.dma_semaphore, #tpu.memory_space<semaphore_mem>>) src(%dma_wait3A_974 : memref<128x128xf32, #tpu.memory_space<hbm>>) dst(%dma_wait3A_971 : memref<128x64xf32, #tpu.memory_space<vmem>>)
      %scan3A_975 = arith.constant 0 : i32
      %scan3A_976 = arith.constant 0 : i32
      %scan3A_977 = arith.constant 64 : i32
      %scan3A_978 = arith.addi %scan3A_976, %scan3A_977 : i32
      %scan3A_979 = arith.constant 1 : i32
      scf.for %scan3A_1211 = %scan3A_976 to %scan3A_978 step %scan3A_979  : i32 {
        %mul3A_1212 = arith.constant 4 : i32
        %mul3A_1213 = arith.muli %scan3A_1211, %mul3A_1212 : i32
        %add3A_1214 = arith.constant 0 : i32
        %add3A_1215 = arith.addi %mul3A_1213, %add3A_1214 : i32
        %get3A = arith.constant 1 : i32
        %get3A_1216 = arith.index_cast %get3A : i32 to index
        %get3A_1217 = arith.index_cast %add3A_1215 : i32 to index
        %get3A_1218 = arith.constant 0 : index
        %get3A_1219 = tpu.vector_load %arg7[%get3A_1216, %get3A_1217, %get3A_1218] {strides = array<i32>} : memref<2x256x64xf32, #tpu.memory_space<vmem>>, vector<1x1x16xf32>,
        %get3A_1220 = vector.shape_cast %get3A_1219 : vector<1x1x16xf32> to vector<16xf32>
        %get3A_1221 = arith.constant 1 : i32
        %get3A_1222 = arith.index_cast %get3A_1221 : i32 to index
        %get3A_1223 = arith.index_cast %add3A_1215 : i32 to index
        %get3A_1224 = arith.constant 0 : index
        %get3A_1225 = tpu.vector_load %arg8[%get3A_1222, %get3A_1223, %get3A_1224] {strides = array<i32>} : memref<2x256x64xf32, #tpu.memory_space<vmem>>, vector<1x1x16xf32>,
        %get3A_1226 = vector.shape_cast %get3A_1225 : vector<1x1x16xf32> to vector<16xf32>
        %add3A_1227 = arith.addf %get3A_1220, %get3A_1226 : vector<16xf32>
        %swap3A = arith.constant 1 : i32
        %swap3A_1228 = arith.index_cast %swap3A : i32 to index
        %swap3A_1229 = arith.index_cast %add3A_1215 : i32 to index
        %swap3A_1230 = arith.constant 0 : index
        %swap3A_1231 = tpu.vector_load %arg7[%swap3A_1228, %swap3A_1229, %swap3A_1230] {strides = array<i32>} : memref<2x256x64xf32, #tpu.memory_space<vmem>>, vector<1x1x16xf32>,
        %swap3A_1232 = vector.shape_cast %swap3A_1231 : vector<1x1x16xf32> to vector<16xf32>
        %swap3A_1233 = vector.shape_cast %add3A_1227 : vector<16xf32> to vector<1x1x16xf32>
        tpu.vector_store %arg7[%swap3A_1228, %swap3A_1229, %swap3A_1230], %swap3A_1233 {strides = array<i32>} : memref<2x256x64xf32, #tpu.memory_space<vmem>>, vector<1x1x16xf32>,
        %get3A_1234 = arith.constant 1 : i32
        %get3A_1235 = arith.index_cast %get3A_1234 : i32 to index
        %get3A_1236 = arith.index_cast %add3A_1215 : i32 to index
        %get3A_1237 = arith.constant 16 : index
        %get3A_1238 = tpu.vector_load %arg7[%get3A_1235, %get3A_1236, %get3A_1237] {strides = array<i32>} : memref<2x256x64xf32, #tpu.memory_space<vmem>>, vector<1x1x16xf32>,
        %get3A_1239 = vector.shape_cast %get3A_1238 : vector<1x1x16xf32> to vector<16xf32>
        %get3A_1240 = arith.constant 1 : i32
        %get3A_1241 = arith.index_cast %get3A_1240 : i32 to index
        %get3A_1242 = arith.index_cast %add3A_1215 : i32 to index
        %get3A_1243 = arith.constant 16 : index
        %get3A_1244 = tpu.vector_load %arg8[%get3A_1241, %get3A_1242, %get3A_1243] {strides = array<i32>} : memref<2x256x64xf32, #tpu.memory_space<vmem>>, vector<1x1x16xf32>,
        %get3A_1245 = vector.shape_cast %get3A_1244 : vector<1x1x16xf32> to vector<16xf32>
        %add3A_1246 = arith.addf %get3A_1239, %get3A_1245 : vector<16xf32>
        %swap3A_1247 = arith.constant 1 : i32
        %swap3A_1248 = arith.index_cast %swap3A_1247 : i32 to index
        %swap3A_1249 = arith.index_cast %add3A_1215 : i32 to index
        %swap3A_1250 = arith.constant 16 : index
        %swap3A_1251 = tpu.vector_load %arg7[%swap3A_1248, %swap3A_1249, %swap3A_1250] {strides = array<i32>} : memref<2x256x64xf32, #tpu.memory_space<vmem>>, vector<1x1x16xf32>,
        %swap3A_1252 = vector.shape_cast %swap3A_1251 : vector<1x1x16xf32> to vector<16xf32>
        %swap3A_1253 = vector.shape_cast %add3A_1246 : vector<16xf32> to vector<1x1x16xf32>
        tpu.vector_store %arg7[%swap3A_1248, %swap3A_1249, %swap3A_1250], %swap3A_1253 {strides = array<i32>} : memref<2x256x64xf32, #tpu.memory_space<vmem>>, vector<1x1x16xf32>,
        %get3A_1254 = arith.constant 1 : i32
        %get3A_1255 = arith.index_cast %get3A_1254 : i32 to index
        %get3A_1256 = arith.index_cast %add3A_1215 : i32 to index
        %get3A_1257 = arith.constant 32 : index
        %get3A_1258 = tpu.vector_load %arg7[%get3A_1255, %get3A_1256, %get3A_1257] {strides = array<i32>} : memref<2x256x64xf32, #tpu.memory_space<vmem>>, vector<1x1x16xf32>,
        %get3A_1259 = vector.shape_cast %get3A_1258 : vector<1x1x16xf32> to vector<16xf32>
        %get3A_1260 = arith.constant 1 : i32
        %get3A_1261 = arith.index_cast %get3A_1260 : i32 to index
        %get3A_1262 = arith.index_cast %add3A_1215 : i32 to index
        %get3A_1263 = arith.constant 32 : index
        %get3A_1264 = tpu.vector_load %arg8[%get3A_1261, %get3A_1262, %get3A_1263] {strides = array<i32>} : memref<2x256x64xf32, #tpu.memory_space<vmem>>, vector<1x1x16xf32>,
        %get3A_1265 = vector.shape_cast %get3A_1264 : vector<1x1x16xf32> to vector<16xf32>
        %add3A_1266 = arith.addf %get3A_1259, %get3A_1265 : vector<16xf32>
        %swap3A_1267 = arith.constant 1 : i32
        %swap3A_1268 = arith.index_cast %swap3A_1267 : i32 to index
        %swap3A_1269 = arith.index_cast %add3A_1215 : i32 to index
        %swap3A_1270 = arith.constant 32 : index
        %swap3A_1271 = tpu.vector_load %arg7[%swap3A_1268, %swap3A_1269, %swap3A_1270] {strides = array<i32>} : memref<2x256x64xf32, #tpu.memory_space<vmem>>, vector<1x1x16xf32>,
        %swap3A_1272 = vector.shape_cast %swap3A_1271 : vector<1x1x16xf32> to vector<16xf32>
        %swap3A_1273 = vector.shape_cast %add3A_1266 : vector<16xf32> to vector<1x1x16xf32>
        tpu.vector_store %arg7[%swap3A_1268, %swap3A_1269, %swap3A_1270], %swap3A_1273 {strides = array<i32>} : memref<2x256x64xf32, #tpu.memory_space<vmem>>, vector<1x1x16xf32>,
        %get3A_1274 = arith.constant 1 : i32
        %get3A_1275 = arith.index_cast %get3A_1274 : i32 to index
        %get3A_1276 = arith.index_cast %add3A_1215 : i32 to index
        %get3A_1277 = arith.constant 48 : index
        %get3A_1278 = tpu.vector_load %arg7[%get3A_1275, %get3A_1276, %get3A_1277] {strides = array<i32>} : memref<2x256x64xf32, #tpu.memory_space<vmem>>, vector<1x1x16xf32>,
        %get3A_1279 = vector.shape_cast %get3A_1278 : vector<1x1x16xf32> to vector<16xf32>
        %get3A_1280 = arith.constant 1 : i32
        %get3A_1281 = arith.index_cast %get3A_1280 : i32 to index
        %get3A_1282 = arith.index_cast %add3A_1215 : i32 to index
        %get3A_1283 = arith.constant 48 : index
        %get3A_1284 = tpu.vector_load %arg8[%get3A_1281, %get3A_1282, %get3A_1283] {strides = array<i32>} : memref<2x256x64xf32, #tpu.memory_space<vmem>>, vector<1x1x16xf32>,
        %get3A_1285 = vector.shape_cast %get3A_1284 : vector<1x1x16xf32> to vector<16xf32>
        %add3A_1286 = arith.addf %get3A_1279, %get3A_1285 : vector<16xf32>
        %swap3A_1287 = arith.constant 1 : i32
        %swap3A_1288 = arith.index_cast %swap3A_1287 : i32 to index
        %swap3A_1289 = arith.index_cast %add3A_1215 : i32 to index
        %swap3A_1290 = arith.constant 48 : index
        %swap3A_1291 = tpu.vector_load %arg7[%swap3A_1288, %swap3A_1289, %swap3A_1290] {strides = array<i32>} : memref<2x256x64xf32, #tpu.memory_space<vmem>>, vector<1x1x16xf32>,
        %swap3A_1292 = vector.shape_cast %swap3A_1291 : vector<1x1x16xf32> to vector<16xf32>
        %swap3A_1293 = vector.shape_cast %add3A_1286 : vector<16xf32> to vector<1x1x16xf32>
        tpu.vector_store %arg7[%swap3A_1288, %swap3A_1289, %swap3A_1290], %swap3A_1293 {strides = array<i32>} : memref<2x256x64xf32, #tpu.memory_space<vmem>>, vector<1x1x16xf32>,
        %mul3A_1294 = arith.constant 4 : i32
        %mul3A_1295 = arith.muli %scan3A_1211, %mul3A_1294 : i32
        %add3A_1296 = arith.constant 1 : i32
        %add3A_1297 = arith.addi %mul3A_1295, %add3A_1296 : i32
        %get3A_1298 = arith.constant 1 : i32
        %get3A_1299 = arith.index_cast %get3A_1298 : i32 to index
        %get3A_1300 = arith.index_cast %add3A_1297 : i32 to index
        %get3A_1301 = arith.constant 0 : index
        %get3A_1302 = tpu.vector_load %arg7[%get3A_1299, %get3A_1300, %get3A_1301] {strides = array<i32>} : memref<2x256x64xf32, #tpu.memory_space<vmem>>, vector<1x1x16xf32>,
        %get3A_1303 = vector.shape_cast %get3A_1302 : vector<1x1x16xf32> to vector<16xf32>
        %get3A_1304 = arith.constant 1 : i32
        %get3A_1305 = arith.index_cast %get3A_1304 : i32 to index
        %get3A_1306 = arith.index_cast %add3A_1297 : i32 to index
        %get3A_1307 = arith.constant 0 : index
        %get3A_1308 = tpu.vector_load %arg8[%get3A_1305, %get3A_1306, %get3A_1307] {strides = array<i32>} : memref<2x256x64xf32, #tpu.memory_space<vmem>>, vector<1x1x16xf32>,
        %get3A_1309 = vector.shape_cast %get3A_1308 : vector<1x1x16xf32> to vector<16xf32>
        %add3A_1310 = arith.addf %get3A_1303, %get3A_1309 : vector<16xf32>
        %swap3A_1311 = arith.constant 1 : i32
        %swap3A_1312 = arith.index_cast %swap3A_1311 : i32 to index
        %swap3A_1313 = arith.index_cast %add3A_1297 : i32 to index
        %swap3A_1314 = arith.constant 0 : index
        %swap3A_1315 = tpu.vector_load %arg7[%swap3A_1312, %swap3A_1313, %swap3A_1314] {strides = array<i32>} : memref<2x256x64xf32, #tpu.memory_space<vmem>>, vector<1x1x16xf32>,
        %swap3A_1316 = vector.shape_cast %swap3A_1315 : vector<1x1x16xf32> to vector<16xf32>
        %swap3A_1317 = vector.shape_cast %add3A_1310 : vector<16xf32> to vector<1x1x16xf32>
        tpu.vector_store %arg7[%swap3A_1312, %swap3A_1313, %swap3A_1314], %swap3A_1317 {strides = array<i32>} : memref<2x256x64xf32, #tpu.memory_space<vmem>>, vector<1x1x16xf32>,
        %get3A_1318 = arith.constant 1 : i32
        %get3A_1319 = arith.index_cast %get3A_1318 : i32 to index
        %get3A_1320 = arith.index_cast %add3A_1297 : i32 to index
        %get3A_1321 = arith.constant 16 : index
        %get3A_1322 = tpu.vector_load %arg7[%get3A_1319, %get3A_1320, %get3A_1321] {strides = array<i32>} : memref<2x256x64xf32, #tpu.memory_space<vmem>>, vector<1x1x16xf32>,
        %get3A_1323 = vector.shape_cast %get3A_1322 : vector<1x1x16xf32> to vector<16xf32>
        %get3A_1324 = arith.constant 1 : i32
        %get3A_1325 = arith.index_cast %get3A_1324 : i32 to index
        %get3A_1326 = arith.index_cast %add3A_1297 : i32 to index
        %get3A_1327 = arith.constant 16 : index
        %get3A_1328 = tpu.vector_load %arg8[%get3A_1325, %get3A_1326, %get3A_1327] {strides = array<i32>} : memref<2x256x64xf32, #tpu.memory_space<vmem>>, vector<1x1x16xf32>,
        %get3A_1329 = vector.shape_cast %get3A_1328 : vector<1x1x16xf32> to vector<16xf32>
        %add3A_1330 = arith.addf %get3A_1323, %get3A_1329 : vector<16xf32>
        %swap3A_1331 = arith.constant 1 : i32
        %swap3A_1332 = arith.index_cast %swap3A_1331 : i32 to index
        %swap3A_1333 = arith.index_cast %add3A_1297 : i32 to index
        %swap3A_1334 = arith.constant 16 : index
        %swap3A_1335 = tpu.vector_load %arg7[%swap3A_1332, %swap3A_1333, %swap3A_1334] {strides = array<i32>} : memref<2x256x64xf32, #tpu.memory_space<vmem>>, vector<1x1x16xf32>,
        %swap3A_1336 = vector.shape_cast %swap3A_1335 : vector<1x1x16xf32> to vector<16xf32>
        %swap3A_1337 = vector.shape_cast %add3A_1330 : vector<16xf32> to vector<1x1x16xf32>
        tpu.vector_store %arg7[%swap3A_1332, %swap3A_1333, %swap3A_1334], %swap3A_1337 {strides = array<i32>} : memref<2x256x64xf32, #tpu.memory_space<vmem>>, vector<1x1x16xf32>,
        %get3A_1338 = arith.constant 1 : i32
        %get3A_1339 = arith.index_cast %get3A_1338 : i32 to index
        %get3A_1340 = arith.index_cast %add3A_1297 : i32 to index
        %get3A_1341 = arith.constant 32 : index
        %get3A_1342 = tpu.vector_load %arg7[%get3A_1339, %get3A_1340, %get3A_1341] {strides = array<i32>} : memref<2x256x64xf32, #tpu.memory_space<vmem>>, vector<1x1x16xf32>,
        %get3A_1343 = vector.shape_cast %get3A_1342 : vector<1x1x16xf32> to vector<16xf32>
        %get3A_1344 = arith.constant 1 : i32
        %get3A_1345 = arith.index_cast %get3A_1344 : i32 to index
        %get3A_1346 = arith.index_cast %add3A_1297 : i32 to index
        %get3A_1347 = arith.constant 32 : index
        %get3A_1348 = tpu.vector_load %arg8[%get3A_1345, %get3A_1346, %get3A_1347] {strides = array<i32>} : memref<2x256x64xf32, #tpu.memory_space<vmem>>, vector<1x1x16xf32>,
        %get3A_1349 = vector.shape_cast %get3A_1348 : vector<1x1x16xf32> to vector<16xf32>
        %add3A_1350 = arith.addf %get3A_1343, %get3A_1349 : vector<16xf32>
        %swap3A_1351 = arith.constant 1 : i32
        %swap3A_1352 = arith.index_cast %swap3A_1351 : i32 to index
        %swap3A_1353 = arith.index_cast %add3A_1297 : i32 to index
        %swap3A_1354 = arith.constant 32 : index
        %swap3A_1355 = tpu.vector_load %arg7[%swap3A_1352, %swap3A_1353, %swap3A_1354] {strides = array<i32>} : memref<2x256x64xf32, #tpu.memory_space<vmem>>, vector<1x1x16xf32>,
        %swap3A_1356 = vector.shape_cast %swap3A_1355 : vector<1x1x16xf32> to vector<16xf32>
        %swap3A_1357 = vector.shape_cast %add3A_1350 : vector<16xf32> to vector<1x1x16xf32>
        tpu.vector_store %arg7[%swap3A_1352, %swap3A_1353, %swap3A_1354], %swap3A_1357 {strides = array<i32>} : memref<2x256x64xf32, #tpu.memory_space<vmem>>, vector<1x1x16xf32>,
        %get3A_1358 = arith.constant 1 : i32
        %get3A_1359 = arith.index_cast %get3A_1358 : i32 to index
        %get3A_1360 = arith.index_cast %add3A_1297 : i32 to index
        %get3A_1361 = arith.constant 48 : index
        %get3A_1362 = tpu.vector_load %arg7[%get3A_1359, %get3A_1360, %get3A_1361] {strides = array<i32>} : memref<2x256x64xf32, #tpu.memory_space<vmem>>, vector<1x1x16xf32>,
        %get3A_1363 = vector.shape_cast %get3A_1362 : vector<1x1x16xf32> to vector<16xf32>
        %get3A_1364 = arith.constant 1 : i32
        %get3A_1365 = arith.index_cast %get3A_1364 : i32 to index
        %get3A_1366 = arith.index_cast %add3A_1297 : i32 to index
        %get3A_1367 = arith.constant 48 : index
        %get3A_1368 = tpu.vector_load %arg8[%get3A_1365, %get3A_1366, %get3A_1367] {strides = array<i32>} : memref<2x256x64xf32, #tpu.memory_space<vmem>>, vector<1x1x16xf32>,
        %get3A_1369 = vector.shape_cast %get3A_1368 : vector<1x1x16xf32> to vector<16xf32>
        %add3A_1370 = arith.addf %get3A_1363, %get3A_1369 : vector<16xf32>
        %swap3A_1371 = arith.constant 1 : i32
        %swap3A_1372 = arith.index_cast %swap3A_1371 : i32 to index
        %swap3A_1373 = arith.index_cast %add3A_1297 : i32 to index
        %swap3A_1374 = arith.constant 48 : index
        %swap3A_1375 = tpu.vector_load %arg7[%swap3A_1372, %swap3A_1373, %swap3A_1374] {strides = array<i32>} : memref<2x256x64xf32, #tpu.memory_space<vmem>>, vector<1x1x16xf32>,
        %swap3A_1376 = vector.shape_cast %swap3A_1375 : vector<1x1x16xf32> to vector<16xf32>
        %swap3A_1377 = vector.shape_cast %add3A_1370 : vector<16xf32> to vector<1x1x16xf32>
        tpu.vector_store %arg7[%swap3A_1372, %swap3A_1373, %swap3A_1374], %swap3A_1377 {strides = array<i32>} : memref<2x256x64xf32, #tpu.memory_space<vmem>>, vector<1x1x16xf32>,
        %mul3A_1378 = arith.constant 4 : i32
        %mul3A_1379 = arith.muli %scan3A_1211, %mul3A_1378 : i32
        %add3A_1380 = arith.constant 2 : i32
        %add3A_1381 = arith.addi %mul3A_1379, %add3A_1380 : i32
        %get3A_1382 = arith.constant 1 : i32
        %get3A_1383 = arith.index_cast %get3A_1382 : i32 to index
        %get3A_1384 = arith.index_cast %add3A_1381 : i32 to index
        %get3A_1385 = arith.constant 0 : index
        %get3A_1386 = tpu.vector_load %arg7[%get3A_1383, %get3A_1384, %get3A_1385] {strides = array<i32>} : memref<2x256x64xf32, #tpu.memory_space<vmem>>, vector<1x1x16xf32>,
        %get3A_1387 = vector.shape_cast %get3A_1386 : vector<1x1x16xf32> to vector<16xf32>
        %get3A_1388 = arith.constant 1 : i32
        %get3A_1389 = arith.index_cast %get3A_1388 : i32 to index
        %get3A_1390 = arith.index_cast %add3A_1381 : i32 to index
        %get3A_1391 = arith.constant 0 : index
        %get3A_1392 = tpu.vector_load %arg8[%get3A_1389, %get3A_1390, %get3A_1391] {strides = array<i32>} : memref<2x256x64xf32, #tpu.memory_space<vmem>>, vector<1x1x16xf32>,
        %get3A_1393 = vector.shape_cast %get3A_1392 : vector<1x1x16xf32> to vector<16xf32>
        %add3A_1394 = arith.addf %get3A_1387, %get3A_1393 : vector<16xf32>
        %swap3A_1395 = arith.constant 1 : i32
        %swap3A_1396 = arith.index_cast %swap3A_1395 : i32 to index
        %swap3A_1397 = arith.index_cast %add3A_1381 : i32 to index
        %swap3A_1398 = arith.constant 0 : index
        %swap3A_1399 = tpu.vector_load %arg7[%swap3A_1396, %swap3A_1397, %swap3A_1398] {strides = array<i32>} : memref<2x256x64xf32, #tpu.memory_space<vmem>>, vector<1x1x16xf32>,
        %swap3A_1400 = vector.shape_cast %swap3A_1399 : vector<1x1x16xf32> to vector<16xf32>
        %swap3A_1401 = vector.shape_cast %add3A_1394 : vector<16xf32> to vector<1x1x16xf32>
        tpu.vector_store %arg7[%swap3A_1396, %swap3A_1397, %swap3A_1398], %swap3A_1401 {strides = array<i32>} : memref<2x256x64xf32, #tpu.memory_space<vmem>>, vector<1x1x16xf32>,
        %get3A_1402 = arith.constant 1 : i32
        %get3A_1403 = arith.index_cast %get3A_1402 : i32 to index
        %get3A_1404 = arith.index_cast %add3A_1381 : i32 to index
        %get3A_1405 = arith.constant 16 : index
        %get3A_1406 = tpu.vector_load %arg7[%get3A_1403, %get3A_1404, %get3A_1405] {strides = array<i32>} : memref<2x256x64xf32, #tpu.memory_space<vmem>>, vector<1x1x16xf32>,
        %get3A_1407 = vector.shape_cast %get3A_1406 : vector<1x1x16xf32> to vector<16xf32>
        %get3A_1408 = arith.constant 1 : i32
        %get3A_1409 = arith.index_cast %get3A_1408 : i32 to index
        %get3A_1410 = arith.index_cast %add3A_1381 : i32 to index
        %get3A_1411 = arith.constant 16 : index
        %get3A_1412 = tpu.vector_load %arg8[%get3A_1409, %get3A_1410, %get3A_1411] {strides = array<i32>} : memref<2x256x64xf32, #tpu.memory_space<vmem>>, vector<1x1x16xf32>,
        %get3A_1413 = vector.shape_cast %get3A_1412 : vector<1x1x16xf32> to vector<16xf32>
        %add3A_1414 = arith.addf %get3A_1407, %get3A_1413 : vector<16xf32>
        %swap3A_1415 = arith.constant 1 : i32
        %swap3A_1416 = arith.index_cast %swap3A_1415 : i32 to index
        %swap3A_1417 = arith.index_cast %add3A_1381 : i32 to index
        %swap3A_1418 = arith.constant 16 : index
        %swap3A_1419 = tpu.vector_load %arg7[%swap3A_1416, %swap3A_1417, %swap3A_1418] {strides = array<i32>} : memref<2x256x64xf32, #tpu.memory_space<vmem>>, vector<1x1x16xf32>,
        %swap3A_1420 = vector.shape_cast %swap3A_1419 : vector<1x1x16xf32> to vector<16xf32>
        %swap3A_1421 = vector.shape_cast %add3A_1414 : vector<16xf32> to vector<1x1x16xf32>
        tpu.vector_store %arg7[%swap3A_1416, %swap3A_1417, %swap3A_1418], %swap3A_1421 {strides = array<i32>} : memref<2x256x64xf32, #tpu.memory_space<vmem>>, vector<1x1x16xf32>,
        %get3A_1422 = arith.constant 1 : i32
        %get3A_1423 = arith.index_cast %get3A_1422 : i32 to index
        %get3A_1424 = arith.index_cast %add3A_1381 : i32 to index
        %get3A_1425 = arith.constant 32 : index
        %get3A_1426 = tpu.vector_load %arg7[%get3A_1423, %get3A_1424, %get3A_1425] {strides = array<i32>} : memref<2x256x64xf32, #tpu.memory_space<vmem>>, vector<1x1x16xf32>,
        %get3A_1427 = vector.shape_cast %get3A_1426 : vector<1x1x16xf32> to vector<16xf32>
        %get3A_1428 = arith.constant 1 : i32
        %get3A_1429 = arith.index_cast %get3A_1428 : i32 to index
        %get3A_1430 = arith.index_cast %add3A_1381 : i32 to index
        %get3A_1431 = arith.constant 32 : index
        %get3A_1432 = tpu.vector_load %arg8[%get3A_1429, %get3A_1430, %get3A_1431] {strides = array<i32>} : memref<2x256x64xf32, #tpu.memory_space<vmem>>, vector<1x1x16xf32>,
        %get3A_1433 = vector.shape_cast %get3A_1432 : vector<1x1x16xf32> to vector<16xf32>
        %add3A_1434 = arith.addf %get3A_1427, %get3A_1433 : vector<16xf32>
        %swap3A_1435 = arith.constant 1 : i32
        %swap3A_1436 = arith.index_cast %swap3A_1435 : i32 to index
        %swap3A_1437 = arith.index_cast %add3A_1381 : i32 to index
        %swap3A_1438 = arith.constant 32 : index
        %swap3A_1439 = tpu.vector_load %arg7[%swap3A_1436, %swap3A_1437, %swap3A_1438] {strides = array<i32>} : memref<2x256x64xf32, #tpu.memory_space<vmem>>, vector<1x1x16xf32>,
        %swap3A_1440 = vector.shape_cast %swap3A_1439 : vector<1x1x16xf32> to vector<16xf32>
        %swap3A_1441 = vector.shape_cast %add3A_1434 : vector<16xf32> to vector<1x1x16xf32>
        tpu.vector_store %arg7[%swap3A_1436, %swap3A_1437, %swap3A_1438], %swap3A_1441 {strides = array<i32>} : memref<2x256x64xf32, #tpu.memory_space<vmem>>, vector<1x1x16xf32>,
        %get3A_1442 = arith.constant 1 : i32
        %get3A_1443 = arith.index_cast %get3A_1442 : i32 to index
        %get3A_1444 = arith.index_cast %add3A_1381 : i32 to index
        %get3A_1445 = arith.constant 48 : index
        %get3A_1446 = tpu.vector_load %arg7[%get3A_1443, %get3A_1444, %get3A_1445] {strides = array<i32>} : memref<2x256x64xf32, #tpu.memory_space<vmem>>, vector<1x1x16xf32>,
        %get3A_1447 = vector.shape_cast %get3A_1446 : vector<1x1x16xf32> to vector<16xf32>
        %get3A_1448 = arith.constant 1 : i32
        %get3A_1449 = arith.index_cast %get3A_1448 : i32 to index
        %get3A_1450 = arith.index_cast %add3A_1381 : i32 to index
        %get3A_1451 = arith.constant 48 : index
        %get3A_1452 = tpu.vector_load %arg8[%get3A_1449, %get3A_1450, %get3A_1451] {strides = array<i32>} : memref<2x256x64xf32, #tpu.memory_space<vmem>>, vector<1x1x16xf32>,
        %get3A_1453 = vector.shape_cast %get3A_1452 : vector<1x1x16xf32> to vector<16xf32>
        %add3A_1454 = arith.addf %get3A_1447, %get3A_1453 : vector<16xf32>
        %swap3A_1455 = arith.constant 1 : i32
        %swap3A_1456 = arith.index_cast %swap3A_1455 : i32 to index
        %swap3A_1457 = arith.index_cast %add3A_1381 : i32 to index
        %swap3A_1458 = arith.constant 48 : index
        %swap3A_1459 = tpu.vector_load %arg7[%swap3A_1456, %swap3A_1457, %swap3A_1458] {strides = array<i32>} : memref<2x256x64xf32, #tpu.memory_space<vmem>>, vector<1x1x16xf32>,
        %swap3A_1460 = vector.shape_cast %swap3A_1459 : vector<1x1x16xf32> to vector<16xf32>
        %swap3A_1461 = vector.shape_cast %add3A_1454 : vector<16xf32> to vector<1x1x16xf32>
        tpu.vector_store %arg7[%swap3A_1456, %swap3A_1457, %swap3A_1458], %swap3A_1461 {strides = array<i32>} : memref<2x256x64xf32, #tpu.memory_space<vmem>>, vector<1x1x16xf32>,
        %mul3A_1462 = arith.constant 4 : i32
        %mul3A_1463 = arith.muli %scan3A_1211, %mul3A_1462 : i32
        %add3A_1464 = arith.constant 3 : i32
        %add3A_1465 = arith.addi %mul3A_1463, %add3A_1464 : i32
        %get3A_1466 = arith.constant 1 : i32
        %get3A_1467 = arith.index_cast %get3A_1466 : i32 to index
        %get3A_1468 = arith.index_cast %add3A_1465 : i32 to index
        %get3A_1469 = arith.constant 0 : index
        %get3A_1470 = tpu.vector_load %arg7[%get3A_1467, %get3A_1468, %get3A_1469] {strides = array<i32>} : memref<2x256x64xf32, #tpu.memory_space<vmem>>, vector<1x1x16xf32>,
        %get3A_1471 = vector.shape_cast %get3A_1470 : vector<1x1x16xf32> to vector<16xf32>
        %get3A_1472 = arith.constant 1 : i32
        %get3A_1473 = arith.index_cast %get3A_1472 : i32 to index
        %get3A_1474 = arith.index_cast %add3A_1465 : i32 to index
        %get3A_1475 = arith.constant 0 : index
        %get3A_1476 = tpu.vector_load %arg8[%get3A_1473, %get3A_1474, %get3A_1475] {strides = array<i32>} : memref<2x256x64xf32, #tpu.memory_space<vmem>>, vector<1x1x16xf32>,
        %get3A_1477 = vector.shape_cast %get3A_1476 : vector<1x1x16xf32> to vector<16xf32>
        %add3A_1478 = arith.addf %get3A_1471, %get3A_1477 : vector<16xf32>
        %swap3A_1479 = arith.constant 1 : i32
        %swap3A_1480 = arith.index_cast %swap3A_1479 : i32 to index
        %swap3A_1481 = arith.index_cast %add3A_1465 : i32 to index
        %swap3A_1482 = arith.constant 0 : index
        %swap3A_1483 = tpu.vector_load %arg7[%swap3A_1480, %swap3A_1481, %swap3A_1482] {strides = array<i32>} : memref<2x256x64xf32, #tpu.memory_space<vmem>>, vector<1x1x16xf32>,
        %swap3A_1484 = vector.shape_cast %swap3A_1483 : vector<1x1x16xf32> to vector<16xf32>
        %swap3A_1485 = vector.shape_cast %add3A_1478 : vector<16xf32> to vector<1x1x16xf32>
        tpu.vector_store %arg7[%swap3A_1480, %swap3A_1481, %swap3A_1482], %swap3A_1485 {strides = array<i32>} : memref<2x256x64xf32, #tpu.memory_space<vmem>>, vector<1x1x16xf32>,
        %get3A_1486 = arith.constant 1 : i32
        %get3A_1487 = arith.index_cast %get3A_1486 : i32 to index
        %get3A_1488 = arith.index_cast %add3A_1465 : i32 to index
        %get3A_1489 = arith.constant 16 : index
        %get3A_1490 = tpu.vector_load %arg7[%get3A_1487, %get3A_1488, %get3A_1489] {strides = array<i32>} : memref<2x256x64xf32, #tpu.memory_space<vmem>>, vector<1x1x16xf32>,
        %get3A_1491 = vector.shape_cast %get3A_1490 : vector<1x1x16xf32> to vector<16xf32>
        %get3A_1492 = arith.constant 1 : i32
        %get3A_1493 = arith.index_cast %get3A_1492 : i32 to index
        %get3A_1494 = arith.index_cast %add3A_1465 : i32 to index
        %get3A_1495 = arith.constant 16 : index
        %get3A_1496 = tpu.vector_load %arg8[%get3A_1493, %get3A_1494, %get3A_1495] {strides = array<i32>} : memref<2x256x64xf32, #tpu.memory_space<vmem>>, vector<1x1x16xf32>,
        %get3A_1497 = vector.shape_cast %get3A_1496 : vector<1x1x16xf32> to vector<16xf32>
        %add3A_1498 = arith.addf %get3A_1491, %get3A_1497 : vector<16xf32>
        %swap3A_1499 = arith.constant 1 : i32
        %swap3A_1500 = arith.index_cast %swap3A_1499 : i32 to index
        %swap3A_1501 = arith.index_cast %add3A_1465 : i32 to index
        %swap3A_1502 = arith.constant 16 : index
        %swap3A_1503 = tpu.vector_load %arg7[%swap3A_1500, %swap3A_1501, %swap3A_1502] {strides = array<i32>} : memref<2x256x64xf32, #tpu.memory_space<vmem>>, vector<1x1x16xf32>,
        %swap3A_1504 = vector.shape_cast %swap3A_1503 : vector<1x1x16xf32> to vector<16xf32>
        %swap3A_1505 = vector.shape_cast %add3A_1498 : vector<16xf32> to vector<1x1x16xf32>
        tpu.vector_store %arg7[%swap3A_1500, %swap3A_1501, %swap3A_1502], %swap3A_1505 {strides = array<i32>} : memref<2x256x64xf32, #tpu.memory_space<vmem>>, vector<1x1x16xf32>,
        %get3A_1506 = arith.constant 1 : i32
        %get3A_1507 = arith.index_cast %get3A_1506 : i32 to index
        %get3A_1508 = arith.index_cast %add3A_1465 : i32 to index
        %get3A_1509 = arith.constant 32 : index
        %get3A_1510 = tpu.vector_load %arg7[%get3A_1507, %get3A_1508, %get3A_1509] {strides = array<i32>} : memref<2x256x64xf32, #tpu.memory_space<vmem>>, vector<1x1x16xf32>,
        %get3A_1511 = vector.shape_cast %get3A_1510 : vector<1x1x16xf32> to vector<16xf32>
        %get3A_1512 = arith.constant 1 : i32
        %get3A_1513 = arith.index_cast %get3A_1512 : i32 to index
        %get3A_1514 = arith.index_cast %add3A_1465 : i32 to index
        %get3A_1515 = arith.constant 32 : index
        %get3A_1516 = tpu.vector_load %arg8[%get3A_1513, %get3A_1514, %get3A_1515] {strides = array<i32>} : memref<2x256x64xf32, #tpu.memory_space<vmem>>, vector<1x1x16xf32>,
        %get3A_1517 = vector.shape_cast %get3A_1516 : vector<1x1x16xf32> to vector<16xf32>
        %add3A_1518 = arith.addf %get3A_1511, %get3A_1517 : vector<16xf32>
        %swap3A_1519 = arith.constant 1 : i32
        %swap3A_1520 = arith.index_cast %swap3A_1519 : i32 to index
        %swap3A_1521 = arith.index_cast %add3A_1465 : i32 to index
        %swap3A_1522 = arith.constant 32 : index
        %swap3A_1523 = tpu.vector_load %arg7[%swap3A_1520, %swap3A_1521, %swap3A_1522] {strides = array<i32>} : memref<2x256x64xf32, #tpu.memory_space<vmem>>, vector<1x1x16xf32>,
        %swap3A_1524 = vector.shape_cast %swap3A_1523 : vector<1x1x16xf32> to vector<16xf32>
        %swap3A_1525 = vector.shape_cast %add3A_1518 : vector<16xf32> to vector<1x1x16xf32>
        tpu.vector_store %arg7[%swap3A_1520, %swap3A_1521, %swap3A_1522], %swap3A_1525 {strides = array<i32>} : memref<2x256x64xf32, #tpu.memory_space<vmem>>, vector<1x1x16xf32>,
        %get3A_1526 = arith.constant 1 : i32
        %get3A_1527 = arith.index_cast %get3A_1526 : i32 to index
        %get3A_1528 = arith.index_cast %add3A_1465 : i32 to index
        %get3A_1529 = arith.constant 48 : index
        %get3A_1530 = tpu.vector_load %arg7[%get3A_1527, %get3A_1528, %get3A_1529] {strides = array<i32>} : memref<2x256x64xf32, #tpu.memory_space<vmem>>, vector<1x1x16xf32>,
        %get3A_1531 = vector.shape_cast %get3A_1530 : vector<1x1x16xf32> to vector<16xf32>
        %get3A_1532 = arith.constant 1 : i32
        %get3A_1533 = arith.index_cast %get3A_1532 : i32 to index
        %get3A_1534 = arith.index_cast %add3A_1465 : i32 to index
        %get3A_1535 = arith.constant 48 : index
        %get3A_1536 = tpu.vector_load %arg8[%get3A_1533, %get3A_1534, %get3A_1535] {strides = array<i32>} : memref<2x256x64xf32, #tpu.memory_space<vmem>>, vector<1x1x16xf32>,
        %get3A_1537 = vector.shape_cast %get3A_1536 : vector<1x1x16xf32> to vector<16xf32>
        %add3A_1538 = arith.addf %get3A_1531, %get3A_1537 : vector<16xf32>
        %swap3A_1539 = arith.constant 1 : i32
        %swap3A_1540 = arith.index_cast %swap3A_1539 : i32 to index
        %swap3A_1541 = arith.index_cast %add3A_1465 : i32 to index
        %swap3A_1542 = arith.constant 48 : index
        %swap3A_1543 = tpu.vector_load %arg7[%swap3A_1540, %swap3A_1541, %swap3A_1542] {strides = array<i32>} : memref<2x256x64xf32, #tpu.memory_space<vmem>>, vector<1x1x16xf32>,
        %swap3A_1544 = vector.shape_cast %swap3A_1543 : vector<1x1x16xf32> to vector<16xf32>
        %swap3A_1545 = vector.shape_cast %add3A_1538 : vector<16xf32> to vector<1x1x16xf32>
        tpu.vector_store %arg7[%swap3A_1540, %swap3A_1541, %swap3A_1542], %swap3A_1545 {strides = array<i32>} : memref<2x256x64xf32, #tpu.memory_space<vmem>>, vector<1x1x16xf32>,
      }
      %scan3A_980 = arith.constant 64 : i32
      %mul3A_981 = arith.constant 2 : i32
      %mul3A_982 = arith.muli %add3A_789, %mul3A_981 : i32
      %add3A_983 = arith.addi %mul3A_2, %mul3A_982 : i32
      %mul3A_984 = arith.constant 128 : i32
      %mul3A_985 = arith.muli %add3A_983, %mul3A_984 : i32
      %dma_start3A_986 = arith.constant 1 : i32
      %dma_start3A_987 = arith.constant 0 : i32
      %dma_start3A_988 = arith.constant 0 : i32
      %dma_start3A_989 = tpu.memref_slice %arg7[%dma_start3A_986, %dma_start3A_987, %dma_start3A_988] : memref<2x256x64xf32, #tpu.memory_space<vmem>> -> memref<1x256x64xf32, #tpu.memory_space<vmem>>
      %dma_start3A_990 = tpu.memref_squeeze %dma_start3A_989 : memref<1x256x64xf32, #tpu.memory_space<vmem>> -> memref<256x64xf32, #tpu.memory_space<vmem>>
      %dma_start3A_991 = arith.constant 0 : i32
      %dma_start3A_992 = tpu.memref_slice %arg5[%mul3A_985, %dma_start3A_991] : memref<819200x128xf32, #tpu.memory_space<hbm>> -> memref<256x64xf32, #tpu.memory_space<hbm>>
      %dma_start3A_993 = arith.constant 0 : i32
      %dma_start3A_994 = tpu.memref_slice %arg5[%mul3A_985, %dma_start3A_993] : memref<819200x128xf32, #tpu.memory_space<hbm>> -> memref<256x64xf32, #tpu.memory_space<hbm>>
      %dma_start3A_995 = arith.constant 0 : i32
      %dma_start3A_996 = arith.constant 0 : i32
      %dma_start3A_997 = tpu.memref_slice %arg7[%dma_start3A_986, %dma_start3A_995, %dma_start3A_996] : memref<2x256x64xf32, #tpu.memory_space<vmem>> -> memref<1x256x64xf32, #tpu.memory_space<vmem>>
      %dma_start3A_998 = tpu.memref_squeeze %dma_start3A_997 : memref<1x256x64xf32, #tpu.memory_space<vmem>> -> memref<256x64xf32, #tpu.memory_space<vmem>>
      tpu.enqueue_dma source(%dma_start3A_998 : memref<256x64xf32, #tpu.memory_space<vmem>>) target(%dma_start3A_994 : memref<256x64xf32, #tpu.memory_space<hbm>>) target_semaphore(%arg11 : memref<!tpu.dma_semaphore, #tpu.memory_space<semaphore_mem>>)
      %add3A_999 = arith.constant 1 : i32
      %add3A_1000 = arith.addi %add3A_789, %add3A_999 : i32
      %add3A_1001 = arith.constant 2 : i32
      %add3A_1002 = arith.addi %add3A_1000, %add3A_1001 : i32
      %add3A_1003 = arith.constant 2 : i32
      %add3A_1004 = arith.addi %add3A_1000, %add3A_1003 : i32
      %rem3A_1005 = arith.constant 3 : i32
      %rem3A_1006 = arith.remsi %add3A_1004, %rem3A_1005 : i32
      %mul3A_1007 = arith.constant 2 : i32
      %mul3A_1008 = arith.muli %add3A_1002, %mul3A_1007 : i32
      %add3A_1009 = arith.addi %mul3A_2, %mul3A_1008 : i32
      %dma_start3A_1010 = arith.constant 0 : i32
      %dma_start3A_1011 = arith.constant 0 : i32
      %dma_start3A_1012 = arith.constant 0 : i32
      %dma_start3A_1013 = tpu.memref_slice %arg6[%rem3A_1006, %dma_start3A_1010, %dma_start3A_1011, %dma_start3A_1012] : memref<3x2x2x128xi32, #tpu.memory_space<vmem>> -> memref<1x2x2x128xi32, #tpu.memory_space<vmem>>
      %dma_start3A_1014 = tpu.memref_squeeze %dma_start3A_1013 : memref<1x2x2x128xi32, #tpu.memory_space<vmem>> -> memref<2x2x128xi32, #tpu.memory_space<vmem>>
      %dma_start3A_1015 = arith.constant 0 : i32
      %dma_start3A_1016 = arith.constant 0 : i32
      %dma_start3A_1017 = tpu.memref_slice %arg2[%add3A_1009, %dma_start3A_1015, %dma_start3A_1016] : memref<6400x2x128xi32, #tpu.memory_space<hbm>> -> memref<2x2x128xi32, #tpu.memory_space<hbm>>
      %dma_start3A_1018 = arith.constant 0 : i32
      %dma_start3A_1019 = arith.constant 0 : i32
      %dma_start3A_1020 = arith.constant 0 : i32
      %dma_start3A_1021 = tpu.memref_slice %arg6[%rem3A_1006, %dma_start3A_1018, %dma_start3A_1019, %dma_start3A_1020] : memref<3x2x2x128xi32, #tpu.memory_space<vmem>> -> memref<1x2x2x128xi32, #tpu.memory_space<vmem>>
      %dma_start3A_1022 = tpu.memref_squeeze %dma_start3A_1021 : memref<1x2x2x128xi32, #tpu.memory_space<vmem>> -> memref<2x2x128xi32, #tpu.memory_space<vmem>>
      %dma_start3A_1023 = arith.constant 0 : i32
      %dma_start3A_1024 = arith.constant 0 : i32
      %dma_start3A_1025 = tpu.memref_slice %arg2[%add3A_1009, %dma_start3A_1023, %dma_start3A_1024] : memref<6400x2x128xi32, #tpu.memory_space<hbm>> -> memref<2x2x128xi32, #tpu.memory_space<hbm>>
      tpu.enqueue_dma source(%dma_start3A_1025 : memref<2x2x128xi32, #tpu.memory_space<hbm>>) target(%dma_start3A_1022 : memref<2x2x128xi32, #tpu.memory_space<vmem>>) target_semaphore(%arg12 : memref<!tpu.dma_semaphore, #tpu.memory_space<semaphore_mem>>)
      %sub3A_1026 = arith.constant 1 : i32
      %sub3A_1027 = arith.subi %add3A_1000, %sub3A_1026 : i32
      %mul3A_1028 = arith.constant 2 : i32
      %mul3A_1029 = arith.muli %sub3A_1027, %mul3A_1028 : i32
      %add3A_1030 = arith.addi %mul3A_2, %mul3A_1029 : i32
      %mul3A_1031 = arith.constant 128 : i32
      %mul3A_1032 = arith.muli %add3A_1030, %mul3A_1031 : i32
      %dma_wait3A_1033 = arith.constant 1 : i32
      %dma_wait3A_1034 = arith.constant 0 : i32
      %dma_wait3A_1035 = arith.constant 0 : i32
      %dma_wait3A_1036 = tpu.memref_slice %arg7[%dma_wait3A_1033, %dma_wait3A_1034, %dma_wait3A_1035] : memref<2x256x64xf32, #tpu.memory_space<vmem>> -> memref<1x256x64xf32, #tpu.memory_space<vmem>>
      %dma_wait3A_1037 = tpu.memref_squeeze %dma_wait3A_1036 : memref<1x256x64xf32, #tpu.memory_space<vmem>> -> memref<256x64xf32, #tpu.memory_space<vmem>>
      %dma_wait3A_1038 = arith.constant 0 : i32
      %dma_wait3A_1039 = tpu.memref_slice %arg5[%mul3A_1032, %dma_wait3A_1038] : memref<819200x128xf32, #tpu.memory_space<hbm>> -> memref<256x64xf32, #tpu.memory_space<hbm>>
      %dma_wait3A_1040 = arith.constant 0 : i32
      %dma_wait3A_1041 = tpu.memref_slice %arg5[%mul3A_1032, %dma_wait3A_1040] : memref<819200x128xf32, #tpu.memory_space<hbm>> -> memref<256x64xf32, #tpu.memory_space<hbm>>
      %dma_wait3A_1042 = arith.constant 0 : i32
      %dma_wait3A_1043 = arith.constant 0 : i32
      %dma_wait3A_1044 = tpu.memref_slice %arg7[%dma_wait3A_1033, %dma_wait3A_1042, %dma_wait3A_1043] : memref<2x256x64xf32, #tpu.memory_space<vmem>> -> memref<1x256x64xf32, #tpu.memory_space<vmem>>
      %dma_wait3A_1045 = tpu.memref_squeeze %dma_wait3A_1044 : memref<1x256x64xf32, #tpu.memory_space<vmem>> -> memref<256x64xf32, #tpu.memory_space<vmem>>
      tpu.wait_dma2 semaphore(%arg11 : memref<!tpu.dma_semaphore, #tpu.memory_space<semaphore_mem>>) src(%dma_wait3A_1045 : memref<256x64xf32, #tpu.memory_space<vmem>>) dst(%dma_wait3A_1041 : memref<256x64xf32, #tpu.memory_space<hbm>>)
      %add3A_1046 = arith.constant 1 : i32
      %add3A_1047 = arith.addi %add3A_1000, %add3A_1046 : i32
      %add3A_1048 = arith.constant 1 : i32
      %add3A_1049 = arith.addi %add3A_1000, %add3A_1048 : i32
      %rem3A_1050 = arith.constant 3 : i32
      %rem3A_1051 = arith.remsi %add3A_1049, %rem3A_1050 : i32
      %mul3A_1052 = arith.constant 2 : i32
      %mul3A_1053 = arith.muli %add3A_1047, %mul3A_1052 : i32
      %add3A_1054 = arith.addi %mul3A_2, %mul3A_1053 : i32
      %dma_wait3A_1055 = arith.constant 0 : i32
      %dma_wait3A_1056 = arith.constant 0 : i32
      %dma_wait3A_1057 = arith.constant 0 : i32
      %dma_wait3A_1058 = tpu.memref_slice %arg6[%rem3A_1051, %dma_wait3A_1055, %dma_wait3A_1056, %dma_wait3A_1057] : memref<3x2x2x128xi32, #tpu.memory_space<vmem>> -> memref<1x2x2x128xi32, #tpu.memory_space<vmem>>
      %dma_wait3A_1059 = tpu.memref_squeeze %dma_wait3A_1058 : memref<1x2x2x128xi32, #tpu.memory_space<vmem>> -> memref<2x2x128xi32, #tpu.memory_space<vmem>>
      %dma_wait3A_1060 = arith.constant 0 : i32
      %dma_wait3A_1061 = arith.constant 0 : i32
      %dma_wait3A_1062 = tpu.memref_slice %arg2[%add3A_1054, %dma_wait3A_1060, %dma_wait3A_1061] : memref<6400x2x128xi32, #tpu.memory_space<hbm>> -> memref<2x2x128xi32, #tpu.memory_space<hbm>>
      %dma_wait3A_1063 = arith.constant 0 : i32
      %dma_wait3A_1064 = arith.constant 0 : i32
      %dma_wait3A_1065 = arith.constant 0 : i32
      %dma_wait3A_1066 = tpu.memref_slice %arg6[%rem3A_1051, %dma_wait3A_1063, %dma_wait3A_1064, %dma_wait3A_1065] : memref<3x2x2x128xi32, #tpu.memory_space<vmem>> -> memref<1x2x2x128xi32, #tpu.memory_space<vmem>>
      %dma_wait3A_1067 = tpu.memref_squeeze %dma_wait3A_1066 : memref<1x2x2x128xi32, #tpu.memory_space<vmem>> -> memref<2x2x128xi32, #tpu.memory_space<vmem>>
      %dma_wait3A_1068 = arith.constant 0 : i32
      %dma_wait3A_1069 = arith.constant 0 : i32
      %dma_wait3A_1070 = tpu.memref_slice %arg2[%add3A_1054, %dma_wait3A_1068, %dma_wait3A_1069] : memref<6400x2x128xi32, #tpu.memory_space<hbm>> -> memref<2x2x128xi32, #tpu.memory_space<hbm>>
      tpu.wait_dma2 semaphore(%arg13 : memref<!tpu.dma_semaphore, #tpu.memory_space<semaphore_mem>>) src(%dma_wait3A_1070 : memref<2x2x128xi32, #tpu.memory_space<hbm>>) dst(%dma_wait3A_1067 : memref<2x2x128xi32, #tpu.memory_space<vmem>>)
      %add3A_1071 = arith.constant 1 : i32
      %add3A_1072 = arith.addi %add3A_1000, %add3A_1071 : i32
      %rem3A_1073 = arith.constant 3 : i32
      %rem3A_1074 = arith.remsi %add3A_1072, %rem3A_1073 : i32
      %dma_start3A_1075 = arith.constant 0 : i32
      %dma_start3A_1076 = arith.constant 0 : i32
      %dma_start3A_1077 = arith.constant 1 : i32
      %dma_start3A_1078 = arith.constant 0 : i32
      %dma_start3A_1079 = arith.constant 0 : i32
      %dma_start3A_1080 = tpu.memref_slice %arg7[%dma_start3A_1077, %dma_start3A_1078, %dma_start3A_1079] : memref<2x256x64xf32, #tpu.memory_space<vmem>> -> memref<1x128x64xf32, #tpu.memory_space<vmem>>
      %dma_start3A_1081 = tpu.memref_squeeze %dma_start3A_1080 : memref<1x128x64xf32, #tpu.memory_space<vmem>> -> memref<128x64xf32, #tpu.memory_space<vmem>>
      %dma_start3A_1082 = arith.constant 0 : i32
      %dma_start3A_1083 = tpu.memref_slice %arg6[%rem3A_1074, %dma_start3A_1075, %dma_start3A_1076, %dma_start3A_1082] : memref<3x2x2x128xi32, #tpu.memory_space<vmem>> -> memref<1x1x1x128xi32, #tpu.memory_space<vmem>>
      %dma_start3A_1084 = tpu.memref_squeeze %dma_start3A_1083 : memref<1x1x1x128xi32, #tpu.memory_space<vmem>> -> memref<128xi32, #tpu.memory_space<vmem>>
      %dma_start3A_1085 = arith.constant 0 : i32
      %dma_start3A_1086 = arith.constant 0 : i32
      %dma_start3A_1087 = tpu.memref_slice %arg3[%dma_start3A_1085, %dma_start3A_1086] : memref<1000000x64xf32, #tpu.memory_space<hbm>> -> memref<1000000x64xf32, #tpu.memory_space<hbm>>
      tpu.enqueue_indirect_dma source(%dma_start3A_1087 : memref<1000000x64xf32, #tpu.memory_space<hbm>>) target(%dma_start3A_1081 : memref<128x64xf32, #tpu.memory_space<vmem>>) offsets(%dma_start3A_1084 : memref<128xi32, #tpu.memory_space<vmem>>) semaphore(%arg9 : memref<!tpu.dma_semaphore, #tpu.memory_space<semaphore_mem>>)
      %dma_start3A_1088 = arith.constant 0 : i32
      %dma_start3A_1089 = arith.constant 1 : i32
      %dma_start3A_1090 = arith.constant 1 : i32
      %dma_start3A_1091 = arith.constant 0 : i32
      %dma_start3A_1092 = arith.constant 0 : i32
      %dma_start3A_1093 = tpu.memref_slice %arg8[%dma_start3A_1090, %dma_start3A_1091, %dma_start3A_1092] : memref<2x256x64xf32, #tpu.memory_space<vmem>> -> memref<1x128x64xf32, #tpu.memory_space<vmem>>
      %dma_start3A_1094 = tpu.memref_squeeze %dma_start3A_1093 : memref<1x128x64xf32, #tpu.memory_space<vmem>> -> memref<128x64xf32, #tpu.memory_space<vmem>>
      %dma_start3A_1095 = arith.constant 0 : i32
      %dma_start3A_1096 = tpu.memref_slice %arg6[%rem3A_1074, %dma_start3A_1088, %dma_start3A_1089, %dma_start3A_1095] : memref<3x2x2x128xi32, #tpu.memory_space<vmem>> -> memref<1x1x1x128xi32, #tpu.memory_space<vmem>>
      %dma_start3A_1097 = tpu.memref_squeeze %dma_start3A_1096 : memref<1x1x1x128xi32, #tpu.memory_space<vmem>> -> memref<128xi32, #tpu.memory_space<vmem>>
      %dma_start3A_1098 = arith.constant 0 : i32
      %dma_start3A_1099 = arith.constant 0 : i32
      %dma_start3A_1100 = tpu.memref_slice %arg4[%dma_start3A_1098, %dma_start3A_1099] : memref<38400x64xf32, #tpu.memory_space<hbm>> -> memref<38400x64xf32, #tpu.memory_space<hbm>>
      tpu.enqueue_indirect_dma source(%dma_start3A_1100 : memref<38400x64xf32, #tpu.memory_space<hbm>>) target(%dma_start3A_1094 : memref<128x64xf32, #tpu.memory_space<vmem>>) offsets(%dma_start3A_1097 : memref<128xi32, #tpu.memory_space<vmem>>) semaphore(%arg9 : memref<!tpu.dma_semaphore, #tpu.memory_space<semaphore_mem>>)
      %dma_start3A_1101 = arith.constant 1 : i32
      %dma_start3A_1102 = arith.constant 0 : i32
      %dma_start3A_1103 = arith.constant 1 : i32
      %dma_start3A_1104 = arith.constant 128 : i32
      %dma_start3A_1105 = arith.constant 0 : i32
      %dma_start3A_1106 = tpu.memref_slice %arg7[%dma_start3A_1103, %dma_start3A_1104, %dma_start3A_1105] : memref<2x256x64xf32, #tpu.memory_space<vmem>> -> memref<1x128x64xf32, #tpu.memory_space<vmem>>
      %dma_start3A_1107 = tpu.memref_squeeze %dma_start3A_1106 : memref<1x128x64xf32, #tpu.memory_space<vmem>> -> memref<128x64xf32, #tpu.memory_space<vmem>>
      %dma_start3A_1108 = arith.constant 0 : i32
      %dma_start3A_1109 = tpu.memref_slice %arg6[%rem3A_1074, %dma_start3A_1101, %dma_start3A_1102, %dma_start3A_1108] : memref<3x2x2x128xi32, #tpu.memory_space<vmem>> -> memref<1x1x1x128xi32, #tpu.memory_space<vmem>>
      %dma_start3A_1110 = tpu.memref_squeeze %dma_start3A_1109 : memref<1x1x1x128xi32, #tpu.memory_space<vmem>> -> memref<128xi32, #tpu.memory_space<vmem>>
      %dma_start3A_1111 = arith.constant 0 : i32
      %dma_start3A_1112 = arith.constant 0 : i32
      %dma_start3A_1113 = tpu.memref_slice %arg3[%dma_start3A_1111, %dma_start3A_1112] : memref<1000000x64xf32, #tpu.memory_space<hbm>> -> memref<1000000x64xf32, #tpu.memory_space<hbm>>
      tpu.enqueue_indirect_dma source(%dma_start3A_1113 : memref<1000000x64xf32, #tpu.memory_space<hbm>>) target(%dma_start3A_1107 : memref<128x64xf32, #tpu.memory_space<vmem>>) offsets(%dma_start3A_1110 : memref<128xi32, #tpu.memory_space<vmem>>) semaphore(%arg9 : memref<!tpu.dma_semaphore, #tpu.memory_space<semaphore_mem>>)
      %dma_start3A_1114 = arith.constant 1 : i32
      %dma_start3A_1115 = arith.constant 1 : i32
      %dma_start3A_1116 = arith.constant 1 : i32
      %dma_start3A_1117 = arith.constant 128 : i32
      %dma_start3A_1118 = arith.constant 0 : i32
      %dma_start3A_1119 = tpu.memref_slice %arg8[%dma_start3A_1116, %dma_start3A_1117, %dma_start3A_1118] : memref<2x256x64xf32, #tpu.memory_space<vmem>> -> memref<1x128x64xf32, #tpu.memory_space<vmem>>
      %dma_start3A_1120 = tpu.memref_squeeze %dma_start3A_1119 : memref<1x128x64xf32, #tpu.memory_space<vmem>> -> memref<128x64xf32, #tpu.memory_space<vmem>>
      %dma_start3A_1121 = arith.constant 0 : i32
      %dma_start3A_1122 = tpu.memref_slice %arg6[%rem3A_1074, %dma_start3A_1114, %dma_start3A_1115, %dma_start3A_1121] : memref<3x2x2x128xi32, #tpu.memory_space<vmem>> -> memref<1x1x1x128xi32, #tpu.memory_space<vmem>>
      %dma_start3A_1123 = tpu.memref_squeeze %dma_start3A_1122 : memref<1x1x1x128xi32, #tpu.memory_space<vmem>> -> memref<128xi32, #tpu.memory_space<vmem>>
      %dma_start3A_1124 = arith.constant 0 : i32
      %dma_start3A_1125 = arith.constant 0 : i32
      %dma_start3A_1126 = tpu.memref_slice %arg4[%dma_start3A_1124, %dma_start3A_1125] : memref<38400x64xf32, #tpu.memory_space<hbm>> -> memref<38400x64xf32, #tpu.memory_space<hbm>>
      tpu.enqueue_indirect_dma source(%dma_start3A_1126 : memref<38400x64xf32, #tpu.memory_space<hbm>>) target(%dma_start3A_1120 : memref<128x64xf32, #tpu.memory_space<vmem>>) offsets(%dma_start3A_1123 : memref<128xi32, #tpu.memory_space<vmem>>) semaphore(%arg9 : memref<!tpu.dma_semaphore, #tpu.memory_space<semaphore_mem>>)
      %dma_wait3A_1127 = arith.constant 0 : i32
      %dma_wait3A_1128 = arith.constant 0 : i32
      %dma_wait3A_1129 = arith.constant 0 : i32
      %dma_wait3A_1130 = tpu.memref_slice %arg7[%dma_wait3A_1127, %dma_wait3A_1128, %dma_wait3A_1129] : memref<2x256x64xf32, #tpu.memory_space<vmem>> -> memref<1x128x64xf32, #tpu.memory_space<vmem>>
      %dma_wait3A_1131 = tpu.memref_squeeze %dma_wait3A_1130 : memref<1x128x64xf32, #tpu.memory_space<vmem>> -> memref<128x64xf32, #tpu.memory_space<vmem>>
      %dma_wait3A_1132 = arith.constant 0 : i32
      %dma_wait3A_1133 = arith.constant 0 : i32
      %dma_wait3A_1134 = tpu.memref_slice %arg5[%dma_wait3A_1132, %dma_wait3A_1133] : memref<819200x128xf32, #tpu.memory_space<hbm>> -> memref<128x128xf32, #tpu.memory_space<hbm>>
      %dma_wait3A_1135 = arith.constant 0 : i32
      %dma_wait3A_1136 = arith.constant 0 : i32
      %dma_wait3A_1137 = tpu.memref_slice %arg7[%dma_wait3A_1127, %dma_wait3A_1135, %dma_wait3A_1136] : memref<2x256x64xf32, #tpu.memory_space<vmem>> -> memref<1x128x64xf32, #tpu.memory_space<vmem>>
      %dma_wait3A_1138 = tpu.memref_squeeze %dma_wait3A_1137 : memref<1x128x64xf32, #tpu.memory_space<vmem>> -> memref<128x64xf32, #tpu.memory_space<vmem>>
      %dma_wait3A_1139 = arith.constant 0 : i32
      %dma_wait3A_1140 = arith.constant 0 : i32
      %dma_wait3A_1141 = tpu.memref_slice %arg5[%dma_wait3A_1139, %dma_wait3A_1140] : memref<819200x128xf32, #tpu.memory_space<hbm>> -> memref<128x128xf32, #tpu.memory_space<hbm>>
      tpu.wait_dma2 semaphore(%arg9 : memref<!tpu.dma_semaphore, #tpu.memory_space<semaphore_mem>>) src(%dma_wait3A_1141 : memref<128x128xf32, #tpu.memory_space<hbm>>) dst(%dma_wait3A_1138 : memref<128x64xf32, #tpu.memory_space<vmem>>)
      %dma_wait3A_1142 = arith.constant 0 : i32
      %dma_wait3A_1143 = arith.constant 0 : i32
      %dma_wait3A_1144 = arith.constant 0 : i32
      %dma_wait3A_1145 = tpu.memref_slice %arg8[%dma_wait3A_1142, %dma_wait3A_1143, %dma_wait3A_1144] : memref<2x256x64xf32, #tpu.memory_space<vmem>> -> memref<1x128x64xf32, #tpu.memory_space<vmem>>
      %dma_wait3A_1146 = tpu.memref_squeeze %dma_wait3A_1145 : memref<1x128x64xf32, #tpu.memory_space<vmem>> -> memref<128x64xf32, #tpu.memory_space<vmem>>
      %dma_wait3A_1147 = arith.constant 0 : i32
      %dma_wait3A_1148 = arith.constant 0 : i32
      %dma_wait3A_1149 = tpu.memref_slice %arg5[%dma_wait3A_1147, %dma_wait3A_1148] : memref<819200x128xf32, #tpu.memory_space<hbm>> -> memref<128x128xf32, #tpu.memory_space<hbm>>
      %dma_wait3A_1150 = arith.constant 0 : i32
      %dma_wait3A_1151 = arith.constant 0 : i32
      %dma_wait3A_1152 = tpu.memref_slice %arg8[%dma_wait3A_1142, %dma_wait3A_1150, %dma_wait3A_1151] : memref<2x256x64xf32, #tpu.memory_space<vmem>> -> memref<1x128x64xf32, #tpu.memory_space<vmem>>
      %dma_wait3A_1153 = tpu.memref_squeeze %dma_wait3A_1152 : memref<1x128x64xf32, #tpu.memory_space<vmem>> -> memref<128x64xf32, #tpu.memory_space<vmem>>
      %dma_wait3A_1154 = arith.constant 0 : i32
      %dma_wait3A_1155 = arith.constant 0 : i32
      %dma_wait3A_1156 = tpu.memref_slice %arg5[%dma_wait3A_1154, %dma_wait3A_1155] : memref<819200x128xf32, #tpu.memory_space<hbm>> -> memref<128x128xf32, #tpu.memory_space<hbm>>
      tpu.wait_dma2 semaphore(%arg9 : memref<!tpu.dma_semaphore, #tpu.memory_space<semaphore_mem>>) src(%dma_wait3A_1156 : memref<128x128xf32, #tpu.memory_space<hbm>>) dst(%dma_wait3A_1153 : memref<128x64xf32, #tpu.memory_space<vmem>>)
      %dma_wait3A_1157 = arith.constant 0 : i32
      %dma_wait3A_1158 = arith.constant 128 : i32
      %dma_wait3A_1159 = arith.constant 0 : i32
      %dma_wait3A_1160 = tpu.memref_slice %arg7[%dma_wait3A_1157, %dma_wait3A_1158, %dma_wait3A_1159] : memref<2x256x64xf32, #tpu.memory_space<vmem>> -> memref<1x128x64xf32, #tpu.memory_space<vmem>>
      %dma_wait3A_1161 = tpu.memref_squeeze %dma_wait3A_1160 : memref<1x128x64xf32, #tpu.memory_space<vmem>> -> memref<128x64xf32, #tpu.memory_space<vmem>>
      %dma_wait3A_1162 = arith.constant 0 : i32
      %dma_wait3A_1163 = arith.constant 0 : i32
      %dma_wait3A_1164 = tpu.memref_slice %arg5[%dma_wait3A_1162, %dma_wait3A_1163] : memref<819200x128xf32, #tpu.memory_space<hbm>> -> memref<128x128xf32, #tpu.memory_space<hbm>>
      %dma_wait3A_1165 = arith.constant 128 : i32
      %dma_wait3A_1166 = arith.constant 0 : i32
      %dma_wait3A_1167 = tpu.memref_slice %arg7[%dma_wait3A_1157, %dma_wait3A_1165, %dma_wait3A_1166] : memref<2x256x64xf32, #tpu.memory_space<vmem>> -> memref<1x128x64xf32, #tpu.memory_space<vmem>>
      %dma_wait3A_1168 = tpu.memref_squeeze %dma_wait3A_1167 : memref<1x128x64xf32, #tpu.memory_space<vmem>> -> memref<128x64xf32, #tpu.memory_space<vmem>>
      %dma_wait3A_1169 = arith.constant 0 : i32
      %dma_wait3A_1170 = arith.constant 0 : i32
      %dma_wait3A_1171 = tpu.memref_slice %arg5[%dma_wait3A_1169, %dma_wait3A_1170] : memref<819200x128xf32, #tpu.memory_space<hbm>> -> memref<128x128xf32, #tpu.memory_space<hbm>>
      tpu.wait_dma2 semaphore(%arg9 : memref<!tpu.dma_semaphore, #tpu.memory_space<semaphore_mem>>) src(%dma_wait3A_1171 : memref<128x128xf32, #tpu.memory_space<hbm>>) dst(%dma_wait3A_1168 : memref<128x64xf32, #tpu.memory_space<vmem>>)
      %dma_wait3A_1172 = arith.constant 0 : i32
      %dma_wait3A_1173 = arith.constant 128 : i32
      %dma_wait3A_1174 = arith.constant 0 : i32
      %dma_wait3A_1175 = tpu.memref_slice %arg8[%dma_wait3A_1172, %dma_wait3A_1173, %dma_wait3A_1174] : memref<2x256x64xf32, #tpu.memory_space<vmem>> -> memref<1x128x64xf32, #tpu.memory_space<vmem>>
      %dma_wait3A_1176 = tpu.memref_squeeze %dma_wait3A_1175 : memref<1x128x64xf32, #tpu.memory_space<vmem>> -> memref<128x64xf32, #tpu.memory_space<vmem>>
      %dma_wait3A_1177 = arith.constant 0 : i32
      %dma_wait3A_1178 = arith.constant 0 : i32
      %dma_wait3A_1179 = tpu.memref_slice %arg5[%dma_wait3A_1177, %dma_wait3A_1178] : memref<819200x128xf32, #tpu.memory_space<hbm>> -> memref<128x128xf32, #tpu.memory_space<hbm>>
      %dma_wait3A_1180 = arith.constant 128 : i32
      %dma_wait3A_1181 = arith.constant 0 : i32
      %dma_wait3A_1182 = tpu.memref_slice %arg8[%dma_wait3A_1172, %dma_wait3A_1180, %dma_wait3A_1181] : memref<2x256x64xf32, #tpu.memory_space<vmem>> -> memref<1x128x64xf32, #tpu.memory_space<vmem>>
      %dma_wait3A_1183 = tpu.memref_squeeze %dma_wait3A_1182 : memref<1x128x64xf32, #tpu.memory_space<vmem>> -> memref<128x64xf32, #tpu.memory_space<vmem>>
      %dma_wait3A_1184 = arith.constant 0 : i32
      %dma_wait3A_1185 = arith.constant 0 : i32
      %dma_wait3A_1186 = tpu.memref_slice %arg5[%dma_wait3A_1184, %dma_wait3A_1185] : memref<819200x128xf32, #tpu.memory_space<hbm>> -> memref<128x128xf32, #tpu.memory_space<hbm>>
      tpu.wait_dma2 semaphore(%arg9 : memref<!tpu.dma_semaphore, #tpu.memory_space<semaphore_mem>>) src(%dma_wait3A_1186 : memref<128x128xf32, #tpu.memory_space<hbm>>) dst(%dma_wait3A_1183 : memref<128x64xf32, #tpu.memory_space<vmem>>)
      %scan3A_1187 = arith.constant 0 : i32
      %scan3A_1188 = arith.constant 0 : i32
      %scan3A_1189 = arith.constant 64 : i32
      %scan3A_1190 = arith.addi %scan3A_1188, %scan3A_1189 : i32
      %scan3A_1191 = arith.constant 1 : i32
      scf.for %scan3A_1211 = %scan3A_1188 to %scan3A_1190 step %scan3A_1191  : i32 {
        %mul3A_1212 = arith.constant 4 : i32
        %mul3A_1213 = arith.muli %scan3A_1211, %mul3A_1212 : i32
        %add3A_1214 = arith.constant 0 : i32
        %add3A_1215 = arith.addi %mul3A_1213, %add3A_1214 : i32
        %get3A = arith.constant 0 : i32
        %get3A_1216 = arith.index_cast %get3A : i32 to index
        %get3A_1217 = arith.index_cast %add3A_1215 : i32 to index
        %get3A_1218 = arith.constant 0 : index
        %get3A_1219 = tpu.vector_load %arg7[%get3A_1216, %get3A_1217, %get3A_1218] {strides = array<i32>} : memref<2x256x64xf32, #tpu.memory_space<vmem>>, vector<1x1x16xf32>,
        %get3A_1220 = vector.shape_cast %get3A_1219 : vector<1x1x16xf32> to vector<16xf32>
        %get3A_1221 = arith.constant 0 : i32
        %get3A_1222 = arith.index_cast %get3A_1221 : i32 to index
        %get3A_1223 = arith.index_cast %add3A_1215 : i32 to index
        %get3A_1224 = arith.constant 0 : index
        %get3A_1225 = tpu.vector_load %arg8[%get3A_1222, %get3A_1223, %get3A_1224] {strides = array<i32>} : memref<2x256x64xf32, #tpu.memory_space<vmem>>, vector<1x1x16xf32>,
        %get3A_1226 = vector.shape_cast %get3A_1225 : vector<1x1x16xf32> to vector<16xf32>
        %add3A_1227 = arith.addf %get3A_1220, %get3A_1226 : vector<16xf32>
        %swap3A = arith.constant 0 : i32
        %swap3A_1228 = arith.index_cast %swap3A : i32 to index
        %swap3A_1229 = arith.index_cast %add3A_1215 : i32 to index
        %swap3A_1230 = arith.constant 0 : index
        %swap3A_1231 = tpu.vector_load %arg7[%swap3A_1228, %swap3A_1229, %swap3A_1230] {strides = array<i32>} : memref<2x256x64xf32, #tpu.memory_space<vmem>>, vector<1x1x16xf32>,
        %swap3A_1232 = vector.shape_cast %swap3A_1231 : vector<1x1x16xf32> to vector<16xf32>
        %swap3A_1233 = vector.shape_cast %add3A_1227 : vector<16xf32> to vector<1x1x16xf32>
        tpu.vector_store %arg7[%swap3A_1228, %swap3A_1229, %swap3A_1230], %swap3A_1233 {strides = array<i32>} : memref<2x256x64xf32, #tpu.memory_space<vmem>>, vector<1x1x16xf32>,
        %get3A_1234 = arith.constant 0 : i32
        %get3A_1235 = arith.index_cast %get3A_1234 : i32 to index
        %get3A_1236 = arith.index_cast %add3A_1215 : i32 to index
        %get3A_1237 = arith.constant 16 : index
        %get3A_1238 = tpu.vector_load %arg7[%get3A_1235, %get3A_1236, %get3A_1237] {strides = array<i32>} : memref<2x256x64xf32, #tpu.memory_space<vmem>>, vector<1x1x16xf32>,
        %get3A_1239 = vector.shape_cast %get3A_1238 : vector<1x1x16xf32> to vector<16xf32>
        %get3A_1240 = arith.constant 0 : i32
        %get3A_1241 = arith.index_cast %get3A_1240 : i32 to index
        %get3A_1242 = arith.index_cast %add3A_1215 : i32 to index
        %get3A_1243 = arith.constant 16 : index
        %get3A_1244 = tpu.vector_load %arg8[%get3A_1241, %get3A_1242, %get3A_1243] {strides = array<i32>} : memref<2x256x64xf32, #tpu.memory_space<vmem>>, vector<1x1x16xf32>,
        %get3A_1245 = vector.shape_cast %get3A_1244 : vector<1x1x16xf32> to vector<16xf32>
        %add3A_1246 = arith.addf %get3A_1239, %get3A_1245 : vector<16xf32>
        %swap3A_1247 = arith.constant 0 : i32
        %swap3A_1248 = arith.index_cast %swap3A_1247 : i32 to index
        %swap3A_1249 = arith.index_cast %add3A_1215 : i32 to index
        %swap3A_1250 = arith.constant 16 : index
        %swap3A_1251 = tpu.vector_load %arg7[%swap3A_1248, %swap3A_1249, %swap3A_1250] {strides = array<i32>} : memref<2x256x64xf32, #tpu.memory_space<vmem>>, vector<1x1x16xf32>,
        %swap3A_1252 = vector.shape_cast %swap3A_1251 : vector<1x1x16xf32> to vector<16xf32>
        %swap3A_1253 = vector.shape_cast %add3A_1246 : vector<16xf32> to vector<1x1x16xf32>
        tpu.vector_store %arg7[%swap3A_1248, %swap3A_1249, %swap3A_1250], %swap3A_1253 {strides = array<i32>} : memref<2x256x64xf32, #tpu.memory_space<vmem>>, vector<1x1x16xf32>,
        %get3A_1254 = arith.constant 0 : i32
        %get3A_1255 = arith.index_cast %get3A_1254 : i32 to index
        %get3A_1256 = arith.index_cast %add3A_1215 : i32 to index
        %get3A_1257 = arith.constant 32 : index
        %get3A_1258 = tpu.vector_load %arg7[%get3A_1255, %get3A_1256, %get3A_1257] {strides = array<i32>} : memref<2x256x64xf32, #tpu.memory_space<vmem>>, vector<1x1x16xf32>,
        %get3A_1259 = vector.shape_cast %get3A_1258 : vector<1x1x16xf32> to vector<16xf32>
        %get3A_1260 = arith.constant 0 : i32
        %get3A_1261 = arith.index_cast %get3A_1260 : i32 to index
        %get3A_1262 = arith.index_cast %add3A_1215 : i32 to index
        %get3A_1263 = arith.constant 32 : index
        %get3A_1264 = tpu.vector_load %arg8[%get3A_1261, %get3A_1262, %get3A_1263] {strides = array<i32>} : memref<2x256x64xf32, #tpu.memory_space<vmem>>, vector<1x1x16xf32>,
        %get3A_1265 = vector.shape_cast %get3A_1264 : vector<1x1x16xf32> to vector<16xf32>
        %add3A_1266 = arith.addf %get3A_1259, %get3A_1265 : vector<16xf32>
        %swap3A_1267 = arith.constant 0 : i32
        %swap3A_1268 = arith.index_cast %swap3A_1267 : i32 to index
        %swap3A_1269 = arith.index_cast %add3A_1215 : i32 to index
        %swap3A_1270 = arith.constant 32 : index
        %swap3A_1271 = tpu.vector_load %arg7[%swap3A_1268, %swap3A_1269, %swap3A_1270] {strides = array<i32>} : memref<2x256x64xf32, #tpu.memory_space<vmem>>, vector<1x1x16xf32>,
        %swap3A_1272 = vector.shape_cast %swap3A_1271 : vector<1x1x16xf32> to vector<16xf32>
        %swap3A_1273 = vector.shape_cast %add3A_1266 : vector<16xf32> to vector<1x1x16xf32>
        tpu.vector_store %arg7[%swap3A_1268, %swap3A_1269, %swap3A_1270], %swap3A_1273 {strides = array<i32>} : memref<2x256x64xf32, #tpu.memory_space<vmem>>, vector<1x1x16xf32>,
        %get3A_1274 = arith.constant 0 : i32
        %get3A_1275 = arith.index_cast %get3A_1274 : i32 to index
        %get3A_1276 = arith.index_cast %add3A_1215 : i32 to index
        %get3A_1277 = arith.constant 48 : index
        %get3A_1278 = tpu.vector_load %arg7[%get3A_1275, %get3A_1276, %get3A_1277] {strides = array<i32>} : memref<2x256x64xf32, #tpu.memory_space<vmem>>, vector<1x1x16xf32>,
        %get3A_1279 = vector.shape_cast %get3A_1278 : vector<1x1x16xf32> to vector<16xf32>
        %get3A_1280 = arith.constant 0 : i32
        %get3A_1281 = arith.index_cast %get3A_1280 : i32 to index
        %get3A_1282 = arith.index_cast %add3A_1215 : i32 to index
        %get3A_1283 = arith.constant 48 : index
        %get3A_1284 = tpu.vector_load %arg8[%get3A_1281, %get3A_1282, %get3A_1283] {strides = array<i32>} : memref<2x256x64xf32, #tpu.memory_space<vmem>>, vector<1x1x16xf32>,
        %get3A_1285 = vector.shape_cast %get3A_1284 : vector<1x1x16xf32> to vector<16xf32>
        %add3A_1286 = arith.addf %get3A_1279, %get3A_1285 : vector<16xf32>
        %swap3A_1287 = arith.constant 0 : i32
        %swap3A_1288 = arith.index_cast %swap3A_1287 : i32 to index
        %swap3A_1289 = arith.index_cast %add3A_1215 : i32 to index
        %swap3A_1290 = arith.constant 48 : index
        %swap3A_1291 = tpu.vector_load %arg7[%swap3A_1288, %swap3A_1289, %swap3A_1290] {strides = array<i32>} : memref<2x256x64xf32, #tpu.memory_space<vmem>>, vector<1x1x16xf32>,
        %swap3A_1292 = vector.shape_cast %swap3A_1291 : vector<1x1x16xf32> to vector<16xf32>
        %swap3A_1293 = vector.shape_cast %add3A_1286 : vector<16xf32> to vector<1x1x16xf32>
        tpu.vector_store %arg7[%swap3A_1288, %swap3A_1289, %swap3A_1290], %swap3A_1293 {strides = array<i32>} : memref<2x256x64xf32, #tpu.memory_space<vmem>>, vector<1x1x16xf32>,
        %mul3A_1294 = arith.constant 4 : i32
        %mul3A_1295 = arith.muli %scan3A_1211, %mul3A_1294 : i32
        %add3A_1296 = arith.constant 1 : i32
        %add3A_1297 = arith.addi %mul3A_1295, %add3A_1296 : i32
        %get3A_1298 = arith.constant 0 : i32
        %get3A_1299 = arith.index_cast %get3A_1298 : i32 to index
        %get3A_1300 = arith.index_cast %add3A_1297 : i32 to index
        %get3A_1301 = arith.constant 0 : index
        %get3A_1302 = tpu.vector_load %arg7[%get3A_1299, %get3A_1300, %get3A_1301] {strides = array<i32>} : memref<2x256x64xf32, #tpu.memory_space<vmem>>, vector<1x1x16xf32>,
        %get3A_1303 = vector.shape_cast %get3A_1302 : vector<1x1x16xf32> to vector<16xf32>
        %get3A_1304 = arith.constant 0 : i32
        %get3A_1305 = arith.index_cast %get3A_1304 : i32 to index
        %get3A_1306 = arith.index_cast %add3A_1297 : i32 to index
        %get3A_1307 = arith.constant 0 : index
        %get3A_1308 = tpu.vector_load %arg8[%get3A_1305, %get3A_1306, %get3A_1307] {strides = array<i32>} : memref<2x256x64xf32, #tpu.memory_space<vmem>>, vector<1x1x16xf32>,
        %get3A_1309 = vector.shape_cast %get3A_1308 : vector<1x1x16xf32> to vector<16xf32>
        %add3A_1310 = arith.addf %get3A_1303, %get3A_1309 : vector<16xf32>
        %swap3A_1311 = arith.constant 0 : i32
        %swap3A_1312 = arith.index_cast %swap3A_1311 : i32 to index
        %swap3A_1313 = arith.index_cast %add3A_1297 : i32 to index
        %swap3A_1314 = arith.constant 0 : index
        %swap3A_1315 = tpu.vector_load %arg7[%swap3A_1312, %swap3A_1313, %swap3A_1314] {strides = array<i32>} : memref<2x256x64xf32, #tpu.memory_space<vmem>>, vector<1x1x16xf32>,
        %swap3A_1316 = vector.shape_cast %swap3A_1315 : vector<1x1x16xf32> to vector<16xf32>
        %swap3A_1317 = vector.shape_cast %add3A_1310 : vector<16xf32> to vector<1x1x16xf32>
        tpu.vector_store %arg7[%swap3A_1312, %swap3A_1313, %swap3A_1314], %swap3A_1317 {strides = array<i32>} : memref<2x256x64xf32, #tpu.memory_space<vmem>>, vector<1x1x16xf32>,
        %get3A_1318 = arith.constant 0 : i32
        %get3A_1319 = arith.index_cast %get3A_1318 : i32 to index
        %get3A_1320 = arith.index_cast %add3A_1297 : i32 to index
        %get3A_1321 = arith.constant 16 : index
        %get3A_1322 = tpu.vector_load %arg7[%get3A_1319, %get3A_1320, %get3A_1321] {strides = array<i32>} : memref<2x256x64xf32, #tpu.memory_space<vmem>>, vector<1x1x16xf32>,
        %get3A_1323 = vector.shape_cast %get3A_1322 : vector<1x1x16xf32> to vector<16xf32>
        %get3A_1324 = arith.constant 0 : i32
        %get3A_1325 = arith.index_cast %get3A_1324 : i32 to index
        %get3A_1326 = arith.index_cast %add3A_1297 : i32 to index
        %get3A_1327 = arith.constant 16 : index
        %get3A_1328 = tpu.vector_load %arg8[%get3A_1325, %get3A_1326, %get3A_1327] {strides = array<i32>} : memref<2x256x64xf32, #tpu.memory_space<vmem>>, vector<1x1x16xf32>,
        %get3A_1329 = vector.shape_cast %get3A_1328 : vector<1x1x16xf32> to vector<16xf32>
        %add3A_1330 = arith.addf %get3A_1323, %get3A_1329 : vector<16xf32>
        %swap3A_1331 = arith.constant 0 : i32
        %swap3A_1332 = arith.index_cast %swap3A_1331 : i32 to index
        %swap3A_1333 = arith.index_cast %add3A_1297 : i32 to index
        %swap3A_1334 = arith.constant 16 : index
        %swap3A_1335 = tpu.vector_load %arg7[%swap3A_1332, %swap3A_1333, %swap3A_1334] {strides = array<i32>} : memref<2x256x64xf32, #tpu.memory_space<vmem>>, vector<1x1x16xf32>,
        %swap3A_1336 = vector.shape_cast %swap3A_1335 : vector<1x1x16xf32> to vector<16xf32>
        %swap3A_1337 = vector.shape_cast %add3A_1330 : vector<16xf32> to vector<1x1x16xf32>
        tpu.vector_store %arg7[%swap3A_1332, %swap3A_1333, %swap3A_1334], %swap3A_1337 {strides = array<i32>} : memref<2x256x64xf32, #tpu.memory_space<vmem>>, vector<1x1x16xf32>,
        %get3A_1338 = arith.constant 0 : i32
        %get3A_1339 = arith.index_cast %get3A_1338 : i32 to index
        %get3A_1340 = arith.index_cast %add3A_1297 : i32 to index
        %get3A_1341 = arith.constant 32 : index
        %get3A_1342 = tpu.vector_load %arg7[%get3A_1339, %get3A_1340, %get3A_1341] {strides = array<i32>} : memref<2x256x64xf32, #tpu.memory_space<vmem>>, vector<1x1x16xf32>,
        %get3A_1343 = vector.shape_cast %get3A_1342 : vector<1x1x16xf32> to vector<16xf32>
        %get3A_1344 = arith.constant 0 : i32
        %get3A_1345 = arith.index_cast %get3A_1344 : i32 to index
        %get3A_1346 = arith.index_cast %add3A_1297 : i32 to index
        %get3A_1347 = arith.constant 32 : index
        %get3A_1348 = tpu.vector_load %arg8[%get3A_1345, %get3A_1346, %get3A_1347] {strides = array<i32>} : memref<2x256x64xf32, #tpu.memory_space<vmem>>, vector<1x1x16xf32>,
        %get3A_1349 = vector.shape_cast %get3A_1348 : vector<1x1x16xf32> to vector<16xf32>
        %add3A_1350 = arith.addf %get3A_1343, %get3A_1349 : vector<16xf32>
        %swap3A_1351 = arith.constant 0 : i32
        %swap3A_1352 = arith.index_cast %swap3A_1351 : i32 to index
        %swap3A_1353 = arith.index_cast %add3A_1297 : i32 to index
        %swap3A_1354 = arith.constant 32 : index
        %swap3A_1355 = tpu.vector_load %arg7[%swap3A_1352, %swap3A_1353, %swap3A_1354] {strides = array<i32>} : memref<2x256x64xf32, #tpu.memory_space<vmem>>, vector<1x1x16xf32>,
        %swap3A_1356 = vector.shape_cast %swap3A_1355 : vector<1x1x16xf32> to vector<16xf32>
        %swap3A_1357 = vector.shape_cast %add3A_1350 : vector<16xf32> to vector<1x1x16xf32>
        tpu.vector_store %arg7[%swap3A_1352, %swap3A_1353, %swap3A_1354], %swap3A_1357 {strides = array<i32>} : memref<2x256x64xf32, #tpu.memory_space<vmem>>, vector<1x1x16xf32>,
        %get3A_1358 = arith.constant 0 : i32
        %get3A_1359 = arith.index_cast %get3A_1358 : i32 to index
        %get3A_1360 = arith.index_cast %add3A_1297 : i32 to index
        %get3A_1361 = arith.constant 48 : index
        %get3A_1362 = tpu.vector_load %arg7[%get3A_1359, %get3A_1360, %get3A_1361] {strides = array<i32>} : memref<2x256x64xf32, #tpu.memory_space<vmem>>, vector<1x1x16xf32>,
        %get3A_1363 = vector.shape_cast %get3A_1362 : vector<1x1x16xf32> to vector<16xf32>
        %get3A_1364 = arith.constant 0 : i32
        %get3A_1365 = arith.index_cast %get3A_1364 : i32 to index
        %get3A_1366 = arith.index_cast %add3A_1297 : i32 to index
        %get3A_1367 = arith.constant 48 : index
        %get3A_1368 = tpu.vector_load %arg8[%get3A_1365, %get3A_1366, %get3A_1367] {strides = array<i32>} : memref<2x256x64xf32, #tpu.memory_space<vmem>>, vector<1x1x16xf32>,
        %get3A_1369 = vector.shape_cast %get3A_1368 : vector<1x1x16xf32> to vector<16xf32>
        %add3A_1370 = arith.addf %get3A_1363, %get3A_1369 : vector<16xf32>
        %swap3A_1371 = arith.constant 0 : i32
        %swap3A_1372 = arith.index_cast %swap3A_1371 : i32 to index
        %swap3A_1373 = arith.index_cast %add3A_1297 : i32 to index
        %swap3A_1374 = arith.constant 48 : index
        %swap3A_1375 = tpu.vector_load %arg7[%swap3A_1372, %swap3A_1373, %swap3A_1374] {strides = array<i32>} : memref<2x256x64xf32, #tpu.memory_space<vmem>>, vector<1x1x16xf32>,
        %swap3A_1376 = vector.shape_cast %swap3A_1375 : vector<1x1x16xf32> to vector<16xf32>
        %swap3A_1377 = vector.shape_cast %add3A_1370 : vector<16xf32> to vector<1x1x16xf32>
        tpu.vector_store %arg7[%swap3A_1372, %swap3A_1373, %swap3A_1374], %swap3A_1377 {strides = array<i32>} : memref<2x256x64xf32, #tpu.memory_space<vmem>>, vector<1x1x16xf32>,
        %mul3A_1378 = arith.constant 4 : i32
        %mul3A_1379 = arith.muli %scan3A_1211, %mul3A_1378 : i32
        %add3A_1380 = arith.constant 2 : i32
        %add3A_1381 = arith.addi %mul3A_1379, %add3A_1380 : i32
        %get3A_1382 = arith.constant 0 : i32
        %get3A_1383 = arith.index_cast %get3A_1382 : i32 to index
        %get3A_1384 = arith.index_cast %add3A_1381 : i32 to index
        %get3A_1385 = arith.constant 0 : index
        %get3A_1386 = tpu.vector_load %arg7[%get3A_1383, %get3A_1384, %get3A_1385] {strides = array<i32>} : memref<2x256x64xf32, #tpu.memory_space<vmem>>, vector<1x1x16xf32>,
        %get3A_1387 = vector.shape_cast %get3A_1386 : vector<1x1x16xf32> to vector<16xf32>
        %get3A_1388 = arith.constant 0 : i32
        %get3A_1389 = arith.index_cast %get3A_1388 : i32 to index
        %get3A_1390 = arith.index_cast %add3A_1381 : i32 to index
        %get3A_1391 = arith.constant 0 : index
        %get3A_1392 = tpu.vector_load %arg8[%get3A_1389, %get3A_1390, %get3A_1391] {strides = array<i32>} : memref<2x256x64xf32, #tpu.memory_space<vmem>>, vector<1x1x16xf32>,
        %get3A_1393 = vector.shape_cast %get3A_1392 : vector<1x1x16xf32> to vector<16xf32>
        %add3A_1394 = arith.addf %get3A_1387, %get3A_1393 : vector<16xf32>
        %swap3A_1395 = arith.constant 0 : i32
        %swap3A_1396 = arith.index_cast %swap3A_1395 : i32 to index
        %swap3A_1397 = arith.index_cast %add3A_1381 : i32 to index
        %swap3A_1398 = arith.constant 0 : index
        %swap3A_1399 = tpu.vector_load %arg7[%swap3A_1396, %swap3A_1397, %swap3A_1398] {strides = array<i32>} : memref<2x256x64xf32, #tpu.memory_space<vmem>>, vector<1x1x16xf32>,
        %swap3A_1400 = vector.shape_cast %swap3A_1399 : vector<1x1x16xf32> to vector<16xf32>
        %swap3A_1401 = vector.shape_cast %add3A_1394 : vector<16xf32> to vector<1x1x16xf32>
        tpu.vector_store %arg7[%swap3A_1396, %swap3A_1397, %swap3A_1398], %swap3A_1401 {strides = array<i32>} : memref<2x256x64xf32, #tpu.memory_space<vmem>>, vector<1x1x16xf32>,
        %get3A_1402 = arith.constant 0 : i32
        %get3A_1403 = arith.index_cast %get3A_1402 : i32 to index
        %get3A_1404 = arith.index_cast %add3A_1381 : i32 to index
        %get3A_1405 = arith.constant 16 : index
        %get3A_1406 = tpu.vector_load %arg7[%get3A_1403, %get3A_1404, %get3A_1405] {strides = array<i32>} : memref<2x256x64xf32, #tpu.memory_space<vmem>>, vector<1x1x16xf32>,
        %get3A_1407 = vector.shape_cast %get3A_1406 : vector<1x1x16xf32> to vector<16xf32>
        %get3A_1408 = arith.constant 0 : i32
        %get3A_1409 = arith.index_cast %get3A_1408 : i32 to index
        %get3A_1410 = arith.index_cast %add3A_1381 : i32 to index
        %get3A_1411 = arith.constant 16 : index
        %get3A_1412 = tpu.vector_load %arg8[%get3A_1409, %get3A_1410, %get3A_1411] {strides = array<i32>} : memref<2x256x64xf32, #tpu.memory_space<vmem>>, vector<1x1x16xf32>,
        %get3A_1413 = vector.shape_cast %get3A_1412 : vector<1x1x16xf32> to vector<16xf32>
        %add3A_1414 = arith.addf %get3A_1407, %get3A_1413 : vector<16xf32>
        %swap3A_1415 = arith.constant 0 : i32
        %swap3A_1416 = arith.index_cast %swap3A_1415 : i32 to index
        %swap3A_1417 = arith.index_cast %add3A_1381 : i32 to index
        %swap3A_1418 = arith.constant 16 : index
        %swap3A_1419 = tpu.vector_load %arg7[%swap3A_1416, %swap3A_1417, %swap3A_1418] {strides = array<i32>} : memref<2x256x64xf32, #tpu.memory_space<vmem>>, vector<1x1x16xf32>,
        %swap3A_1420 = vector.shape_cast %swap3A_1419 : vector<1x1x16xf32> to vector<16xf32>
        %swap3A_1421 = vector.shape_cast %add3A_1414 : vector<16xf32> to vector<1x1x16xf32>
        tpu.vector_store %arg7[%swap3A_1416, %swap3A_1417, %swap3A_1418], %swap3A_1421 {strides = array<i32>} : memref<2x256x64xf32, #tpu.memory_space<vmem>>, vector<1x1x16xf32>,
        %get3A_1422 = arith.constant 0 : i32
        %get3A_1423 = arith.index_cast %get3A_1422 : i32 to index
        %get3A_1424 = arith.index_cast %add3A_1381 : i32 to index
        %get3A_1425 = arith.constant 32 : index
        %get3A_1426 = tpu.vector_load %arg7[%get3A_1423, %get3A_1424, %get3A_1425] {strides = array<i32>} : memref<2x256x64xf32, #tpu.memory_space<vmem>>, vector<1x1x16xf32>,
        %get3A_1427 = vector.shape_cast %get3A_1426 : vector<1x1x16xf32> to vector<16xf32>
        %get3A_1428 = arith.constant 0 : i32
        %get3A_1429 = arith.index_cast %get3A_1428 : i32 to index
        %get3A_1430 = arith.index_cast %add3A_1381 : i32 to index
        %get3A_1431 = arith.constant 32 : index
        %get3A_1432 = tpu.vector_load %arg8[%get3A_1429, %get3A_1430, %get3A_1431] {strides = array<i32>} : memref<2x256x64xf32, #tpu.memory_space<vmem>>, vector<1x1x16xf32>,
        %get3A_1433 = vector.shape_cast %get3A_1432 : vector<1x1x16xf32> to vector<16xf32>
        %add3A_1434 = arith.addf %get3A_1427, %get3A_1433 : vector<16xf32>
        %swap3A_1435 = arith.constant 0 : i32
        %swap3A_1436 = arith.index_cast %swap3A_1435 : i32 to index
        %swap3A_1437 = arith.index_cast %add3A_1381 : i32 to index
        %swap3A_1438 = arith.constant 32 : index
        %swap3A_1439 = tpu.vector_load %arg7[%swap3A_1436, %swap3A_1437, %swap3A_1438] {strides = array<i32>} : memref<2x256x64xf32, #tpu.memory_space<vmem>>, vector<1x1x16xf32>,
        %swap3A_1440 = vector.shape_cast %swap3A_1439 : vector<1x1x16xf32> to vector<16xf32>
        %swap3A_1441 = vector.shape_cast %add3A_1434 : vector<16xf32> to vector<1x1x16xf32>
        tpu.vector_store %arg7[%swap3A_1436, %swap3A_1437, %swap3A_1438], %swap3A_1441 {strides = array<i32>} : memref<2x256x64xf32, #tpu.memory_space<vmem>>, vector<1x1x16xf32>,
        %get3A_1442 = arith.constant 0 : i32
        %get3A_1443 = arith.index_cast %get3A_1442 : i32 to index
        %get3A_1444 = arith.index_cast %add3A_1381 : i32 to index
        %get3A_1445 = arith.constant 48 : index
        %get3A_1446 = tpu.vector_load %arg7[%get3A_1443, %get3A_1444, %get3A_1445] {strides = array<i32>} : memref<2x256x64xf32, #tpu.memory_space<vmem>>, vector<1x1x16xf32>,
        %get3A_1447 = vector.shape_cast %get3A_1446 : vector<1x1x16xf32> to vector<16xf32>
        %get3A_1448 = arith.constant 0 : i32
        %get3A_1449 = arith.index_cast %get3A_1448 : i32 to index
        %get3A_1450 = arith.index_cast %add3A_1381 : i32 to index
        %get3A_1451 = arith.constant 48 : index
        %get3A_1452 = tpu.vector_load %arg8[%get3A_1449, %get3A_1450, %get3A_1451] {strides = array<i32>} : memref<2x256x64xf32, #tpu.memory_space<vmem>>, vector<1x1x16xf32>,
        %get3A_1453 = vector.shape_cast %get3A_1452 : vector<1x1x16xf32> to vector<16xf32>
        %add3A_1454 = arith.addf %get3A_1447, %get3A_1453 : vector<16xf32>
        %swap3A_1455 = arith.constant 0 : i32
        %swap3A_1456 = arith.index_cast %swap3A_1455 : i32 to index
        %swap3A_1457 = arith.index_cast %add3A_1381 : i32 to index
        %swap3A_1458 = arith.constant 48 : index
        %swap3A_1459 = tpu.vector_load %arg7[%swap3A_1456, %swap3A_1457, %swap3A_1458] {strides = array<i32>} : memref<2x256x64xf32, #tpu.memory_space<vmem>>, vector<1x1x16xf32>,
        %swap3A_1460 = vector.shape_cast %swap3A_1459 : vector<1x1x16xf32> to vector<16xf32>
        %swap3A_1461 = vector.shape_cast %add3A_1454 : vector<16xf32> to vector<1x1x16xf32>
        tpu.vector_store %arg7[%swap3A_1456, %swap3A_1457, %swap3A_1458], %swap3A_1461 {strides = array<i32>} : memref<2x256x64xf32, #tpu.memory_space<vmem>>, vector<1x1x16xf32>,
        %mul3A_1462 = arith.constant 4 : i32
        %mul3A_1463 = arith.muli %scan3A_1211, %mul3A_1462 : i32
        %add3A_1464 = arith.constant 3 : i32
        %add3A_1465 = arith.addi %mul3A_1463, %add3A_1464 : i32
        %get3A_1466 = arith.constant 0 : i32
        %get3A_1467 = arith.index_cast %get3A_1466 : i32 to index
        %get3A_1468 = arith.index_cast %add3A_1465 : i32 to index
        %get3A_1469 = arith.constant 0 : index
        %get3A_1470 = tpu.vector_load %arg7[%get3A_1467, %get3A_1468, %get3A_1469] {strides = array<i32>} : memref<2x256x64xf32, #tpu.memory_space<vmem>>, vector<1x1x16xf32>,
        %get3A_1471 = vector.shape_cast %get3A_1470 : vector<1x1x16xf32> to vector<16xf32>
        %get3A_1472 = arith.constant 0 : i32
        %get3A_1473 = arith.index_cast %get3A_1472 : i32 to index
        %get3A_1474 = arith.index_cast %add3A_1465 : i32 to index
        %get3A_1475 = arith.constant 0 : index
        %get3A_1476 = tpu.vector_load %arg8[%get3A_1473, %get3A_1474, %get3A_1475] {strides = array<i32>} : memref<2x256x64xf32, #tpu.memory_space<vmem>>, vector<1x1x16xf32>,
        %get3A_1477 = vector.shape_cast %get3A_1476 : vector<1x1x16xf32> to vector<16xf32>
        %add3A_1478 = arith.addf %get3A_1471, %get3A_1477 : vector<16xf32>
        %swap3A_1479 = arith.constant 0 : i32
        %swap3A_1480 = arith.index_cast %swap3A_1479 : i32 to index
        %swap3A_1481 = arith.index_cast %add3A_1465 : i32 to index
        %swap3A_1482 = arith.constant 0 : index
        %swap3A_1483 = tpu.vector_load %arg7[%swap3A_1480, %swap3A_1481, %swap3A_1482] {strides = array<i32>} : memref<2x256x64xf32, #tpu.memory_space<vmem>>, vector<1x1x16xf32>,
        %swap3A_1484 = vector.shape_cast %swap3A_1483 : vector<1x1x16xf32> to vector<16xf32>
        %swap3A_1485 = vector.shape_cast %add3A_1478 : vector<16xf32> to vector<1x1x16xf32>
        tpu.vector_store %arg7[%swap3A_1480, %swap3A_1481, %swap3A_1482], %swap3A_1485 {strides = array<i32>} : memref<2x256x64xf32, #tpu.memory_space<vmem>>, vector<1x1x16xf32>,
        %get3A_1486 = arith.constant 0 : i32
        %get3A_1487 = arith.index_cast %get3A_1486 : i32 to index
        %get3A_1488 = arith.index_cast %add3A_1465 : i32 to index
        %get3A_1489 = arith.constant 16 : index
        %get3A_1490 = tpu.vector_load %arg7[%get3A_1487, %get3A_1488, %get3A_1489] {strides = array<i32>} : memref<2x256x64xf32, #tpu.memory_space<vmem>>, vector<1x1x16xf32>,
        %get3A_1491 = vector.shape_cast %get3A_1490 : vector<1x1x16xf32> to vector<16xf32>
        %get3A_1492 = arith.constant 0 : i32
        %get3A_1493 = arith.index_cast %get3A_1492 : i32 to index
        %get3A_1494 = arith.index_cast %add3A_1465 : i32 to index
        %get3A_1495 = arith.constant 16 : index
        %get3A_1496 = tpu.vector_load %arg8[%get3A_1493, %get3A_1494, %get3A_1495] {strides = array<i32>} : memref<2x256x64xf32, #tpu.memory_space<vmem>>, vector<1x1x16xf32>,
        %get3A_1497 = vector.shape_cast %get3A_1496 : vector<1x1x16xf32> to vector<16xf32>
        %add3A_1498 = arith.addf %get3A_1491, %get3A_1497 : vector<16xf32>
        %swap3A_1499 = arith.constant 0 : i32
        %swap3A_1500 = arith.index_cast %swap3A_1499 : i32 to index
        %swap3A_1501 = arith.index_cast %add3A_1465 : i32 to index
        %swap3A_1502 = arith.constant 16 : index
        %swap3A_1503 = tpu.vector_load %arg7[%swap3A_1500, %swap3A_1501, %swap3A_1502] {strides = array<i32>} : memref<2x256x64xf32, #tpu.memory_space<vmem>>, vector<1x1x16xf32>,
        %swap3A_1504 = vector.shape_cast %swap3A_1503 : vector<1x1x16xf32> to vector<16xf32>
        %swap3A_1505 = vector.shape_cast %add3A_1498 : vector<16xf32> to vector<1x1x16xf32>
        tpu.vector_store %arg7[%swap3A_1500, %swap3A_1501, %swap3A_1502], %swap3A_1505 {strides = array<i32>} : memref<2x256x64xf32, #tpu.memory_space<vmem>>, vector<1x1x16xf32>,
        %get3A_1506 = arith.constant 0 : i32
        %get3A_1507 = arith.index_cast %get3A_1506 : i32 to index
        %get3A_1508 = arith.index_cast %add3A_1465 : i32 to index
        %get3A_1509 = arith.constant 32 : index
        %get3A_1510 = tpu.vector_load %arg7[%get3A_1507, %get3A_1508, %get3A_1509] {strides = array<i32>} : memref<2x256x64xf32, #tpu.memory_space<vmem>>, vector<1x1x16xf32>,
        %get3A_1511 = vector.shape_cast %get3A_1510 : vector<1x1x16xf32> to vector<16xf32>
        %get3A_1512 = arith.constant 0 : i32
        %get3A_1513 = arith.index_cast %get3A_1512 : i32 to index
        %get3A_1514 = arith.index_cast %add3A_1465 : i32 to index
        %get3A_1515 = arith.constant 32 : index
        %get3A_1516 = tpu.vector_load %arg8[%get3A_1513, %get3A_1514, %get3A_1515] {strides = array<i32>} : memref<2x256x64xf32, #tpu.memory_space<vmem>>, vector<1x1x16xf32>,
        %get3A_1517 = vector.shape_cast %get3A_1516 : vector<1x1x16xf32> to vector<16xf32>
        %add3A_1518 = arith.addf %get3A_1511, %get3A_1517 : vector<16xf32>
        %swap3A_1519 = arith.constant 0 : i32
        %swap3A_1520 = arith.index_cast %swap3A_1519 : i32 to index
        %swap3A_1521 = arith.index_cast %add3A_1465 : i32 to index
        %swap3A_1522 = arith.constant 32 : index
        %swap3A_1523 = tpu.vector_load %arg7[%swap3A_1520, %swap3A_1521, %swap3A_1522] {strides = array<i32>} : memref<2x256x64xf32, #tpu.memory_space<vmem>>, vector<1x1x16xf32>,
        %swap3A_1524 = vector.shape_cast %swap3A_1523 : vector<1x1x16xf32> to vector<16xf32>
        %swap3A_1525 = vector.shape_cast %add3A_1518 : vector<16xf32> to vector<1x1x16xf32>
        tpu.vector_store %arg7[%swap3A_1520, %swap3A_1521, %swap3A_1522], %swap3A_1525 {strides = array<i32>} : memref<2x256x64xf32, #tpu.memory_space<vmem>>, vector<1x1x16xf32>,
        %get3A_1526 = arith.constant 0 : i32
        %get3A_1527 = arith.index_cast %get3A_1526 : i32 to index
        %get3A_1528 = arith.index_cast %add3A_1465 : i32 to index
        %get3A_1529 = arith.constant 48 : index
        %get3A_1530 = tpu.vector_load %arg7[%get3A_1527, %get3A_1528, %get3A_1529] {strides = array<i32>} : memref<2x256x64xf32, #tpu.memory_space<vmem>>, vector<1x1x16xf32>,
        %get3A_1531 = vector.shape_cast %get3A_1530 : vector<1x1x16xf32> to vector<16xf32>
        %get3A_1532 = arith.constant 0 : i32
        %get3A_1533 = arith.index_cast %get3A_1532 : i32 to index
        %get3A_1534 = arith.index_cast %add3A_1465 : i32 to index
        %get3A_1535 = arith.constant 48 : index
        %get3A_1536 = tpu.vector_load %arg8[%get3A_1533, %get3A_1534, %get3A_1535] {strides = array<i32>} : memref<2x256x64xf32, #tpu.memory_space<vmem>>, vector<1x1x16xf32>,
        %get3A_1537 = vector.shape_cast %get3A_1536 : vector<1x1x16xf32> to vector<16xf32>
        %add3A_1538 = arith.addf %get3A_1531, %get3A_1537 : vector<16xf32>
        %swap3A_1539 = arith.constant 0 : i32
        %swap3A_1540 = arith.index_cast %swap3A_1539 : i32 to index
        %swap3A_1541 = arith.index_cast %add3A_1465 : i32 to index
        %swap3A_1542 = arith.constant 48 : index
        %swap3A_1543 = tpu.vector_load %arg7[%swap3A_1540, %swap3A_1541, %swap3A_1542] {strides = array<i32>} : memref<2x256x64xf32, #tpu.memory_space<vmem>>, vector<1x1x16xf32>,
        %swap3A_1544 = vector.shape_cast %swap3A_1543 : vector<1x1x16xf32> to vector<16xf32>
        %swap3A_1545 = vector.shape_cast %add3A_1538 : vector<16xf32> to vector<1x1x16xf32>
        tpu.vector_store %arg7[%swap3A_1540, %swap3A_1541, %swap3A_1542], %swap3A_1545 {strides = array<i32>} : memref<2x256x64xf32, #tpu.memory_space<vmem>>, vector<1x1x16xf32>,
      }
      %scan3A_1192 = arith.constant 64 : i32
      %mul3A_1193 = arith.constant 2 : i32
      %mul3A_1194 = arith.muli %add3A_1000, %mul3A_1193 : i32
      %add3A_1195 = arith.addi %mul3A_2, %mul3A_1194 : i32
      %mul3A_1196 = arith.constant 128 : i32
      %mul3A_1197 = arith.muli %add3A_1195, %mul3A_1196 : i32
      %dma_start3A_1198 = arith.constant 0 : i32
      %dma_start3A_1199 = arith.constant 0 : i32
      %dma_start3A_1200 = arith.constant 0 : i32
      %dma_start3A_1201 = tpu.memref_slice %arg7[%dma_start3A_1198, %dma_start3A_1199, %dma_start3A_1200] : memref<2x256x64xf32, #tpu.memory_space<vmem>> -> memref<1x256x64xf32, #tpu.memory_space<vmem>>
      %dma_start3A_1202 = tpu.memref_squeeze %dma_start3A_1201 : memref<1x256x64xf32, #tpu.memory_space<vmem>> -> memref<256x64xf32, #tpu.memory_space<vmem>>
      %dma_start3A_1203 = arith.constant 0 : i32
      %dma_start3A_1204 = tpu.memref_slice %arg5[%mul3A_1197, %dma_start3A_1203] : memref<819200x128xf32, #tpu.memory_space<hbm>> -> memref<256x64xf32, #tpu.memory_space<hbm>>
      %dma_start3A_1205 = arith.constant 0 : i32
      %dma_start3A_1206 = tpu.memref_slice %arg5[%mul3A_1197, %dma_start3A_1205] : memref<819200x128xf32, #tpu.memory_space<hbm>> -> memref<256x64xf32, #tpu.memory_space<hbm>>
      %dma_start3A_1207 = arith.constant 0 : i32
      %dma_start3A_1208 = arith.constant 0 : i32
      %dma_start3A_1209 = tpu.memref_slice %arg7[%dma_start3A_1198, %dma_start3A_1207, %dma_start3A_1208] : memref<2x256x64xf32, #tpu.memory_space<vmem>> -> memref<1x256x64xf32, #tpu.memory_space<vmem>>
      %dma_start3A_1210 = tpu.memref_squeeze %dma_start3A_1209 : memref<1x256x64xf32, #tpu.memory_space<vmem>> -> memref<256x64xf32, #tpu.memory_space<vmem>>
      tpu.enqueue_dma source(%dma_start3A_1210 : memref<256x64xf32, #tpu.memory_space<vmem>>) target(%dma_start3A_1206 : memref<256x64xf32, #tpu.memory_space<hbm>>) target_semaphore(%arg10 : memref<!tpu.dma_semaphore, #tpu.memory_space<semaphore_mem>>)
    }
    %scan3A_295 = arith.constant 48 : i32
    %rem3A = arith.constant 99 : i32
    %rem3A_296 = arith.constant 3 : i32
    %rem3A_297 = arith.remsi %rem3A, %rem3A_296 : i32
    %add3A_298 = arith.constant 198 : i32
    %add3A_299 = arith.addi %mul3A_2, %add3A_298 : i32
    %dma_start3A_300 = arith.constant 0 : i32
    %dma_start3A_301 = arith.constant 0 : i32
    %dma_start3A_302 = arith.constant 0 : i32
    %dma_start3A_303 = tpu.memref_slice %arg6[%rem3A_297, %dma_start3A_300, %dma_start3A_301, %dma_start3A_302] : memref<3x2x2x128xi32, #tpu.memory_space<vmem>> -> memref<1x2x2x128xi32, #tpu.memory_space<vmem>>
    %dma_start3A_304 = tpu.memref_squeeze %dma_start3A_303 : memref<1x2x2x128xi32, #tpu.memory_space<vmem>> -> memref<2x2x128xi32, #tpu.memory_space<vmem>>
    %dma_start3A_305 = arith.constant 0 : i32
    %dma_start3A_306 = arith.constant 0 : i32
    %dma_start3A_307 = tpu.memref_slice %arg2[%add3A_299, %dma_start3A_305, %dma_start3A_306] : memref<6400x2x128xi32, #tpu.memory_space<hbm>> -> memref<2x2x128xi32, #tpu.memory_space<hbm>>
    %dma_start3A_308 = arith.constant 0 : i32
    %dma_start3A_309 = arith.constant 0 : i32
    %dma_start3A_310 = arith.constant 0 : i32
    %dma_start3A_311 = tpu.memref_slice %arg6[%rem3A_297, %dma_start3A_308, %dma_start3A_309, %dma_start3A_310] : memref<3x2x2x128xi32, #tpu.memory_space<vmem>> -> memref<1x2x2x128xi32, #tpu.memory_space<vmem>>
    %dma_start3A_312 = tpu.memref_squeeze %dma_start3A_311 : memref<1x2x2x128xi32, #tpu.memory_space<vmem>> -> memref<2x2x128xi32, #tpu.memory_space<vmem>>
    %dma_start3A_313 = arith.constant 0 : i32
    %dma_start3A_314 = arith.constant 0 : i32
    %dma_start3A_315 = tpu.memref_slice %arg2[%add3A_299, %dma_start3A_313, %dma_start3A_314] : memref<6400x2x128xi32, #tpu.memory_space<hbm>> -> memref<2x2x128xi32, #tpu.memory_space<hbm>>
    tpu.enqueue_dma source(%dma_start3A_315 : memref<2x2x128xi32, #tpu.memory_space<hbm>>) target(%dma_start3A_312 : memref<2x2x128xi32, #tpu.memory_space<vmem>>) target_semaphore(%arg13 : memref<!tpu.dma_semaphore, #tpu.memory_space<semaphore_mem>>)
    %add3A_316 = arith.constant 192 : i32
    %add3A_317 = arith.addi %mul3A_2, %add3A_316 : i32
    %mul3A_318 = arith.constant 128 : i32
    %mul3A_319 = arith.muli %add3A_317, %mul3A_318 : i32
    %dma_wait3A_320 = arith.constant 0 : i32
    %dma_wait3A_321 = arith.constant 0 : i32
    %dma_wait3A_322 = arith.constant 0 : i32
    %dma_wait3A_323 = tpu.memref_slice %arg7[%dma_wait3A_320, %dma_wait3A_321, %dma_wait3A_322] : memref<2x256x64xf32, #tpu.memory_space<vmem>> -> memref<1x256x64xf32, #tpu.memory_space<vmem>>
    %dma_wait3A_324 = tpu.memref_squeeze %dma_wait3A_323 : memref<1x256x64xf32, #tpu.memory_space<vmem>> -> memref<256x64xf32, #tpu.memory_space<vmem>>
    %dma_wait3A_325 = arith.constant 0 : i32
    %dma_wait3A_326 = tpu.memref_slice %arg5[%mul3A_319, %dma_wait3A_325] : memref<819200x128xf32, #tpu.memory_space<hbm>> -> memref<256x64xf32, #tpu.memory_space<hbm>>
    %dma_wait3A_327 = arith.constant 0 : i32
    %dma_wait3A_328 = tpu.memref_slice %arg5[%mul3A_319, %dma_wait3A_327] : memref<819200x128xf32, #tpu.memory_space<hbm>> -> memref<256x64xf32, #tpu.memory_space<hbm>>
    %dma_wait3A_329 = arith.constant 0 : i32
    %dma_wait3A_330 = arith.constant 0 : i32
    %dma_wait3A_331 = tpu.memref_slice %arg7[%dma_wait3A_320, %dma_wait3A_329, %dma_wait3A_330] : memref<2x256x64xf32, #tpu.memory_space<vmem>> -> memref<1x256x64xf32, #tpu.memory_space<vmem>>
    %dma_wait3A_332 = tpu.memref_squeeze %dma_wait3A_331 : memref<1x256x64xf32, #tpu.memory_space<vmem>> -> memref<256x64xf32, #tpu.memory_space<vmem>>
    tpu.wait_dma2 semaphore(%arg10 : memref<!tpu.dma_semaphore, #tpu.memory_space<semaphore_mem>>) src(%dma_wait3A_332 : memref<256x64xf32, #tpu.memory_space<vmem>>) dst(%dma_wait3A_328 : memref<256x64xf32, #tpu.memory_space<hbm>>)
    %rem3A_333 = arith.constant 98 : i32
    %rem3A_334 = arith.constant 3 : i32
    %rem3A_335 = arith.remsi %rem3A_333, %rem3A_334 : i32
    %add3A_336 = arith.constant 196 : i32
    %add3A_337 = arith.addi %mul3A_2, %add3A_336 : i32
    %dma_wait3A_338 = arith.constant 0 : i32
    %dma_wait3A_339 = arith.constant 0 : i32
    %dma_wait3A_340 = arith.constant 0 : i32
    %dma_wait3A_341 = tpu.memref_slice %arg6[%rem3A_335, %dma_wait3A_338, %dma_wait3A_339, %dma_wait3A_340] : memref<3x2x2x128xi32, #tpu.memory_space<vmem>> -> memref<1x2x2x128xi32, #tpu.memory_space<vmem>>
    %dma_wait3A_342 = tpu.memref_squeeze %dma_wait3A_341 : memref<1x2x2x128xi32, #tpu.memory_space<vmem>> -> memref<2x2x128xi32, #tpu.memory_space<vmem>>
    %dma_wait3A_343 = arith.constant 0 : i32
    %dma_wait3A_344 = arith.constant 0 : i32
    %dma_wait3A_345 = tpu.memref_slice %arg2[%add3A_337, %dma_wait3A_343, %dma_wait3A_344] : memref<6400x2x128xi32, #tpu.memory_space<hbm>> -> memref<2x2x128xi32, #tpu.memory_space<hbm>>
    %dma_wait3A_346 = arith.constant 0 : i32
    %dma_wait3A_347 = arith.constant 0 : i32
    %dma_wait3A_348 = arith.constant 0 : i32
    %dma_wait3A_349 = tpu.memref_slice %arg6[%rem3A_335, %dma_wait3A_346, %dma_wait3A_347, %dma_wait3A_348] : memref<3x2x2x128xi32, #tpu.memory_space<vmem>> -> memref<1x2x2x128xi32, #tpu.memory_space<vmem>>
    %dma_wait3A_350 = tpu.memref_squeeze %dma_wait3A_349 : memref<1x2x2x128xi32, #tpu.memory_space<vmem>> -> memref<2x2x128xi32, #tpu.memory_space<vmem>>
    %dma_wait3A_351 = arith.constant 0 : i32
    %dma_wait3A_352 = arith.constant 0 : i32
    %dma_wait3A_353 = tpu.memref_slice %arg2[%add3A_337, %dma_wait3A_351, %dma_wait3A_352] : memref<6400x2x128xi32, #tpu.memory_space<hbm>> -> memref<2x2x128xi32, #tpu.memory_space<hbm>>
    tpu.wait_dma2 semaphore(%arg12 : memref<!tpu.dma_semaphore, #tpu.memory_space<semaphore_mem>>) src(%dma_wait3A_353 : memref<2x2x128xi32, #tpu.memory_space<hbm>>) dst(%dma_wait3A_350 : memref<2x2x128xi32, #tpu.memory_space<vmem>>)
    %rem3A_354 = arith.constant 98 : i32
    %rem3A_355 = arith.constant 3 : i32
    %rem3A_356 = arith.remsi %rem3A_354, %rem3A_355 : i32
    %dma_start3A_357 = arith.constant 0 : i32
    %dma_start3A_358 = arith.constant 0 : i32
    %dma_start3A_359 = arith.constant 0 : i32
    %dma_start3A_360 = arith.constant 0 : i32
    %dma_start3A_361 = arith.constant 0 : i32
    %dma_start3A_362 = tpu.memref_slice %arg7[%dma_start3A_359, %dma_start3A_360, %dma_start3A_361] : memref<2x256x64xf32, #tpu.memory_space<vmem>> -> memref<1x128x64xf32, #tpu.memory_space<vmem>>
    %dma_start3A_363 = tpu.memref_squeeze %dma_start3A_362 : memref<1x128x64xf32, #tpu.memory_space<vmem>> -> memref<128x64xf32, #tpu.memory_space<vmem>>
    %dma_start3A_364 = arith.constant 0 : i32
    %dma_start3A_365 = tpu.memref_slice %arg6[%rem3A_356, %dma_start3A_357, %dma_start3A_358, %dma_start3A_364] : memref<3x2x2x128xi32, #tpu.memory_space<vmem>> -> memref<1x1x1x128xi32, #tpu.memory_space<vmem>>
    %dma_start3A_366 = tpu.memref_squeeze %dma_start3A_365 : memref<1x1x1x128xi32, #tpu.memory_space<vmem>> -> memref<128xi32, #tpu.memory_space<vmem>>
    %dma_start3A_367 = arith.constant 0 : i32
    %dma_start3A_368 = arith.constant 0 : i32
    %dma_start3A_369 = tpu.memref_slice %arg3[%dma_start3A_367, %dma_start3A_368] : memref<1000000x64xf32, #tpu.memory_space<hbm>> -> memref<1000000x64xf32, #tpu.memory_space<hbm>>
    tpu.enqueue_indirect_dma source(%dma_start3A_369 : memref<1000000x64xf32, #tpu.memory_space<hbm>>) target(%dma_start3A_363 : memref<128x64xf32, #tpu.memory_space<vmem>>) offsets(%dma_start3A_366 : memref<128xi32, #tpu.memory_space<vmem>>) semaphore(%arg9 : memref<!tpu.dma_semaphore, #tpu.memory_space<semaphore_mem>>)
    %dma_start3A_370 = arith.constant 0 : i32
    %dma_start3A_371 = arith.constant 1 : i32
    %dma_start3A_372 = arith.constant 0 : i32
    %dma_start3A_373 = arith.constant 0 : i32
    %dma_start3A_374 = arith.constant 0 : i32
    %dma_start3A_375 = tpu.memref_slice %arg8[%dma_start3A_372, %dma_start3A_373, %dma_start3A_374] : memref<2x256x64xf32, #tpu.memory_space<vmem>> -> memref<1x128x64xf32, #tpu.memory_space<vmem>>
    %dma_start3A_376 = tpu.memref_squeeze %dma_start3A_375 : memref<1x128x64xf32, #tpu.memory_space<vmem>> -> memref<128x64xf32, #tpu.memory_space<vmem>>
    %dma_start3A_377 = arith.constant 0 : i32
    %dma_start3A_378 = tpu.memref_slice %arg6[%rem3A_356, %dma_start3A_370, %dma_start3A_371, %dma_start3A_377] : memref<3x2x2x128xi32, #tpu.memory_space<vmem>> -> memref<1x1x1x128xi32, #tpu.memory_space<vmem>>
    %dma_start3A_379 = tpu.memref_squeeze %dma_start3A_378 : memref<1x1x1x128xi32, #tpu.memory_space<vmem>> -> memref<128xi32, #tpu.memory_space<vmem>>
    %dma_start3A_380 = arith.constant 0 : i32
    %dma_start3A_381 = arith.constant 0 : i32
    %dma_start3A_382 = tpu.memref_slice %arg4[%dma_start3A_380, %dma_start3A_381] : memref<38400x64xf32, #tpu.memory_space<hbm>> -> memref<38400x64xf32, #tpu.memory_space<hbm>>
    tpu.enqueue_indirect_dma source(%dma_start3A_382 : memref<38400x64xf32, #tpu.memory_space<hbm>>) target(%dma_start3A_376 : memref<128x64xf32, #tpu.memory_space<vmem>>) offsets(%dma_start3A_379 : memref<128xi32, #tpu.memory_space<vmem>>) semaphore(%arg9 : memref<!tpu.dma_semaphore, #tpu.memory_space<semaphore_mem>>)
    %dma_start3A_383 = arith.constant 1 : i32
    %dma_start3A_384 = arith.constant 0 : i32
    %dma_start3A_385 = arith.constant 0 : i32
    %dma_start3A_386 = arith.constant 128 : i32
    %dma_start3A_387 = arith.constant 0 : i32
    %dma_start3A_388 = tpu.memref_slice %arg7[%dma_start3A_385, %dma_start3A_386, %dma_start3A_387] : memref<2x256x64xf32, #tpu.memory_space<vmem>> -> memref<1x128x64xf32, #tpu.memory_space<vmem>>
    %dma_start3A_389 = tpu.memref_squeeze %dma_start3A_388 : memref<1x128x64xf32, #tpu.memory_space<vmem>> -> memref<128x64xf32, #tpu.memory_space<vmem>>
    %dma_start3A_390 = arith.constant 0 : i32
    %dma_start3A_391 = tpu.memref_slice %arg6[%rem3A_356, %dma_start3A_383, %dma_start3A_384, %dma_start3A_390] : memref<3x2x2x128xi32, #tpu.memory_space<vmem>> -> memref<1x1x1x128xi32, #tpu.memory_space<vmem>>
    %dma_start3A_392 = tpu.memref_squeeze %dma_start3A_391 : memref<1x1x1x128xi32, #tpu.memory_space<vmem>> -> memref<128xi32, #tpu.memory_space<vmem>>
    %dma_start3A_393 = arith.constant 0 : i32
    %dma_start3A_394 = arith.constant 0 : i32
    %dma_start3A_395 = tpu.memref_slice %arg3[%dma_start3A_393, %dma_start3A_394] : memref<1000000x64xf32, #tpu.memory_space<hbm>> -> memref<1000000x64xf32, #tpu.memory_space<hbm>>
    tpu.enqueue_indirect_dma source(%dma_start3A_395 : memref<1000000x64xf32, #tpu.memory_space<hbm>>) target(%dma_start3A_389 : memref<128x64xf32, #tpu.memory_space<vmem>>) offsets(%dma_start3A_392 : memref<128xi32, #tpu.memory_space<vmem>>) semaphore(%arg9 : memref<!tpu.dma_semaphore, #tpu.memory_space<semaphore_mem>>)
    %dma_start3A_396 = arith.constant 1 : i32
    %dma_start3A_397 = arith.constant 1 : i32
    %dma_start3A_398 = arith.constant 0 : i32
    %dma_start3A_399 = arith.constant 128 : i32
    %dma_start3A_400 = arith.constant 0 : i32
    %dma_start3A_401 = tpu.memref_slice %arg8[%dma_start3A_398, %dma_start3A_399, %dma_start3A_400] : memref<2x256x64xf32, #tpu.memory_space<vmem>> -> memref<1x128x64xf32, #tpu.memory_space<vmem>>
    %dma_start3A_402 = tpu.memref_squeeze %dma_start3A_401 : memref<1x128x64xf32, #tpu.memory_space<vmem>> -> memref<128x64xf32, #tpu.memory_space<vmem>>
    %dma_start3A_403 = arith.constant 0 : i32
    %dma_start3A_404 = tpu.memref_slice %arg6[%rem3A_356, %dma_start3A_396, %dma_start3A_397, %dma_start3A_403] : memref<3x2x2x128xi32, #tpu.memory_space<vmem>> -> memref<1x1x1x128xi32, #tpu.memory_space<vmem>>
    %dma_start3A_405 = tpu.memref_squeeze %dma_start3A_404 : memref<1x1x1x128xi32, #tpu.memory_space<vmem>> -> memref<128xi32, #tpu.memory_space<vmem>>
    %dma_start3A_406 = arith.constant 0 : i32
    %dma_start3A_407 = arith.constant 0 : i32
    %dma_start3A_408 = tpu.memref_slice %arg4[%dma_start3A_406, %dma_start3A_407] : memref<38400x64xf32, #tpu.memory_space<hbm>> -> memref<38400x64xf32, #tpu.memory_space<hbm>>
    tpu.enqueue_indirect_dma source(%dma_start3A_408 : memref<38400x64xf32, #tpu.memory_space<hbm>>) target(%dma_start3A_402 : memref<128x64xf32, #tpu.memory_space<vmem>>) offsets(%dma_start3A_405 : memref<128xi32, #tpu.memory_space<vmem>>) semaphore(%arg9 : memref<!tpu.dma_semaphore, #tpu.memory_space<semaphore_mem>>)
    %dma_wait3A_409 = arith.constant 1 : i32
    %dma_wait3A_410 = arith.constant 0 : i32
    %dma_wait3A_411 = arith.constant 0 : i32
    %dma_wait3A_412 = tpu.memref_slice %arg7[%dma_wait3A_409, %dma_wait3A_410, %dma_wait3A_411] : memref<2x256x64xf32, #tpu.memory_space<vmem>> -> memref<1x128x64xf32, #tpu.memory_space<vmem>>
    %dma_wait3A_413 = tpu.memref_squeeze %dma_wait3A_412 : memref<1x128x64xf32, #tpu.memory_space<vmem>> -> memref<128x64xf32, #tpu.memory_space<vmem>>
    %dma_wait3A_414 = arith.constant 0 : i32
    %dma_wait3A_415 = arith.constant 0 : i32
    %dma_wait3A_416 = tpu.memref_slice %arg5[%dma_wait3A_414, %dma_wait3A_415] : memref<819200x128xf32, #tpu.memory_space<hbm>> -> memref<128x128xf32, #tpu.memory_space<hbm>>
    %dma_wait3A_417 = arith.constant 0 : i32
    %dma_wait3A_418 = arith.constant 0 : i32
    %dma_wait3A_419 = tpu.memref_slice %arg7[%dma_wait3A_409, %dma_wait3A_417, %dma_wait3A_418] : memref<2x256x64xf32, #tpu.memory_space<vmem>> -> memref<1x128x64xf32, #tpu.memory_space<vmem>>
    %dma_wait3A_420 = tpu.memref_squeeze %dma_wait3A_419 : memref<1x128x64xf32, #tpu.memory_space<vmem>> -> memref<128x64xf32, #tpu.memory_space<vmem>>
    %dma_wait3A_421 = arith.constant 0 : i32
    %dma_wait3A_422 = arith.constant 0 : i32
    %dma_wait3A_423 = tpu.memref_slice %arg5[%dma_wait3A_421, %dma_wait3A_422] : memref<819200x128xf32, #tpu.memory_space<hbm>> -> memref<128x128xf32, #tpu.memory_space<hbm>>
    tpu.wait_dma2 semaphore(%arg9 : memref<!tpu.dma_semaphore, #tpu.memory_space<semaphore_mem>>) src(%dma_wait3A_423 : memref<128x128xf32, #tpu.memory_space<hbm>>) dst(%dma_wait3A_420 : memref<128x64xf32, #tpu.memory_space<vmem>>)
    %dma_wait3A_424 = arith.constant 1 : i32
    %dma_wait3A_425 = arith.constant 0 : i32
    %dma_wait3A_426 = arith.constant 0 : i32
    %dma_wait3A_427 = tpu.memref_slice %arg8[%dma_wait3A_424, %dma_wait3A_425, %dma_wait3A_426] : memref<2x256x64xf32, #tpu.memory_space<vmem>> -> memref<1x128x64xf32, #tpu.memory_space<vmem>>
    %dma_wait3A_428 = tpu.memref_squeeze %dma_wait3A_427 : memref<1x128x64xf32, #tpu.memory_space<vmem>> -> memref<128x64xf32, #tpu.memory_space<vmem>>
    %dma_wait3A_429 = arith.constant 0 : i32
    %dma_wait3A_430 = arith.constant 0 : i32
    %dma_wait3A_431 = tpu.memref_slice %arg5[%dma_wait3A_429, %dma_wait3A_430] : memref<819200x128xf32, #tpu.memory_space<hbm>> -> memref<128x128xf32, #tpu.memory_space<hbm>>
    %dma_wait3A_432 = arith.constant 0 : i32
    %dma_wait3A_433 = arith.constant 0 : i32
    %dma_wait3A_434 = tpu.memref_slice %arg8[%dma_wait3A_424, %dma_wait3A_432, %dma_wait3A_433] : memref<2x256x64xf32, #tpu.memory_space<vmem>> -> memref<1x128x64xf32, #tpu.memory_space<vmem>>
    %dma_wait3A_435 = tpu.memref_squeeze %dma_wait3A_434 : memref<1x128x64xf32, #tpu.memory_space<vmem>> -> memref<128x64xf32, #tpu.memory_space<vmem>>
    %dma_wait3A_436 = arith.constant 0 : i32
    %dma_wait3A_437 = arith.constant 0 : i32
    %dma_wait3A_438 = tpu.memref_slice %arg5[%dma_wait3A_436, %dma_wait3A_437] : memref<819200x128xf32, #tpu.memory_space<hbm>> -> memref<128x128xf32, #tpu.memory_space<hbm>>
    tpu.wait_dma2 semaphore(%arg9 : memref<!tpu.dma_semaphore, #tpu.memory_space<semaphore_mem>>) src(%dma_wait3A_438 : memref<128x128xf32, #tpu.memory_space<hbm>>) dst(%dma_wait3A_435 : memref<128x64xf32, #tpu.memory_space<vmem>>)
    %dma_wait3A_439 = arith.constant 1 : i32
    %dma_wait3A_440 = arith.constant 128 : i32
    %dma_wait3A_441 = arith.constant 0 : i32
    %dma_wait3A_442 = tpu.memref_slice %arg7[%dma_wait3A_439, %dma_wait3A_440, %dma_wait3A_441] : memref<2x256x64xf32, #tpu.memory_space<vmem>> -> memref<1x128x64xf32, #tpu.memory_space<vmem>>
    %dma_wait3A_443 = tpu.memref_squeeze %dma_wait3A_442 : memref<1x128x64xf32, #tpu.memory_space<vmem>> -> memref<128x64xf32, #tpu.memory_space<vmem>>
    %dma_wait3A_444 = arith.constant 0 : i32
    %dma_wait3A_445 = arith.constant 0 : i32
    %dma_wait3A_446 = tpu.memref_slice %arg5[%dma_wait3A_444, %dma_wait3A_445] : memref<819200x128xf32, #tpu.memory_space<hbm>> -> memref<128x128xf32, #tpu.memory_space<hbm>>
    %dma_wait3A_447 = arith.constant 128 : i32
    %dma_wait3A_448 = arith.constant 0 : i32
    %dma_wait3A_449 = tpu.memref_slice %arg7[%dma_wait3A_439, %dma_wait3A_447, %dma_wait3A_448] : memref<2x256x64xf32, #tpu.memory_space<vmem>> -> memref<1x128x64xf32, #tpu.memory_space<vmem>>
    %dma_wait3A_450 = tpu.memref_squeeze %dma_wait3A_449 : memref<1x128x64xf32, #tpu.memory_space<vmem>> -> memref<128x64xf32, #tpu.memory_space<vmem>>
    %dma_wait3A_451 = arith.constant 0 : i32
    %dma_wait3A_452 = arith.constant 0 : i32
    %dma_wait3A_453 = tpu.memref_slice %arg5[%dma_wait3A_451, %dma_wait3A_452] : memref<819200x128xf32, #tpu.memory_space<hbm>> -> memref<128x128xf32, #tpu.memory_space<hbm>>
    tpu.wait_dma2 semaphore(%arg9 : memref<!tpu.dma_semaphore, #tpu.memory_space<semaphore_mem>>) src(%dma_wait3A_453 : memref<128x128xf32, #tpu.memory_space<hbm>>) dst(%dma_wait3A_450 : memref<128x64xf32, #tpu.memory_space<vmem>>)
    %dma_wait3A_454 = arith.constant 1 : i32
    %dma_wait3A_455 = arith.constant 128 : i32
    %dma_wait3A_456 = arith.constant 0 : i32
    %dma_wait3A_457 = tpu.memref_slice %arg8[%dma_wait3A_454, %dma_wait3A_455, %dma_wait3A_456] : memref<2x256x64xf32, #tpu.memory_space<vmem>> -> memref<1x128x64xf32, #tpu.memory_space<vmem>>
    %dma_wait3A_458 = tpu.memref_squeeze %dma_wait3A_457 : memref<1x128x64xf32, #tpu.memory_space<vmem>> -> memref<128x64xf32, #tpu.memory_space<vmem>>
    %dma_wait3A_459 = arith.constant 0 : i32
    %dma_wait3A_460 = arith.constant 0 : i32
    %dma_wait3A_461 = tpu.memref_slice %arg5[%dma_wait3A_459, %dma_wait3A_460] : memref<819200x128xf32, #tpu.memory_space<hbm>> -> memref<128x128xf32, #tpu.memory_space<hbm>>
    %dma_wait3A_462 = arith.constant 128 : i32
    %dma_wait3A_463 = arith.constant 0 : i32
    %dma_wait3A_464 = tpu.memref_slice %arg8[%dma_wait3A_454, %dma_wait3A_462, %dma_wait3A_463] : memref<2x256x64xf32, #tpu.memory_space<vmem>> -> memref<1x128x64xf32, #tpu.memory_space<vmem>>
    %dma_wait3A_465 = tpu.memref_squeeze %dma_wait3A_464 : memref<1x128x64xf32, #tpu.memory_space<vmem>> -> memref<128x64xf32, #tpu.memory_space<vmem>>
    %dma_wait3A_466 = arith.constant 0 : i32
    %dma_wait3A_467 = arith.constant 0 : i32
    %dma_wait3A_468 = tpu.memref_slice %arg5[%dma_wait3A_466, %dma_wait3A_467] : memref<819200x128xf32, #tpu.memory_space<hbm>> -> memref<128x128xf32, #tpu.memory_space<hbm>>
    tpu.wait_dma2 semaphore(%arg9 : memref<!tpu.dma_semaphore, #tpu.memory_space<semaphore_mem>>) src(%dma_wait3A_468 : memref<128x128xf32, #tpu.memory_space<hbm>>) dst(%dma_wait3A_465 : memref<128x64xf32, #tpu.memory_space<vmem>>)
    %scan3A_469 = arith.constant 0 : i32
    %scan3A_470 = arith.constant 0 : i32
    %scan3A_471 = arith.constant 64 : i32
    %scan3A_472 = arith.addi %scan3A_470, %scan3A_471 : i32
    %scan3A_473 = arith.constant 1 : i32
    scf.for %scan3A_785 = %scan3A_470 to %scan3A_472 step %scan3A_473  : i32 {
      %mul3A_786 = arith.constant 4 : i32
      %mul3A_787 = arith.muli %scan3A_785, %mul3A_786 : i32
      %add3A_788 = arith.constant 0 : i32
      %add3A_789 = arith.addi %mul3A_787, %add3A_788 : i32
      %get3A = arith.constant 1 : i32
      %get3A_790 = arith.index_cast %get3A : i32 to index
      %get3A_791 = arith.index_cast %add3A_789 : i32 to index
      %get3A_792 = arith.constant 0 : index
      %get3A_793 = tpu.vector_load %arg7[%get3A_790, %get3A_791, %get3A_792] {strides = array<i32>} : memref<2x256x64xf32, #tpu.memory_space<vmem>>, vector<1x1x16xf32>,
      %get3A_794 = vector.shape_cast %get3A_793 : vector<1x1x16xf32> to vector<16xf32>
      %get3A_795 = arith.constant 1 : i32
      %get3A_796 = arith.index_cast %get3A_795 : i32 to index
      %get3A_797 = arith.index_cast %add3A_789 : i32 to index
      %get3A_798 = arith.constant 0 : index
      %get3A_799 = tpu.vector_load %arg8[%get3A_796, %get3A_797, %get3A_798] {strides = array<i32>} : memref<2x256x64xf32, #tpu.memory_space<vmem>>, vector<1x1x16xf32>,
      %get3A_800 = vector.shape_cast %get3A_799 : vector<1x1x16xf32> to vector<16xf32>
      %add3A_801 = arith.addf %get3A_794, %get3A_800 : vector<16xf32>
      %swap3A = arith.constant 1 : i32
      %swap3A_802 = arith.index_cast %swap3A : i32 to index
      %swap3A_803 = arith.index_cast %add3A_789 : i32 to index
      %swap3A_804 = arith.constant 0 : index
      %swap3A_805 = tpu.vector_load %arg7[%swap3A_802, %swap3A_803, %swap3A_804] {strides = array<i32>} : memref<2x256x64xf32, #tpu.memory_space<vmem>>, vector<1x1x16xf32>,
      %swap3A_806 = vector.shape_cast %swap3A_805 : vector<1x1x16xf32> to vector<16xf32>
      %swap3A_807 = vector.shape_cast %add3A_801 : vector<16xf32> to vector<1x1x16xf32>
      tpu.vector_store %arg7[%swap3A_802, %swap3A_803, %swap3A_804], %swap3A_807 {strides = array<i32>} : memref<2x256x64xf32, #tpu.memory_space<vmem>>, vector<1x1x16xf32>,
      %get3A_808 = arith.constant 1 : i32
      %get3A_809 = arith.index_cast %get3A_808 : i32 to index
      %get3A_810 = arith.index_cast %add3A_789 : i32 to index
      %get3A_811 = arith.constant 16 : index
      %get3A_812 = tpu.vector_load %arg7[%get3A_809, %get3A_810, %get3A_811] {strides = array<i32>} : memref<2x256x64xf32, #tpu.memory_space<vmem>>, vector<1x1x16xf32>,
      %get3A_813 = vector.shape_cast %get3A_812 : vector<1x1x16xf32> to vector<16xf32>
      %get3A_814 = arith.constant 1 : i32
      %get3A_815 = arith.index_cast %get3A_814 : i32 to index
      %get3A_816 = arith.index_cast %add3A_789 : i32 to index
      %get3A_817 = arith.constant 16 : index
      %get3A_818 = tpu.vector_load %arg8[%get3A_815, %get3A_816, %get3A_817] {strides = array<i32>} : memref<2x256x64xf32, #tpu.memory_space<vmem>>, vector<1x1x16xf32>,
      %get3A_819 = vector.shape_cast %get3A_818 : vector<1x1x16xf32> to vector<16xf32>
      %add3A_820 = arith.addf %get3A_813, %get3A_819 : vector<16xf32>
      %swap3A_821 = arith.constant 1 : i32
      %swap3A_822 = arith.index_cast %swap3A_821 : i32 to index
      %swap3A_823 = arith.index_cast %add3A_789 : i32 to index
      %swap3A_824 = arith.constant 16 : index
      %swap3A_825 = tpu.vector_load %arg7[%swap3A_822, %swap3A_823, %swap3A_824] {strides = array<i32>} : memref<2x256x64xf32, #tpu.memory_space<vmem>>, vector<1x1x16xf32>,
      %swap3A_826 = vector.shape_cast %swap3A_825 : vector<1x1x16xf32> to vector<16xf32>
      %swap3A_827 = vector.shape_cast %add3A_820 : vector<16xf32> to vector<1x1x16xf32>
      tpu.vector_store %arg7[%swap3A_822, %swap3A_823, %swap3A_824], %swap3A_827 {strides = array<i32>} : memref<2x256x64xf32, #tpu.memory_space<vmem>>, vector<1x1x16xf32>,
      %get3A_828 = arith.constant 1 : i32
      %get3A_829 = arith.index_cast %get3A_828 : i32 to index
      %get3A_830 = arith.index_cast %add3A_789 : i32 to index
      %get3A_831 = arith.constant 32 : index
      %get3A_832 = tpu.vector_load %arg7[%get3A_829, %get3A_830, %get3A_831] {strides = array<i32>} : memref<2x256x64xf32, #tpu.memory_space<vmem>>, vector<1x1x16xf32>,
      %get3A_833 = vector.shape_cast %get3A_832 : vector<1x1x16xf32> to vector<16xf32>
      %get3A_834 = arith.constant 1 : i32
      %get3A_835 = arith.index_cast %get3A_834 : i32 to index
      %get3A_836 = arith.index_cast %add3A_789 : i32 to index
      %get3A_837 = arith.constant 32 : index
      %get3A_838 = tpu.vector_load %arg8[%get3A_835, %get3A_836, %get3A_837] {strides = array<i32>} : memref<2x256x64xf32, #tpu.memory_space<vmem>>, vector<1x1x16xf32>,
      %get3A_839 = vector.shape_cast %get3A_838 : vector<1x1x16xf32> to vector<16xf32>
      %add3A_840 = arith.addf %get3A_833, %get3A_839 : vector<16xf32>
      %swap3A_841 = arith.constant 1 : i32
      %swap3A_842 = arith.index_cast %swap3A_841 : i32 to index
      %swap3A_843 = arith.index_cast %add3A_789 : i32 to index
      %swap3A_844 = arith.constant 32 : index
      %swap3A_845 = tpu.vector_load %arg7[%swap3A_842, %swap3A_843, %swap3A_844] {strides = array<i32>} : memref<2x256x64xf32, #tpu.memory_space<vmem>>, vector<1x1x16xf32>,
      %swap3A_846 = vector.shape_cast %swap3A_845 : vector<1x1x16xf32> to vector<16xf32>
      %swap3A_847 = vector.shape_cast %add3A_840 : vector<16xf32> to vector<1x1x16xf32>
      tpu.vector_store %arg7[%swap3A_842, %swap3A_843, %swap3A_844], %swap3A_847 {strides = array<i32>} : memref<2x256x64xf32, #tpu.memory_space<vmem>>, vector<1x1x16xf32>,
      %get3A_848 = arith.constant 1 : i32
      %get3A_849 = arith.index_cast %get3A_848 : i32 to index
      %get3A_850 = arith.index_cast %add3A_789 : i32 to index
      %get3A_851 = arith.constant 48 : index
      %get3A_852 = tpu.vector_load %arg7[%get3A_849, %get3A_850, %get3A_851] {strides = array<i32>} : memref<2x256x64xf32, #tpu.memory_space<vmem>>, vector<1x1x16xf32>,
      %get3A_853 = vector.shape_cast %get3A_852 : vector<1x1x16xf32> to vector<16xf32>
      %get3A_854 = arith.constant 1 : i32
      %get3A_855 = arith.index_cast %get3A_854 : i32 to index
      %get3A_856 = arith.index_cast %add3A_789 : i32 to index
      %get3A_857 = arith.constant 48 : index
      %get3A_858 = tpu.vector_load %arg8[%get3A_855, %get3A_856, %get3A_857] {strides = array<i32>} : memref<2x256x64xf32, #tpu.memory_space<vmem>>, vector<1x1x16xf32>,
      %get3A_859 = vector.shape_cast %get3A_858 : vector<1x1x16xf32> to vector<16xf32>
      %add3A_860 = arith.addf %get3A_853, %get3A_859 : vector<16xf32>
      %swap3A_861 = arith.constant 1 : i32
      %swap3A_862 = arith.index_cast %swap3A_861 : i32 to index
      %swap3A_863 = arith.index_cast %add3A_789 : i32 to index
      %swap3A_864 = arith.constant 48 : index
      %swap3A_865 = tpu.vector_load %arg7[%swap3A_862, %swap3A_863, %swap3A_864] {strides = array<i32>} : memref<2x256x64xf32, #tpu.memory_space<vmem>>, vector<1x1x16xf32>,
      %swap3A_866 = vector.shape_cast %swap3A_865 : vector<1x1x16xf32> to vector<16xf32>
      %swap3A_867 = vector.shape_cast %add3A_860 : vector<16xf32> to vector<1x1x16xf32>
      tpu.vector_store %arg7[%swap3A_862, %swap3A_863, %swap3A_864], %swap3A_867 {strides = array<i32>} : memref<2x256x64xf32, #tpu.memory_space<vmem>>, vector<1x1x16xf32>,
      %mul3A_868 = arith.constant 4 : i32
      %mul3A_869 = arith.muli %scan3A_785, %mul3A_868 : i32
      %add3A_870 = arith.constant 1 : i32
      %add3A_871 = arith.addi %mul3A_869, %add3A_870 : i32
      %get3A_872 = arith.constant 1 : i32
      %get3A_873 = arith.index_cast %get3A_872 : i32 to index
      %get3A_874 = arith.index_cast %add3A_871 : i32 to index
      %get3A_875 = arith.constant 0 : index
      %get3A_876 = tpu.vector_load %arg7[%get3A_873, %get3A_874, %get3A_875] {strides = array<i32>} : memref<2x256x64xf32, #tpu.memory_space<vmem>>, vector<1x1x16xf32>,
      %get3A_877 = vector.shape_cast %get3A_876 : vector<1x1x16xf32> to vector<16xf32>
      %get3A_878 = arith.constant 1 : i32
      %get3A_879 = arith.index_cast %get3A_878 : i32 to index
      %get3A_880 = arith.index_cast %add3A_871 : i32 to index
      %get3A_881 = arith.constant 0 : index
      %get3A_882 = tpu.vector_load %arg8[%get3A_879, %get3A_880, %get3A_881] {strides = array<i32>} : memref<2x256x64xf32, #tpu.memory_space<vmem>>, vector<1x1x16xf32>,
      %get3A_883 = vector.shape_cast %get3A_882 : vector<1x1x16xf32> to vector<16xf32>
      %add3A_884 = arith.addf %get3A_877, %get3A_883 : vector<16xf32>
      %swap3A_885 = arith.constant 1 : i32
      %swap3A_886 = arith.index_cast %swap3A_885 : i32 to index
      %swap3A_887 = arith.index_cast %add3A_871 : i32 to index
      %swap3A_888 = arith.constant 0 : index
      %swap3A_889 = tpu.vector_load %arg7[%swap3A_886, %swap3A_887, %swap3A_888] {strides = array<i32>} : memref<2x256x64xf32, #tpu.memory_space<vmem>>, vector<1x1x16xf32>,
      %swap3A_890 = vector.shape_cast %swap3A_889 : vector<1x1x16xf32> to vector<16xf32>
      %swap3A_891 = vector.shape_cast %add3A_884 : vector<16xf32> to vector<1x1x16xf32>
      tpu.vector_store %arg7[%swap3A_886, %swap3A_887, %swap3A_888], %swap3A_891 {strides = array<i32>} : memref<2x256x64xf32, #tpu.memory_space<vmem>>, vector<1x1x16xf32>,
      %get3A_892 = arith.constant 1 : i32
      %get3A_893 = arith.index_cast %get3A_892 : i32 to index
      %get3A_894 = arith.index_cast %add3A_871 : i32 to index
      %get3A_895 = arith.constant 16 : index
      %get3A_896 = tpu.vector_load %arg7[%get3A_893, %get3A_894, %get3A_895] {strides = array<i32>} : memref<2x256x64xf32, #tpu.memory_space<vmem>>, vector<1x1x16xf32>,
      %get3A_897 = vector.shape_cast %get3A_896 : vector<1x1x16xf32> to vector<16xf32>
      %get3A_898 = arith.constant 1 : i32
      %get3A_899 = arith.index_cast %get3A_898 : i32 to index
      %get3A_900 = arith.index_cast %add3A_871 : i32 to index
      %get3A_901 = arith.constant 16 : index
      %get3A_902 = tpu.vector_load %arg8[%get3A_899, %get3A_900, %get3A_901] {strides = array<i32>} : memref<2x256x64xf32, #tpu.memory_space<vmem>>, vector<1x1x16xf32>,
      %get3A_903 = vector.shape_cast %get3A_902 : vector<1x1x16xf32> to vector<16xf32>
      %add3A_904 = arith.addf %get3A_897, %get3A_903 : vector<16xf32>
      %swap3A_905 = arith.constant 1 : i32
      %swap3A_906 = arith.index_cast %swap3A_905 : i32 to index
      %swap3A_907 = arith.index_cast %add3A_871 : i32 to index
      %swap3A_908 = arith.constant 16 : index
      %swap3A_909 = tpu.vector_load %arg7[%swap3A_906, %swap3A_907, %swap3A_908] {strides = array<i32>} : memref<2x256x64xf32, #tpu.memory_space<vmem>>, vector<1x1x16xf32>,
      %swap3A_910 = vector.shape_cast %swap3A_909 : vector<1x1x16xf32> to vector<16xf32>
      %swap3A_911 = vector.shape_cast %add3A_904 : vector<16xf32> to vector<1x1x16xf32>
      tpu.vector_store %arg7[%swap3A_906, %swap3A_907, %swap3A_908], %swap3A_911 {strides = array<i32>} : memref<2x256x64xf32, #tpu.memory_space<vmem>>, vector<1x1x16xf32>,
      %get3A_912 = arith.constant 1 : i32
      %get3A_913 = arith.index_cast %get3A_912 : i32 to index
      %get3A_914 = arith.index_cast %add3A_871 : i32 to index
      %get3A_915 = arith.constant 32 : index
      %get3A_916 = tpu.vector_load %arg7[%get3A_913, %get3A_914, %get3A_915] {strides = array<i32>} : memref<2x256x64xf32, #tpu.memory_space<vmem>>, vector<1x1x16xf32>,
      %get3A_917 = vector.shape_cast %get3A_916 : vector<1x1x16xf32> to vector<16xf32>
      %get3A_918 = arith.constant 1 : i32
      %get3A_919 = arith.index_cast %get3A_918 : i32 to index
      %get3A_920 = arith.index_cast %add3A_871 : i32 to index
      %get3A_921 = arith.constant 32 : index
      %get3A_922 = tpu.vector_load %arg8[%get3A_919, %get3A_920, %get3A_921] {strides = array<i32>} : memref<2x256x64xf32, #tpu.memory_space<vmem>>, vector<1x1x16xf32>,
      %get3A_923 = vector.shape_cast %get3A_922 : vector<1x1x16xf32> to vector<16xf32>
      %add3A_924 = arith.addf %get3A_917, %get3A_923 : vector<16xf32>
      %swap3A_925 = arith.constant 1 : i32
      %swap3A_926 = arith.index_cast %swap3A_925 : i32 to index
      %swap3A_927 = arith.index_cast %add3A_871 : i32 to index
      %swap3A_928 = arith.constant 32 : index
      %swap3A_929 = tpu.vector_load %arg7[%swap3A_926, %swap3A_927, %swap3A_928] {strides = array<i32>} : memref<2x256x64xf32, #tpu.memory_space<vmem>>, vector<1x1x16xf32>,
      %swap3A_930 = vector.shape_cast %swap3A_929 : vector<1x1x16xf32> to vector<16xf32>
      %swap3A_931 = vector.shape_cast %add3A_924 : vector<16xf32> to vector<1x1x16xf32>
      tpu.vector_store %arg7[%swap3A_926, %swap3A_927, %swap3A_928], %swap3A_931 {strides = array<i32>} : memref<2x256x64xf32, #tpu.memory_space<vmem>>, vector<1x1x16xf32>,
      %get3A_932 = arith.constant 1 : i32
      %get3A_933 = arith.index_cast %get3A_932 : i32 to index
      %get3A_934 = arith.index_cast %add3A_871 : i32 to index
      %get3A_935 = arith.constant 48 : index
      %get3A_936 = tpu.vector_load %arg7[%get3A_933, %get3A_934, %get3A_935] {strides = array<i32>} : memref<2x256x64xf32, #tpu.memory_space<vmem>>, vector<1x1x16xf32>,
      %get3A_937 = vector.shape_cast %get3A_936 : vector<1x1x16xf32> to vector<16xf32>
      %get3A_938 = arith.constant 1 : i32
      %get3A_939 = arith.index_cast %get3A_938 : i32 to index
      %get3A_940 = arith.index_cast %add3A_871 : i32 to index
      %get3A_941 = arith.constant 48 : index
      %get3A_942 = tpu.vector_load %arg8[%get3A_939, %get3A_940, %get3A_941] {strides = array<i32>} : memref<2x256x64xf32, #tpu.memory_space<vmem>>, vector<1x1x16xf32>,
      %get3A_943 = vector.shape_cast %get3A_942 : vector<1x1x16xf32> to vector<16xf32>
      %add3A_944 = arith.addf %get3A_937, %get3A_943 : vector<16xf32>
      %swap3A_945 = arith.constant 1 : i32
      %swap3A_946 = arith.index_cast %swap3A_945 : i32 to index
      %swap3A_947 = arith.index_cast %add3A_871 : i32 to index
      %swap3A_948 = arith.constant 48 : index
      %swap3A_949 = tpu.vector_load %arg7[%swap3A_946, %swap3A_947, %swap3A_948] {strides = array<i32>} : memref<2x256x64xf32, #tpu.memory_space<vmem>>, vector<1x1x16xf32>,
      %swap3A_950 = vector.shape_cast %swap3A_949 : vector<1x1x16xf32> to vector<16xf32>
      %swap3A_951 = vector.shape_cast %add3A_944 : vector<16xf32> to vector<1x1x16xf32>
      tpu.vector_store %arg7[%swap3A_946, %swap3A_947, %swap3A_948], %swap3A_951 {strides = array<i32>} : memref<2x256x64xf32, #tpu.memory_space<vmem>>, vector<1x1x16xf32>,
      %mul3A_952 = arith.constant 4 : i32
      %mul3A_953 = arith.muli %scan3A_785, %mul3A_952 : i32
      %add3A_954 = arith.constant 2 : i32
      %add3A_955 = arith.addi %mul3A_953, %add3A_954 : i32
      %get3A_956 = arith.constant 1 : i32
      %get3A_957 = arith.index_cast %get3A_956 : i32 to index
      %get3A_958 = arith.index_cast %add3A_955 : i32 to index
      %get3A_959 = arith.constant 0 : index
      %get3A_960 = tpu.vector_load %arg7[%get3A_957, %get3A_958, %get3A_959] {strides = array<i32>} : memref<2x256x64xf32, #tpu.memory_space<vmem>>, vector<1x1x16xf32>,
      %get3A_961 = vector.shape_cast %get3A_960 : vector<1x1x16xf32> to vector<16xf32>
      %get3A_962 = arith.constant 1 : i32
      %get3A_963 = arith.index_cast %get3A_962 : i32 to index
      %get3A_964 = arith.index_cast %add3A_955 : i32 to index
      %get3A_965 = arith.constant 0 : index
      %get3A_966 = tpu.vector_load %arg8[%get3A_963, %get3A_964, %get3A_965] {strides = array<i32>} : memref<2x256x64xf32, #tpu.memory_space<vmem>>, vector<1x1x16xf32>,
      %get3A_967 = vector.shape_cast %get3A_966 : vector<1x1x16xf32> to vector<16xf32>
      %add3A_968 = arith.addf %get3A_961, %get3A_967 : vector<16xf32>
      %swap3A_969 = arith.constant 1 : i32
      %swap3A_970 = arith.index_cast %swap3A_969 : i32 to index
      %swap3A_971 = arith.index_cast %add3A_955 : i32 to index
      %swap3A_972 = arith.constant 0 : index
      %swap3A_973 = tpu.vector_load %arg7[%swap3A_970, %swap3A_971, %swap3A_972] {strides = array<i32>} : memref<2x256x64xf32, #tpu.memory_space<vmem>>, vector<1x1x16xf32>,
      %swap3A_974 = vector.shape_cast %swap3A_973 : vector<1x1x16xf32> to vector<16xf32>
      %swap3A_975 = vector.shape_cast %add3A_968 : vector<16xf32> to vector<1x1x16xf32>
      tpu.vector_store %arg7[%swap3A_970, %swap3A_971, %swap3A_972], %swap3A_975 {strides = array<i32>} : memref<2x256x64xf32, #tpu.memory_space<vmem>>, vector<1x1x16xf32>,
      %get3A_976 = arith.constant 1 : i32
      %get3A_977 = arith.index_cast %get3A_976 : i32 to index
      %get3A_978 = arith.index_cast %add3A_955 : i32 to index
      %get3A_979 = arith.constant 16 : index
      %get3A_980 = tpu.vector_load %arg7[%get3A_977, %get3A_978, %get3A_979] {strides = array<i32>} : memref<2x256x64xf32, #tpu.memory_space<vmem>>, vector<1x1x16xf32>,
      %get3A_981 = vector.shape_cast %get3A_980 : vector<1x1x16xf32> to vector<16xf32>
      %get3A_982 = arith.constant 1 : i32
      %get3A_983 = arith.index_cast %get3A_982 : i32 to index
      %get3A_984 = arith.index_cast %add3A_955 : i32 to index
      %get3A_985 = arith.constant 16 : index
      %get3A_986 = tpu.vector_load %arg8[%get3A_983, %get3A_984, %get3A_985] {strides = array<i32>} : memref<2x256x64xf32, #tpu.memory_space<vmem>>, vector<1x1x16xf32>,
      %get3A_987 = vector.shape_cast %get3A_986 : vector<1x1x16xf32> to vector<16xf32>
      %add3A_988 = arith.addf %get3A_981, %get3A_987 : vector<16xf32>
      %swap3A_989 = arith.constant 1 : i32
      %swap3A_990 = arith.index_cast %swap3A_989 : i32 to index
      %swap3A_991 = arith.index_cast %add3A_955 : i32 to index
      %swap3A_992 = arith.constant 16 : index
      %swap3A_993 = tpu.vector_load %arg7[%swap3A_990, %swap3A_991, %swap3A_992] {strides = array<i32>} : memref<2x256x64xf32, #tpu.memory_space<vmem>>, vector<1x1x16xf32>,
      %swap3A_994 = vector.shape_cast %swap3A_993 : vector<1x1x16xf32> to vector<16xf32>
      %swap3A_995 = vector.shape_cast %add3A_988 : vector<16xf32> to vector<1x1x16xf32>
      tpu.vector_store %arg7[%swap3A_990, %swap3A_991, %swap3A_992], %swap3A_995 {strides = array<i32>} : memref<2x256x64xf32, #tpu.memory_space<vmem>>, vector<1x1x16xf32>,
      %get3A_996 = arith.constant 1 : i32
      %get3A_997 = arith.index_cast %get3A_996 : i32 to index
      %get3A_998 = arith.index_cast %add3A_955 : i32 to index
      %get3A_999 = arith.constant 32 : index
      %get3A_1000 = tpu.vector_load %arg7[%get3A_997, %get3A_998, %get3A_999] {strides = array<i32>} : memref<2x256x64xf32, #tpu.memory_space<vmem>>, vector<1x1x16xf32>,
      %get3A_1001 = vector.shape_cast %get3A_1000 : vector<1x1x16xf32> to vector<16xf32>
      %get3A_1002 = arith.constant 1 : i32
      %get3A_1003 = arith.index_cast %get3A_1002 : i32 to index
      %get3A_1004 = arith.index_cast %add3A_955 : i32 to index
      %get3A_1005 = arith.constant 32 : index
      %get3A_1006 = tpu.vector_load %arg8[%get3A_1003, %get3A_1004, %get3A_1005] {strides = array<i32>} : memref<2x256x64xf32, #tpu.memory_space<vmem>>, vector<1x1x16xf32>,
      %get3A_1007 = vector.shape_cast %get3A_1006 : vector<1x1x16xf32> to vector<16xf32>
      %add3A_1008 = arith.addf %get3A_1001, %get3A_1007 : vector<16xf32>
      %swap3A_1009 = arith.constant 1 : i32
      %swap3A_1010 = arith.index_cast %swap3A_1009 : i32 to index
      %swap3A_1011 = arith.index_cast %add3A_955 : i32 to index
      %swap3A_1012 = arith.constant 32 : index
      %swap3A_1013 = tpu.vector_load %arg7[%swap3A_1010, %swap3A_1011, %swap3A_1012] {strides = array<i32>} : memref<2x256x64xf32, #tpu.memory_space<vmem>>, vector<1x1x16xf32>,
      %swap3A_1014 = vector.shape_cast %swap3A_1013 : vector<1x1x16xf32> to vector<16xf32>
      %swap3A_1015 = vector.shape_cast %add3A_1008 : vector<16xf32> to vector<1x1x16xf32>
      tpu.vector_store %arg7[%swap3A_1010, %swap3A_1011, %swap3A_1012], %swap3A_1015 {strides = array<i32>} : memref<2x256x64xf32, #tpu.memory_space<vmem>>, vector<1x1x16xf32>,
      %get3A_1016 = arith.constant 1 : i32
      %get3A_1017 = arith.index_cast %get3A_1016 : i32 to index
      %get3A_1018 = arith.index_cast %add3A_955 : i32 to index
      %get3A_1019 = arith.constant 48 : index
      %get3A_1020 = tpu.vector_load %arg7[%get3A_1017, %get3A_1018, %get3A_1019] {strides = array<i32>} : memref<2x256x64xf32, #tpu.memory_space<vmem>>, vector<1x1x16xf32>,
      %get3A_1021 = vector.shape_cast %get3A_1020 : vector<1x1x16xf32> to vector<16xf32>
      %get3A_1022 = arith.constant 1 : i32
      %get3A_1023 = arith.index_cast %get3A_1022 : i32 to index
      %get3A_1024 = arith.index_cast %add3A_955 : i32 to index
      %get3A_1025 = arith.constant 48 : index
      %get3A_1026 = tpu.vector_load %arg8[%get3A_1023, %get3A_1024, %get3A_1025] {strides = array<i32>} : memref<2x256x64xf32, #tpu.memory_space<vmem>>, vector<1x1x16xf32>,
      %get3A_1027 = vector.shape_cast %get3A_1026 : vector<1x1x16xf32> to vector<16xf32>
      %add3A_1028 = arith.addf %get3A_1021, %get3A_1027 : vector<16xf32>
      %swap3A_1029 = arith.constant 1 : i32
      %swap3A_1030 = arith.index_cast %swap3A_1029 : i32 to index
      %swap3A_1031 = arith.index_cast %add3A_955 : i32 to index
      %swap3A_1032 = arith.constant 48 : index
      %swap3A_1033 = tpu.vector_load %arg7[%swap3A_1030, %swap3A_1031, %swap3A_1032] {strides = array<i32>} : memref<2x256x64xf32, #tpu.memory_space<vmem>>, vector<1x1x16xf32>,
      %swap3A_1034 = vector.shape_cast %swap3A_1033 : vector<1x1x16xf32> to vector<16xf32>
      %swap3A_1035 = vector.shape_cast %add3A_1028 : vector<16xf32> to vector<1x1x16xf32>
      tpu.vector_store %arg7[%swap3A_1030, %swap3A_1031, %swap3A_1032], %swap3A_1035 {strides = array<i32>} : memref<2x256x64xf32, #tpu.memory_space<vmem>>, vector<1x1x16xf32>,
      %mul3A_1036 = arith.constant 4 : i32
      %mul3A_1037 = arith.muli %scan3A_785, %mul3A_1036 : i32
      %add3A_1038 = arith.constant 3 : i32
      %add3A_1039 = arith.addi %mul3A_1037, %add3A_1038 : i32
      %get3A_1040 = arith.constant 1 : i32
      %get3A_1041 = arith.index_cast %get3A_1040 : i32 to index
      %get3A_1042 = arith.index_cast %add3A_1039 : i32 to index
      %get3A_1043 = arith.constant 0 : index
      %get3A_1044 = tpu.vector_load %arg7[%get3A_1041, %get3A_1042, %get3A_1043] {strides = array<i32>} : memref<2x256x64xf32, #tpu.memory_space<vmem>>, vector<1x1x16xf32>,
      %get3A_1045 = vector.shape_cast %get3A_1044 : vector<1x1x16xf32> to vector<16xf32>
      %get3A_1046 = arith.constant 1 : i32
      %get3A_1047 = arith.index_cast %get3A_1046 : i32 to index
      %get3A_1048 = arith.index_cast %add3A_1039 : i32 to index
      %get3A_1049 = arith.constant 0 : index
      %get3A_1050 = tpu.vector_load %arg8[%get3A_1047, %get3A_1048, %get3A_1049] {strides = array<i32>} : memref<2x256x64xf32, #tpu.memory_space<vmem>>, vector<1x1x16xf32>,
      %get3A_1051 = vector.shape_cast %get3A_1050 : vector<1x1x16xf32> to vector<16xf32>
      %add3A_1052 = arith.addf %get3A_1045, %get3A_1051 : vector<16xf32>
      %swap3A_1053 = arith.constant 1 : i32
      %swap3A_1054 = arith.index_cast %swap3A_1053 : i32 to index
      %swap3A_1055 = arith.index_cast %add3A_1039 : i32 to index
      %swap3A_1056 = arith.constant 0 : index
      %swap3A_1057 = tpu.vector_load %arg7[%swap3A_1054, %swap3A_1055, %swap3A_1056] {strides = array<i32>} : memref<2x256x64xf32, #tpu.memory_space<vmem>>, vector<1x1x16xf32>,
      %swap3A_1058 = vector.shape_cast %swap3A_1057 : vector<1x1x16xf32> to vector<16xf32>
      %swap3A_1059 = vector.shape_cast %add3A_1052 : vector<16xf32> to vector<1x1x16xf32>
      tpu.vector_store %arg7[%swap3A_1054, %swap3A_1055, %swap3A_1056], %swap3A_1059 {strides = array<i32>} : memref<2x256x64xf32, #tpu.memory_space<vmem>>, vector<1x1x16xf32>,
      %get3A_1060 = arith.constant 1 : i32
      %get3A_1061 = arith.index_cast %get3A_1060 : i32 to index
      %get3A_1062 = arith.index_cast %add3A_1039 : i32 to index
      %get3A_1063 = arith.constant 16 : index
      %get3A_1064 = tpu.vector_load %arg7[%get3A_1061, %get3A_1062, %get3A_1063] {strides = array<i32>} : memref<2x256x64xf32, #tpu.memory_space<vmem>>, vector<1x1x16xf32>,
      %get3A_1065 = vector.shape_cast %get3A_1064 : vector<1x1x16xf32> to vector<16xf32>
      %get3A_1066 = arith.constant 1 : i32
      %get3A_1067 = arith.index_cast %get3A_1066 : i32 to index
      %get3A_1068 = arith.index_cast %add3A_1039 : i32 to index
      %get3A_1069 = arith.constant 16 : index
      %get3A_1070 = tpu.vector_load %arg8[%get3A_1067, %get3A_1068, %get3A_1069] {strides = array<i32>} : memref<2x256x64xf32, #tpu.memory_space<vmem>>, vector<1x1x16xf32>,
      %get3A_1071 = vector.shape_cast %get3A_1070 : vector<1x1x16xf32> to vector<16xf32>
      %add3A_1072 = arith.addf %get3A_1065, %get3A_1071 : vector<16xf32>
      %swap3A_1073 = arith.constant 1 : i32
      %swap3A_1074 = arith.index_cast %swap3A_1073 : i32 to index
      %swap3A_1075 = arith.index_cast %add3A_1039 : i32 to index
      %swap3A_1076 = arith.constant 16 : index
      %swap3A_1077 = tpu.vector_load %arg7[%swap3A_1074, %swap3A_1075, %swap3A_1076] {strides = array<i32>} : memref<2x256x64xf32, #tpu.memory_space<vmem>>, vector<1x1x16xf32>,
      %swap3A_1078 = vector.shape_cast %swap3A_1077 : vector<1x1x16xf32> to vector<16xf32>
      %swap3A_1079 = vector.shape_cast %add3A_1072 : vector<16xf32> to vector<1x1x16xf32>
      tpu.vector_store %arg7[%swap3A_1074, %swap3A_1075, %swap3A_1076], %swap3A_1079 {strides = array<i32>} : memref<2x256x64xf32, #tpu.memory_space<vmem>>, vector<1x1x16xf32>,
      %get3A_1080 = arith.constant 1 : i32
      %get3A_1081 = arith.index_cast %get3A_1080 : i32 to index
      %get3A_1082 = arith.index_cast %add3A_1039 : i32 to index
      %get3A_1083 = arith.constant 32 : index
      %get3A_1084 = tpu.vector_load %arg7[%get3A_1081, %get3A_1082, %get3A_1083] {strides = array<i32>} : memref<2x256x64xf32, #tpu.memory_space<vmem>>, vector<1x1x16xf32>,
      %get3A_1085 = vector.shape_cast %get3A_1084 : vector<1x1x16xf32> to vector<16xf32>
      %get3A_1086 = arith.constant 1 : i32
      %get3A_1087 = arith.index_cast %get3A_1086 : i32 to index
      %get3A_1088 = arith.index_cast %add3A_1039 : i32 to index
      %get3A_1089 = arith.constant 32 : index
      %get3A_1090 = tpu.vector_load %arg8[%get3A_1087, %get3A_1088, %get3A_1089] {strides = array<i32>} : memref<2x256x64xf32, #tpu.memory_space<vmem>>, vector<1x1x16xf32>,
      %get3A_1091 = vector.shape_cast %get3A_1090 : vector<1x1x16xf32> to vector<16xf32>
      %add3A_1092 = arith.addf %get3A_1085, %get3A_1091 : vector<16xf32>
      %swap3A_1093 = arith.constant 1 : i32
      %swap3A_1094 = arith.index_cast %swap3A_1093 : i32 to index
      %swap3A_1095 = arith.index_cast %add3A_1039 : i32 to index
      %swap3A_1096 = arith.constant 32 : index
      %swap3A_1097 = tpu.vector_load %arg7[%swap3A_1094, %swap3A_1095, %swap3A_1096] {strides = array<i32>} : memref<2x256x64xf32, #tpu.memory_space<vmem>>, vector<1x1x16xf32>,
      %swap3A_1098 = vector.shape_cast %swap3A_1097 : vector<1x1x16xf32> to vector<16xf32>
      %swap3A_1099 = vector.shape_cast %add3A_1092 : vector<16xf32> to vector<1x1x16xf32>
      tpu.vector_store %arg7[%swap3A_1094, %swap3A_1095, %swap3A_1096], %swap3A_1099 {strides = array<i32>} : memref<2x256x64xf32, #tpu.memory_space<vmem>>, vector<1x1x16xf32>,
      %get3A_1100 = arith.constant 1 : i32
      %get3A_1101 = arith.index_cast %get3A_1100 : i32 to index
      %get3A_1102 = arith.index_cast %add3A_1039 : i32 to index
      %get3A_1103 = arith.constant 48 : index
      %get3A_1104 = tpu.vector_load %arg7[%get3A_1101, %get3A_1102, %get3A_1103] {strides = array<i32>} : memref<2x256x64xf32, #tpu.memory_space<vmem>>, vector<1x1x16xf32>,
      %get3A_1105 = vector.shape_cast %get3A_1104 : vector<1x1x16xf32> to vector<16xf32>
      %get3A_1106 = arith.constant 1 : i32
      %get3A_1107 = arith.index_cast %get3A_1106 : i32 to index
      %get3A_1108 = arith.index_cast %add3A_1039 : i32 to index
      %get3A_1109 = arith.constant 48 : index
      %get3A_1110 = tpu.vector_load %arg8[%get3A_1107, %get3A_1108, %get3A_1109] {strides = array<i32>} : memref<2x256x64xf32, #tpu.memory_space<vmem>>, vector<1x1x16xf32>,
      %get3A_1111 = vector.shape_cast %get3A_1110 : vector<1x1x16xf32> to vector<16xf32>
      %add3A_1112 = arith.addf %get3A_1105, %get3A_1111 : vector<16xf32>
      %swap3A_1113 = arith.constant 1 : i32
      %swap3A_1114 = arith.index_cast %swap3A_1113 : i32 to index
      %swap3A_1115 = arith.index_cast %add3A_1039 : i32 to index
      %swap3A_1116 = arith.constant 48 : index
      %swap3A_1117 = tpu.vector_load %arg7[%swap3A_1114, %swap3A_1115, %swap3A_1116] {strides = array<i32>} : memref<2x256x64xf32, #tpu.memory_space<vmem>>, vector<1x1x16xf32>,
      %swap3A_1118 = vector.shape_cast %swap3A_1117 : vector<1x1x16xf32> to vector<16xf32>
      %swap3A_1119 = vector.shape_cast %add3A_1112 : vector<16xf32> to vector<1x1x16xf32>
      tpu.vector_store %arg7[%swap3A_1114, %swap3A_1115, %swap3A_1116], %swap3A_1119 {strides = array<i32>} : memref<2x256x64xf32, #tpu.memory_space<vmem>>, vector<1x1x16xf32>,
    }
    %scan3A_474 = arith.constant 64 : i32
    %add3A_475 = arith.constant 194 : i32
    %add3A_476 = arith.addi %mul3A_2, %add3A_475 : i32
    %mul3A_477 = arith.constant 128 : i32
    %mul3A_478 = arith.muli %add3A_476, %mul3A_477 : i32
    %dma_start3A_479 = arith.constant 1 : i32
    %dma_start3A_480 = arith.constant 0 : i32
    %dma_start3A_481 = arith.constant 0 : i32
    %dma_start3A_482 = tpu.memref_slice %arg7[%dma_start3A_479, %dma_start3A_480, %dma_start3A_481] : memref<2x256x64xf32, #tpu.memory_space<vmem>> -> memref<1x256x64xf32, #tpu.memory_space<vmem>>
    %dma_start3A_483 = tpu.memref_squeeze %dma_start3A_482 : memref<1x256x64xf32, #tpu.memory_space<vmem>> -> memref<256x64xf32, #tpu.memory_space<vmem>>
    %dma_start3A_484 = arith.constant 0 : i32
    %dma_start3A_485 = tpu.memref_slice %arg5[%mul3A_478, %dma_start3A_484] : memref<819200x128xf32, #tpu.memory_space<hbm>> -> memref<256x64xf32, #tpu.memory_space<hbm>>
    %dma_start3A_486 = arith.constant 0 : i32
    %dma_start3A_487 = tpu.memref_slice %arg5[%mul3A_478, %dma_start3A_486] : memref<819200x128xf32, #tpu.memory_space<hbm>> -> memref<256x64xf32, #tpu.memory_space<hbm>>
    %dma_start3A_488 = arith.constant 0 : i32
    %dma_start3A_489 = arith.constant 0 : i32
    %dma_start3A_490 = tpu.memref_slice %arg7[%dma_start3A_479, %dma_start3A_488, %dma_start3A_489] : memref<2x256x64xf32, #tpu.memory_space<vmem>> -> memref<1x256x64xf32, #tpu.memory_space<vmem>>
    %dma_start3A_491 = tpu.memref_squeeze %dma_start3A_490 : memref<1x256x64xf32, #tpu.memory_space<vmem>> -> memref<256x64xf32, #tpu.memory_space<vmem>>
    tpu.enqueue_dma source(%dma_start3A_491 : memref<256x64xf32, #tpu.memory_space<vmem>>) target(%dma_start3A_487 : memref<256x64xf32, #tpu.memory_space<hbm>>) target_semaphore(%arg11 : memref<!tpu.dma_semaphore, #tpu.memory_space<semaphore_mem>>)
    %add3A_492 = arith.constant 194 : i32
    %add3A_493 = arith.addi %mul3A_2, %add3A_492 : i32
    %mul3A_494 = arith.constant 128 : i32
    %mul3A_495 = arith.muli %add3A_493, %mul3A_494 : i32
    %dma_wait3A_496 = arith.constant 1 : i32
    %dma_wait3A_497 = arith.constant 0 : i32
    %dma_wait3A_498 = arith.constant 0 : i32
    %dma_wait3A_499 = tpu.memref_slice %arg7[%dma_wait3A_496, %dma_wait3A_497, %dma_wait3A_498] : memref<2x256x64xf32, #tpu.memory_space<vmem>> -> memref<1x256x64xf32, #tpu.memory_space<vmem>>
    %dma_wait3A_500 = tpu.memref_squeeze %dma_wait3A_499 : memref<1x256x64xf32, #tpu.memory_space<vmem>> -> memref<256x64xf32, #tpu.memory_space<vmem>>
    %dma_wait3A_501 = arith.constant 0 : i32
    %dma_wait3A_502 = tpu.memref_slice %arg5[%mul3A_495, %dma_wait3A_501] : memref<819200x128xf32, #tpu.memory_space<hbm>> -> memref<256x64xf32, #tpu.memory_space<hbm>>
    %dma_wait3A_503 = arith.constant 0 : i32
    %dma_wait3A_504 = tpu.memref_slice %arg5[%mul3A_495, %dma_wait3A_503] : memref<819200x128xf32, #tpu.memory_space<hbm>> -> memref<256x64xf32, #tpu.memory_space<hbm>>
    %dma_wait3A_505 = arith.constant 0 : i32
    %dma_wait3A_506 = arith.constant 0 : i32
    %dma_wait3A_507 = tpu.memref_slice %arg7[%dma_wait3A_496, %dma_wait3A_505, %dma_wait3A_506] : memref<2x256x64xf32, #tpu.memory_space<vmem>> -> memref<1x256x64xf32, #tpu.memory_space<vmem>>
    %dma_wait3A_508 = tpu.memref_squeeze %dma_wait3A_507 : memref<1x256x64xf32, #tpu.memory_space<vmem>> -> memref<256x64xf32, #tpu.memory_space<vmem>>
    tpu.wait_dma2 semaphore(%arg11 : memref<!tpu.dma_semaphore, #tpu.memory_space<semaphore_mem>>) src(%dma_wait3A_508 : memref<256x64xf32, #tpu.memory_space<vmem>>) dst(%dma_wait3A_504 : memref<256x64xf32, #tpu.memory_space<hbm>>)
    %rem3A_509 = arith.constant 99 : i32
    %rem3A_510 = arith.constant 3 : i32
    %rem3A_511 = arith.remsi %rem3A_509, %rem3A_510 : i32
    %add3A_512 = arith.constant 198 : i32
    %add3A_513 = arith.addi %mul3A_2, %add3A_512 : i32
    %dma_wait3A_514 = arith.constant 0 : i32
    %dma_wait3A_515 = arith.constant 0 : i32
    %dma_wait3A_516 = arith.constant 0 : i32
    %dma_wait3A_517 = tpu.memref_slice %arg6[%rem3A_511, %dma_wait3A_514, %dma_wait3A_515, %dma_wait3A_516] : memref<3x2x2x128xi32, #tpu.memory_space<vmem>> -> memref<1x2x2x128xi32, #tpu.memory_space<vmem>>
    %dma_wait3A_518 = tpu.memref_squeeze %dma_wait3A_517 : memref<1x2x2x128xi32, #tpu.memory_space<vmem>> -> memref<2x2x128xi32, #tpu.memory_space<vmem>>
    %dma_wait3A_519 = arith.constant 0 : i32
    %dma_wait3A_520 = arith.constant 0 : i32
    %dma_wait3A_521 = tpu.memref_slice %arg2[%add3A_513, %dma_wait3A_519, %dma_wait3A_520] : memref<6400x2x128xi32, #tpu.memory_space<hbm>> -> memref<2x2x128xi32, #tpu.memory_space<hbm>>
    %dma_wait3A_522 = arith.constant 0 : i32
    %dma_wait3A_523 = arith.constant 0 : i32
    %dma_wait3A_524 = arith.constant 0 : i32
    %dma_wait3A_525 = tpu.memref_slice %arg6[%rem3A_511, %dma_wait3A_522, %dma_wait3A_523, %dma_wait3A_524] : memref<3x2x2x128xi32, #tpu.memory_space<vmem>> -> memref<1x2x2x128xi32, #tpu.memory_space<vmem>>
    %dma_wait3A_526 = tpu.memref_squeeze %dma_wait3A_525 : memref<1x2x2x128xi32, #tpu.memory_space<vmem>> -> memref<2x2x128xi32, #tpu.memory_space<vmem>>
    %dma_wait3A_527 = arith.constant 0 : i32
    %dma_wait3A_528 = arith.constant 0 : i32
    %dma_wait3A_529 = tpu.memref_slice %arg2[%add3A_513, %dma_wait3A_527, %dma_wait3A_528] : memref<6400x2x128xi32, #tpu.memory_space<hbm>> -> memref<2x2x128xi32, #tpu.memory_space<hbm>>
    tpu.wait_dma2 semaphore(%arg13 : memref<!tpu.dma_semaphore, #tpu.memory_space<semaphore_mem>>) src(%dma_wait3A_529 : memref<2x2x128xi32, #tpu.memory_space<hbm>>) dst(%dma_wait3A_526 : memref<2x2x128xi32, #tpu.memory_space<vmem>>)
    %rem3A_530 = arith.constant 99 : i32
    %rem3A_531 = arith.constant 3 : i32
    %rem3A_532 = arith.remsi %rem3A_530, %rem3A_531 : i32
    %dma_start3A_533 = arith.constant 0 : i32
    %dma_start3A_534 = arith.constant 0 : i32
    %dma_start3A_535 = arith.constant 1 : i32
    %dma_start3A_536 = arith.constant 0 : i32
    %dma_start3A_537 = arith.constant 0 : i32
    %dma_start3A_538 = tpu.memref_slice %arg7[%dma_start3A_535, %dma_start3A_536, %dma_start3A_537] : memref<2x256x64xf32, #tpu.memory_space<vmem>> -> memref<1x128x64xf32, #tpu.memory_space<vmem>>
    %dma_start3A_539 = tpu.memref_squeeze %dma_start3A_538 : memref<1x128x64xf32, #tpu.memory_space<vmem>> -> memref<128x64xf32, #tpu.memory_space<vmem>>
    %dma_start3A_540 = arith.constant 0 : i32
    %dma_start3A_541 = tpu.memref_slice %arg6[%rem3A_532, %dma_start3A_533, %dma_start3A_534, %dma_start3A_540] : memref<3x2x2x128xi32, #tpu.memory_space<vmem>> -> memref<1x1x1x128xi32, #tpu.memory_space<vmem>>
    %dma_start3A_542 = tpu.memref_squeeze %dma_start3A_541 : memref<1x1x1x128xi32, #tpu.memory_space<vmem>> -> memref<128xi32, #tpu.memory_space<vmem>>
    %dma_start3A_543 = arith.constant 0 : i32
    %dma_start3A_544 = arith.constant 0 : i32
    %dma_start3A_545 = tpu.memref_slice %arg3[%dma_start3A_543, %dma_start3A_544] : memref<1000000x64xf32, #tpu.memory_space<hbm>> -> memref<1000000x64xf32, #tpu.memory_space<hbm>>
    tpu.enqueue_indirect_dma source(%dma_start3A_545 : memref<1000000x64xf32, #tpu.memory_space<hbm>>) target(%dma_start3A_539 : memref<128x64xf32, #tpu.memory_space<vmem>>) offsets(%dma_start3A_542 : memref<128xi32, #tpu.memory_space<vmem>>) semaphore(%arg9 : memref<!tpu.dma_semaphore, #tpu.memory_space<semaphore_mem>>)
    %dma_start3A_546 = arith.constant 0 : i32
    %dma_start3A_547 = arith.constant 1 : i32
    %dma_start3A_548 = arith.constant 1 : i32
    %dma_start3A_549 = arith.constant 0 : i32
    %dma_start3A_550 = arith.constant 0 : i32
    %dma_start3A_551 = tpu.memref_slice %arg8[%dma_start3A_548, %dma_start3A_549, %dma_start3A_550] : memref<2x256x64xf32, #tpu.memory_space<vmem>> -> memref<1x128x64xf32, #tpu.memory_space<vmem>>
    %dma_start3A_552 = tpu.memref_squeeze %dma_start3A_551 : memref<1x128x64xf32, #tpu.memory_space<vmem>> -> memref<128x64xf32, #tpu.memory_space<vmem>>
    %dma_start3A_553 = arith.constant 0 : i32
    %dma_start3A_554 = tpu.memref_slice %arg6[%rem3A_532, %dma_start3A_546, %dma_start3A_547, %dma_start3A_553] : memref<3x2x2x128xi32, #tpu.memory_space<vmem>> -> memref<1x1x1x128xi32, #tpu.memory_space<vmem>>
    %dma_start3A_555 = tpu.memref_squeeze %dma_start3A_554 : memref<1x1x1x128xi32, #tpu.memory_space<vmem>> -> memref<128xi32, #tpu.memory_space<vmem>>
    %dma_start3A_556 = arith.constant 0 : i32
    %dma_start3A_557 = arith.constant 0 : i32
    %dma_start3A_558 = tpu.memref_slice %arg4[%dma_start3A_556, %dma_start3A_557] : memref<38400x64xf32, #tpu.memory_space<hbm>> -> memref<38400x64xf32, #tpu.memory_space<hbm>>
    tpu.enqueue_indirect_dma source(%dma_start3A_558 : memref<38400x64xf32, #tpu.memory_space<hbm>>) target(%dma_start3A_552 : memref<128x64xf32, #tpu.memory_space<vmem>>) offsets(%dma_start3A_555 : memref<128xi32, #tpu.memory_space<vmem>>) semaphore(%arg9 : memref<!tpu.dma_semaphore, #tpu.memory_space<semaphore_mem>>)
    %dma_start3A_559 = arith.constant 1 : i32
    %dma_start3A_560 = arith.constant 0 : i32
    %dma_start3A_561 = arith.constant 1 : i32
    %dma_start3A_562 = arith.constant 128 : i32
    %dma_start3A_563 = arith.constant 0 : i32
    %dma_start3A_564 = tpu.memref_slice %arg7[%dma_start3A_561, %dma_start3A_562, %dma_start3A_563] : memref<2x256x64xf32, #tpu.memory_space<vmem>> -> memref<1x128x64xf32, #tpu.memory_space<vmem>>
    %dma_start3A_565 = tpu.memref_squeeze %dma_start3A_564 : memref<1x128x64xf32, #tpu.memory_space<vmem>> -> memref<128x64xf32, #tpu.memory_space<vmem>>
    %dma_start3A_566 = arith.constant 0 : i32
    %dma_start3A_567 = tpu.memref_slice %arg6[%rem3A_532, %dma_start3A_559, %dma_start3A_560, %dma_start3A_566] : memref<3x2x2x128xi32, #tpu.memory_space<vmem>> -> memref<1x1x1x128xi32, #tpu.memory_space<vmem>>
    %dma_start3A_568 = tpu.memref_squeeze %dma_start3A_567 : memref<1x1x1x128xi32, #tpu.memory_space<vmem>> -> memref<128xi32, #tpu.memory_space<vmem>>
    %dma_start3A_569 = arith.constant 0 : i32
    %dma_start3A_570 = arith.constant 0 : i32
    %dma_start3A_571 = tpu.memref_slice %arg3[%dma_start3A_569, %dma_start3A_570] : memref<1000000x64xf32, #tpu.memory_space<hbm>> -> memref<1000000x64xf32, #tpu.memory_space<hbm>>
    tpu.enqueue_indirect_dma source(%dma_start3A_571 : memref<1000000x64xf32, #tpu.memory_space<hbm>>) target(%dma_start3A_565 : memref<128x64xf32, #tpu.memory_space<vmem>>) offsets(%dma_start3A_568 : memref<128xi32, #tpu.memory_space<vmem>>) semaphore(%arg9 : memref<!tpu.dma_semaphore, #tpu.memory_space<semaphore_mem>>)
    %dma_start3A_572 = arith.constant 1 : i32
    %dma_start3A_573 = arith.constant 1 : i32
    %dma_start3A_574 = arith.constant 1 : i32
    %dma_start3A_575 = arith.constant 128 : i32
    %dma_start3A_576 = arith.constant 0 : i32
    %dma_start3A_577 = tpu.memref_slice %arg8[%dma_start3A_574, %dma_start3A_575, %dma_start3A_576] : memref<2x256x64xf32, #tpu.memory_space<vmem>> -> memref<1x128x64xf32, #tpu.memory_space<vmem>>
    %dma_start3A_578 = tpu.memref_squeeze %dma_start3A_577 : memref<1x128x64xf32, #tpu.memory_space<vmem>> -> memref<128x64xf32, #tpu.memory_space<vmem>>
    %dma_start3A_579 = arith.constant 0 : i32
    %dma_start3A_580 = tpu.memref_slice %arg6[%rem3A_532, %dma_start3A_572, %dma_start3A_573, %dma_start3A_579] : memref<3x2x2x128xi32, #tpu.memory_space<vmem>> -> memref<1x1x1x128xi32, #tpu.memory_space<vmem>>
    %dma_start3A_581 = tpu.memref_squeeze %dma_start3A_580 : memref<1x1x1x128xi32, #tpu.memory_space<vmem>> -> memref<128xi32, #tpu.memory_space<vmem>>
    %dma_start3A_582 = arith.constant 0 : i32
    %dma_start3A_583 = arith.constant 0 : i32
    %dma_start3A_584 = tpu.memref_slice %arg4[%dma_start3A_582, %dma_start3A_583] : memref<38400x64xf32, #tpu.memory_space<hbm>> -> memref<38400x64xf32, #tpu.memory_space<hbm>>
    tpu.enqueue_indirect_dma source(%dma_start3A_584 : memref<38400x64xf32, #tpu.memory_space<hbm>>) target(%dma_start3A_578 : memref<128x64xf32, #tpu.memory_space<vmem>>) offsets(%dma_start3A_581 : memref<128xi32, #tpu.memory_space<vmem>>) semaphore(%arg9 : memref<!tpu.dma_semaphore, #tpu.memory_space<semaphore_mem>>)
    %dma_wait3A_585 = arith.constant 0 : i32
    %dma_wait3A_586 = arith.constant 0 : i32
    %dma_wait3A_587 = arith.constant 0 : i32
    %dma_wait3A_588 = tpu.memref_slice %arg7[%dma_wait3A_585, %dma_wait3A_586, %dma_wait3A_587] : memref<2x256x64xf32, #tpu.memory_space<vmem>> -> memref<1x128x64xf32, #tpu.memory_space<vmem>>
    %dma_wait3A_589 = tpu.memref_squeeze %dma_wait3A_588 : memref<1x128x64xf32, #tpu.memory_space<vmem>> -> memref<128x64xf32, #tpu.memory_space<vmem>>
    %dma_wait3A_590 = arith.constant 0 : i32
    %dma_wait3A_591 = arith.constant 0 : i32
    %dma_wait3A_592 = tpu.memref_slice %arg5[%dma_wait3A_590, %dma_wait3A_591] : memref<819200x128xf32, #tpu.memory_space<hbm>> -> memref<128x128xf32, #tpu.memory_space<hbm>>
    %dma_wait3A_593 = arith.constant 0 : i32
    %dma_wait3A_594 = arith.constant 0 : i32
    %dma_wait3A_595 = tpu.memref_slice %arg7[%dma_wait3A_585, %dma_wait3A_593, %dma_wait3A_594] : memref<2x256x64xf32, #tpu.memory_space<vmem>> -> memref<1x128x64xf32, #tpu.memory_space<vmem>>
    %dma_wait3A_596 = tpu.memref_squeeze %dma_wait3A_595 : memref<1x128x64xf32, #tpu.memory_space<vmem>> -> memref<128x64xf32, #tpu.memory_space<vmem>>
    %dma_wait3A_597 = arith.constant 0 : i32
    %dma_wait3A_598 = arith.constant 0 : i32
    %dma_wait3A_599 = tpu.memref_slice %arg5[%dma_wait3A_597, %dma_wait3A_598] : memref<819200x128xf32, #tpu.memory_space<hbm>> -> memref<128x128xf32, #tpu.memory_space<hbm>>
    tpu.wait_dma2 semaphore(%arg9 : memref<!tpu.dma_semaphore, #tpu.memory_space<semaphore_mem>>) src(%dma_wait3A_599 : memref<128x128xf32, #tpu.memory_space<hbm>>) dst(%dma_wait3A_596 : memref<128x64xf32, #tpu.memory_space<vmem>>)
    %dma_wait3A_600 = arith.constant 0 : i32
    %dma_wait3A_601 = arith.constant 0 : i32
    %dma_wait3A_602 = arith.constant 0 : i32
    %dma_wait3A_603 = tpu.memref_slice %arg8[%dma_wait3A_600, %dma_wait3A_601, %dma_wait3A_602] : memref<2x256x64xf32, #tpu.memory_space<vmem>> -> memref<1x128x64xf32, #tpu.memory_space<vmem>>
    %dma_wait3A_604 = tpu.memref_squeeze %dma_wait3A_603 : memref<1x128x64xf32, #tpu.memory_space<vmem>> -> memref<128x64xf32, #tpu.memory_space<vmem>>
    %dma_wait3A_605 = arith.constant 0 : i32
    %dma_wait3A_606 = arith.constant 0 : i32
    %dma_wait3A_607 = tpu.memref_slice %arg5[%dma_wait3A_605, %dma_wait3A_606] : memref<819200x128xf32, #tpu.memory_space<hbm>> -> memref<128x128xf32, #tpu.memory_space<hbm>>
    %dma_wait3A_608 = arith.constant 0 : i32
    %dma_wait3A_609 = arith.constant 0 : i32
    %dma_wait3A_610 = tpu.memref_slice %arg8[%dma_wait3A_600, %dma_wait3A_608, %dma_wait3A_609] : memref<2x256x64xf32, #tpu.memory_space<vmem>> -> memref<1x128x64xf32, #tpu.memory_space<vmem>>
    %dma_wait3A_611 = tpu.memref_squeeze %dma_wait3A_610 : memref<1x128x64xf32, #tpu.memory_space<vmem>> -> memref<128x64xf32, #tpu.memory_space<vmem>>
    %dma_wait3A_612 = arith.constant 0 : i32
    %dma_wait3A_613 = arith.constant 0 : i32
    %dma_wait3A_614 = tpu.memref_slice %arg5[%dma_wait3A_612, %dma_wait3A_613] : memref<819200x128xf32, #tpu.memory_space<hbm>> -> memref<128x128xf32, #tpu.memory_space<hbm>>
    tpu.wait_dma2 semaphore(%arg9 : memref<!tpu.dma_semaphore, #tpu.memory_space<semaphore_mem>>) src(%dma_wait3A_614 : memref<128x128xf32, #tpu.memory_space<hbm>>) dst(%dma_wait3A_611 : memref<128x64xf32, #tpu.memory_space<vmem>>)
    %dma_wait3A_615 = arith.constant 0 : i32
    %dma_wait3A_616 = arith.constant 128 : i32
    %dma_wait3A_617 = arith.constant 0 : i32
    %dma_wait3A_618 = tpu.memref_slice %arg7[%dma_wait3A_615, %dma_wait3A_616, %dma_wait3A_617] : memref<2x256x64xf32, #tpu.memory_space<vmem>> -> memref<1x128x64xf32, #tpu.memory_space<vmem>>
    %dma_wait3A_619 = tpu.memref_squeeze %dma_wait3A_618 : memref<1x128x64xf32, #tpu.memory_space<vmem>> -> memref<128x64xf32, #tpu.memory_space<vmem>>
    %dma_wait3A_620 = arith.constant 0 : i32
    %dma_wait3A_621 = arith.constant 0 : i32
    %dma_wait3A_622 = tpu.memref_slice %arg5[%dma_wait3A_620, %dma_wait3A_621] : memref<819200x128xf32, #tpu.memory_space<hbm>> -> memref<128x128xf32, #tpu.memory_space<hbm>>
    %dma_wait3A_623 = arith.constant 128 : i32
    %dma_wait3A_624 = arith.constant 0 : i32
    %dma_wait3A_625 = tpu.memref_slice %arg7[%dma_wait3A_615, %dma_wait3A_623, %dma_wait3A_624] : memref<2x256x64xf32, #tpu.memory_space<vmem>> -> memref<1x128x64xf32, #tpu.memory_space<vmem>>
    %dma_wait3A_626 = tpu.memref_squeeze %dma_wait3A_625 : memref<1x128x64xf32, #tpu.memory_space<vmem>> -> memref<128x64xf32, #tpu.memory_space<vmem>>
    %dma_wait3A_627 = arith.constant 0 : i32
    %dma_wait3A_628 = arith.constant 0 : i32
    %dma_wait3A_629 = tpu.memref_slice %arg5[%dma_wait3A_627, %dma_wait3A_628] : memref<819200x128xf32, #tpu.memory_space<hbm>> -> memref<128x128xf32, #tpu.memory_space<hbm>>
    tpu.wait_dma2 semaphore(%arg9 : memref<!tpu.dma_semaphore, #tpu.memory_space<semaphore_mem>>) src(%dma_wait3A_629 : memref<128x128xf32, #tpu.memory_space<hbm>>) dst(%dma_wait3A_626 : memref<128x64xf32, #tpu.memory_space<vmem>>)
    %dma_wait3A_630 = arith.constant 0 : i32
    %dma_wait3A_631 = arith.constant 128 : i32
    %dma_wait3A_632 = arith.constant 0 : i32
    %dma_wait3A_633 = tpu.memref_slice %arg8[%dma_wait3A_630, %dma_wait3A_631, %dma_wait3A_632] : memref<2x256x64xf32, #tpu.memory_space<vmem>> -> memref<1x128x64xf32, #tpu.memory_space<vmem>>
    %dma_wait3A_634 = tpu.memref_squeeze %dma_wait3A_633 : memref<1x128x64xf32, #tpu.memory_space<vmem>> -> memref<128x64xf32, #tpu.memory_space<vmem>>
    %dma_wait3A_635 = arith.constant 0 : i32
    %dma_wait3A_636 = arith.constant 0 : i32
    %dma_wait3A_637 = tpu.memref_slice %arg5[%dma_wait3A_635, %dma_wait3A_636] : memref<819200x128xf32, #tpu.memory_space<hbm>> -> memref<128x128xf32, #tpu.memory_space<hbm>>
    %dma_wait3A_638 = arith.constant 128 : i32
    %dma_wait3A_639 = arith.constant 0 : i32
    %dma_wait3A_640 = tpu.memref_slice %arg8[%dma_wait3A_630, %dma_wait3A_638, %dma_wait3A_639] : memref<2x256x64xf32, #tpu.memory_space<vmem>> -> memref<1x128x64xf32, #tpu.memory_space<vmem>>
    %dma_wait3A_641 = tpu.memref_squeeze %dma_wait3A_640 : memref<1x128x64xf32, #tpu.memory_space<vmem>> -> memref<128x64xf32, #tpu.memory_space<vmem>>
    %dma_wait3A_642 = arith.constant 0 : i32
    %dma_wait3A_643 = arith.constant 0 : i32
    %dma_wait3A_644 = tpu.memref_slice %arg5[%dma_wait3A_642, %dma_wait3A_643] : memref<819200x128xf32, #tpu.memory_space<hbm>> -> memref<128x128xf32, #tpu.memory_space<hbm>>
    tpu.wait_dma2 semaphore(%arg9 : memref<!tpu.dma_semaphore, #tpu.memory_space<semaphore_mem>>) src(%dma_wait3A_644 : memref<128x128xf32, #tpu.memory_space<hbm>>) dst(%dma_wait3A_641 : memref<128x64xf32, #tpu.memory_space<vmem>>)
    %scan3A_645 = arith.constant 0 : i32
    %scan3A_646 = arith.constant 0 : i32
    %scan3A_647 = arith.constant 64 : i32
    %scan3A_648 = arith.addi %scan3A_646, %scan3A_647 : i32
    %scan3A_649 = arith.constant 1 : i32
    scf.for %scan3A_785 = %scan3A_646 to %scan3A_648 step %scan3A_649  : i32 {
      %mul3A_786 = arith.constant 4 : i32
      %mul3A_787 = arith.muli %scan3A_785, %mul3A_786 : i32
      %add3A_788 = arith.constant 0 : i32
      %add3A_789 = arith.addi %mul3A_787, %add3A_788 : i32
      %get3A = arith.constant 0 : i32
      %get3A_790 = arith.index_cast %get3A : i32 to index
      %get3A_791 = arith.index_cast %add3A_789 : i32 to index
      %get3A_792 = arith.constant 0 : index
      %get3A_793 = tpu.vector_load %arg7[%get3A_790, %get3A_791, %get3A_792] {strides = array<i32>} : memref<2x256x64xf32, #tpu.memory_space<vmem>>, vector<1x1x16xf32>,
      %get3A_794 = vector.shape_cast %get3A_793 : vector<1x1x16xf32> to vector<16xf32>
      %get3A_795 = arith.constant 0 : i32
      %get3A_796 = arith.index_cast %get3A_795 : i32 to index
      %get3A_797 = arith.index_cast %add3A_789 : i32 to index
      %get3A_798 = arith.constant 0 : index
      %get3A_799 = tpu.vector_load %arg8[%get3A_796, %get3A_797, %get3A_798] {strides = array<i32>} : memref<2x256x64xf32, #tpu.memory_space<vmem>>, vector<1x1x16xf32>,
      %get3A_800 = vector.shape_cast %get3A_799 : vector<1x1x16xf32> to vector<16xf32>
      %add3A_801 = arith.addf %get3A_794, %get3A_800 : vector<16xf32>
      %swap3A = arith.constant 0 : i32
      %swap3A_802 = arith.index_cast %swap3A : i32 to index
      %swap3A_803 = arith.index_cast %add3A_789 : i32 to index
      %swap3A_804 = arith.constant 0 : index
      %swap3A_805 = tpu.vector_load %arg7[%swap3A_802, %swap3A_803, %swap3A_804] {strides = array<i32>} : memref<2x256x64xf32, #tpu.memory_space<vmem>>, vector<1x1x16xf32>,
      %swap3A_806 = vector.shape_cast %swap3A_805 : vector<1x1x16xf32> to vector<16xf32>
      %swap3A_807 = vector.shape_cast %add3A_801 : vector<16xf32> to vector<1x1x16xf32>
      tpu.vector_store %arg7[%swap3A_802, %swap3A_803, %swap3A_804], %swap3A_807 {strides = array<i32>} : memref<2x256x64xf32, #tpu.memory_space<vmem>>, vector<1x1x16xf32>,
      %get3A_808 = arith.constant 0 : i32
      %get3A_809 = arith.index_cast %get3A_808 : i32 to index
      %get3A_810 = arith.index_cast %add3A_789 : i32 to index
      %get3A_811 = arith.constant 16 : index
      %get3A_812 = tpu.vector_load %arg7[%get3A_809, %get3A_810, %get3A_811] {strides = array<i32>} : memref<2x256x64xf32, #tpu.memory_space<vmem>>, vector<1x1x16xf32>,
      %get3A_813 = vector.shape_cast %get3A_812 : vector<1x1x16xf32> to vector<16xf32>
      %get3A_814 = arith.constant 0 : i32
      %get3A_815 = arith.index_cast %get3A_814 : i32 to index
      %get3A_816 = arith.index_cast %add3A_789 : i32 to index
      %get3A_817 = arith.constant 16 : index
      %get3A_818 = tpu.vector_load %arg8[%get3A_815, %get3A_816, %get3A_817] {strides = array<i32>} : memref<2x256x64xf32, #tpu.memory_space<vmem>>, vector<1x1x16xf32>,
      %get3A_819 = vector.shape_cast %get3A_818 : vector<1x1x16xf32> to vector<16xf32>
      %add3A_820 = arith.addf %get3A_813, %get3A_819 : vector<16xf32>
      %swap3A_821 = arith.constant 0 : i32
      %swap3A_822 = arith.index_cast %swap3A_821 : i32 to index
      %swap3A_823 = arith.index_cast %add3A_789 : i32 to index
      %swap3A_824 = arith.constant 16 : index
      %swap3A_825 = tpu.vector_load %arg7[%swap3A_822, %swap3A_823, %swap3A_824] {strides = array<i32>} : memref<2x256x64xf32, #tpu.memory_space<vmem>>, vector<1x1x16xf32>,
      %swap3A_826 = vector.shape_cast %swap3A_825 : vector<1x1x16xf32> to vector<16xf32>
      %swap3A_827 = vector.shape_cast %add3A_820 : vector<16xf32> to vector<1x1x16xf32>
      tpu.vector_store %arg7[%swap3A_822, %swap3A_823, %swap3A_824], %swap3A_827 {strides = array<i32>} : memref<2x256x64xf32, #tpu.memory_space<vmem>>, vector<1x1x16xf32>,
      %get3A_828 = arith.constant 0 : i32
      %get3A_829 = arith.index_cast %get3A_828 : i32 to index
      %get3A_830 = arith.index_cast %add3A_789 : i32 to index
      %get3A_831 = arith.constant 32 : index
      %get3A_832 = tpu.vector_load %arg7[%get3A_829, %get3A_830, %get3A_831] {strides = array<i32>} : memref<2x256x64xf32, #tpu.memory_space<vmem>>, vector<1x1x16xf32>,
      %get3A_833 = vector.shape_cast %get3A_832 : vector<1x1x16xf32> to vector<16xf32>
      %get3A_834 = arith.constant 0 : i32
      %get3A_835 = arith.index_cast %get3A_834 : i32 to index
      %get3A_836 = arith.index_cast %add3A_789 : i32 to index
      %get3A_837 = arith.constant 32 : index
      %get3A_838 = tpu.vector_load %arg8[%get3A_835, %get3A_836, %get3A_837] {strides = array<i32>} : memref<2x256x64xf32, #tpu.memory_space<vmem>>, vector<1x1x16xf32>,
      %get3A_839 = vector.shape_cast %get3A_838 : vector<1x1x16xf32> to vector<16xf32>
      %add3A_840 = arith.addf %get3A_833, %get3A_839 : vector<16xf32>
      %swap3A_841 = arith.constant 0 : i32
      %swap3A_842 = arith.index_cast %swap3A_841 : i32 to index
      %swap3A_843 = arith.index_cast %add3A_789 : i32 to index
      %swap3A_844 = arith.constant 32 : index
      %swap3A_845 = tpu.vector_load %arg7[%swap3A_842, %swap3A_843, %swap3A_844] {strides = array<i32>} : memref<2x256x64xf32, #tpu.memory_space<vmem>>, vector<1x1x16xf32>,
      %swap3A_846 = vector.shape_cast %swap3A_845 : vector<1x1x16xf32> to vector<16xf32>
      %swap3A_847 = vector.shape_cast %add3A_840 : vector<16xf32> to vector<1x1x16xf32>
      tpu.vector_store %arg7[%swap3A_842, %swap3A_843, %swap3A_844], %swap3A_847 {strides = array<i32>} : memref<2x256x64xf32, #tpu.memory_space<vmem>>, vector<1x1x16xf32>,
      %get3A_848 = arith.constant 0 : i32
      %get3A_849 = arith.index_cast %get3A_848 : i32 to index
      %get3A_850 = arith.index_cast %add3A_789 : i32 to index
      %get3A_851 = arith.constant 48 : index
      %get3A_852 = tpu.vector_load %arg7[%get3A_849, %get3A_850, %get3A_851] {strides = array<i32>} : memref<2x256x64xf32, #tpu.memory_space<vmem>>, vector<1x1x16xf32>,
      %get3A_853 = vector.shape_cast %get3A_852 : vector<1x1x16xf32> to vector<16xf32>
      %get3A_854 = arith.constant 0 : i32
      %get3A_855 = arith.index_cast %get3A_854 : i32 to index
      %get3A_856 = arith.index_cast %add3A_789 : i32 to index
      %get3A_857 = arith.constant 48 : index
      %get3A_858 = tpu.vector_load %arg8[%get3A_855, %get3A_856, %get3A_857] {strides = array<i32>} : memref<2x256x64xf32, #tpu.memory_space<vmem>>, vector<1x1x16xf32>,
      %get3A_859 = vector.shape_cast %get3A_858 : vector<1x1x16xf32> to vector<16xf32>
      %add3A_860 = arith.addf %get3A_853, %get3A_859 : vector<16xf32>
      %swap3A_861 = arith.constant 0 : i32
      %swap3A_862 = arith.index_cast %swap3A_861 : i32 to index
      %swap3A_863 = arith.index_cast %add3A_789 : i32 to index
      %swap3A_864 = arith.constant 48 : index
      %swap3A_865 = tpu.vector_load %arg7[%swap3A_862, %swap3A_863, %swap3A_864] {strides = array<i32>} : memref<2x256x64xf32, #tpu.memory_space<vmem>>, vector<1x1x16xf32>,
      %swap3A_866 = vector.shape_cast %swap3A_865 : vector<1x1x16xf32> to vector<16xf32>
      %swap3A_867 = vector.shape_cast %add3A_860 : vector<16xf32> to vector<1x1x16xf32>
      tpu.vector_store %arg7[%swap3A_862, %swap3A_863, %swap3A_864], %swap3A_867 {strides = array<i32>} : memref<2x256x64xf32, #tpu.memory_space<vmem>>, vector<1x1x16xf32>,
      %mul3A_868 = arith.constant 4 : i32
      %mul3A_869 = arith.muli %scan3A_785, %mul3A_868 : i32
      %add3A_870 = arith.constant 1 : i32
      %add3A_871 = arith.addi %mul3A_869, %add3A_870 : i32
      %get3A_872 = arith.constant 0 : i32
      %get3A_873 = arith.index_cast %get3A_872 : i32 to index
      %get3A_874 = arith.index_cast %add3A_871 : i32 to index
      %get3A_875 = arith.constant 0 : index
      %get3A_876 = tpu.vector_load %arg7[%get3A_873, %get3A_874, %get3A_875] {strides = array<i32>} : memref<2x256x64xf32, #tpu.memory_space<vmem>>, vector<1x1x16xf32>,
      %get3A_877 = vector.shape_cast %get3A_876 : vector<1x1x16xf32> to vector<16xf32>
      %get3A_878 = arith.constant 0 : i32
      %get3A_879 = arith.index_cast %get3A_878 : i32 to index
      %get3A_880 = arith.index_cast %add3A_871 : i32 to index
      %get3A_881 = arith.constant 0 : index
      %get3A_882 = tpu.vector_load %arg8[%get3A_879, %get3A_880, %get3A_881] {strides = array<i32>} : memref<2x256x64xf32, #tpu.memory_space<vmem>>, vector<1x1x16xf32>,
      %get3A_883 = vector.shape_cast %get3A_882 : vector<1x1x16xf32> to vector<16xf32>
      %add3A_884 = arith.addf %get3A_877, %get3A_883 : vector<16xf32>
      %swap3A_885 = arith.constant 0 : i32
      %swap3A_886 = arith.index_cast %swap3A_885 : i32 to index
      %swap3A_887 = arith.index_cast %add3A_871 : i32 to index
      %swap3A_888 = arith.constant 0 : index
      %swap3A_889 = tpu.vector_load %arg7[%swap3A_886, %swap3A_887, %swap3A_888] {strides = array<i32>} : memref<2x256x64xf32, #tpu.memory_space<vmem>>, vector<1x1x16xf32>,
      %swap3A_890 = vector.shape_cast %swap3A_889 : vector<1x1x16xf32> to vector<16xf32>
      %swap3A_891 = vector.shape_cast %add3A_884 : vector<16xf32> to vector<1x1x16xf32>
      tpu.vector_store %arg7[%swap3A_886, %swap3A_887, %swap3A_888], %swap3A_891 {strides = array<i32>} : memref<2x256x64xf32, #tpu.memory_space<vmem>>, vector<1x1x16xf32>,
      %get3A_892 = arith.constant 0 : i32
      %get3A_893 = arith.index_cast %get3A_892 : i32 to index
      %get3A_894 = arith.index_cast %add3A_871 : i32 to index
      %get3A_895 = arith.constant 16 : index
      %get3A_896 = tpu.vector_load %arg7[%get3A_893, %get3A_894, %get3A_895] {strides = array<i32>} : memref<2x256x64xf32, #tpu.memory_space<vmem>>, vector<1x1x16xf32>,
      %get3A_897 = vector.shape_cast %get3A_896 : vector<1x1x16xf32> to vector<16xf32>
      %get3A_898 = arith.constant 0 : i32
      %get3A_899 = arith.index_cast %get3A_898 : i32 to index
      %get3A_900 = arith.index_cast %add3A_871 : i32 to index
      %get3A_901 = arith.constant 16 : index
      %get3A_902 = tpu.vector_load %arg8[%get3A_899, %get3A_900, %get3A_901] {strides = array<i32>} : memref<2x256x64xf32, #tpu.memory_space<vmem>>, vector<1x1x16xf32>,
      %get3A_903 = vector.shape_cast %get3A_902 : vector<1x1x16xf32> to vector<16xf32>
      %add3A_904 = arith.addf %get3A_897, %get3A_903 : vector<16xf32>
      %swap3A_905 = arith.constant 0 : i32
      %swap3A_906 = arith.index_cast %swap3A_905 : i32 to index
      %swap3A_907 = arith.index_cast %add3A_871 : i32 to index
      %swap3A_908 = arith.constant 16 : index
      %swap3A_909 = tpu.vector_load %arg7[%swap3A_906, %swap3A_907, %swap3A_908] {strides = array<i32>} : memref<2x256x64xf32, #tpu.memory_space<vmem>>, vector<1x1x16xf32>,
      %swap3A_910 = vector.shape_cast %swap3A_909 : vector<1x1x16xf32> to vector<16xf32>
      %swap3A_911 = vector.shape_cast %add3A_904 : vector<16xf32> to vector<1x1x16xf32>
      tpu.vector_store %arg7[%swap3A_906, %swap3A_907, %swap3A_908], %swap3A_911 {strides = array<i32>} : memref<2x256x64xf32, #tpu.memory_space<vmem>>, vector<1x1x16xf32>,
      %get3A_912 = arith.constant 0 : i32
      %get3A_913 = arith.index_cast %get3A_912 : i32 to index
      %get3A_914 = arith.index_cast %add3A_871 : i32 to index
      %get3A_915 = arith.constant 32 : index
      %get3A_916 = tpu.vector_load %arg7[%get3A_913, %get3A_914, %get3A_915] {strides = array<i32>} : memref<2x256x64xf32, #tpu.memory_space<vmem>>, vector<1x1x16xf32>,
      %get3A_917 = vector.shape_cast %get3A_916 : vector<1x1x16xf32> to vector<16xf32>
      %get3A_918 = arith.constant 0 : i32
      %get3A_919 = arith.index_cast %get3A_918 : i32 to index
      %get3A_920 = arith.index_cast %add3A_871 : i32 to index
      %get3A_921 = arith.constant 32 : index
      %get3A_922 = tpu.vector_load %arg8[%get3A_919, %get3A_920, %get3A_921] {strides = array<i32>} : memref<2x256x64xf32, #tpu.memory_space<vmem>>, vector<1x1x16xf32>,
      %get3A_923 = vector.shape_cast %get3A_922 : vector<1x1x16xf32> to vector<16xf32>
      %add3A_924 = arith.addf %get3A_917, %get3A_923 : vector<16xf32>
      %swap3A_925 = arith.constant 0 : i32
      %swap3A_926 = arith.index_cast %swap3A_925 : i32 to index
      %swap3A_927 = arith.index_cast %add3A_871 : i32 to index
      %swap3A_928 = arith.constant 32 : index
      %swap3A_929 = tpu.vector_load %arg7[%swap3A_926, %swap3A_927, %swap3A_928] {strides = array<i32>} : memref<2x256x64xf32, #tpu.memory_space<vmem>>, vector<1x1x16xf32>,
      %swap3A_930 = vector.shape_cast %swap3A_929 : vector<1x1x16xf32> to vector<16xf32>
      %swap3A_931 = vector.shape_cast %add3A_924 : vector<16xf32> to vector<1x1x16xf32>
      tpu.vector_store %arg7[%swap3A_926, %swap3A_927, %swap3A_928], %swap3A_931 {strides = array<i32>} : memref<2x256x64xf32, #tpu.memory_space<vmem>>, vector<1x1x16xf32>,
      %get3A_932 = arith.constant 0 : i32
      %get3A_933 = arith.index_cast %get3A_932 : i32 to index
      %get3A_934 = arith.index_cast %add3A_871 : i32 to index
      %get3A_935 = arith.constant 48 : index
      %get3A_936 = tpu.vector_load %arg7[%get3A_933, %get3A_934, %get3A_935] {strides = array<i32>} : memref<2x256x64xf32, #tpu.memory_space<vmem>>, vector<1x1x16xf32>,
      %get3A_937 = vector.shape_cast %get3A_936 : vector<1x1x16xf32> to vector<16xf32>
      %get3A_938 = arith.constant 0 : i32
      %get3A_939 = arith.index_cast %get3A_938 : i32 to index
      %get3A_940 = arith.index_cast %add3A_871 : i32 to index
      %get3A_941 = arith.constant 48 : index
      %get3A_942 = tpu.vector_load %arg8[%get3A_939, %get3A_940, %get3A_941] {strides = array<i32>} : memref<2x256x64xf32, #tpu.memory_space<vmem>>, vector<1x1x16xf32>,
      %get3A_943 = vector.shape_cast %get3A_942 : vector<1x1x16xf32> to vector<16xf32>
      %add3A_944 = arith.addf %get3A_937, %get3A_943 : vector<16xf32>
      %swap3A_945 = arith.constant 0 : i32
      %swap3A_946 = arith.index_cast %swap3A_945 : i32 to index
      %swap3A_947 = arith.index_cast %add3A_871 : i32 to index
      %swap3A_948 = arith.constant 48 : index
      %swap3A_949 = tpu.vector_load %arg7[%swap3A_946, %swap3A_947, %swap3A_948] {strides = array<i32>} : memref<2x256x64xf32, #tpu.memory_space<vmem>>, vector<1x1x16xf32>,
      %swap3A_950 = vector.shape_cast %swap3A_949 : vector<1x1x16xf32> to vector<16xf32>
      %swap3A_951 = vector.shape_cast %add3A_944 : vector<16xf32> to vector<1x1x16xf32>
      tpu.vector_store %arg7[%swap3A_946, %swap3A_947, %swap3A_948], %swap3A_951 {strides = array<i32>} : memref<2x256x64xf32, #tpu.memory_space<vmem>>, vector<1x1x16xf32>,
      %mul3A_952 = arith.constant 4 : i32
      %mul3A_953 = arith.muli %scan3A_785, %mul3A_952 : i32
      %add3A_954 = arith.constant 2 : i32
      %add3A_955 = arith.addi %mul3A_953, %add3A_954 : i32
      %get3A_956 = arith.constant 0 : i32
      %get3A_957 = arith.index_cast %get3A_956 : i32 to index
      %get3A_958 = arith.index_cast %add3A_955 : i32 to index
      %get3A_959 = arith.constant 0 : index
      %get3A_960 = tpu.vector_load %arg7[%get3A_957, %get3A_958, %get3A_959] {strides = array<i32>} : memref<2x256x64xf32, #tpu.memory_space<vmem>>, vector<1x1x16xf32>,
      %get3A_961 = vector.shape_cast %get3A_960 : vector<1x1x16xf32> to vector<16xf32>
      %get3A_962 = arith.constant 0 : i32
      %get3A_963 = arith.index_cast %get3A_962 : i32 to index
      %get3A_964 = arith.index_cast %add3A_955 : i32 to index
      %get3A_965 = arith.constant 0 : index
      %get3A_966 = tpu.vector_load %arg8[%get3A_963, %get3A_964, %get3A_965] {strides = array<i32>} : memref<2x256x64xf32, #tpu.memory_space<vmem>>, vector<1x1x16xf32>,
      %get3A_967 = vector.shape_cast %get3A_966 : vector<1x1x16xf32> to vector<16xf32>
      %add3A_968 = arith.addf %get3A_961, %get3A_967 : vector<16xf32>
      %swap3A_969 = arith.constant 0 : i32
      %swap3A_970 = arith.index_cast %swap3A_969 : i32 to index
      %swap3A_971 = arith.index_cast %add3A_955 : i32 to index
      %swap3A_972 = arith.constant 0 : index
      %swap3A_973 = tpu.vector_load %arg7[%swap3A_970, %swap3A_971, %swap3A_972] {strides = array<i32>} : memref<2x256x64xf32, #tpu.memory_space<vmem>>, vector<1x1x16xf32>,
      %swap3A_974 = vector.shape_cast %swap3A_973 : vector<1x1x16xf32> to vector<16xf32>
      %swap3A_975 = vector.shape_cast %add3A_968 : vector<16xf32> to vector<1x1x16xf32>
      tpu.vector_store %arg7[%swap3A_970, %swap3A_971, %swap3A_972], %swap3A_975 {strides = array<i32>} : memref<2x256x64xf32, #tpu.memory_space<vmem>>, vector<1x1x16xf32>,
      %get3A_976 = arith.constant 0 : i32
      %get3A_977 = arith.index_cast %get3A_976 : i32 to index
      %get3A_978 = arith.index_cast %add3A_955 : i32 to index
      %get3A_979 = arith.constant 16 : index
      %get3A_980 = tpu.vector_load %arg7[%get3A_977, %get3A_978, %get3A_979] {strides = array<i32>} : memref<2x256x64xf32, #tpu.memory_space<vmem>>, vector<1x1x16xf32>,
      %get3A_981 = vector.shape_cast %get3A_980 : vector<1x1x16xf32> to vector<16xf32>
      %get3A_982 = arith.constant 0 : i32
      %get3A_983 = arith.index_cast %get3A_982 : i32 to index
      %get3A_984 = arith.index_cast %add3A_955 : i32 to index
      %get3A_985 = arith.constant 16 : index
      %get3A_986 = tpu.vector_load %arg8[%get3A_983, %get3A_984, %get3A_985] {strides = array<i32>} : memref<2x256x64xf32, #tpu.memory_space<vmem>>, vector<1x1x16xf32>,
      %get3A_987 = vector.shape_cast %get3A_986 : vector<1x1x16xf32> to vector<16xf32>
      %add3A_988 = arith.addf %get3A_981, %get3A_987 : vector<16xf32>
      %swap3A_989 = arith.constant 0 : i32
      %swap3A_990 = arith.index_cast %swap3A_989 : i32 to index
      %swap3A_991 = arith.index_cast %add3A_955 : i32 to index
      %swap3A_992 = arith.constant 16 : index
      %swap3A_993 = tpu.vector_load %arg7[%swap3A_990, %swap3A_991, %swap3A_992] {strides = array<i32>} : memref<2x256x64xf32, #tpu.memory_space<vmem>>, vector<1x1x16xf32>,
      %swap3A_994 = vector.shape_cast %swap3A_993 : vector<1x1x16xf32> to vector<16xf32>
      %swap3A_995 = vector.shape_cast %add3A_988 : vector<16xf32> to vector<1x1x16xf32>
      tpu.vector_store %arg7[%swap3A_990, %swap3A_991, %swap3A_992], %swap3A_995 {strides = array<i32>} : memref<2x256x64xf32, #tpu.memory_space<vmem>>, vector<1x1x16xf32>,
      %get3A_996 = arith.constant 0 : i32
      %get3A_997 = arith.index_cast %get3A_996 : i32 to index
      %get3A_998 = arith.index_cast %add3A_955 : i32 to index
      %get3A_999 = arith.constant 32 : index
      %get3A_1000 = tpu.vector_load %arg7[%get3A_997, %get3A_998, %get3A_999] {strides = array<i32>} : memref<2x256x64xf32, #tpu.memory_space<vmem>>, vector<1x1x16xf32>,
      %get3A_1001 = vector.shape_cast %get3A_1000 : vector<1x1x16xf32> to vector<16xf32>
      %get3A_1002 = arith.constant 0 : i32
      %get3A_1003 = arith.index_cast %get3A_1002 : i32 to index
      %get3A_1004 = arith.index_cast %add3A_955 : i32 to index
      %get3A_1005 = arith.constant 32 : index
      %get3A_1006 = tpu.vector_load %arg8[%get3A_1003, %get3A_1004, %get3A_1005] {strides = array<i32>} : memref<2x256x64xf32, #tpu.memory_space<vmem>>, vector<1x1x16xf32>,
      %get3A_1007 = vector.shape_cast %get3A_1006 : vector<1x1x16xf32> to vector<16xf32>
      %add3A_1008 = arith.addf %get3A_1001, %get3A_1007 : vector<16xf32>
      %swap3A_1009 = arith.constant 0 : i32
      %swap3A_1010 = arith.index_cast %swap3A_1009 : i32 to index
      %swap3A_1011 = arith.index_cast %add3A_955 : i32 to index
      %swap3A_1012 = arith.constant 32 : index
      %swap3A_1013 = tpu.vector_load %arg7[%swap3A_1010, %swap3A_1011, %swap3A_1012] {strides = array<i32>} : memref<2x256x64xf32, #tpu.memory_space<vmem>>, vector<1x1x16xf32>,
      %swap3A_1014 = vector.shape_cast %swap3A_1013 : vector<1x1x16xf32> to vector<16xf32>
      %swap3A_1015 = vector.shape_cast %add3A_1008 : vector<16xf32> to vector<1x1x16xf32>
      tpu.vector_store %arg7[%swap3A_1010, %swap3A_1011, %swap3A_1012], %swap3A_1015 {strides = array<i32>} : memref<2x256x64xf32, #tpu.memory_space<vmem>>, vector<1x1x16xf32>,
      %get3A_1016 = arith.constant 0 : i32
      %get3A_1017 = arith.index_cast %get3A_1016 : i32 to index
      %get3A_1018 = arith.index_cast %add3A_955 : i32 to index
      %get3A_1019 = arith.constant 48 : index
      %get3A_1020 = tpu.vector_load %arg7[%get3A_1017, %get3A_1018, %get3A_1019] {strides = array<i32>} : memref<2x256x64xf32, #tpu.memory_space<vmem>>, vector<1x1x16xf32>,
      %get3A_1021 = vector.shape_cast %get3A_1020 : vector<1x1x16xf32> to vector<16xf32>
      %get3A_1022 = arith.constant 0 : i32
      %get3A_1023 = arith.index_cast %get3A_1022 : i32 to index
      %get3A_1024 = arith.index_cast %add3A_955 : i32 to index
      %get3A_1025 = arith.constant 48 : index
      %get3A_1026 = tpu.vector_load %arg8[%get3A_1023, %get3A_1024, %get3A_1025] {strides = array<i32>} : memref<2x256x64xf32, #tpu.memory_space<vmem>>, vector<1x1x16xf32>,
      %get3A_1027 = vector.shape_cast %get3A_1026 : vector<1x1x16xf32> to vector<16xf32>
      %add3A_1028 = arith.addf %get3A_1021, %get3A_1027 : vector<16xf32>
      %swap3A_1029 = arith.constant 0 : i32
      %swap3A_1030 = arith.index_cast %swap3A_1029 : i32 to index
      %swap3A_1031 = arith.index_cast %add3A_955 : i32 to index
      %swap3A_1032 = arith.constant 48 : index
      %swap3A_1033 = tpu.vector_load %arg7[%swap3A_1030, %swap3A_1031, %swap3A_1032] {strides = array<i32>} : memref<2x256x64xf32, #tpu.memory_space<vmem>>, vector<1x1x16xf32>,
      %swap3A_1034 = vector.shape_cast %swap3A_1033 : vector<1x1x16xf32> to vector<16xf32>
      %swap3A_1035 = vector.shape_cast %add3A_1028 : vector<16xf32> to vector<1x1x16xf32>
      tpu.vector_store %arg7[%swap3A_1030, %swap3A_1031, %swap3A_1032], %swap3A_1035 {strides = array<i32>} : memref<2x256x64xf32, #tpu.memory_space<vmem>>, vector<1x1x16xf32>,
      %mul3A_1036 = arith.constant 4 : i32
      %mul3A_1037 = arith.muli %scan3A_785, %mul3A_1036 : i32
      %add3A_1038 = arith.constant 3 : i32
      %add3A_1039 = arith.addi %mul3A_1037, %add3A_1038 : i32
      %get3A_1040 = arith.constant 0 : i32
      %get3A_1041 = arith.index_cast %get3A_1040 : i32 to index
      %get3A_1042 = arith.index_cast %add3A_1039 : i32 to index
      %get3A_1043 = arith.constant 0 : index
      %get3A_1044 = tpu.vector_load %arg7[%get3A_1041, %get3A_1042, %get3A_1043] {strides = array<i32>} : memref<2x256x64xf32, #tpu.memory_space<vmem>>, vector<1x1x16xf32>,
      %get3A_1045 = vector.shape_cast %get3A_1044 : vector<1x1x16xf32> to vector<16xf32>
      %get3A_1046 = arith.constant 0 : i32
      %get3A_1047 = arith.index_cast %get3A_1046 : i32 to index
      %get3A_1048 = arith.index_cast %add3A_1039 : i32 to index
      %get3A_1049 = arith.constant 0 : index
      %get3A_1050 = tpu.vector_load %arg8[%get3A_1047, %get3A_1048, %get3A_1049] {strides = array<i32>} : memref<2x256x64xf32, #tpu.memory_space<vmem>>, vector<1x1x16xf32>,
      %get3A_1051 = vector.shape_cast %get3A_1050 : vector<1x1x16xf32> to vector<16xf32>
      %add3A_1052 = arith.addf %get3A_1045, %get3A_1051 : vector<16xf32>
      %swap3A_1053 = arith.constant 0 : i32
      %swap3A_1054 = arith.index_cast %swap3A_1053 : i32 to index
      %swap3A_1055 = arith.index_cast %add3A_1039 : i32 to index
      %swap3A_1056 = arith.constant 0 : index
      %swap3A_1057 = tpu.vector_load %arg7[%swap3A_1054, %swap3A_1055, %swap3A_1056] {strides = array<i32>} : memref<2x256x64xf32, #tpu.memory_space<vmem>>, vector<1x1x16xf32>,
      %swap3A_1058 = vector.shape_cast %swap3A_1057 : vector<1x1x16xf32> to vector<16xf32>
      %swap3A_1059 = vector.shape_cast %add3A_1052 : vector<16xf32> to vector<1x1x16xf32>
      tpu.vector_store %arg7[%swap3A_1054, %swap3A_1055, %swap3A_1056], %swap3A_1059 {strides = array<i32>} : memref<2x256x64xf32, #tpu.memory_space<vmem>>, vector<1x1x16xf32>,
      %get3A_1060 = arith.constant 0 : i32
      %get3A_1061 = arith.index_cast %get3A_1060 : i32 to index
      %get3A_1062 = arith.index_cast %add3A_1039 : i32 to index
      %get3A_1063 = arith.constant 16 : index
      %get3A_1064 = tpu.vector_load %arg7[%get3A_1061, %get3A_1062, %get3A_1063] {strides = array<i32>} : memref<2x256x64xf32, #tpu.memory_space<vmem>>, vector<1x1x16xf32>,
      %get3A_1065 = vector.shape_cast %get3A_1064 : vector<1x1x16xf32> to vector<16xf32>
      %get3A_1066 = arith.constant 0 : i32
      %get3A_1067 = arith.index_cast %get3A_1066 : i32 to index
      %get3A_1068 = arith.index_cast %add3A_1039 : i32 to index
      %get3A_1069 = arith.constant 16 : index
      %get3A_1070 = tpu.vector_load %arg8[%get3A_1067, %get3A_1068, %get3A_1069] {strides = array<i32>} : memref<2x256x64xf32, #tpu.memory_space<vmem>>, vector<1x1x16xf32>,
      %get3A_1071 = vector.shape_cast %get3A_1070 : vector<1x1x16xf32> to vector<16xf32>
      %add3A_1072 = arith.addf %get3A_1065, %get3A_1071 : vector<16xf32>
      %swap3A_1073 = arith.constant 0 : i32
      %swap3A_1074 = arith.index_cast %swap3A_1073 : i32 to index
      %swap3A_1075 = arith.index_cast %add3A_1039 : i32 to index
      %swap3A_1076 = arith.constant 16 : index
      %swap3A_1077 = tpu.vector_load %arg7[%swap3A_1074, %swap3A_1075, %swap3A_1076] {strides = array<i32>} : memref<2x256x64xf32, #tpu.memory_space<vmem>>, vector<1x1x16xf32>,
      %swap3A_1078 = vector.shape_cast %swap3A_1077 : vector<1x1x16xf32> to vector<16xf32>
      %swap3A_1079 = vector.shape_cast %add3A_1072 : vector<16xf32> to vector<1x1x16xf32>
      tpu.vector_store %arg7[%swap3A_1074, %swap3A_1075, %swap3A_1076], %swap3A_1079 {strides = array<i32>} : memref<2x256x64xf32, #tpu.memory_space<vmem>>, vector<1x1x16xf32>,
      %get3A_1080 = arith.constant 0 : i32
      %get3A_1081 = arith.index_cast %get3A_1080 : i32 to index
      %get3A_1082 = arith.index_cast %add3A_1039 : i32 to index
      %get3A_1083 = arith.constant 32 : index
      %get3A_1084 = tpu.vector_load %arg7[%get3A_1081, %get3A_1082, %get3A_1083] {strides = array<i32>} : memref<2x256x64xf32, #tpu.memory_space<vmem>>, vector<1x1x16xf32>,
      %get3A_1085 = vector.shape_cast %get3A_1084 : vector<1x1x16xf32> to vector<16xf32>
      %get3A_1086 = arith.constant 0 : i32
      %get3A_1087 = arith.index_cast %get3A_1086 : i32 to index
      %get3A_1088 = arith.index_cast %add3A_1039 : i32 to index
      %get3A_1089 = arith.constant 32 : index
      %get3A_1090 = tpu.vector_load %arg8[%get3A_1087, %get3A_1088, %get3A_1089] {strides = array<i32>} : memref<2x256x64xf32, #tpu.memory_space<vmem>>, vector<1x1x16xf32>,
      %get3A_1091 = vector.shape_cast %get3A_1090 : vector<1x1x16xf32> to vector<16xf32>
      %add3A_1092 = arith.addf %get3A_1085, %get3A_1091 : vector<16xf32>
      %swap3A_1093 = arith.constant 0 : i32
      %swap3A_1094 = arith.index_cast %swap3A_1093 : i32 to index
      %swap3A_1095 = arith.index_cast %add3A_1039 : i32 to index
      %swap3A_1096 = arith.constant 32 : index
      %swap3A_1097 = tpu.vector_load %arg7[%swap3A_1094, %swap3A_1095, %swap3A_1096] {strides = array<i32>} : memref<2x256x64xf32, #tpu.memory_space<vmem>>, vector<1x1x16xf32>,
      %swap3A_1098 = vector.shape_cast %swap3A_1097 : vector<1x1x16xf32> to vector<16xf32>
      %swap3A_1099 = vector.shape_cast %add3A_1092 : vector<16xf32> to vector<1x1x16xf32>
      tpu.vector_store %arg7[%swap3A_1094, %swap3A_1095, %swap3A_1096], %swap3A_1099 {strides = array<i32>} : memref<2x256x64xf32, #tpu.memory_space<vmem>>, vector<1x1x16xf32>,
      %get3A_1100 = arith.constant 0 : i32
      %get3A_1101 = arith.index_cast %get3A_1100 : i32 to index
      %get3A_1102 = arith.index_cast %add3A_1039 : i32 to index
      %get3A_1103 = arith.constant 48 : index
      %get3A_1104 = tpu.vector_load %arg7[%get3A_1101, %get3A_1102, %get3A_1103] {strides = array<i32>} : memref<2x256x64xf32, #tpu.memory_space<vmem>>, vector<1x1x16xf32>,
      %get3A_1105 = vector.shape_cast %get3A_1104 : vector<1x1x16xf32> to vector<16xf32>
      %get3A_1106 = arith.constant 0 : i32
      %get3A_1107 = arith.index_cast %get3A_1106 : i32 to index
      %get3A_1108 = arith.index_cast %add3A_1039 : i32 to index
      %get3A_1109 = arith.constant 48 : index
      %get3A_1110 = tpu.vector_load %arg8[%get3A_1107, %get3A_1108, %get3A_1109] {strides = array<i32>} : memref<2x256x64xf32, #tpu.memory_space<vmem>>, vector<1x1x16xf32>,
      %get3A_1111 = vector.shape_cast %get3A_1110 : vector<1x1x16xf32> to vector<16xf32>
      %add3A_1112 = arith.addf %get3A_1105, %get3A_1111 : vector<16xf32>
      %swap3A_1113 = arith.constant 0 : i32
      %swap3A_1114 = arith.index_cast %swap3A_1113 : i32 to index
      %swap3A_1115 = arith.index_cast %add3A_1039 : i32 to index
      %swap3A_1116 = arith.constant 48 : index
      %swap3A_1117 = tpu.vector_load %arg7[%swap3A_1114, %swap3A_1115, %swap3A_1116] {strides = array<i32>} : memref<2x256x64xf32, #tpu.memory_space<vmem>>, vector<1x1x16xf32>,
      %swap3A_1118 = vector.shape_cast %swap3A_1117 : vector<1x1x16xf32> to vector<16xf32>
      %swap3A_1119 = vector.shape_cast %add3A_1112 : vector<16xf32> to vector<1x1x16xf32>
      tpu.vector_store %arg7[%swap3A_1114, %swap3A_1115, %swap3A_1116], %swap3A_1119 {strides = array<i32>} : memref<2x256x64xf32, #tpu.memory_space<vmem>>, vector<1x1x16xf32>,
    }
    %scan3A_650 = arith.constant 64 : i32
    %add3A_651 = arith.constant 196 : i32
    %add3A_652 = arith.addi %mul3A_2, %add3A_651 : i32
    %mul3A_653 = arith.constant 128 : i32
    %mul3A_654 = arith.muli %add3A_652, %mul3A_653 : i32
    %dma_start3A_655 = arith.constant 0 : i32
    %dma_start3A_656 = arith.constant 0 : i32
    %dma_start3A_657 = arith.constant 0 : i32
    %dma_start3A_658 = tpu.memref_slice %arg7[%dma_start3A_655, %dma_start3A_656, %dma_start3A_657] : memref<2x256x64xf32, #tpu.memory_space<vmem>> -> memref<1x256x64xf32, #tpu.memory_space<vmem>>
    %dma_start3A_659 = tpu.memref_squeeze %dma_start3A_658 : memref<1x256x64xf32, #tpu.memory_space<vmem>> -> memref<256x64xf32, #tpu.memory_space<vmem>>
    %dma_start3A_660 = arith.constant 0 : i32
    %dma_start3A_661 = tpu.memref_slice %arg5[%mul3A_654, %dma_start3A_660] : memref<819200x128xf32, #tpu.memory_space<hbm>> -> memref<256x64xf32, #tpu.memory_space<hbm>>
    %dma_start3A_662 = arith.constant 0 : i32
    %dma_start3A_663 = tpu.memref_slice %arg5[%mul3A_654, %dma_start3A_662] : memref<819200x128xf32, #tpu.memory_space<hbm>> -> memref<256x64xf32, #tpu.memory_space<hbm>>
    %dma_start3A_664 = arith.constant 0 : i32
    %dma_start3A_665 = arith.constant 0 : i32
    %dma_start3A_666 = tpu.memref_slice %arg7[%dma_start3A_655, %dma_start3A_664, %dma_start3A_665] : memref<2x256x64xf32, #tpu.memory_space<vmem>> -> memref<1x256x64xf32, #tpu.memory_space<vmem>>
    %dma_start3A_667 = tpu.memref_squeeze %dma_start3A_666 : memref<1x256x64xf32, #tpu.memory_space<vmem>> -> memref<256x64xf32, #tpu.memory_space<vmem>>
    tpu.enqueue_dma source(%dma_start3A_667 : memref<256x64xf32, #tpu.memory_space<vmem>>) target(%dma_start3A_663 : memref<256x64xf32, #tpu.memory_space<hbm>>) target_semaphore(%arg10 : memref<!tpu.dma_semaphore, #tpu.memory_space<semaphore_mem>>)
    %dma_wait3A_668 = arith.constant 1 : i32
    %dma_wait3A_669 = arith.constant 0 : i32
    %dma_wait3A_670 = arith.constant 0 : i32
    %dma_wait3A_671 = tpu.memref_slice %arg7[%dma_wait3A_668, %dma_wait3A_669, %dma_wait3A_670] : memref<2x256x64xf32, #tpu.memory_space<vmem>> -> memref<1x128x64xf32, #tpu.memory_space<vmem>>
    %dma_wait3A_672 = tpu.memref_squeeze %dma_wait3A_671 : memref<1x128x64xf32, #tpu.memory_space<vmem>> -> memref<128x64xf32, #tpu.memory_space<vmem>>
    %dma_wait3A_673 = arith.constant 0 : i32
    %dma_wait3A_674 = arith.constant 0 : i32
    %dma_wait3A_675 = tpu.memref_slice %arg5[%dma_wait3A_673, %dma_wait3A_674] : memref<819200x128xf32, #tpu.memory_space<hbm>> -> memref<128x128xf32, #tpu.memory_space<hbm>>
    %dma_wait3A_676 = arith.constant 0 : i32
    %dma_wait3A_677 = arith.constant 0 : i32
    %dma_wait3A_678 = tpu.memref_slice %arg7[%dma_wait3A_668, %dma_wait3A_676, %dma_wait3A_677] : memref<2x256x64xf32, #tpu.memory_space<vmem>> -> memref<1x128x64xf32, #tpu.memory_space<vmem>>
    %dma_wait3A_679 = tpu.memref_squeeze %dma_wait3A_678 : memref<1x128x64xf32, #tpu.memory_space<vmem>> -> memref<128x64xf32, #tpu.memory_space<vmem>>
    %dma_wait3A_680 = arith.constant 0 : i32
    %dma_wait3A_681 = arith.constant 0 : i32
    %dma_wait3A_682 = tpu.memref_slice %arg5[%dma_wait3A_680, %dma_wait3A_681] : memref<819200x128xf32, #tpu.memory_space<hbm>> -> memref<128x128xf32, #tpu.memory_space<hbm>>
    tpu.wait_dma2 semaphore(%arg9 : memref<!tpu.dma_semaphore, #tpu.memory_space<semaphore_mem>>) src(%dma_wait3A_682 : memref<128x128xf32, #tpu.memory_space<hbm>>) dst(%dma_wait3A_679 : memref<128x64xf32, #tpu.memory_space<vmem>>)
    %dma_wait3A_683 = arith.constant 1 : i32
    %dma_wait3A_684 = arith.constant 0 : i32
    %dma_wait3A_685 = arith.constant 0 : i32
    %dma_wait3A_686 = tpu.memref_slice %arg8[%dma_wait3A_683, %dma_wait3A_684, %dma_wait3A_685] : memref<2x256x64xf32, #tpu.memory_space<vmem>> -> memref<1x128x64xf32, #tpu.memory_space<vmem>>
    %dma_wait3A_687 = tpu.memref_squeeze %dma_wait3A_686 : memref<1x128x64xf32, #tpu.memory_space<vmem>> -> memref<128x64xf32, #tpu.memory_space<vmem>>
    %dma_wait3A_688 = arith.constant 0 : i32
    %dma_wait3A_689 = arith.constant 0 : i32
    %dma_wait3A_690 = tpu.memref_slice %arg5[%dma_wait3A_688, %dma_wait3A_689] : memref<819200x128xf32, #tpu.memory_space<hbm>> -> memref<128x128xf32, #tpu.memory_space<hbm>>
    %dma_wait3A_691 = arith.constant 0 : i32
    %dma_wait3A_692 = arith.constant 0 : i32
    %dma_wait3A_693 = tpu.memref_slice %arg8[%dma_wait3A_683, %dma_wait3A_691, %dma_wait3A_692] : memref<2x256x64xf32, #tpu.memory_space<vmem>> -> memref<1x128x64xf32, #tpu.memory_space<vmem>>
    %dma_wait3A_694 = tpu.memref_squeeze %dma_wait3A_693 : memref<1x128x64xf32, #tpu.memory_space<vmem>> -> memref<128x64xf32, #tpu.memory_space<vmem>>
    %dma_wait3A_695 = arith.constant 0 : i32
    %dma_wait3A_696 = arith.constant 0 : i32
    %dma_wait3A_697 = tpu.memref_slice %arg5[%dma_wait3A_695, %dma_wait3A_696] : memref<819200x128xf32, #tpu.memory_space<hbm>> -> memref<128x128xf32, #tpu.memory_space<hbm>>
    tpu.wait_dma2 semaphore(%arg9 : memref<!tpu.dma_semaphore, #tpu.memory_space<semaphore_mem>>) src(%dma_wait3A_697 : memref<128x128xf32, #tpu.memory_space<hbm>>) dst(%dma_wait3A_694 : memref<128x64xf32, #tpu.memory_space<vmem>>)
    %dma_wait3A_698 = arith.constant 1 : i32
    %dma_wait3A_699 = arith.constant 128 : i32
    %dma_wait3A_700 = arith.constant 0 : i32
    %dma_wait3A_701 = tpu.memref_slice %arg7[%dma_wait3A_698, %dma_wait3A_699, %dma_wait3A_700] : memref<2x256x64xf32, #tpu.memory_space<vmem>> -> memref<1x128x64xf32, #tpu.memory_space<vmem>>
    %dma_wait3A_702 = tpu.memref_squeeze %dma_wait3A_701 : memref<1x128x64xf32, #tpu.memory_space<vmem>> -> memref<128x64xf32, #tpu.memory_space<vmem>>
    %dma_wait3A_703 = arith.constant 0 : i32
    %dma_wait3A_704 = arith.constant 0 : i32
    %dma_wait3A_705 = tpu.memref_slice %arg5[%dma_wait3A_703, %dma_wait3A_704] : memref<819200x128xf32, #tpu.memory_space<hbm>> -> memref<128x128xf32, #tpu.memory_space<hbm>>
    %dma_wait3A_706 = arith.constant 128 : i32
    %dma_wait3A_707 = arith.constant 0 : i32
    %dma_wait3A_708 = tpu.memref_slice %arg7[%dma_wait3A_698, %dma_wait3A_706, %dma_wait3A_707] : memref<2x256x64xf32, #tpu.memory_space<vmem>> -> memref<1x128x64xf32, #tpu.memory_space<vmem>>
    %dma_wait3A_709 = tpu.memref_squeeze %dma_wait3A_708 : memref<1x128x64xf32, #tpu.memory_space<vmem>> -> memref<128x64xf32, #tpu.memory_space<vmem>>
    %dma_wait3A_710 = arith.constant 0 : i32
    %dma_wait3A_711 = arith.constant 0 : i32
    %dma_wait3A_712 = tpu.memref_slice %arg5[%dma_wait3A_710, %dma_wait3A_711] : memref<819200x128xf32, #tpu.memory_space<hbm>> -> memref<128x128xf32, #tpu.memory_space<hbm>>
    tpu.wait_dma2 semaphore(%arg9 : memref<!tpu.dma_semaphore, #tpu.memory_space<semaphore_mem>>) src(%dma_wait3A_712 : memref<128x128xf32, #tpu.memory_space<hbm>>) dst(%dma_wait3A_709 : memref<128x64xf32, #tpu.memory_space<vmem>>)
    %dma_wait3A_713 = arith.constant 1 : i32
    %dma_wait3A_714 = arith.constant 128 : i32
    %dma_wait3A_715 = arith.constant 0 : i32
    %dma_wait3A_716 = tpu.memref_slice %arg8[%dma_wait3A_713, %dma_wait3A_714, %dma_wait3A_715] : memref<2x256x64xf32, #tpu.memory_space<vmem>> -> memref<1x128x64xf32, #tpu.memory_space<vmem>>
    %dma_wait3A_717 = tpu.memref_squeeze %dma_wait3A_716 : memref<1x128x64xf32, #tpu.memory_space<vmem>> -> memref<128x64xf32, #tpu.memory_space<vmem>>
    %dma_wait3A_718 = arith.constant 0 : i32
    %dma_wait3A_719 = arith.constant 0 : i32
    %dma_wait3A_720 = tpu.memref_slice %arg5[%dma_wait3A_718, %dma_wait3A_719] : memref<819200x128xf32, #tpu.memory_space<hbm>> -> memref<128x128xf32, #tpu.memory_space<hbm>>
    %dma_wait3A_721 = arith.constant 128 : i32
    %dma_wait3A_722 = arith.constant 0 : i32
    %dma_wait3A_723 = tpu.memref_slice %arg8[%dma_wait3A_713, %dma_wait3A_721, %dma_wait3A_722] : memref<2x256x64xf32, #tpu.memory_space<vmem>> -> memref<1x128x64xf32, #tpu.memory_space<vmem>>
    %dma_wait3A_724 = tpu.memref_squeeze %dma_wait3A_723 : memref<1x128x64xf32, #tpu.memory_space<vmem>> -> memref<128x64xf32, #tpu.memory_space<vmem>>
    %dma_wait3A_725 = arith.constant 0 : i32
    %dma_wait3A_726 = arith.constant 0 : i32
    %dma_wait3A_727 = tpu.memref_slice %arg5[%dma_wait3A_725, %dma_wait3A_726] : memref<819200x128xf32, #tpu.memory_space<hbm>> -> memref<128x128xf32, #tpu.memory_space<hbm>>
    tpu.wait_dma2 semaphore(%arg9 : memref<!tpu.dma_semaphore, #tpu.memory_space<semaphore_mem>>) src(%dma_wait3A_727 : memref<128x128xf32, #tpu.memory_space<hbm>>) dst(%dma_wait3A_724 : memref<128x64xf32, #tpu.memory_space<vmem>>)
    %scan3A_728 = arith.constant 0 : i32
    %scan3A_729 = arith.constant 0 : i32
    %scan3A_730 = arith.constant 64 : i32
    %scan3A_731 = arith.addi %scan3A_729, %scan3A_730 : i32
    %scan3A_732 = arith.constant 1 : i32
    scf.for %scan3A_785 = %scan3A_729 to %scan3A_731 step %scan3A_732  : i32 {
      %mul3A_786 = arith.constant 4 : i32
      %mul3A_787 = arith.muli %scan3A_785, %mul3A_786 : i32
      %add3A_788 = arith.constant 0 : i32
      %add3A_789 = arith.addi %mul3A_787, %add3A_788 : i32
      %get3A = arith.constant 1 : i32
      %get3A_790 = arith.index_cast %get3A : i32 to index
      %get3A_791 = arith.index_cast %add3A_789 : i32 to index
      %get3A_792 = arith.constant 0 : index
      %get3A_793 = tpu.vector_load %arg7[%get3A_790, %get3A_791, %get3A_792] {strides = array<i32>} : memref<2x256x64xf32, #tpu.memory_space<vmem>>, vector<1x1x16xf32>,
      %get3A_794 = vector.shape_cast %get3A_793 : vector<1x1x16xf32> to vector<16xf32>
      %get3A_795 = arith.constant 1 : i32
      %get3A_796 = arith.index_cast %get3A_795 : i32 to index
      %get3A_797 = arith.index_cast %add3A_789 : i32 to index
      %get3A_798 = arith.constant 0 : index
      %get3A_799 = tpu.vector_load %arg8[%get3A_796, %get3A_797, %get3A_798] {strides = array<i32>} : memref<2x256x64xf32, #tpu.memory_space<vmem>>, vector<1x1x16xf32>,
      %get3A_800 = vector.shape_cast %get3A_799 : vector<1x1x16xf32> to vector<16xf32>
      %add3A_801 = arith.addf %get3A_794, %get3A_800 : vector<16xf32>
      %swap3A = arith.constant 1 : i32
      %swap3A_802 = arith.index_cast %swap3A : i32 to index
      %swap3A_803 = arith.index_cast %add3A_789 : i32 to index
      %swap3A_804 = arith.constant 0 : index
      %swap3A_805 = tpu.vector_load %arg7[%swap3A_802, %swap3A_803, %swap3A_804] {strides = array<i32>} : memref<2x256x64xf32, #tpu.memory_space<vmem>>, vector<1x1x16xf32>,
      %swap3A_806 = vector.shape_cast %swap3A_805 : vector<1x1x16xf32> to vector<16xf32>
      %swap3A_807 = vector.shape_cast %add3A_801 : vector<16xf32> to vector<1x1x16xf32>
      tpu.vector_store %arg7[%swap3A_802, %swap3A_803, %swap3A_804], %swap3A_807 {strides = array<i32>} : memref<2x256x64xf32, #tpu.memory_space<vmem>>, vector<1x1x16xf32>,
      %get3A_808 = arith.constant 1 : i32
      %get3A_809 = arith.index_cast %get3A_808 : i32 to index
      %get3A_810 = arith.index_cast %add3A_789 : i32 to index
      %get3A_811 = arith.constant 16 : index
      %get3A_812 = tpu.vector_load %arg7[%get3A_809, %get3A_810, %get3A_811] {strides = array<i32>} : memref<2x256x64xf32, #tpu.memory_space<vmem>>, vector<1x1x16xf32>,
      %get3A_813 = vector.shape_cast %get3A_812 : vector<1x1x16xf32> to vector<16xf32>
      %get3A_814 = arith.constant 1 : i32
      %get3A_815 = arith.index_cast %get3A_814 : i32 to index
      %get3A_816 = arith.index_cast %add3A_789 : i32 to index
      %get3A_817 = arith.constant 16 : index
      %get3A_818 = tpu.vector_load %arg8[%get3A_815, %get3A_816, %get3A_817] {strides = array<i32>} : memref<2x256x64xf32, #tpu.memory_space<vmem>>, vector<1x1x16xf32>,
      %get3A_819 = vector.shape_cast %get3A_818 : vector<1x1x16xf32> to vector<16xf32>
      %add3A_820 = arith.addf %get3A_813, %get3A_819 : vector<16xf32>
      %swap3A_821 = arith.constant 1 : i32
      %swap3A_822 = arith.index_cast %swap3A_821 : i32 to index
      %swap3A_823 = arith.index_cast %add3A_789 : i32 to index
      %swap3A_824 = arith.constant 16 : index
      %swap3A_825 = tpu.vector_load %arg7[%swap3A_822, %swap3A_823, %swap3A_824] {strides = array<i32>} : memref<2x256x64xf32, #tpu.memory_space<vmem>>, vector<1x1x16xf32>,
      %swap3A_826 = vector.shape_cast %swap3A_825 : vector<1x1x16xf32> to vector<16xf32>
      %swap3A_827 = vector.shape_cast %add3A_820 : vector<16xf32> to vector<1x1x16xf32>
      tpu.vector_store %arg7[%swap3A_822, %swap3A_823, %swap3A_824], %swap3A_827 {strides = array<i32>} : memref<2x256x64xf32, #tpu.memory_space<vmem>>, vector<1x1x16xf32>,
      %get3A_828 = arith.constant 1 : i32
      %get3A_829 = arith.index_cast %get3A_828 : i32 to index
      %get3A_830 = arith.index_cast %add3A_789 : i32 to index
      %get3A_831 = arith.constant 32 : index
      %get3A_832 = tpu.vector_load %arg7[%get3A_829, %get3A_830, %get3A_831] {strides = array<i32>} : memref<2x256x64xf32, #tpu.memory_space<vmem>>, vector<1x1x16xf32>,
      %get3A_833 = vector.shape_cast %get3A_832 : vector<1x1x16xf32> to vector<16xf32>
      %get3A_834 = arith.constant 1 : i32
      %get3A_835 = arith.index_cast %get3A_834 : i32 to index
      %get3A_836 = arith.index_cast %add3A_789 : i32 to index
      %get3A_837 = arith.constant 32 : index
      %get3A_838 = tpu.vector_load %arg8[%get3A_835, %get3A_836, %get3A_837] {strides = array<i32>} : memref<2x256x64xf32, #tpu.memory_space<vmem>>, vector<1x1x16xf32>,
      %get3A_839 = vector.shape_cast %get3A_838 : vector<1x1x16xf32> to vector<16xf32>
      %add3A_840 = arith.addf %get3A_833, %get3A_839 : vector<16xf32>
      %swap3A_841 = arith.constant 1 : i32
      %swap3A_842 = arith.index_cast %swap3A_841 : i32 to index
      %swap3A_843 = arith.index_cast %add3A_789 : i32 to index
      %swap3A_844 = arith.constant 32 : index
      %swap3A_845 = tpu.vector_load %arg7[%swap3A_842, %swap3A_843, %swap3A_844] {strides = array<i32>} : memref<2x256x64xf32, #tpu.memory_space<vmem>>, vector<1x1x16xf32>,
      %swap3A_846 = vector.shape_cast %swap3A_845 : vector<1x1x16xf32> to vector<16xf32>
      %swap3A_847 = vector.shape_cast %add3A_840 : vector<16xf32> to vector<1x1x16xf32>
      tpu.vector_store %arg7[%swap3A_842, %swap3A_843, %swap3A_844], %swap3A_847 {strides = array<i32>} : memref<2x256x64xf32, #tpu.memory_space<vmem>>, vector<1x1x16xf32>,
      %get3A_848 = arith.constant 1 : i32
      %get3A_849 = arith.index_cast %get3A_848 : i32 to index
      %get3A_850 = arith.index_cast %add3A_789 : i32 to index
      %get3A_851 = arith.constant 48 : index
      %get3A_852 = tpu.vector_load %arg7[%get3A_849, %get3A_850, %get3A_851] {strides = array<i32>} : memref<2x256x64xf32, #tpu.memory_space<vmem>>, vector<1x1x16xf32>,
      %get3A_853 = vector.shape_cast %get3A_852 : vector<1x1x16xf32> to vector<16xf32>
      %get3A_854 = arith.constant 1 : i32
      %get3A_855 = arith.index_cast %get3A_854 : i32 to index
      %get3A_856 = arith.index_cast %add3A_789 : i32 to index
      %get3A_857 = arith.constant 48 : index
      %get3A_858 = tpu.vector_load %arg8[%get3A_855, %get3A_856, %get3A_857] {strides = array<i32>} : memref<2x256x64xf32, #tpu.memory_space<vmem>>, vector<1x1x16xf32>,
      %get3A_859 = vector.shape_cast %get3A_858 : vector<1x1x16xf32> to vector<16xf32>
      %add3A_860 = arith.addf %get3A_853, %get3A_859 : vector<16xf32>
      %swap3A_861 = arith.constant 1 : i32
      %swap3A_862 = arith.index_cast %swap3A_861 : i32 to index
      %swap3A_863 = arith.index_cast %add3A_789 : i32 to index
      %swap3A_864 = arith.constant 48 : index
      %swap3A_865 = tpu.vector_load %arg7[%swap3A_862, %swap3A_863, %swap3A_864] {strides = array<i32>} : memref<2x256x64xf32, #tpu.memory_space<vmem>>, vector<1x1x16xf32>,
      %swap3A_866 = vector.shape_cast %swap3A_865 : vector<1x1x16xf32> to vector<16xf32>
      %swap3A_867 = vector.shape_cast %add3A_860 : vector<16xf32> to vector<1x1x16xf32>
      tpu.vector_store %arg7[%swap3A_862, %swap3A_863, %swap3A_864], %swap3A_867 {strides = array<i32>} : memref<2x256x64xf32, #tpu.memory_space<vmem>>, vector<1x1x16xf32>,
      %mul3A_868 = arith.constant 4 : i32
      %mul3A_869 = arith.muli %scan3A_785, %mul3A_868 : i32
      %add3A_870 = arith.constant 1 : i32
      %add3A_871 = arith.addi %mul3A_869, %add3A_870 : i32
      %get3A_872 = arith.constant 1 : i32
      %get3A_873 = arith.index_cast %get3A_872 : i32 to index
      %get3A_874 = arith.index_cast %add3A_871 : i32 to index
      %get3A_875 = arith.constant 0 : index
      %get3A_876 = tpu.vector_load %arg7[%get3A_873, %get3A_874, %get3A_875] {strides = array<i32>} : memref<2x256x64xf32, #tpu.memory_space<vmem>>, vector<1x1x16xf32>,
      %get3A_877 = vector.shape_cast %get3A_876 : vector<1x1x16xf32> to vector<16xf32>
      %get3A_878 = arith.constant 1 : i32
      %get3A_879 = arith.index_cast %get3A_878 : i32 to index
      %get3A_880 = arith.index_cast %add3A_871 : i32 to index
      %get3A_881 = arith.constant 0 : index
      %get3A_882 = tpu.vector_load %arg8[%get3A_879, %get3A_880, %get3A_881] {strides = array<i32>} : memref<2x256x64xf32, #tpu.memory_space<vmem>>, vector<1x1x16xf32>,
      %get3A_883 = vector.shape_cast %get3A_882 : vector<1x1x16xf32> to vector<16xf32>
      %add3A_884 = arith.addf %get3A_877, %get3A_883 : vector<16xf32>
      %swap3A_885 = arith.constant 1 : i32
      %swap3A_886 = arith.index_cast %swap3A_885 : i32 to index
      %swap3A_887 = arith.index_cast %add3A_871 : i32 to index
      %swap3A_888 = arith.constant 0 : index
      %swap3A_889 = tpu.vector_load %arg7[%swap3A_886, %swap3A_887, %swap3A_888] {strides = array<i32>} : memref<2x256x64xf32, #tpu.memory_space<vmem>>, vector<1x1x16xf32>,
      %swap3A_890 = vector.shape_cast %swap3A_889 : vector<1x1x16xf32> to vector<16xf32>
      %swap3A_891 = vector.shape_cast %add3A_884 : vector<16xf32> to vector<1x1x16xf32>
      tpu.vector_store %arg7[%swap3A_886, %swap3A_887, %swap3A_888], %swap3A_891 {strides = array<i32>} : memref<2x256x64xf32, #tpu.memory_space<vmem>>, vector<1x1x16xf32>,
      %get3A_892 = arith.constant 1 : i32
      %get3A_893 = arith.index_cast %get3A_892 : i32 to index
      %get3A_894 = arith.index_cast %add3A_871 : i32 to index
      %get3A_895 = arith.constant 16 : index
      %get3A_896 = tpu.vector_load %arg7[%get3A_893, %get3A_894, %get3A_895] {strides = array<i32>} : memref<2x256x64xf32, #tpu.memory_space<vmem>>, vector<1x1x16xf32>,
      %get3A_897 = vector.shape_cast %get3A_896 : vector<1x1x16xf32> to vector<16xf32>
      %get3A_898 = arith.constant 1 : i32
      %get3A_899 = arith.index_cast %get3A_898 : i32 to index
      %get3A_900 = arith.index_cast %add3A_871 : i32 to index
      %get3A_901 = arith.constant 16 : index
      %get3A_902 = tpu.vector_load %arg8[%get3A_899, %get3A_900, %get3A_901] {strides = array<i32>} : memref<2x256x64xf32, #tpu.memory_space<vmem>>, vector<1x1x16xf32>,
      %get3A_903 = vector.shape_cast %get3A_902 : vector<1x1x16xf32> to vector<16xf32>
      %add3A_904 = arith.addf %get3A_897, %get3A_903 : vector<16xf32>
      %swap3A_905 = arith.constant 1 : i32
      %swap3A_906 = arith.index_cast %swap3A_905 : i32 to index
      %swap3A_907 = arith.index_cast %add3A_871 : i32 to index
      %swap3A_908 = arith.constant 16 : index
      %swap3A_909 = tpu.vector_load %arg7[%swap3A_906, %swap3A_907, %swap3A_908] {strides = array<i32>} : memref<2x256x64xf32, #tpu.memory_space<vmem>>, vector<1x1x16xf32>,
      %swap3A_910 = vector.shape_cast %swap3A_909 : vector<1x1x16xf32> to vector<16xf32>
      %swap3A_911 = vector.shape_cast %add3A_904 : vector<16xf32> to vector<1x1x16xf32>
      tpu.vector_store %arg7[%swap3A_906, %swap3A_907, %swap3A_908], %swap3A_911 {strides = array<i32>} : memref<2x256x64xf32, #tpu.memory_space<vmem>>, vector<1x1x16xf32>,
      %get3A_912 = arith.constant 1 : i32
      %get3A_913 = arith.index_cast %get3A_912 : i32 to index
      %get3A_914 = arith.index_cast %add3A_871 : i32 to index
      %get3A_915 = arith.constant 32 : index
      %get3A_916 = tpu.vector_load %arg7[%get3A_913, %get3A_914, %get3A_915] {strides = array<i32>} : memref<2x256x64xf32, #tpu.memory_space<vmem>>, vector<1x1x16xf32>,
      %get3A_917 = vector.shape_cast %get3A_916 : vector<1x1x16xf32> to vector<16xf32>
      %get3A_918 = arith.constant 1 : i32
      %get3A_919 = arith.index_cast %get3A_918 : i32 to index
      %get3A_920 = arith.index_cast %add3A_871 : i32 to index
      %get3A_921 = arith.constant 32 : index
      %get3A_922 = tpu.vector_load %arg8[%get3A_919, %get3A_920, %get3A_921] {strides = array<i32>} : memref<2x256x64xf32, #tpu.memory_space<vmem>>, vector<1x1x16xf32>,
      %get3A_923 = vector.shape_cast %get3A_922 : vector<1x1x16xf32> to vector<16xf32>
      %add3A_924 = arith.addf %get3A_917, %get3A_923 : vector<16xf32>
      %swap3A_925 = arith.constant 1 : i32
      %swap3A_926 = arith.index_cast %swap3A_925 : i32 to index
      %swap3A_927 = arith.index_cast %add3A_871 : i32 to index
      %swap3A_928 = arith.constant 32 : index
      %swap3A_929 = tpu.vector_load %arg7[%swap3A_926, %swap3A_927, %swap3A_928] {strides = array<i32>} : memref<2x256x64xf32, #tpu.memory_space<vmem>>, vector<1x1x16xf32>,
      %swap3A_930 = vector.shape_cast %swap3A_929 : vector<1x1x16xf32> to vector<16xf32>
      %swap3A_931 = vector.shape_cast %add3A_924 : vector<16xf32> to vector<1x1x16xf32>
      tpu.vector_store %arg7[%swap3A_926, %swap3A_927, %swap3A_928], %swap3A_931 {strides = array<i32>} : memref<2x256x64xf32, #tpu.memory_space<vmem>>, vector<1x1x16xf32>,
      %get3A_932 = arith.constant 1 : i32
      %get3A_933 = arith.index_cast %get3A_932 : i32 to index
      %get3A_934 = arith.index_cast %add3A_871 : i32 to index
      %get3A_935 = arith.constant 48 : index
      %get3A_936 = tpu.vector_load %arg7[%get3A_933, %get3A_934, %get3A_935] {strides = array<i32>} : memref<2x256x64xf32, #tpu.memory_space<vmem>>, vector<1x1x16xf32>,
      %get3A_937 = vector.shape_cast %get3A_936 : vector<1x1x16xf32> to vector<16xf32>
      %get3A_938 = arith.constant 1 : i32
      %get3A_939 = arith.index_cast %get3A_938 : i32 to index
      %get3A_940 = arith.index_cast %add3A_871 : i32 to index
      %get3A_941 = arith.constant 48 : index
      %get3A_942 = tpu.vector_load %arg8[%get3A_939, %get3A_940, %get3A_941] {strides = array<i32>} : memref<2x256x64xf32, #tpu.memory_space<vmem>>, vector<1x1x16xf32>,
      %get3A_943 = vector.shape_cast %get3A_942 : vector<1x1x16xf32> to vector<16xf32>
      %add3A_944 = arith.addf %get3A_937, %get3A_943 : vector<16xf32>
      %swap3A_945 = arith.constant 1 : i32
      %swap3A_946 = arith.index_cast %swap3A_945 : i32 to index
      %swap3A_947 = arith.index_cast %add3A_871 : i32 to index
      %swap3A_948 = arith.constant 48 : index
      %swap3A_949 = tpu.vector_load %arg7[%swap3A_946, %swap3A_947, %swap3A_948] {strides = array<i32>} : memref<2x256x64xf32, #tpu.memory_space<vmem>>, vector<1x1x16xf32>,
      %swap3A_950 = vector.shape_cast %swap3A_949 : vector<1x1x16xf32> to vector<16xf32>
      %swap3A_951 = vector.shape_cast %add3A_944 : vector<16xf32> to vector<1x1x16xf32>
      tpu.vector_store %arg7[%swap3A_946, %swap3A_947, %swap3A_948], %swap3A_951 {strides = array<i32>} : memref<2x256x64xf32, #tpu.memory_space<vmem>>, vector<1x1x16xf32>,
      %mul3A_952 = arith.constant 4 : i32
      %mul3A_953 = arith.muli %scan3A_785, %mul3A_952 : i32
      %add3A_954 = arith.constant 2 : i32
      %add3A_955 = arith.addi %mul3A_953, %add3A_954 : i32
      %get3A_956 = arith.constant 1 : i32
      %get3A_957 = arith.index_cast %get3A_956 : i32 to index
      %get3A_958 = arith.index_cast %add3A_955 : i32 to index
      %get3A_959 = arith.constant 0 : index
      %get3A_960 = tpu.vector_load %arg7[%get3A_957, %get3A_958, %get3A_959] {strides = array<i32>} : memref<2x256x64xf32, #tpu.memory_space<vmem>>, vector<1x1x16xf32>,
      %get3A_961 = vector.shape_cast %get3A_960 : vector<1x1x16xf32> to vector<16xf32>
      %get3A_962 = arith.constant 1 : i32
      %get3A_963 = arith.index_cast %get3A_962 : i32 to index
      %get3A_964 = arith.index_cast %add3A_955 : i32 to index
      %get3A_965 = arith.constant 0 : index
      %get3A_966 = tpu.vector_load %arg8[%get3A_963, %get3A_964, %get3A_965] {strides = array<i32>} : memref<2x256x64xf32, #tpu.memory_space<vmem>>, vector<1x1x16xf32>,
      %get3A_967 = vector.shape_cast %get3A_966 : vector<1x1x16xf32> to vector<16xf32>
      %add3A_968 = arith.addf %get3A_961, %get3A_967 : vector<16xf32>
      %swap3A_969 = arith.constant 1 : i32
      %swap3A_970 = arith.index_cast %swap3A_969 : i32 to index
      %swap3A_971 = arith.index_cast %add3A_955 : i32 to index
      %swap3A_972 = arith.constant 0 : index
      %swap3A_973 = tpu.vector_load %arg7[%swap3A_970, %swap3A_971, %swap3A_972] {strides = array<i32>} : memref<2x256x64xf32, #tpu.memory_space<vmem>>, vector<1x1x16xf32>,
      %swap3A_974 = vector.shape_cast %swap3A_973 : vector<1x1x16xf32> to vector<16xf32>
      %swap3A_975 = vector.shape_cast %add3A_968 : vector<16xf32> to vector<1x1x16xf32>
      tpu.vector_store %arg7[%swap3A_970, %swap3A_971, %swap3A_972], %swap3A_975 {strides = array<i32>} : memref<2x256x64xf32, #tpu.memory_space<vmem>>, vector<1x1x16xf32>,
      %get3A_976 = arith.constant 1 : i32
      %get3A_977 = arith.index_cast %get3A_976 : i32 to index
      %get3A_978 = arith.index_cast %add3A_955 : i32 to index
      %get3A_979 = arith.constant 16 : index
      %get3A_980 = tpu.vector_load %arg7[%get3A_977, %get3A_978, %get3A_979] {strides = array<i32>} : memref<2x256x64xf32, #tpu.memory_space<vmem>>, vector<1x1x16xf32>,
      %get3A_981 = vector.shape_cast %get3A_980 : vector<1x1x16xf32> to vector<16xf32>
      %get3A_982 = arith.constant 1 : i32
      %get3A_983 = arith.index_cast %get3A_982 : i32 to index
      %get3A_984 = arith.index_cast %add3A_955 : i32 to index
      %get3A_985 = arith.constant 16 : index
      %get3A_986 = tpu.vector_load %arg8[%get3A_983, %get3A_984, %get3A_985] {strides = array<i32>} : memref<2x256x64xf32, #tpu.memory_space<vmem>>, vector<1x1x16xf32>,
      %get3A_987 = vector.shape_cast %get3A_986 : vector<1x1x16xf32> to vector<16xf32>
      %add3A_988 = arith.addf %get3A_981, %get3A_987 : vector<16xf32>
      %swap3A_989 = arith.constant 1 : i32
      %swap3A_990 = arith.index_cast %swap3A_989 : i32 to index
      %swap3A_991 = arith.index_cast %add3A_955 : i32 to index
      %swap3A_992 = arith.constant 16 : index
      %swap3A_993 = tpu.vector_load %arg7[%swap3A_990, %swap3A_991, %swap3A_992] {strides = array<i32>} : memref<2x256x64xf32, #tpu.memory_space<vmem>>, vector<1x1x16xf32>,
      %swap3A_994 = vector.shape_cast %swap3A_993 : vector<1x1x16xf32> to vector<16xf32>
      %swap3A_995 = vector.shape_cast %add3A_988 : vector<16xf32> to vector<1x1x16xf32>
      tpu.vector_store %arg7[%swap3A_990, %swap3A_991, %swap3A_992], %swap3A_995 {strides = array<i32>} : memref<2x256x64xf32, #tpu.memory_space<vmem>>, vector<1x1x16xf32>,
      %get3A_996 = arith.constant 1 : i32
      %get3A_997 = arith.index_cast %get3A_996 : i32 to index
      %get3A_998 = arith.index_cast %add3A_955 : i32 to index
      %get3A_999 = arith.constant 32 : index
      %get3A_1000 = tpu.vector_load %arg7[%get3A_997, %get3A_998, %get3A_999] {strides = array<i32>} : memref<2x256x64xf32, #tpu.memory_space<vmem>>, vector<1x1x16xf32>,
      %get3A_1001 = vector.shape_cast %get3A_1000 : vector<1x1x16xf32> to vector<16xf32>
      %get3A_1002 = arith.constant 1 : i32
      %get3A_1003 = arith.index_cast %get3A_1002 : i32 to index
      %get3A_1004 = arith.index_cast %add3A_955 : i32 to index
      %get3A_1005 = arith.constant 32 : index
      %get3A_1006 = tpu.vector_load %arg8[%get3A_1003, %get3A_1004, %get3A_1005] {strides = array<i32>} : memref<2x256x64xf32, #tpu.memory_space<vmem>>, vector<1x1x16xf32>,
      %get3A_1007 = vector.shape_cast %get3A_1006 : vector<1x1x16xf32> to vector<16xf32>
      %add3A_1008 = arith.addf %get3A_1001, %get3A_1007 : vector<16xf32>
      %swap3A_1009 = arith.constant 1 : i32
      %swap3A_1010 = arith.index_cast %swap3A_1009 : i32 to index
      %swap3A_1011 = arith.index_cast %add3A_955 : i32 to index
      %swap3A_1012 = arith.constant 32 : index
      %swap3A_1013 = tpu.vector_load %arg7[%swap3A_1010, %swap3A_1011, %swap3A_1012] {strides = array<i32>} : memref<2x256x64xf32, #tpu.memory_space<vmem>>, vector<1x1x16xf32>,
      %swap3A_1014 = vector.shape_cast %swap3A_1013 : vector<1x1x16xf32> to vector<16xf32>
      %swap3A_1015 = vector.shape_cast %add3A_1008 : vector<16xf32> to vector<1x1x16xf32>
      tpu.vector_store %arg7[%swap3A_1010, %swap3A_1011, %swap3A_1012], %swap3A_1015 {strides = array<i32>} : memref<2x256x64xf32, #tpu.memory_space<vmem>>, vector<1x1x16xf32>,
      %get3A_1016 = arith.constant 1 : i32
      %get3A_1017 = arith.index_cast %get3A_1016 : i32 to index
      %get3A_1018 = arith.index_cast %add3A_955 : i32 to index
      %get3A_1019 = arith.constant 48 : index
      %get3A_1020 = tpu.vector_load %arg7[%get3A_1017, %get3A_1018, %get3A_1019] {strides = array<i32>} : memref<2x256x64xf32, #tpu.memory_space<vmem>>, vector<1x1x16xf32>,
      %get3A_1021 = vector.shape_cast %get3A_1020 : vector<1x1x16xf32> to vector<16xf32>
      %get3A_1022 = arith.constant 1 : i32
      %get3A_1023 = arith.index_cast %get3A_1022 : i32 to index
      %get3A_1024 = arith.index_cast %add3A_955 : i32 to index
      %get3A_1025 = arith.constant 48 : index
      %get3A_1026 = tpu.vector_load %arg8[%get3A_1023, %get3A_1024, %get3A_1025] {strides = array<i32>} : memref<2x256x64xf32, #tpu.memory_space<vmem>>, vector<1x1x16xf32>,
      %get3A_1027 = vector.shape_cast %get3A_1026 : vector<1x1x16xf32> to vector<16xf32>
      %add3A_1028 = arith.addf %get3A_1021, %get3A_1027 : vector<16xf32>
      %swap3A_1029 = arith.constant 1 : i32
      %swap3A_1030 = arith.index_cast %swap3A_1029 : i32 to index
      %swap3A_1031 = arith.index_cast %add3A_955 : i32 to index
      %swap3A_1032 = arith.constant 48 : index
      %swap3A_1033 = tpu.vector_load %arg7[%swap3A_1030, %swap3A_1031, %swap3A_1032] {strides = array<i32>} : memref<2x256x64xf32, #tpu.memory_space<vmem>>, vector<1x1x16xf32>,
      %swap3A_1034 = vector.shape_cast %swap3A_1033 : vector<1x1x16xf32> to vector<16xf32>
      %swap3A_1035 = vector.shape_cast %add3A_1028 : vector<16xf32> to vector<1x1x16xf32>
      tpu.vector_store %arg7[%swap3A_1030, %swap3A_1031, %swap3A_1032], %swap3A_1035 {strides = array<i32>} : memref<2x256x64xf32, #tpu.memory_space<vmem>>, vector<1x1x16xf32>,
      %mul3A_1036 = arith.constant 4 : i32
      %mul3A_1037 = arith.muli %scan3A_785, %mul3A_1036 : i32
      %add3A_1038 = arith.constant 3 : i32
      %add3A_1039 = arith.addi %mul3A_1037, %add3A_1038 : i32
      %get3A_1040 = arith.constant 1 : i32
      %get3A_1041 = arith.index_cast %get3A_1040 : i32 to index
      %get3A_1042 = arith.index_cast %add3A_1039 : i32 to index
      %get3A_1043 = arith.constant 0 : index
      %get3A_1044 = tpu.vector_load %arg7[%get3A_1041, %get3A_1042, %get3A_1043] {strides = array<i32>} : memref<2x256x64xf32, #tpu.memory_space<vmem>>, vector<1x1x16xf32>,
      %get3A_1045 = vector.shape_cast %get3A_1044 : vector<1x1x16xf32> to vector<16xf32>
      %get3A_1046 = arith.constant 1 : i32
      %get3A_1047 = arith.index_cast %get3A_1046 : i32 to index
      %get3A_1048 = arith.index_cast %add3A_1039 : i32 to index
      %get3A_1049 = arith.constant 0 : index
      %get3A_1050 = tpu.vector_load %arg8[%get3A_1047, %get3A_1048, %get3A_1049] {strides = array<i32>} : memref<2x256x64xf32, #tpu.memory_space<vmem>>, vector<1x1x16xf32>,
      %get3A_1051 = vector.shape_cast %get3A_1050 : vector<1x1x16xf32> to vector<16xf32>
      %add3A_1052 = arith.addf %get3A_1045, %get3A_1051 : vector<16xf32>
      %swap3A_1053 = arith.constant 1 : i32
      %swap3A_1054 = arith.index_cast %swap3A_1053 : i32 to index
      %swap3A_1055 = arith.index_cast %add3A_1039 : i32 to index
      %swap3A_1056 = arith.constant 0 : index
      %swap3A_1057 = tpu.vector_load %arg7[%swap3A_1054, %swap3A_1055, %swap3A_1056] {strides = array<i32>} : memref<2x256x64xf32, #tpu.memory_space<vmem>>, vector<1x1x16xf32>,
      %swap3A_1058 = vector.shape_cast %swap3A_1057 : vector<1x1x16xf32> to vector<16xf32>
      %swap3A_1059 = vector.shape_cast %add3A_1052 : vector<16xf32> to vector<1x1x16xf32>
      tpu.vector_store %arg7[%swap3A_1054, %swap3A_1055, %swap3A_1056], %swap3A_1059 {strides = array<i32>} : memref<2x256x64xf32, #tpu.memory_space<vmem>>, vector<1x1x16xf32>,
      %get3A_1060 = arith.constant 1 : i32
      %get3A_1061 = arith.index_cast %get3A_1060 : i32 to index
      %get3A_1062 = arith.index_cast %add3A_1039 : i32 to index
      %get3A_1063 = arith.constant 16 : index
      %get3A_1064 = tpu.vector_load %arg7[%get3A_1061, %get3A_1062, %get3A_1063] {strides = array<i32>} : memref<2x256x64xf32, #tpu.memory_space<vmem>>, vector<1x1x16xf32>,
      %get3A_1065 = vector.shape_cast %get3A_1064 : vector<1x1x16xf32> to vector<16xf32>
      %get3A_1066 = arith.constant 1 : i32
      %get3A_1067 = arith.index_cast %get3A_1066 : i32 to index
      %get3A_1068 = arith.index_cast %add3A_1039 : i32 to index
      %get3A_1069 = arith.constant 16 : index
      %get3A_1070 = tpu.vector_load %arg8[%get3A_1067, %get3A_1068, %get3A_1069] {strides = array<i32>} : memref<2x256x64xf32, #tpu.memory_space<vmem>>, vector<1x1x16xf32>,
      %get3A_1071 = vector.shape_cast %get3A_1070 : vector<1x1x16xf32> to vector<16xf32>
      %add3A_1072 = arith.addf %get3A_1065, %get3A_1071 : vector<16xf32>
      %swap3A_1073 = arith.constant 1 : i32
      %swap3A_1074 = arith.index_cast %swap3A_1073 : i32 to index
      %swap3A_1075 = arith.index_cast %add3A_1039 : i32 to index
      %swap3A_1076 = arith.constant 16 : index
      %swap3A_1077 = tpu.vector_load %arg7[%swap3A_1074, %swap3A_1075, %swap3A_1076] {strides = array<i32>} : memref<2x256x64xf32, #tpu.memory_space<vmem>>, vector<1x1x16xf32>,
      %swap3A_1078 = vector.shape_cast %swap3A_1077 : vector<1x1x16xf32> to vector<16xf32>
      %swap3A_1079 = vector.shape_cast %add3A_1072 : vector<16xf32> to vector<1x1x16xf32>
      tpu.vector_store %arg7[%swap3A_1074, %swap3A_1075, %swap3A_1076], %swap3A_1079 {strides = array<i32>} : memref<2x256x64xf32, #tpu.memory_space<vmem>>, vector<1x1x16xf32>,
      %get3A_1080 = arith.constant 1 : i32
      %get3A_1081 = arith.index_cast %get3A_1080 : i32 to index
      %get3A_1082 = arith.index_cast %add3A_1039 : i32 to index
      %get3A_1083 = arith.constant 32 : index
      %get3A_1084 = tpu.vector_load %arg7[%get3A_1081, %get3A_1082, %get3A_1083] {strides = array<i32>} : memref<2x256x64xf32, #tpu.memory_space<vmem>>, vector<1x1x16xf32>,
      %get3A_1085 = vector.shape_cast %get3A_1084 : vector<1x1x16xf32> to vector<16xf32>
      %get3A_1086 = arith.constant 1 : i32
      %get3A_1087 = arith.index_cast %get3A_1086 : i32 to index
      %get3A_1088 = arith.index_cast %add3A_1039 : i32 to index
      %get3A_1089 = arith.constant 32 : index
      %get3A_1090 = tpu.vector_load %arg8[%get3A_1087, %get3A_1088, %get3A_1089] {strides = array<i32>} : memref<2x256x64xf32, #tpu.memory_space<vmem>>, vector<1x1x16xf32>,
      %get3A_1091 = vector.shape_cast %get3A_1090 : vector<1x1x16xf32> to vector<16xf32>
      %add3A_1092 = arith.addf %get3A_1085, %get3A_1091 : vector<16xf32>
      %swap3A_1093 = arith.constant 1 : i32
      %swap3A_1094 = arith.index_cast %swap3A_1093 : i32 to index
      %swap3A_1095 = arith.index_cast %add3A_1039 : i32 to index
      %swap3A_1096 = arith.constant 32 : index
      %swap3A_1097 = tpu.vector_load %arg7[%swap3A_1094, %swap3A_1095, %swap3A_1096] {strides = array<i32>} : memref<2x256x64xf32, #tpu.memory_space<vmem>>, vector<1x1x16xf32>,
      %swap3A_1098 = vector.shape_cast %swap3A_1097 : vector<1x1x16xf32> to vector<16xf32>
      %swap3A_1099 = vector.shape_cast %add3A_1092 : vector<16xf32> to vector<1x1x16xf32>
      tpu.vector_store %arg7[%swap3A_1094, %swap3A_1095, %swap3A_1096], %swap3A_1099 {strides = array<i32>} : memref<2x256x64xf32, #tpu.memory_space<vmem>>, vector<1x1x16xf32>,
      %get3A_1100 = arith.constant 1 : i32
      %get3A_1101 = arith.index_cast %get3A_1100 : i32 to index
      %get3A_1102 = arith.index_cast %add3A_1039 : i32 to index
      %get3A_1103 = arith.constant 48 : index
      %get3A_1104 = tpu.vector_load %arg7[%get3A_1101, %get3A_1102, %get3A_1103] {strides = array<i32>} : memref<2x256x64xf32, #tpu.memory_space<vmem>>, vector<1x1x16xf32>,
      %get3A_1105 = vector.shape_cast %get3A_1104 : vector<1x1x16xf32> to vector<16xf32>
      %get3A_1106 = arith.constant 1 : i32
      %get3A_1107 = arith.index_cast %get3A_1106 : i32 to index
      %get3A_1108 = arith.index_cast %add3A_1039 : i32 to index
      %get3A_1109 = arith.constant 48 : index
      %get3A_1110 = tpu.vector_load %arg8[%get3A_1107, %get3A_1108, %get3A_1109] {strides = array<i32>} : memref<2x256x64xf32, #tpu.memory_space<vmem>>, vector<1x1x16xf32>,
      %get3A_1111 = vector.shape_cast %get3A_1110 : vector<1x1x16xf32> to vector<16xf32>
      %add3A_1112 = arith.addf %get3A_1105, %get3A_1111 : vector<16xf32>
      %swap3A_1113 = arith.constant 1 : i32
      %swap3A_1114 = arith.index_cast %swap3A_1113 : i32 to index
      %swap3A_1115 = arith.index_cast %add3A_1039 : i32 to index
      %swap3A_1116 = arith.constant 48 : index
      %swap3A_1117 = tpu.vector_load %arg7[%swap3A_1114, %swap3A_1115, %swap3A_1116] {strides = array<i32>} : memref<2x256x64xf32, #tpu.memory_space<vmem>>, vector<1x1x16xf32>,
      %swap3A_1118 = vector.shape_cast %swap3A_1117 : vector<1x1x16xf32> to vector<16xf32>
      %swap3A_1119 = vector.shape_cast %add3A_1112 : vector<16xf32> to vector<1x1x16xf32>
      tpu.vector_store %arg7[%swap3A_1114, %swap3A_1115, %swap3A_1116], %swap3A_1119 {strides = array<i32>} : memref<2x256x64xf32, #tpu.memory_space<vmem>>, vector<1x1x16xf32>,
    }
    %scan3A_733 = arith.constant 64 : i32
    %add3A_734 = arith.constant 198 : i32
    %add3A_735 = arith.addi %mul3A_2, %add3A_734 : i32
    %mul3A_736 = arith.constant 128 : i32
    %mul3A_737 = arith.muli %add3A_735, %mul3A_736 : i32
    %dma_start3A_738 = arith.constant 1 : i32
    %dma_start3A_739 = arith.constant 0 : i32
    %dma_start3A_740 = arith.constant 0 : i32
    %dma_start3A_741 = tpu.memref_slice %arg7[%dma_start3A_738, %dma_start3A_739, %dma_start3A_740] : memref<2x256x64xf32, #tpu.memory_space<vmem>> -> memref<1x256x64xf32, #tpu.memory_space<vmem>>
    %dma_start3A_742 = tpu.memref_squeeze %dma_start3A_741 : memref<1x256x64xf32, #tpu.memory_space<vmem>> -> memref<256x64xf32, #tpu.memory_space<vmem>>
    %dma_start3A_743 = arith.constant 0 : i32
    %dma_start3A_744 = tpu.memref_slice %arg5[%mul3A_737, %dma_start3A_743] : memref<819200x128xf32, #tpu.memory_space<hbm>> -> memref<256x64xf32, #tpu.memory_space<hbm>>
    %dma_start3A_745 = arith.constant 0 : i32
    %dma_start3A_746 = tpu.memref_slice %arg5[%mul3A_737, %dma_start3A_745] : memref<819200x128xf32, #tpu.memory_space<hbm>> -> memref<256x64xf32, #tpu.memory_space<hbm>>
    %dma_start3A_747 = arith.constant 0 : i32
    %dma_start3A_748 = arith.constant 0 : i32
    %dma_start3A_749 = tpu.memref_slice %arg7[%dma_start3A_738, %dma_start3A_747, %dma_start3A_748] : memref<2x256x64xf32, #tpu.memory_space<vmem>> -> memref<1x256x64xf32, #tpu.memory_space<vmem>>
    %dma_start3A_750 = tpu.memref_squeeze %dma_start3A_749 : memref<1x256x64xf32, #tpu.memory_space<vmem>> -> memref<256x64xf32, #tpu.memory_space<vmem>>
    tpu.enqueue_dma source(%dma_start3A_750 : memref<256x64xf32, #tpu.memory_space<vmem>>) target(%dma_start3A_746 : memref<256x64xf32, #tpu.memory_space<hbm>>) target_semaphore(%arg11 : memref<!tpu.dma_semaphore, #tpu.memory_space<semaphore_mem>>)
    %add3A_751 = arith.constant 196 : i32
    %add3A_752 = arith.addi %mul3A_2, %add3A_751 : i32
    %mul3A_753 = arith.constant 128 : i32
    %mul3A_754 = arith.muli %add3A_752, %mul3A_753 : i32
    %dma_wait3A_755 = arith.constant 0 : i32
    %dma_wait3A_756 = arith.constant 0 : i32
    %dma_wait3A_757 = arith.constant 0 : i32
    %dma_wait3A_758 = tpu.memref_slice %arg7[%dma_wait3A_755, %dma_wait3A_756, %dma_wait3A_757] : memref<2x256x64xf32, #tpu.memory_space<vmem>> -> memref<1x256x64xf32, #tpu.memory_space<vmem>>
    %dma_wait3A_759 = tpu.memref_squeeze %dma_wait3A_758 : memref<1x256x64xf32, #tpu.memory_space<vmem>> -> memref<256x64xf32, #tpu.memory_space<vmem>>
    %dma_wait3A_760 = arith.constant 0 : i32
    %dma_wait3A_761 = tpu.memref_slice %arg5[%mul3A_754, %dma_wait3A_760] : memref<819200x128xf32, #tpu.memory_space<hbm>> -> memref<256x64xf32, #tpu.memory_space<hbm>>
    %dma_wait3A_762 = arith.constant 0 : i32
    %dma_wait3A_763 = tpu.memref_slice %arg5[%mul3A_754, %dma_wait3A_762] : memref<819200x128xf32, #tpu.memory_space<hbm>> -> memref<256x64xf32, #tpu.memory_space<hbm>>
    %dma_wait3A_764 = arith.constant 0 : i32
    %dma_wait3A_765 = arith.constant 0 : i32
    %dma_wait3A_766 = tpu.memref_slice %arg7[%dma_wait3A_755, %dma_wait3A_764, %dma_wait3A_765] : memref<2x256x64xf32, #tpu.memory_space<vmem>> -> memref<1x256x64xf32, #tpu.memory_space<vmem>>
    %dma_wait3A_767 = tpu.memref_squeeze %dma_wait3A_766 : memref<1x256x64xf32, #tpu.memory_space<vmem>> -> memref<256x64xf32, #tpu.memory_space<vmem>>
    tpu.wait_dma2 semaphore(%arg10 : memref<!tpu.dma_semaphore, #tpu.memory_space<semaphore_mem>>) src(%dma_wait3A_767 : memref<256x64xf32, #tpu.memory_space<vmem>>) dst(%dma_wait3A_763 : memref<256x64xf32, #tpu.memory_space<hbm>>)
    %add3A_768 = arith.constant 198 : i32
    %add3A_769 = arith.addi %mul3A_2, %add3A_768 : i32
    %mul3A_770 = arith.constant 128 : i32
    %mul3A_771 = arith.muli %add3A_769, %mul3A_770 : i32
    %dma_wait3A_772 = arith.constant 1 : i32
    %dma_wait3A_773 = arith.constant 0 : i32
    %dma_wait3A_774 = arith.constant 0 : i32
    %dma_wait3A_775 = tpu.memref_slice %arg7[%dma_wait3A_772, %dma_wait3A_773, %dma_wait3A_774] : memref<2x256x64xf32, #tpu.memory_space<vmem>> -> memref<1x256x64xf32, #tpu.memory_space<vmem>>
    %dma_wait3A_776 = tpu.memref_squeeze %dma_wait3A_775 : memref<1x256x64xf32, #tpu.memory_space<vmem>> -> memref<256x64xf32, #tpu.memory_space<vmem>>
    %dma_wait3A_777 = arith.constant 0 : i32
    %dma_wait3A_778 = tpu.memref_slice %arg5[%mul3A_771, %dma_wait3A_777] : memref<819200x128xf32, #tpu.memory_space<hbm>> -> memref<256x64xf32, #tpu.memory_space<hbm>>
    %dma_wait3A_779 = arith.constant 0 : i32
    %dma_wait3A_780 = tpu.memref_slice %arg5[%mul3A_771, %dma_wait3A_779] : memref<819200x128xf32, #tpu.memory_space<hbm>> -> memref<256x64xf32, #tpu.memory_space<hbm>>
    %dma_wait3A_781 = arith.constant 0 : i32
    %dma_wait3A_782 = arith.constant 0 : i32
    %dma_wait3A_783 = tpu.memref_slice %arg7[%dma_wait3A_772, %dma_wait3A_781, %dma_wait3A_782] : memref<2x256x64xf32, #tpu.memory_space<vmem>> -> memref<1x256x64xf32, #tpu.memory_space<vmem>>
    %dma_wait3A_784 = tpu.memref_squeeze %dma_wait3A_783 : memref<1x256x64xf32, #tpu.memory_space<vmem>> -> memref<256x64xf32, #tpu.memory_space<vmem>>
    tpu.wait_dma2 semaphore(%arg11 : memref<!tpu.dma_semaphore, #tpu.memory_space<semaphore_mem>>) src(%dma_wait3A_784 : memref<256x64xf32, #tpu.memory_space<vmem>>) dst(%dma_wait3A_780 : memref<256x64xf32, #tpu.memory_space<hbm>>)
    return
  }
}

</mosaic_0001>

<sc_bundles>
// kernel: kernel.3.cloned.1.call-start
scs
__scs_entry_jumppad:
0x0: {  	(pc) =	sbr.rel $0x88, $3  }
0x1: {  	(tag) =	ssettag $0x0;
	lr =	simm.s32 $0x1  }
0x2: {  	[smem:$0x3F9C] =	sst lr;
	_ =	strace $0xD0000000  }
0x3: {  	_ = 	snop  }
0x4: {  	_ = 	snop  }
0x5: {  	_ = 	snop  }
0x6: {  	_ = 	snop  }
0x7: {  	_ = 	snop  }
__scs_overlays_trampoline_lowered:
0x8: {  	[smem:$0x3FAB] =	sst s0  }
0x9: {  	[smem:$0x3FAC] =	sst s1  }
0xa: {  	[smem:$0x3FAD] =	sst s2  }
0xb: {  	[smem:$0x3FAE] =	sst s3  }
0xc: {  	[smem:$0x3FAF] =	sst s4  }
0xd: {  	[smem:$0x3FB0] =	sst s5  }
0xe: {  	[smem:$0x3FB1] =	sst s6  }
0xf: {  	[smem:$0x3FB2] =	sst s7  }
0x10: {  	[smem:$0x3FB3] =	sst s8  }
0x11: {  	[smem:$0x3FB4] =	sst s9;
	s0 =	simm.s32 @!p0 $0x0  }
0x12: {  	s1 =	sld [smem:$0x3F9A];
	s0 =	simm.s32 @p0 $0x1  }
0x13: {  	[smem:$0x3FB5] =	sst s0;
	s0 =	simm.s32 @!p1 $0x0  }
0x14: {  	s2 =	sld [smem:$0x3F99];
	s0 =	simm.s32 @p1 $0x1  }
0x15: {  	[smem:$0x3FB6] =	sst s0;
	s0 =	simm.s32 @!p2 $0x0  }
0x16: {  	s3 =	sld [smem:$0x3FDB];
	s0 =	simm.s32 @p2 $0x1  }
0x17: {  	s4 =	simm.s32 $0x1BF5;
	[smem:$0x3FB8] =	sst s0  }
0x18: {  	s0 =	sld [smem:$0x3F9B];
	_ =	swait.ge [sflag:s4], $0x0  }
0x19: {  	s7 =	sld [smem:$0x3F9C]  }
0x1a: {  	s8 =	sadd.s32 $0xFFFFE003, lr  }
0x1b: {  	s9 =	sadd.s32 $0xFFFFFEF7, lr;
	s5 =	simm.s32 $0xFFFFFFFF;
	p2 =	slt.u32 s8, $0xFFFFF086  }
0x1c: {  	p1 =	slt.u32 s9, $0xF7A;
	s5 =	simm.s32 @!p2 $0x0  }
0x1d: {  	s5 =	simm.s32 @p1 $0x1;
	p0 =	seq.s32 s7, s2  }
0x1e: {  	s7 =	smul.u32 @!p0 $0xF7A, s2;
	p2 =	seq.s32 @!p0 s5, $0x0  }
0x1f: {  	s9 =	smul.u32 $0xF7A, s1;
	s8 =	simm.s32 @!p0 $0x1BF5;
	p2 =	por !p2, p0  }
0x20: {  	[sflag:s8] =	ssyncset.s32 @!p0 $0xFFFFF086;
	s6 =	sadd.s32 @!p0 s3, s7;
	s7 =	simm.s32 @!p0 $0x108  }
0x21: {  	s3 =	sadd.s32 s3, s9;
	s6 =	sadd.s32 @!p0 $0x88, s6;
	s7 =	simm.s32 @p2 $0x1082  }
0x22: {  	[simem:s7], [sflag:s8] =	dma.local @!p0 [hbm:s6], $0xF7A  }
0x23: {  	s9 =	sor.u32 $0xD0000000, s2;
	s6 =	simm.s32 $0x108;
	_ =	swait.ge @!p0 [sflag:s8], $0x0  }
0x24: {  	s3 =	sadd.s32 $0x88, s3;
	s6 =	simm.s32 @!p1 $0x1082;
	[sflag:s4] =	ssyncset.s32 $0xFFFFF086  }
0x25: {  	[simem:s6], [sflag:s4] =	dma.local [hbm:s3], $0xF7A  }
0x26: {  	[smem:$0x3F9C] =	sst s1;
	(tag) =	ssettag s2;
	_ =	strace s9  }
0x27: {  	s1 =	sld [smem:$0x3FAC]  }
0x28: {  	s2 =	sld [smem:$0x3FAD]  }
0x29: {  	s4 =	sld [smem:$0x3FAF]  }
0x2a: {  	p0 =	seq.s32 s5, $0x0;
	s5 =	sld [smem:$0x3FB0]  }
0x2b: {  	s6 =	sld [smem:$0x3FB1]  }
0x2c: {  	s7 =	sld [smem:$0x3FB2]  }
0x2d: {  	s3 =	simm.s32 $0x108;
	s8 =	sld [smem:$0x3FB3]  }
0x2e: {  	s3 =	simm.s32 @!p0 $0x1082;
	s9 =	sld [smem:$0x3FB4]  }
0x2f: {  	lr =	sadd.s32 s0, s3;
	s0 =	sld [smem:$0x3FAB]  }
0x30: {  	s3 =	sld [smem:$0x3FAE]  }
0x31: {  	[smem:$0x3FB7] =	sst s10  }
0x32: {  	s10 =	sld [smem:$0x3FB5];
	_ =	sdelay $0x3  }
0x33: {  	p0 =	seq.s32 s10, $0x1;
	s10 =	sld [smem:$0x3FB7];
	_ =	sdelay $0x3  }
0x34: {  	[smem:$0x3FB7] =	sst s10  }
0x35: {  	s10 =	sld [smem:$0x3FB6];
	_ =	sdelay $0x3  }
0x36: {  	p1 =	seq.s32 s10, $0x1;
	s10 =	sld [smem:$0x3FB7];
	_ =	sdelay $0x3  }
0x37: {  	[smem:$0x3FB7] =	sst s10  }
0x38: {  	s10 =	sld [smem:$0x3FB8]  }
0x39: {  	_ = 	snop;
	(pc) =	sbr.ind lr, $3  }
0x3a: {  	_ = 	snop  }
0x3b: {  	_ = 	snop  }
0x3c: {  	p2 =	seq.s32 s10, $0x1;
	s10 =	sld [smem:$0x3FB7]  }
0x3d: {  	_ =	shalt  }
0x3e: {  	_ =	shalt  }
0x3f: {  	_ =	shalt  }
0x40: {  	_ =	shalt  }
0x41: {  	_ =	shalt  }
0x42: {  	_ =	shalt  }
0x43: {  	_ =	shalt  }
0x44: {  	_ =	shalt  }
0x45: {  	_ =	shalt  }
0x46: {  	_ =	shalt  }
0x47: {  	_ =	shalt  }
0x48: {  	_ =	shalt  }
0x49: {  	_ =	shalt  }
0x4a: {  	_ =	shalt  }
0x4b: {  	_ =	shalt  }
0x4c: {  	_ =	shalt  }
0x4d: {  	_ =	shalt  }
0x4e: {  	_ =	shalt  }
0x4f: {  	_ =	shalt  }
0x50: {  	_ =	shalt  }
0x51: {  	_ =	shalt  }
0x52: {  	_ =	shalt  }
0x53: {  	_ =	shalt  }
0x54: {  	_ =	shalt  }
0x55: {  	_ =	shalt  }
0x56: {  	_ =	shalt  }
0x57: {  	_ =	shalt  }
0x58: {  	_ =	shalt  }
0x59: {  	_ =	shalt  }
0x5a: {  	_ =	shalt  }
0x5b: {  	_ =	shalt  }
0x5c: {  	_ =	shalt  }
0x5d: {  	_ =	shalt  }
0x5e: {  	_ =	shalt  }
0x5f: {  	_ =	shalt  }
0x60: {  	_ =	shalt  }
0x61: {  	_ =	shalt  }
0x62: {  	_ =	shalt  }
0x63: {  	_ =	shalt  }
0x64: {  	_ =	shalt  }
0x65: {  	_ =	shalt  }
0x66: {  	_ =	shalt  }
0x67: {  	_ =	shalt  }
0x68: {  	_ =	shalt  }
0x69: {  	_ =	shalt  }
0x6a: {  	_ =	shalt  }
0x6b: {  	_ =	shalt  }
0x6c: {  	_ =	shalt  }
0x6d: {  	_ =	shalt  }
0x6e: {  	_ =	shalt  }
0x6f: {  	_ =	shalt  }
0x70: {  	_ =	shalt  }
0x71: {  	_ =	shalt  }
0x72: {  	_ =	shalt  }
0x73: {  	_ =	shalt  }
0x74: {  	_ =	shalt  }
0x75: {  	_ =	shalt  }
0x76: {  	_ =	shalt  }
0x77: {  	_ =	shalt  }
0x78: {  	_ =	shalt  }
0x79: {  	_ =	shalt  }
0x7a: {  	_ =	shalt  }
0x7b: {  	_ =	shalt  }
0x7c: {  	_ =	shalt  }
0x7d: {  	_ =	shalt  }
0x7e: {  	_ =	shalt  }
0x7f: {  	_ =	shalt  }
0x80: {  	_ =	shalt  }
0x81: {  	_ =	shalt  }
0x82: {  	_ =	shalt  }
0x83: {  	_ =	shalt  }
0x84: {  	_ =	shalt  }
0x85: {  	_ =	shalt  }
0x86: {  	_ =	shalt  }
0x87: {  	_ =	shalt  }
.Lfunc_end0:
.L_simem_size_0:
called_computation.1_lowered:
.L_overlay_start_0:
0x88: {  	s2 =	sld [smem:$0x3FD9]  }
0x89: {  	s3 =	sld [smem:$0x3FFE];
	_ =	sdelay $0x1  }
0x8a: {  	s1 =	srdreg.scid  }
0x8b: {  	s0 =	sand.u32 $0x1, s1  }
0x8c: {  	s17 =	sshll.u32 s0, $0xA;
	s2 =	sadd.s32 s3, s2  }
0x8d: {  	s2 =	sadd.s32 s2, s17  }
0x8e: {  	[smem:$0x3FC3] =	sst s2  }
0x8f: {  	_ = 	snop  }
0x90: {  	s2 =	sld [smem:$0x3FD0];
	(tm) =	ssettm $0x1  }
0x91: {  	s18 =	sld [smem:$0x3FFB];
	_ =	sdelay $0x3  }
0x92: {  	_ =	strace s18  }
0x93: {  	s3 =	sld [smem:$0x3FFC];
	_ =	sdelay $0x3  }
0x94: {  	_ =	strace s3  }
0x95: {  	s3 =	sld [smem:$0x3FFD];
	_ =	sdelay $0x3  }
0x96: {  	_ =	strace s3  }
0x97: {  	_ =	strace $0x8FFFFFFF  }
0x98: {  	s19 =	sld [smem:$0x3FDB];
	_ =	sdelay $0x1  }
0x99: {  	s4 =	simm.s32 $_scs_section_size  }
0x9a: {  	s5 =	simm.s32 $_size__tile_overlayer_lowered;
	s6 =	simm.s32 $_tile_overlayer_lowered  }
0x9b: {  	s22 =	simm.s32 $0x1BFF;
	s21 =	sshll.u32 s6, $0x1;
	s3 =	sadd.s32 s4, s19  }
0x9c: {  	s7 =	simm.s32 $0x0;
	s20 =	sshll.u32 s5, $0x1;
	s5 =	sadd.s32 s21, s3  }
0x9d: {  	[timem:s7], [sflag:s22] =	dma.local [hbm:s5], s20  }
0x9e: {  	_ =	swait.ge [sflag:s22], s20  }
0x9f: {  	s4 =	ssub.s32 $0x0, s20;
	[sflag:s22] =	ssyncset.done $0x0  }
0xa0: {  	[sflag:s22] =	ssyncadd.s32 s4;
	_ =	sdelay $0x1  }
0xa1: {  	s23 =	simm.s32 $0x1B8B  }
0xa2: {  	_ =	swait.ge [sflag:s23], $0x1  }
0xa3: {  	[sflag:s23] =	ssyncset.done $0x0  }
0xa4: {  	s25 =	simm.s32 $0x1B8E;
	s24 =	sld [smem:$0x3FFE];
	[sflag:s23] =	ssyncadd.s32 $0xFFFFFFFF  }
0xa5: {  	s26 =	simm.s32 $execute0_lowered;
	[smem:$0x3FD2] =	sst s25  }
0xa6: {  	s5 =	sshll.u32 s26, $0x1;
	_ =	strace $0x80000046;
	[dreg:$0x1] =	wrdreg $0xFFFFFFFF  }
0xa7: {  	s28 =	simm.s32 $_size_execute0_lowered;
	s3 =	sadd.s32 s3, s5;
	[dreg:$0x0] =	wrdreg $0x0  }
0xa8: {  	s5 =	sshll.u32 s28, $0x1;
	[dreg:$0x2] =	wrdreg s3  }
0xa9: {  	[dreg:$0x3] =	wrdreg s5  }
0xaa: {  	[dreg:$0x4] =	wrdreg $0xC0  }
0xab: {  	_ =	task [dreg:s7], $0x5FFFF  }
0xac: {  	[dreg:$0x1] =	wrdreg $0xFFFFFFFF  }
0xad: {  	[dreg:$0x0] =	wrdreg $0x60  }
0xae: {  	[dreg:$0x2] =	wrdreg s24  }
0xaf: {  	[dreg:$0x3] =	wrdreg s2  }
0xb0: {  	[dreg:$0x4] =	wrdreg $0x9  }
0xb1: {  	_ =	task.clear_ibuf [dreg:s7], $0x5FFFF;
	_ =	strace $0x90000046  }
0xb2: {  	s29 =	simm.s32 $0x9;
	_ =	strace $0x80000048  }
0xb3: {  	_ =	swait.ge [sflag:s29], $0x1  }
0xb4: {  	[sflag:s29] =	ssyncadd.s32 $0xFFFFFFFF  }
0xb5: {  	_ =	strace $0x90000048  }
0xb6: {  	_ =	sfence  }
0xb7: {  	s30 =	sld [smem:$0x0];
	_ =	sdelay $0x2  }
0xb8: {  	s31 =	sshll.u32 s1, $0xD;
	s1 =	sshrl.u32 s1, $0x2  }
0xb9: {  	s3 =	sand.u32 $0x4000, s31;
	s1 =	sadd.s32 s1, s30  }
0xba: {  	s0 =	sor.u32 s3, s0;
	s1 =	sshll.u32 s1, $0x11  }
0xbb: {  	s0 =	sor.u32 s1, s0  }
0xbc: {  	s0 =	sadd.s32 $0x8F2B, s0  }
0xbd: {  	[sflag:s0] =	ssyncadd.remote.s32 $0x1  }
0xbe: {  	_ =	sfence.sel $0xFFFF  }
0xbf: {  	[dreg:$0x0] =	wrdreg $0xFFFFFFFF;
	(pc) =	sbr.abs _section_cstart, $3  }
0xc0: {  	[dreg:$0x1] =	wrdreg $0xFFFFFFFF  }
0xc1: {  	_ =	task.clear_ibuf [dreg:s7], $0x2FFFF;
	_ =	strace $0x9FFFFFFF  }
0xc2: {  	(tm) =	ssettm $0x7FFFFFFF  }
0xc3: {  	_ =	shalt  }
tec
execute0_lowered:
.L_overlay_start_1:
0x0: {  	(tag) =	ssettag $0x1  }
0x1: {  	s0 =	rddreg [dreg:$0x0]  }
0x2: {  	s2 =	rddreg [dreg:$0x1]  }
0x3: {  	s1 =	srdreg.scid;
	s3 =	stileid.u32  }
0x4: {  	s5 =	simm.s32 $0x0;
	s13 =	simm.s32 $0x100;
	s14 =	simm.s32 $0x180  }
0x5: {  	s28 =	simm.s32 $0xA600;
	s15 =	simm.s32 $0x400;
	s30 =	simm.s32 $0x5  }
0x6: {  	s31 =	simm.s32 $0x4600;
	s1 =	sand.u32 $0x1, s1;
	s4 =	sshll.u32 s3, $0x1  }
0x7: {  	s29 =	simm.s32 $0x0;
	[smem:$0x7FF] =	sst s5;
	s7 =	sor.u32 s1, s4  }
0x8: {  	s5 =	sadd.s32 $0xF43600, s0;
	s6 =	sadd.s32 $0x33200, s0;
	s9 =	smul.u32 $0xC8, s7  }
0x9: {  	_ =	strace $0x80000047;
	s17 =	ssub.s32 $0x2, s1;
	s8 =	smul.u32 $0x1900, s7  }
0xa: {  	s4 =	sadd.s32 $0x1200, s0;
	s18 =	smul.u32 $0x64000, s7;
	s10 =	sshrl.u32 s17, $0x1  }
0xb: {  	s12 =	smul.u32 $0xC800, s7;
	s0 =	ssub.s32 s17, s10;
	s10 =	simm.s32 $0x2  }
0xc: {  	s19 =	sadd.s32 s4, s8;
	s8 =	smul.u32 $0x320000, s7;
	s21 =	sadd.s32 s6, s18  }
0xd: {  	s22 =	sadd.s32 $0xC6, s9;
	s0 =	smax.u32 s0, $0x1;
	[dreg:$0x3] =	wrdreg s19  }
0xe: {  	s20 =	sadd.s32 $0x40, s19;
	s3 =	sadd.s32 $0x80, s19;
	[dreg:$0xb] =	wrdreg s0  }
0xf: {  	s24 =	sshll.u32 s22, $0x5;
	s1 =	sshll.u32 s22, $0xB;
	[dreg:$0x6] =	wrdreg s21  }
0x10: {  	s18 =	sadd.s32 $0x1000, s21;
	s21 =	simm.s32 $0x80;
	s22 =	simm.s32 $0x600  }
0x11: {  	s0 =	simm.s32 $0x6600;
	s19 =	simm.s32 $0xE600;
	[dreg:$0x4] =	wrdreg s20  }
0x12: {  	[dreg:$0x5] =	wrdreg s3;
	s23 =	sshrl.u32 s8, $0x3;
	s7 =	sadd.s32 s4, s24  }
0x13: {  	s1 =	sadd.s32 s6, s1;
	s20 =	simm.s32 $0x4;
	[dreg:$0x7] =	wrdreg s7  }
0x14: {  	s24 =	simm.s32 $0x40;
	s9 =	sadd.s32 s6, s23;
	[dreg:$0xa] =	wrdreg s1  }
0x15: {  	s23 =	simm.s32 $0x8600;
	s1 =	simm.s32 $0xC600;
	s25 =	sadd.s32 $0x61000, s9  }
0x16: {  	s26 =	sadd.s32 $0x62000, s9;
	s9 =	simm.s32 $0x1;
	[dreg:$0x8] =	wrdreg s25  }
0x17: {  	[dreg:$0x9] =	wrdreg s26;
	s25 =	simm.s32 $0x2600;
	s26 =	simm.s32 $0x3  }
.LBB2_1:
0x18: {  	s3 =	simm.s32 $0x0;
	s7 =	rddreg [dreg:$0x3]  }
0x19: {  	[tilespmem:s3], [sflag:$0x4] =	stream.linear.gather [hbm4b:s7+s3], $0x200, $0x38;
	[tilespmem:$0x10600] =	vst v63  }
0x1a: {  	s17 =	rddreg [dreg:$0x4];
	s11 =	simm.s32 $0x200  }
0x1b: {  	[tilespmem:s11], [sflag:$0x5] =	stream.linear.gather [hbm4b:s17+s3], $0x200, $0x38;
	[tilespmem:$0x10600] =	vst v63  }
0x1c: {  	_ =	swait.ge [sflag:s20], $0x200  }
0x1d: {  	[sflag:s20] =	ssyncset.done $0x0  }
0x1e: {  	[sflag:s20] =	ssyncadd.s32 $0xFFFFFE00  }
0x1f: {  	[tilespmem:s22], [sflag:$0x1] =	stream.indirect.gather [hbm4b:s5+s21], $0x40, s3, s21, $0xb8;
	[tilespmem:$0x10600] =	vst v63  }
0x20: {  	_ = 	snop  }
0x21: {  	[tilespmem:s23], [sflag:$0x1] =	stream.indirect.gather [hbm4b:s2+s21], $0x40, s21, s21, $0xb8;
	[tilespmem:$0x10600] =	vst v63  }
0x22: {  	_ = 	snop  }
0x23: {  	[tilespmem:s25], [sflag:$0x1] =	stream.indirect.gather [hbm4b:s5+s21], $0x40, s13, s21, $0xb8;
	[tilespmem:$0x10600] =	vst v63  }
0x24: {  	_ = 	snop  }
0x25: {  	[tilespmem:s28], [sflag:$0x1] =	stream.indirect.gather [hbm4b:s2+s21], $0x40, s14, s21, $0xb8;
	[tilespmem:$0x10600] =	vst v63  }
0x26: {  	s14 =	rddreg [dreg:$0x5]  }
0x27: {  	[tilespmem:s15], [sflag:$0x4] =	stream.linear.gather [hbm4b:s14+s3], $0x200, $0x38;
	[tilespmem:$0x10600] =	vst v63  }
0x28: {  	_ =	swait.ge [sflag:s30], $0x200  }
0x29: {  	[sflag:s30] =	ssyncset.done $0x0  }
0x2a: {  	[sflag:s30] =	ssyncadd.s32 $0xFFFFFE00  }
0x2b: {  	[tilespmem:s31], [sflag:$0x1] =	stream.indirect.gather [hbm4b:s5+s21], $0x40, s11, s21, $0xb8;
	[tilespmem:$0x10600] =	vst v63  }
0x2c: {  	s15 =	simm.s32 $0x280  }
0x2d: {  	[tilespmem:s1], [sflag:$0x1] =	stream.indirect.gather [hbm4b:s2+s21], $0x40, s15, s21, $0xb8;
	[tilespmem:$0x10600] =	vst v63  }
0x2e: {  	s16 =	simm.s32 $0x300  }
0x2f: {  	[tilespmem:s0], [sflag:$0x1] =	stream.indirect.gather [hbm4b:s5+s21], $0x40, s16, s21, $0xb8;
	[tilespmem:$0x10600] =	vst v63  }
0x30: {  	s17 =	simm.s32 $0x380  }
0x31: {  	[tilespmem:s19], [sflag:$0x1] =	stream.indirect.gather [hbm4b:s2+s21], $0x40, s17, s21, $0xb8;
	[tilespmem:$0x10600] =	vst v63  }
0x32: {  	_ =	swait.ge [sflag:s9], $0x2000  }
0x33: {  	[sflag:s9] =	ssyncset.done $0x0  }
0x34: {  	[sflag:s9] =	ssyncadd.s32 $0xFFFFE000  }
0x35: {  	_ =	swait.ge [sflag:s9], $0x2000  }
0x36: {  	[sflag:s9] =	ssyncset.done $0x0  }
0x37: {  	[sflag:s9] =	ssyncadd.s32 $0xFFFFE000  }
0x38: {  	_ =	swait.ge [sflag:s9], $0x2000  }
0x39: {  	[sflag:s9] =	ssyncset.done $0x0  }
0x3a: {  	[sflag:s9] =	ssyncadd.s32 $0xFFFFE000  }
0x3b: {  	_ =	swait.ge [sflag:s9], $0x2000  }
0x3c: {  	[sflag:s9] =	ssyncset.done $0x0  }
0x3d: {  	s11 =	simm.s32 $0x0;
	[sflag:s9] =	ssyncadd.s32 $0xFFFFE000  }
0x3e: {  	v6 =	vld [tilespmem:s11+$0x8600]  }
0x3f: {  	v7 =	vld [tilespmem:s11+$0x8610]  }
0x40: {  	v8 =	vld [tilespmem:s11+$0x8620]  }
0x41: {  	v9 =	vld [tilespmem:s11+$0x8630]  }
0x42: {  	v10 =	vld [tilespmem:s11+$0x8640]  }
0x43: {  	v11 =	vld [tilespmem:s11+$0x8650]  }
0x44: {  	v12 =	vld [tilespmem:s11+$0x8660]  }
0x45: {  	v13 =	vld [tilespmem:s11+$0x8670]  }
0x46: {  	v14 =	vld [tilespmem:s11+$0x8680]  }
0x47: {  	v15 =	vld [tilespmem:s11+$0x8690]  }
0x48: {  	v5 =	vld [tilespmem:s11+$0x86A0]  }
0x49: {  	v4 =	vld [tilespmem:s11+$0x86B0]  }
0x4a: {  	v3 =	vld [tilespmem:s11+$0x86C0]  }
0x4b: {  	v2 =	vld [tilespmem:s11+$0x86D0]  }
0x4c: {  	v1 =	vld [tilespmem:s11+$0x86E0]  }
0x4d: {  	v0 =	vld [tilespmem:s11+$0x86F0]  }
0x4e: {  	v16 =	vld [tilespmem:s11+$0x600]  }
0x4f: {  	v17 =	vld [tilespmem:s11+$0x610]  }
0x50: {  	v18 =	vld [tilespmem:s11+$0x620]  }
0x51: {  	v19 =	vld [tilespmem:s11+$0x630]  }
0x52: {  	v20 =	vld [tilespmem:s11+$0x640]  }
0x53: {  	v60 =	vld [tilespmem:s11+$0x650];
	v6 =	vadd.f32 v6, v16  }
0x54: {  	v21 =	vld [tilespmem:s11+$0x660];
	v7 =	vadd.f32 v7, v17  }
0x55: {  	v61 =	vld [tilespmem:s11+$0x670];
	[tilespmem:s11+$0x600] =	vst v6;
	v6 =	vadd.f32 v8, v18  }
0x56: {  	v62 =	vld [tilespmem:s11+$0x680];
	[tilespmem:s11+$0x610] =	vst v7;
	v7 =	vadd.f32 v9, v19  }
0x57: {  	v63 =	vld [tilespmem:s11+$0x690];
	[tilespmem:s11+$0x620] =	vst v6;
	v6 =	vadd.f32 v10, v20  }
0x58: {  	v8 =	vadd.f32 v11, v60;
	[tilespmem:s11+$0x630] =	vst v7;
	v7 =	vld [tilespmem:s11+$0x6A0]  }
0x59: {  	v9 =	vadd.f32 v12, v21;
	[tilespmem:s11+$0x640] =	vst v6;
	v6 =	vld [tilespmem:s11+$0x6B0]  }
0x5a: {  	[tilespmem:s11+$0x650] =	vst v8;
	v8 =	vld [tilespmem:s11+$0x6C0];
	v10 =	vadd.f32 v13, v61  }
0x5b: {  	v12 =	vadd.f32 v14, v62;
	[tilespmem:s11+$0x660] =	vst v9;
	v9 =	vld [tilespmem:s11+$0x6D0]  }
0x5c: {  	s13 =	simm.s32 $0x400;
	v11 =	vadd.f32 v15, v63;
	[tilespmem:s11+$0x670] =	vst v10;
	v10 =	vld [tilespmem:s11+$0x6E0]  }
.LBB2_2:
0x5d: {  	s7 =	sshra.s32 s13, $0x2;
	p0 =	sne.s32 s13, $0xFC00;
	[tilespmem:s11+$0x680] =	vst v12;
	v5 =	vadd.f32 v5, v7;
	v7 =	vld [tilespmem:s11+$0x6F0]  }
0x5e: {  	v12 =	vld [tilespmem:s7+$0x8600];
	[tilespmem:s11+$0x690] =	vst v11;
	v4 =	vadd.f32 v4, v6  }
0x5f: {  	v6 =	vld [tilespmem:s7+$0x8610];
	[tilespmem:s11+$0x6A0] =	vst v5;
	v3 =	vadd.f32 v3, v8  }
0x60: {  	v8 =	vld [tilespmem:s7+$0x8620];
	[tilespmem:s11+$0x6B0] =	vst v4;
	v2 =	vadd.f32 v2, v9  }
0x61: {  	v9 =	vld [tilespmem:s7+$0x8630];
	[tilespmem:s11+$0x6C0] =	vst v3;
	v1 =	vadd.f32 v1, v10  }
0x62: {  	v10 =	vld [tilespmem:s7+$0x8640];
	[tilespmem:s11+$0x6D0] =	vst v2;
	v0 =	vadd.f32 v0, v7  }
0x63: {  	v7 =	vld [tilespmem:s7+$0x8650];
	[tilespmem:s11+$0x6E0] =	vst v1  }
0x64: {  	v11 =	vld [tilespmem:s7+$0x8660];
	[tilespmem:s11+$0x6F0] =	vst v0;
	s11 =	smov.u32 s7  }
0x65: {  	v13 =	vld [tilespmem:s11+$0x8670]  }
0x66: {  	v14 =	vld [tilespmem:s11+$0x8680]  }
0x67: {  	v15 =	vld [tilespmem:s11+$0x8690]  }
0x68: {  	v5 =	vld [tilespmem:s11+$0x86A0]  }
0x69: {  	v4 =	vld [tilespmem:s11+$0x86B0]  }
0x6a: {  	v3 =	vld [tilespmem:s11+$0x86C0]  }
0x6b: {  	v2 =	vld [tilespmem:s11+$0x86D0]  }
0x6c: {  	v1 =	vld [tilespmem:s11+$0x86E0]  }
0x6d: {  	v0 =	vld [tilespmem:s11+$0x86F0]  }
0x6e: {  	v16 =	vld [tilespmem:s11+$0x600]  }
0x6f: {  	v17 =	vld [tilespmem:s11+$0x610]  }
0x70: {  	v18 =	vld [tilespmem:s11+$0x620]  }
0x71: {  	v19 =	vld [tilespmem:s11+$0x630]  }
0x72: {  	v20 =	vld [tilespmem:s11+$0x640]  }
0x73: {  	v12 =	vadd.f32 v12, v16;
	v16 =	vld [tilespmem:s11+$0x650]  }
0x74: {  	v6 =	vadd.f32 v6, v17;
	v17 =	vld [tilespmem:s11+$0x660]  }
0x75: {  	[tilespmem:s11+$0x600] =	vst v12;
	v8 =	vadd.f32 v8, v18;
	v12 =	vld [tilespmem:s11+$0x670]  }
0x76: {  	[tilespmem:s11+$0x610] =	vst v6;
	v6 =	vadd.f32 v9, v19;
	v9 =	vld [tilespmem:s11+$0x680]  }
0x77: {  	[tilespmem:s11+$0x620] =	vst v8;
	v8 =	vadd.f32 v10, v20;
	v10 =	vld [tilespmem:s11+$0x690]  }
.Ltmp0:
0x78: {  	[tilespmem:s11+$0x630] =	vst v6;
	v16 =	vadd.f32 v7, v16;
	v7 =	vld [tilespmem:s11+$0x6A0];
	(pc) =	sbr.rel @p0 .LBB2_2-.Ltmp0, $4  }
0x79: {  	[tilespmem:s11+$0x640] =	vst v8;
	v11 =	vadd.f32 v11, v17;
	v6 =	vld [tilespmem:s11+$0x6B0]  }
0x7a: {  	[tilespmem:s11+$0x650] =	vst v16;
	v13 =	vadd.f32 v13, v12;
	v8 =	vld [tilespmem:s11+$0x6C0]  }
0x7b: {  	[tilespmem:s11+$0x660] =	vst v11;
	v12 =	vadd.f32 v14, v9;
	v9 =	vld [tilespmem:s11+$0x6D0]  }
0x7c: {  	s13 =	sadd.s32 $0x400, s13;
	[tilespmem:s11+$0x670] =	vst v13;
	v11 =	vadd.f32 v15, v10;
	v10 =	vld [tilespmem:s11+$0x6E0]  }
0x7d: {  	[tilespmem:s11+$0x680] =	vst v12;
	v5 =	vadd.f32 v5, v7;
	v63 =	vld [tilespmem:s11+$0x6F0]  }
0x7e: {  	[tilespmem:s11+$0x690] =	vst v11;
	v4 =	vadd.f32 v4, v6  }
0x7f: {  	[tilespmem:s11+$0x6A0] =	vst v5;
	v3 =	vadd.f32 v3, v8  }
0x80: {  	[tilespmem:s11+$0x6B0] =	vst v4;
	v2 =	vadd.f32 v2, v9  }
0x81: {  	[tilespmem:s11+$0x6C0] =	vst v3;
	v1 =	vadd.f32 v1, v10  }
0x82: {  	[tilespmem:s11+$0x6D0] =	vst v2;
	v0 =	vadd.f32 v0, v63  }
0x83: {  	[tilespmem:s11+$0x6E0] =	vst v1  }
0x84: {  	s3 =	rddreg [dreg:$0x6];
	s13 =	simm.s32 $0x0;
	s14 =	simm.s32 $0x0;
	[tilespmem:s11+$0x6F0] =	vst v0  }
0x85: {  	[hbm4b:s3+s24] =	stream.strided.scatter [tilespmem:s22], [sflag:$0x2], $0x4000, s21, s24, $0x38;
	[tilespmem:$0x10600] =	vst v63  }
.LBB2_4:
0x86: {  	s7 =	smul.u32 $0x156, s14;
	_ =	sdelay $0x1  }
0x87: {  	s7 =	sadd.s32 $0x201, s7  }
0x88: {  	s7 =	sshrl.u32 s7, $0x9  }
0x89: {  	s17 =	sshll.u32 s14, $0x1;
	s7 =	sand.u32 $0x7F, s7  }
0x8a: {  	s11 =	sadd.s32 $0x3, s17;
	s7 =	smul.u32 $0x3, s7  }
0x8b: {  	s15 =	sshll.u32 s11, $0x9  }
0x8c: {  	s3 =	sadd.s32 s12, s15;
	s7 =	ssub.s32 s11, s7  }
0x8d: {  	s15 =	sadd.s32 $0x2, s17;
	s11 =	sshrl.u32 s3, $0x3;
	s7 =	sand.u32 $0xFF, s7  }
0x8e: {  	s3 =	smul.u32 $0xAB, s15;
	s11 =	sadd.s32 s4, s11;
	s16 =	sshll.u32 s7, $0x9  }
0x8f: {  	[tilespmem:s16], [sflag:$0x5] =	stream.linear.gather [hbm4b:s11+s13], $0x200, $0x38;
	[tilespmem:$0x10600] =	vst v63  }
0x90: {  	s11 =	sshrl.u32 s3, $0x9  }
0x91: {  	_ =	swait.ge [sflag:s10], $0x4000;
	s7 =	sand.u32 $0x7F, s11  }
0x92: {  	[sflag:s10] =	ssyncset.done $0x0;
	s7 =	smul.u32 $0x3, s7  }
0x93: {  	[sflag:s10] =	ssyncadd.s32 $0xFFFFC000  }
0x94: {  	s7 =	ssub.s32 s15, s7;
	_ =	swait.ge [sflag:s20], $0x200  }
0x95: {  	s7 =	sand.u32 $0xFF, s7;
	[sflag:s20] =	ssyncset.done $0x0  }
0x96: {  	[sflag:s20] =	ssyncadd.s32 $0xFFFFFE00;
	s7 =	sshll.u32 s7, $0x9  }
0x97: {  	[tilespmem:s22], [sflag:$0x1] =	stream.indirect.gather [hbm4b:s5+s21], $0x40, s7, s21, $0xb8;
	[tilespmem:$0x10600] =	vst v63  }
0x98: {  	s3 =	sor.u32 $0x80, s7  }
0x99: {  	[tilespmem:s23], [sflag:$0x1] =	stream.indirect.gather [hbm4b:s2+s21], $0x40, s3, s21, $0xb8;
	[tilespmem:$0x10600] =	vst v63  }
0x9a: {  	s3 =	sor.u32 $0x100, s7  }
0x9b: {  	[tilespmem:s25], [sflag:$0x1] =	stream.indirect.gather [hbm4b:s5+s21], $0x40, s3, s21, $0xb8;
	[tilespmem:$0x10600] =	vst v63  }
0x9c: {  	s7 =	sor.u32 $0x180, s7  }
0x9d: {  	[tilespmem:s28], [sflag:$0x1] =	stream.indirect.gather [hbm4b:s2+s21], $0x40, s7, s21, $0xb8;
	[tilespmem:$0x10600] =	vst v63  }
0x9e: {  	_ =	swait.ge [sflag:s9], $0x2000  }
0x9f: {  	[sflag:s9] =	ssyncset.done $0x0  }
0xa0: {  	[sflag:s9] =	ssyncadd.s32 $0xFFFFE000  }
0xa1: {  	_ =	swait.ge [sflag:s9], $0x2000  }
0xa2: {  	[sflag:s9] =	ssyncset.done $0x0  }
0xa3: {  	[sflag:s9] =	ssyncadd.s32 $0xFFFFE000  }
0xa4: {  	_ =	swait.ge [sflag:s9], $0x2000  }
0xa5: {  	[sflag:s9] =	ssyncset.done $0x0  }
0xa6: {  	[sflag:s9] =	ssyncadd.s32 $0xFFFFE000  }
0xa7: {  	_ =	swait.ge [sflag:s9], $0x2000  }
0xa8: {  	[sflag:s9] =	ssyncset.done $0x0  }
0xa9: {  	s11 =	simm.s32 $0x0;
	[sflag:s9] =	ssyncadd.s32 $0xFFFFE000  }
0xaa: {  	v6 =	vld [tilespmem:s11+$0xC600]  }
0xab: {  	v7 =	vld [tilespmem:s11+$0xC610]  }
0xac: {  	v8 =	vld [tilespmem:s11+$0xC620]  }
0xad: {  	v9 =	vld [tilespmem:s11+$0xC630]  }
0xae: {  	v10 =	vld [tilespmem:s11+$0xC640]  }
0xaf: {  	v11 =	vld [tilespmem:s11+$0xC650]  }
0xb0: {  	v12 =	vld [tilespmem:s11+$0xC660]  }
0xb1: {  	v13 =	vld [tilespmem:s11+$0xC670]  }
0xb2: {  	v14 =	vld [tilespmem:s11+$0xC680]  }
0xb3: {  	v15 =	vld [tilespmem:s11+$0xC690]  }
0xb4: {  	v5 =	vld [tilespmem:s11+$0xC6A0]  }
0xb5: {  	v4 =	vld [tilespmem:s11+$0xC6B0]  }
0xb6: {  	v3 =	vld [tilespmem:s11+$0xC6C0]  }
0xb7: {  	v2 =	vld [tilespmem:s11+$0xC6D0]  }
0xb8: {  	v1 =	vld [tilespmem:s11+$0xC6E0]  }
0xb9: {  	v0 =	vld [tilespmem:s11+$0xC6F0]  }
0xba: {  	v16 =	vld [tilespmem:s11+$0x4600]  }
0xbb: {  	v17 =	vld [tilespmem:s11+$0x4610]  }
0xbc: {  	v18 =	vld [tilespmem:s11+$0x4620]  }
0xbd: {  	v19 =	vld [tilespmem:s11+$0x4630]  }
0xbe: {  	v20 =	vld [tilespmem:s11+$0x4640]  }
0xbf: {  	v60 =	vld [tilespmem:s11+$0x4650];
	v6 =	vadd.f32 v6, v16  }
0xc0: {  	v21 =	vld [tilespmem:s11+$0x4660];
	v7 =	vadd.f32 v7, v17  }
0xc1: {  	v61 =	vld [tilespmem:s11+$0x4670];
	[tilespmem:s11+$0x4600] =	vst v6;
	v6 =	vadd.f32 v8, v18  }
0xc2: {  	v62 =	vld [tilespmem:s11+$0x4680];
	[tilespmem:s11+$0x4610] =	vst v7;
	v7 =	vadd.f32 v9, v19  }
0xc3: {  	v63 =	vld [tilespmem:s11+$0x4690];
	[tilespmem:s11+$0x4620] =	vst v6;
	v6 =	vadd.f32 v10, v20  }
0xc4: {  	v8 =	vadd.f32 v11, v60;
	[tilespmem:s11+$0x4630] =	vst v7;
	v7 =	vld [tilespmem:s11+$0x46A0]  }
0xc5: {  	v9 =	vadd.f32 v12, v21;
	[tilespmem:s11+$0x4640] =	vst v6;
	v6 =	vld [tilespmem:s11+$0x46B0]  }
0xc6: {  	[tilespmem:s11+$0x4650] =	vst v8;
	v8 =	vld [tilespmem:s11+$0x46C0];
	v10 =	vadd.f32 v13, v61  }
0xc7: {  	v12 =	vadd.f32 v14, v62;
	[tilespmem:s11+$0x4660] =	vst v9;
	v9 =	vld [tilespmem:s11+$0x46D0]  }
0xc8: {  	s7 =	simm.s32 $0x400;
	v11 =	vadd.f32 v15, v63;
	[tilespmem:s11+$0x4670] =	vst v10;
	v10 =	vld [tilespmem:s11+$0x46E0]  }
.LBB2_5:
0xc9: {  	s3 =	sshra.s32 s7, $0x2;
	p0 =	sne.s32 s7, $0xFC00;
	[tilespmem:s11+$0x4680] =	vst v12;
	v5 =	vadd.f32 v5, v7;
	v7 =	vld [tilespmem:s11+$0x46F0]  }
0xca: {  	v12 =	vld [tilespmem:s3+$0xC600];
	[tilespmem:s11+$0x4690] =	vst v11;
	v4 =	vadd.f32 v4, v6  }
0xcb: {  	v6 =	vld [tilespmem:s3+$0xC610];
	[tilespmem:s11+$0x46A0] =	vst v5;
	v3 =	vadd.f32 v3, v8  }
0xcc: {  	v8 =	vld [tilespmem:s3+$0xC620];
	[tilespmem:s11+$0x46B0] =	vst v4;
	v2 =	vadd.f32 v2, v9  }
0xcd: {  	v9 =	vld [tilespmem:s3+$0xC630];
	[tilespmem:s11+$0x46C0] =	vst v3;
	v1 =	vadd.f32 v1, v10  }
0xce: {  	v10 =	vld [tilespmem:s3+$0xC640];
	[tilespmem:s11+$0x46D0] =	vst v2;
	v0 =	vadd.f32 v0, v7  }
0xcf: {  	v7 =	vld [tilespmem:s3+$0xC650];
	[tilespmem:s11+$0x46E0] =	vst v1  }
0xd0: {  	v11 =	vld [tilespmem:s3+$0xC660];
	[tilespmem:s11+$0x46F0] =	vst v0;
	s11 =	smov.u32 s3  }
0xd1: {  	v13 =	vld [tilespmem:s11+$0xC670]  }
0xd2: {  	v14 =	vld [tilespmem:s11+$0xC680]  }
0xd3: {  	v15 =	vld [tilespmem:s11+$0xC690]  }
0xd4: {  	v5 =	vld [tilespmem:s11+$0xC6A0]  }
0xd5: {  	v4 =	vld [tilespmem:s11+$0xC6B0]  }
0xd6: {  	v3 =	vld [tilespmem:s11+$0xC6C0]  }
0xd7: {  	v2 =	vld [tilespmem:s11+$0xC6D0]  }
0xd8: {  	v1 =	vld [tilespmem:s11+$0xC6E0]  }
0xd9: {  	v0 =	vld [tilespmem:s11+$0xC6F0]  }
0xda: {  	v16 =	vld [tilespmem:s11+$0x4600]  }
0xdb: {  	v17 =	vld [tilespmem:s11+$0x4610]  }
0xdc: {  	v18 =	vld [tilespmem:s11+$0x4620]  }
0xdd: {  	v19 =	vld [tilespmem:s11+$0x4630]  }
0xde: {  	v20 =	vld [tilespmem:s11+$0x4640]  }
0xdf: {  	v12 =	vadd.f32 v12, v16;
	v16 =	vld [tilespmem:s11+$0x4650]  }
0xe0: {  	v6 =	vadd.f32 v6, v17;
	v17 =	vld [tilespmem:s11+$0x4660]  }
0xe1: {  	[tilespmem:s11+$0x4600] =	vst v12;
	v8 =	vadd.f32 v8, v18;
	v12 =	vld [tilespmem:s11+$0x4670]  }
0xe2: {  	[tilespmem:s11+$0x4610] =	vst v6;
	v6 =	vadd.f32 v9, v19;
	v9 =	vld [tilespmem:s11+$0x4680]  }
0xe3: {  	[tilespmem:s11+$0x4620] =	vst v8;
	v8 =	vadd.f32 v10, v20;
	v10 =	vld [tilespmem:s11+$0x4690]  }
.Ltmp1:
0xe4: {  	[tilespmem:s11+$0x4630] =	vst v6;
	v16 =	vadd.f32 v7, v16;
	v7 =	vld [tilespmem:s11+$0x46A0];
	(pc) =	sbr.rel @p0 .LBB2_5-.Ltmp1, $4  }
0xe5: {  	[tilespmem:s11+$0x4640] =	vst v8;
	v11 =	vadd.f32 v11, v17;
	v6 =	vld [tilespmem:s11+$0x46B0]  }
0xe6: {  	[tilespmem:s11+$0x4650] =	vst v16;
	v13 =	vadd.f32 v13, v12;
	v8 =	vld [tilespmem:s11+$0x46C0]  }
0xe7: {  	[tilespmem:s11+$0x4660] =	vst v11;
	v12 =	vadd.f32 v14, v9;
	v9 =	vld [tilespmem:s11+$0x46D0]  }
0xe8: {  	s7 =	sadd.s32 $0x400, s7;
	[tilespmem:s11+$0x4670] =	vst v13;
	v11 =	vadd.f32 v15, v10;
	v10 =	vld [tilespmem:s11+$0x46E0]  }
0xe9: {  	[tilespmem:s11+$0x4680] =	vst v12;
	v5 =	vadd.f32 v5, v7;
	v7 =	vld [tilespmem:s11+$0x46F0]  }
0xea: {  	[tilespmem:s11+$0x4690] =	vst v11;
	v4 =	vadd.f32 v4, v6  }
0xeb: {  	[tilespmem:s11+$0x46A0] =	vst v5;
	v3 =	vadd.f32 v3, v8  }
0xec: {  	[tilespmem:s11+$0x46B0] =	vst v4;
	v2 =	vadd.f32 v2, v9  }
0xed: {  	[tilespmem:s11+$0x46C0] =	vst v3;
	v1 =	vadd.f32 v1, v10  }
0xee: {  	[tilespmem:s11+$0x46D0] =	vst v2;
	v0 =	vadd.f32 v0, v7  }
0xef: {  	s3 =	sshll.u32 s14, $0xD;
	s7 =	sadd.s32 $0x4, s17;
	[tilespmem:s11+$0x46E0] =	vst v1  }
0xf0: {  	s3 =	sadd.s32 s18, s3;
	[tilespmem:s11+$0x46F0] =	vst v0;
	s11 =	smulhi.u32 $0x55555556, s7  }
0xf1: {  	[hbm4b:s3+s24] =	stream.strided.scatter [tilespmem:s31], [sflag:$0x3], $0x4000, s21, s24, $0x38;
	[tilespmem:$0x10600] =	vst v63  }
0xf2: {  	s17 =	sshll.u32 s7, $0x9;
	s11 =	smul.u32 $0x3, s11  }
0xf3: {  	s3 =	sadd.s32 s12, s17  }
0xf4: {  	s3 =	sshrl.u32 s3, $0x3;
	s7 =	ssub.s32 s7, s11  }
0xf5: {  	s17 =	simm.s32 $0x0;
	s3 =	sadd.s32 s4, s3;
	s7 =	sshll.u32 s7, $0x9  }
0xf6: {  	[tilespmem:s7], [sflag:$0x4] =	stream.linear.gather [hbm4b:s3+s17], $0x200, $0x38;
	[tilespmem:$0x10600] =	vst v63  }
0xf7: {  	_ =	swait.ge [sflag:s26], $0x4000  }
0xf8: {  	[sflag:s26] =	ssyncset.done $0x0  }
0xf9: {  	[sflag:s26] =	ssyncadd.s32 $0xFFFFC000  }
0xfa: {  	_ =	swait.ge [sflag:s30], $0x200  }
0xfb: {  	[sflag:s30] =	ssyncset.done $0x0  }
0xfc: {  	[sflag:s30] =	ssyncadd.s32 $0xFFFFFE00  }
0xfd: {  	[tilespmem:s31], [sflag:$0x1] =	stream.indirect.gather [hbm4b:s5+s21], $0x40, s16, s21, $0xb8;
	[tilespmem:$0x10600] =	vst v63  }
0xfe: {  	s7 =	sadd.s32 $0x80, s16  }
0xff: {  	[tilespmem:s1], [sflag:$0x1] =	stream.indirect.gather [hbm4b:s2+s21], $0x40, s7, s21, $0xb8;
	[tilespmem:$0x10600] =	vst v63  }
0x100: {  	s11 =	sadd.s32 $0x100, s16  }
0x101: {  	[tilespmem:s0], [sflag:$0x1] =	stream.indirect.gather [hbm4b:s5+s21], $0x40, s11, s21, $0xb8;
	[tilespmem:$0x10600] =	vst v63  }
0x102: {  	s17 =	sadd.s32 $0x180, s16  }
0x103: {  	[tilespmem:s19], [sflag:$0x1] =	stream.indirect.gather [hbm4b:s2+s21], $0x40, s17, s21, $0xb8;
	[tilespmem:$0x10600] =	vst v63  }
0x104: {  	_ =	swait.ge [sflag:s9], $0x2000  }
0x105: {  	[sflag:s9] =	ssyncset.done $0x0  }
0x106: {  	[sflag:s9] =	ssyncadd.s32 $0xFFFFE000  }
0x107: {  	_ =	swait.ge [sflag:s9], $0x2000  }
0x108: {  	[sflag:s9] =	ssyncset.done $0x0  }
0x109: {  	[sflag:s9] =	ssyncadd.s32 $0xFFFFE000  }
0x10a: {  	_ =	swait.ge [sflag:s9], $0x2000  }
0x10b: {  	[sflag:s9] =	ssyncset.done $0x0  }
0x10c: {  	[sflag:s9] =	ssyncadd.s32 $0xFFFFE000  }
0x10d: {  	_ =	swait.ge [sflag:s9], $0x2000  }
0x10e: {  	[sflag:s9] =	ssyncset.done $0x0  }
0x10f: {  	s16 =	simm.s32 $0x0;
	[sflag:s9] =	ssyncadd.s32 $0xFFFFE000  }
0x110: {  	v6 =	vld [tilespmem:s16+$0x8600]  }
0x111: {  	v7 =	vld [tilespmem:s16+$0x8610]  }
0x112: {  	v8 =	vld [tilespmem:s16+$0x8620]  }
0x113: {  	v9 =	vld [tilespmem:s16+$0x8630]  }
0x114: {  	v10 =	vld [tilespmem:s16+$0x8640]  }
0x115: {  	v11 =	vld [tilespmem:s16+$0x8650]  }
0x116: {  	v12 =	vld [tilespmem:s16+$0x8660]  }
0x117: {  	v13 =	vld [tilespmem:s16+$0x8670]  }
0x118: {  	v14 =	vld [tilespmem:s16+$0x8680]  }
0x119: {  	v15 =	vld [tilespmem:s16+$0x8690]  }
0x11a: {  	v5 =	vld [tilespmem:s16+$0x86A0]  }
0x11b: {  	v4 =	vld [tilespmem:s16+$0x86B0]  }
0x11c: {  	v3 =	vld [tilespmem:s16+$0x86C0]  }
0x11d: {  	v2 =	vld [tilespmem:s16+$0x86D0]  }
0x11e: {  	v1 =	vld [tilespmem:s16+$0x86E0]  }
0x11f: {  	v0 =	vld [tilespmem:s16+$0x86F0]  }
0x120: {  	v16 =	vld [tilespmem:s16+$0x600]  }
0x121: {  	v17 =	vld [tilespmem:s16+$0x610]  }
0x122: {  	v18 =	vld [tilespmem:s16+$0x620]  }
0x123: {  	v19 =	vld [tilespmem:s16+$0x630]  }
0x124: {  	v20 =	vld [tilespmem:s16+$0x640]  }
0x125: {  	v60 =	vld [tilespmem:s16+$0x650];
	v6 =	vadd.f32 v6, v16  }
0x126: {  	v21 =	vld [tilespmem:s16+$0x660];
	v7 =	vadd.f32 v7, v17  }
0x127: {  	v61 =	vld [tilespmem:s16+$0x670];
	[tilespmem:s16+$0x600] =	vst v6;
	v6 =	vadd.f32 v8, v18  }
0x128: {  	v62 =	vld [tilespmem:s16+$0x680];
	[tilespmem:s16+$0x610] =	vst v7;
	v7 =	vadd.f32 v9, v19  }
0x129: {  	v63 =	vld [tilespmem:s16+$0x690];
	[tilespmem:s16+$0x620] =	vst v6;
	v6 =	vadd.f32 v10, v20  }
0x12a: {  	v8 =	vadd.f32 v11, v60;
	[tilespmem:s16+$0x630] =	vst v7;
	v7 =	vld [tilespmem:s16+$0x6A0]  }
0x12b: {  	v9 =	vadd.f32 v12, v21;
	[tilespmem:s16+$0x640] =	vst v6;
	v6 =	vld [tilespmem:s16+$0x6B0]  }
0x12c: {  	[tilespmem:s16+$0x650] =	vst v8;
	v8 =	vld [tilespmem:s16+$0x6C0];
	v10 =	vadd.f32 v13, v61  }
0x12d: {  	v12 =	vadd.f32 v14, v62;
	[tilespmem:s16+$0x660] =	vst v9;
	v9 =	vld [tilespmem:s16+$0x6D0]  }
0x12e: {  	s7 =	simm.s32 $0x400;
	v11 =	vadd.f32 v15, v63;
	[tilespmem:s16+$0x670] =	vst v10;
	v10 =	vld [tilespmem:s16+$0x6E0]  }
.LBB2_7:
0x12f: {  	s3 =	sshra.s32 s7, $0x2;
	p0 =	sne.s32 s7, $0xFC00;
	[tilespmem:s16+$0x680] =	vst v12;
	v5 =	vadd.f32 v5, v7;
	v7 =	vld [tilespmem:s16+$0x6F0]  }
0x130: {  	v12 =	vld [tilespmem:s3+$0x8600];
	[tilespmem:s16+$0x690] =	vst v11;
	v4 =	vadd.f32 v4, v6  }
0x131: {  	v6 =	vld [tilespmem:s3+$0x8610];
	[tilespmem:s16+$0x6A0] =	vst v5;
	v3 =	vadd.f32 v3, v8  }
0x132: {  	v8 =	vld [tilespmem:s3+$0x8620];
	[tilespmem:s16+$0x6B0] =	vst v4;
	v2 =	vadd.f32 v2, v9  }
0x133: {  	v9 =	vld [tilespmem:s3+$0x8630];
	[tilespmem:s16+$0x6C0] =	vst v3;
	v1 =	vadd.f32 v1, v10  }
0x134: {  	v10 =	vld [tilespmem:s3+$0x8640];
	[tilespmem:s16+$0x6D0] =	vst v2;
	v0 =	vadd.f32 v0, v7  }
0x135: {  	v7 =	vld [tilespmem:s3+$0x8650];
	[tilespmem:s16+$0x6E0] =	vst v1  }
0x136: {  	v11 =	vld [tilespmem:s3+$0x8660];
	[tilespmem:s16+$0x6F0] =	vst v0;
	s16 =	smov.u32 s3  }
0x137: {  	v13 =	vld [tilespmem:s16+$0x8670]  }
0x138: {  	v14 =	vld [tilespmem:s16+$0x8680]  }
0x139: {  	v15 =	vld [tilespmem:s16+$0x8690]  }
0x13a: {  	v5 =	vld [tilespmem:s16+$0x86A0]  }
0x13b: {  	v4 =	vld [tilespmem:s16+$0x86B0]  }
0x13c: {  	v3 =	vld [tilespmem:s16+$0x86C0]  }
0x13d: {  	v2 =	vld [tilespmem:s16+$0x86D0]  }
0x13e: {  	v1 =	vld [tilespmem:s16+$0x86E0]  }
0x13f: {  	v0 =	vld [tilespmem:s16+$0x86F0]  }
0x140: {  	v16 =	vld [tilespmem:s16+$0x600]  }
0x141: {  	v17 =	vld [tilespmem:s16+$0x610]  }
0x142: {  	v18 =	vld [tilespmem:s16+$0x620]  }
0x143: {  	v19 =	vld [tilespmem:s16+$0x630]  }
0x144: {  	v20 =	vld [tilespmem:s16+$0x640]  }
0x145: {  	v12 =	vadd.f32 v12, v16;
	v16 =	vld [tilespmem:s16+$0x650]  }
0x146: {  	v6 =	vadd.f32 v6, v17;
	v17 =	vld [tilespmem:s16+$0x660]  }
0x147: {  	[tilespmem:s16+$0x600] =	vst v12;
	v8 =	vadd.f32 v8, v18;
	v12 =	vld [tilespmem:s16+$0x670]  }
0x148: {  	[tilespmem:s16+$0x610] =	vst v6;
	v6 =	vadd.f32 v9, v19;
	v9 =	vld [tilespmem:s16+$0x680]  }
0x149: {  	[tilespmem:s16+$0x620] =	vst v8;
	v8 =	vadd.f32 v10, v20;
	v10 =	vld [tilespmem:s16+$0x690]  }
.Ltmp2:
0x14a: {  	[tilespmem:s16+$0x630] =	vst v6;
	v16 =	vadd.f32 v7, v16;
	v7 =	vld [tilespmem:s16+$0x6A0];
	(pc) =	sbr.rel @p0 .LBB2_7-.Ltmp2, $4  }
0x14b: {  	[tilespmem:s16+$0x640] =	vst v8;
	v11 =	vadd.f32 v11, v17;
	v6 =	vld [tilespmem:s16+$0x6B0]  }
0x14c: {  	[tilespmem:s16+$0x650] =	vst v16;
	v13 =	vadd.f32 v13, v12;
	v8 =	vld [tilespmem:s16+$0x6C0]  }
0x14d: {  	[tilespmem:s16+$0x660] =	vst v11;
	v12 =	vadd.f32 v14, v9;
	v9 =	vld [tilespmem:s16+$0x6D0]  }
0x14e: {  	s7 =	sadd.s32 $0x400, s7;
	[tilespmem:s16+$0x670] =	vst v13;
	v11 =	vadd.f32 v15, v10;
	v10 =	vld [tilespmem:s16+$0x6E0]  }
0x14f: {  	[tilespmem:s16+$0x680] =	vst v12;
	v5 =	vadd.f32 v5, v7;
	v63 =	vld [tilespmem:s16+$0x6F0]  }
0x150: {  	[tilespmem:s16+$0x690] =	vst v11;
	v4 =	vadd.f32 v4, v6  }
0x151: {  	s14 =	sadd.s32 $0x1, s14;
	[tilespmem:s16+$0x6A0] =	vst v5;
	v3 =	vadd.f32 v3, v8  }
0x152: {  	p0 =	sne.s32 s14, $0x30;
	[tilespmem:s16+$0x6B0] =	vst v4;
	v2 =	vadd.f32 v2, v9  }
.Ltmp3:
0x153: {  	s3 =	sshll.u32 s15, $0xF;
	[tilespmem:s16+$0x6C0] =	vst v3;
	v1 =	vadd.f32 v1, v10;
	(pc) =	sbr.rel @p0 .LBB2_4-.Ltmp3, $4  }
0x154: {  	s3 =	sadd.s32 s8, s3;
	[tilespmem:s16+$0x6D0] =	vst v2;
	v0 =	vadd.f32 v0, v63  }
0x155: {  	s3 =	sshrl.u32 s3, $0x3;
	[tilespmem:s16+$0x6E0] =	vst v1  }
0x156: {  	s3 =	sadd.s32 s6, s3;
	[tilespmem:s16+$0x6F0] =	vst v0  }
0x157: {  	[hbm4b:s3+s24] =	stream.strided.scatter [tilespmem:s22], [sflag:$0x2], $0x4000, s21, s24, $0x38;
	[tilespmem:$0x10600] =	vst v63  }
0x158: {  	s3 =	simm.s32 $0x0;
	s7 =	rddreg [dreg:$0x7]  }
0x159: {  	[tilespmem:s3], [sflag:$0x5] =	stream.linear.gather [hbm4b:s7+s3], $0x200, $0x38;
	[tilespmem:$0x10600] =	vst v63  }
0x15a: {  	_ =	swait.ge [sflag:s10], $0x4000  }
0x15b: {  	[sflag:s10] =	ssyncset.done $0x0  }
0x15c: {  	[sflag:s10] =	ssyncadd.s32 $0xFFFFC000  }
0x15d: {  	_ =	swait.ge [sflag:s20], $0x200  }
0x15e: {  	[sflag:s20] =	ssyncset.done $0x0  }
0x15f: {  	s15 =	simm.s32 $0x400;
	[sflag:s20] =	ssyncadd.s32 $0xFFFFFE00  }
0x160: {  	[tilespmem:s22], [sflag:$0x1] =	stream.indirect.gather [hbm4b:s5+s21], $0x40, s15, s21, $0xb8;
	[tilespmem:$0x10600] =	vst v63  }
0x161: {  	s14 =	simm.s32 $0x480  }
0x162: {  	[tilespmem:s23], [sflag:$0x1] =	stream.indirect.gather [hbm4b:s2+s21], $0x40, s14, s21, $0xb8;
	[tilespmem:$0x10600] =	vst v63  }
0x163: {  	s16 =	simm.s32 $0x500  }
0x164: {  	[tilespmem:s25], [sflag:$0x1] =	stream.indirect.gather [hbm4b:s5+s21], $0x40, s16, s21, $0xb8;
	[tilespmem:$0x10600] =	vst v63  }
0x165: {  	s17 =	simm.s32 $0x580  }
0x166: {  	[tilespmem:s28], [sflag:$0x1] =	stream.indirect.gather [hbm4b:s2+s21], $0x40, s17, s21, $0xb8;
	[tilespmem:$0x10600] =	vst v63  }
0x167: {  	_ =	swait.ge [sflag:s9], $0x2000  }
0x168: {  	[sflag:s9] =	ssyncset.done $0x0  }
0x169: {  	[sflag:s9] =	ssyncadd.s32 $0xFFFFE000  }
0x16a: {  	_ =	swait.ge [sflag:s9], $0x2000  }
0x16b: {  	[sflag:s9] =	ssyncset.done $0x0  }
0x16c: {  	[sflag:s9] =	ssyncadd.s32 $0xFFFFE000  }
0x16d: {  	_ =	swait.ge [sflag:s9], $0x2000  }
0x16e: {  	[sflag:s9] =	ssyncset.done $0x0  }
0x16f: {  	[sflag:s9] =	ssyncadd.s32 $0xFFFFE000  }
0x170: {  	_ =	swait.ge [sflag:s9], $0x2000  }
0x171: {  	[sflag:s9] =	ssyncset.done $0x0  }
0x172: {  	s11 =	simm.s32 $0x0;
	[sflag:s9] =	ssyncadd.s32 $0xFFFFE000  }
0x173: {  	v6 =	vld [tilespmem:s11+$0xC600]  }
0x174: {  	v7 =	vld [tilespmem:s11+$0xC610]  }
0x175: {  	v8 =	vld [tilespmem:s11+$0xC620]  }
0x176: {  	v9 =	vld [tilespmem:s11+$0xC630]  }
0x177: {  	v10 =	vld [tilespmem:s11+$0xC640]  }
0x178: {  	v11 =	vld [tilespmem:s11+$0xC650]  }
0x179: {  	v12 =	vld [tilespmem:s11+$0xC660]  }
0x17a: {  	v13 =	vld [tilespmem:s11+$0xC670]  }
0x17b: {  	v14 =	vld [tilespmem:s11+$0xC680]  }
0x17c: {  	v15 =	vld [tilespmem:s11+$0xC690]  }
0x17d: {  	v5 =	vld [tilespmem:s11+$0xC6A0]  }
0x17e: {  	v4 =	vld [tilespmem:s11+$0xC6B0]  }
0x17f: {  	v3 =	vld [tilespmem:s11+$0xC6C0]  }
0x180: {  	v2 =	vld [tilespmem:s11+$0xC6D0]  }
0x181: {  	v1 =	vld [tilespmem:s11+$0xC6E0]  }
0x182: {  	v0 =	vld [tilespmem:s11+$0xC6F0]  }
0x183: {  	v16 =	vld [tilespmem:s11+$0x4600]  }
0x184: {  	v17 =	vld [tilespmem:s11+$0x4610]  }
0x185: {  	v18 =	vld [tilespmem:s11+$0x4620]  }
0x186: {  	v19 =	vld [tilespmem:s11+$0x4630]  }
0x187: {  	v20 =	vld [tilespmem:s11+$0x4640]  }
0x188: {  	v60 =	vld [tilespmem:s11+$0x4650];
	v6 =	vadd.f32 v6, v16  }
0x189: {  	v21 =	vld [tilespmem:s11+$0x4660];
	v7 =	vadd.f32 v7, v17  }
0x18a: {  	v61 =	vld [tilespmem:s11+$0x4670];
	[tilespmem:s11+$0x4600] =	vst v6;
	v6 =	vadd.f32 v8, v18  }
0x18b: {  	v62 =	vld [tilespmem:s11+$0x4680];
	[tilespmem:s11+$0x4610] =	vst v7;
	v7 =	vadd.f32 v9, v19  }
0x18c: {  	v63 =	vld [tilespmem:s11+$0x4690];
	[tilespmem:s11+$0x4620] =	vst v6;
	v6 =	vadd.f32 v10, v20  }
0x18d: {  	v8 =	vadd.f32 v11, v60;
	[tilespmem:s11+$0x4630] =	vst v7;
	v7 =	vld [tilespmem:s11+$0x46A0]  }
0x18e: {  	v9 =	vadd.f32 v12, v21;
	[tilespmem:s11+$0x4640] =	vst v6;
	v6 =	vld [tilespmem:s11+$0x46B0]  }
0x18f: {  	[tilespmem:s11+$0x4650] =	vst v8;
	v8 =	vld [tilespmem:s11+$0x46C0];
	v10 =	vadd.f32 v13, v61  }
0x190: {  	v12 =	vadd.f32 v14, v62;
	[tilespmem:s11+$0x4660] =	vst v9;
	v9 =	vld [tilespmem:s11+$0x46D0]  }
0x191: {  	s7 =	simm.s32 $0x400;
	v11 =	vadd.f32 v15, v63;
	[tilespmem:s11+$0x4670] =	vst v10;
	v10 =	vld [tilespmem:s11+$0x46E0]  }
.LBB2_10:
0x192: {  	s3 =	sshra.s32 s7, $0x2;
	p0 =	sne.s32 s7, $0xFC00;
	[tilespmem:s11+$0x4680] =	vst v12;
	v5 =	vadd.f32 v5, v7;
	v7 =	vld [tilespmem:s11+$0x46F0]  }
0x193: {  	v12 =	vld [tilespmem:s3+$0xC600];
	[tilespmem:s11+$0x4690] =	vst v11;
	v4 =	vadd.f32 v4, v6  }
0x194: {  	v6 =	vld [tilespmem:s3+$0xC610];
	[tilespmem:s11+$0x46A0] =	vst v5;
	v3 =	vadd.f32 v3, v8  }
0x195: {  	v8 =	vld [tilespmem:s3+$0xC620];
	[tilespmem:s11+$0x46B0] =	vst v4;
	v2 =	vadd.f32 v2, v9  }
0x196: {  	v9 =	vld [tilespmem:s3+$0xC630];
	[tilespmem:s11+$0x46C0] =	vst v3;
	v1 =	vadd.f32 v1, v10  }
0x197: {  	v10 =	vld [tilespmem:s3+$0xC640];
	[tilespmem:s11+$0x46D0] =	vst v2;
	v0 =	vadd.f32 v0, v7  }
0x198: {  	v7 =	vld [tilespmem:s3+$0xC650];
	[tilespmem:s11+$0x46E0] =	vst v1  }
0x199: {  	v11 =	vld [tilespmem:s3+$0xC660];
	[tilespmem:s11+$0x46F0] =	vst v0;
	s11 =	smov.u32 s3  }
0x19a: {  	v13 =	vld [tilespmem:s11+$0xC670]  }
0x19b: {  	v14 =	vld [tilespmem:s11+$0xC680]  }
0x19c: {  	v15 =	vld [tilespmem:s11+$0xC690]  }
0x19d: {  	v5 =	vld [tilespmem:s11+$0xC6A0]  }
0x19e: {  	v4 =	vld [tilespmem:s11+$0xC6B0]  }
0x19f: {  	v3 =	vld [tilespmem:s11+$0xC6C0]  }
0x1a0: {  	v2 =	vld [tilespmem:s11+$0xC6D0]  }
0x1a1: {  	v1 =	vld [tilespmem:s11+$0xC6E0]  }
0x1a2: {  	v0 =	vld [tilespmem:s11+$0xC6F0]  }
0x1a3: {  	v16 =	vld [tilespmem:s11+$0x4600]  }
0x1a4: {  	v17 =	vld [tilespmem:s11+$0x4610]  }
0x1a5: {  	v18 =	vld [tilespmem:s11+$0x4620]  }
0x1a6: {  	v19 =	vld [tilespmem:s11+$0x4630]  }
0x1a7: {  	v20 =	vld [tilespmem:s11+$0x4640]  }
0x1a8: {  	v12 =	vadd.f32 v12, v16;
	v16 =	vld [tilespmem:s11+$0x4650]  }
0x1a9: {  	v6 =	vadd.f32 v6, v17;
	v17 =	vld [tilespmem:s11+$0x4660]  }
0x1aa: {  	[tilespmem:s11+$0x4600] =	vst v12;
	v8 =	vadd.f32 v8, v18;
	v12 =	vld [tilespmem:s11+$0x4670]  }
0x1ab: {  	[tilespmem:s11+$0x4610] =	vst v6;
	v6 =	vadd.f32 v9, v19;
	v9 =	vld [tilespmem:s11+$0x4680]  }
0x1ac: {  	[tilespmem:s11+$0x4620] =	vst v8;
	v8 =	vadd.f32 v10, v20;
	v10 =	vld [tilespmem:s11+$0x4690]  }
.Ltmp4:
0x1ad: {  	[tilespmem:s11+$0x4630] =	vst v6;
	v16 =	vadd.f32 v7, v16;
	v7 =	vld [tilespmem:s11+$0x46A0];
	(pc) =	sbr.rel @p0 .LBB2_10-.Ltmp4, $4  }
0x1ae: {  	[tilespmem:s11+$0x4640] =	vst v8;
	v11 =	vadd.f32 v11, v17;
	v6 =	vld [tilespmem:s11+$0x46B0]  }
0x1af: {  	[tilespmem:s11+$0x4650] =	vst v16;
	v13 =	vadd.f32 v13, v12;
	v8 =	vld [tilespmem:s11+$0x46C0]  }
0x1b0: {  	[tilespmem:s11+$0x4660] =	vst v11;
	v12 =	vadd.f32 v14, v9;
	v9 =	vld [tilespmem:s11+$0x46D0]  }
0x1b1: {  	s7 =	sadd.s32 $0x400, s7;
	[tilespmem:s11+$0x4670] =	vst v13;
	v11 =	vadd.f32 v15, v10;
	v10 =	vld [tilespmem:s11+$0x46E0]  }
0x1b2: {  	[tilespmem:s11+$0x4680] =	vst v12;
	v5 =	vadd.f32 v5, v7;
	v7 =	vld [tilespmem:s11+$0x46F0]  }
0x1b3: {  	[tilespmem:s11+$0x4690] =	vst v11;
	v4 =	vadd.f32 v4, v6  }
0x1b4: {  	[tilespmem:s11+$0x46A0] =	vst v5;
	v3 =	vadd.f32 v3, v8  }
0x1b5: {  	[tilespmem:s11+$0x46B0] =	vst v4;
	v2 =	vadd.f32 v2, v9  }
0x1b6: {  	[tilespmem:s11+$0x46C0] =	vst v3;
	v1 =	vadd.f32 v1, v10  }
0x1b7: {  	[tilespmem:s11+$0x46D0] =	vst v2;
	v0 =	vadd.f32 v0, v7  }
0x1b8: {  	[tilespmem:s11+$0x46E0] =	vst v1  }
0x1b9: {  	s3 =	rddreg [dreg:$0x8];
	[tilespmem:s11+$0x46F0] =	vst v0  }
0x1ba: {  	[hbm4b:s3+s24] =	stream.strided.scatter [tilespmem:s31], [sflag:$0x3], $0x4000, s21, s24, $0x38;
	[tilespmem:$0x10600] =	vst v63  }
0x1bb: {  	_ =	swait.ge [sflag:s26], $0x4000  }
0x1bc: {  	[sflag:s26] =	ssyncset.done $0x0  }
0x1bd: {  	[sflag:s26] =	ssyncadd.s32 $0xFFFFC000  }
0x1be: {  	_ =	swait.ge [sflag:s30], $0x200  }
0x1bf: {  	[sflag:s30] =	ssyncset.done $0x0  }
0x1c0: {  	s17 =	simm.s32 $0x0;
	[sflag:s30] =	ssyncadd.s32 $0xFFFFFE00  }
0x1c1: {  	[tilespmem:s31], [sflag:$0x1] =	stream.indirect.gather [hbm4b:s5+s21], $0x40, s17, s21, $0xb8;
	[tilespmem:$0x10600] =	vst v63  }
0x1c2: {  	_ = 	snop  }
0x1c3: {  	[tilespmem:s1], [sflag:$0x1] =	stream.indirect.gather [hbm4b:s2+s21], $0x40, s21, s21, $0xb8;
	[tilespmem:$0x10600] =	vst v63  }
0x1c4: {  	s13 =	simm.s32 $0x100  }
0x1c5: {  	[tilespmem:s0], [sflag:$0x1] =	stream.indirect.gather [hbm4b:s5+s21], $0x40, s13, s21, $0xb8;
	[tilespmem:$0x10600] =	vst v63  }
0x1c6: {  	s14 =	simm.s32 $0x180  }
0x1c7: {  	[tilespmem:s19], [sflag:$0x1] =	stream.indirect.gather [hbm4b:s2+s21], $0x40, s14, s21, $0xb8;
	[tilespmem:$0x10600] =	vst v63  }
0x1c8: {  	_ =	swait.ge [sflag:s9], $0x2000  }
0x1c9: {  	[sflag:s9] =	ssyncset.done $0x0  }
0x1ca: {  	[sflag:s9] =	ssyncadd.s32 $0xFFFFE000  }
0x1cb: {  	_ =	swait.ge [sflag:s9], $0x2000  }
0x1cc: {  	[sflag:s9] =	ssyncset.done $0x0  }
0x1cd: {  	[sflag:s9] =	ssyncadd.s32 $0xFFFFE000  }
0x1ce: {  	_ =	swait.ge [sflag:s9], $0x2000  }
0x1cf: {  	[sflag:s9] =	ssyncset.done $0x0  }
0x1d0: {  	[sflag:s9] =	ssyncadd.s32 $0xFFFFE000  }
0x1d1: {  	_ =	swait.ge [sflag:s9], $0x2000  }
0x1d2: {  	[sflag:s9] =	ssyncset.done $0x0  }
0x1d3: {  	s11 =	simm.s32 $0x0;
	[sflag:s9] =	ssyncadd.s32 $0xFFFFE000  }
0x1d4: {  	v6 =	vld [tilespmem:s11+$0x8600]  }
0x1d5: {  	v7 =	vld [tilespmem:s11+$0x8610]  }
0x1d6: {  	v8 =	vld [tilespmem:s11+$0x8620]  }
0x1d7: {  	v9 =	vld [tilespmem:s11+$0x8630]  }
0x1d8: {  	v10 =	vld [tilespmem:s11+$0x8640]  }
0x1d9: {  	v11 =	vld [tilespmem:s11+$0x8650]  }
0x1da: {  	v12 =	vld [tilespmem:s11+$0x8660]  }
0x1db: {  	v13 =	vld [tilespmem:s11+$0x8670]  }
0x1dc: {  	v14 =	vld [tilespmem:s11+$0x8680]  }
0x1dd: {  	v15 =	vld [tilespmem:s11+$0x8690]  }
0x1de: {  	v5 =	vld [tilespmem:s11+$0x86A0]  }
0x1df: {  	v4 =	vld [tilespmem:s11+$0x86B0]  }
0x1e0: {  	v3 =	vld [tilespmem:s11+$0x86C0]  }
0x1e1: {  	v2 =	vld [tilespmem:s11+$0x86D0]  }
0x1e2: {  	v1 =	vld [tilespmem:s11+$0x86E0]  }
0x1e3: {  	v0 =	vld [tilespmem:s11+$0x86F0]  }
0x1e4: {  	v16 =	vld [tilespmem:s11+$0x600]  }
0x1e5: {  	v17 =	vld [tilespmem:s11+$0x610]  }
0x1e6: {  	v18 =	vld [tilespmem:s11+$0x620]  }
0x1e7: {  	v19 =	vld [tilespmem:s11+$0x630]  }
0x1e8: {  	v20 =	vld [tilespmem:s11+$0x640]  }
0x1e9: {  	v60 =	vld [tilespmem:s11+$0x650];
	v6 =	vadd.f32 v6, v16  }
0x1ea: {  	v21 =	vld [tilespmem:s11+$0x660];
	v7 =	vadd.f32 v7, v17  }
0x1eb: {  	v61 =	vld [tilespmem:s11+$0x670];
	[tilespmem:s11+$0x600] =	vst v6;
	v6 =	vadd.f32 v8, v18  }
0x1ec: {  	v62 =	vld [tilespmem:s11+$0x680];
	[tilespmem:s11+$0x610] =	vst v7;
	v7 =	vadd.f32 v9, v19  }
0x1ed: {  	v63 =	vld [tilespmem:s11+$0x690];
	[tilespmem:s11+$0x620] =	vst v6;
	v6 =	vadd.f32 v10, v20  }
0x1ee: {  	v8 =	vadd.f32 v11, v60;
	[tilespmem:s11+$0x630] =	vst v7;
	v7 =	vld [tilespmem:s11+$0x6A0]  }
0x1ef: {  	v9 =	vadd.f32 v12, v21;
	[tilespmem:s11+$0x640] =	vst v6;
	v6 =	vld [tilespmem:s11+$0x6B0]  }
0x1f0: {  	[tilespmem:s11+$0x650] =	vst v8;
	v8 =	vld [tilespmem:s11+$0x6C0];
	v10 =	vadd.f32 v13, v61  }
0x1f1: {  	v12 =	vadd.f32 v14, v62;
	[tilespmem:s11+$0x660] =	vst v9;
	v9 =	vld [tilespmem:s11+$0x6D0]  }
0x1f2: {  	s7 =	simm.s32 $0x400;
	v11 =	vadd.f32 v15, v63;
	[tilespmem:s11+$0x670] =	vst v10;
	v10 =	vld [tilespmem:s11+$0x6E0]  }
.LBB2_12:
0x1f3: {  	s3 =	sshra.s32 s7, $0x2;
	p0 =	sne.s32 s7, $0xFC00;
	[tilespmem:s11+$0x680] =	vst v12;
	v5 =	vadd.f32 v5, v7;
	v7 =	vld [tilespmem:s11+$0x6F0]  }
0x1f4: {  	v12 =	vld [tilespmem:s3+$0x8600];
	[tilespmem:s11+$0x690] =	vst v11;
	v4 =	vadd.f32 v4, v6  }
0x1f5: {  	v6 =	vld [tilespmem:s3+$0x8610];
	[tilespmem:s11+$0x6A0] =	vst v5;
	v3 =	vadd.f32 v3, v8  }
0x1f6: {  	v8 =	vld [tilespmem:s3+$0x8620];
	[tilespmem:s11+$0x6B0] =	vst v4;
	v2 =	vadd.f32 v2, v9  }
0x1f7: {  	v9 =	vld [tilespmem:s3+$0x8630];
	[tilespmem:s11+$0x6C0] =	vst v3;
	v1 =	vadd.f32 v1, v10  }
0x1f8: {  	v10 =	vld [tilespmem:s3+$0x8640];
	[tilespmem:s11+$0x6D0] =	vst v2;
	v0 =	vadd.f32 v0, v7  }
0x1f9: {  	v7 =	vld [tilespmem:s3+$0x8650];
	[tilespmem:s11+$0x6E0] =	vst v1  }
0x1fa: {  	v11 =	vld [tilespmem:s3+$0x8660];
	[tilespmem:s11+$0x6F0] =	vst v0;
	s11 =	smov.u32 s3  }
0x1fb: {  	v13 =	vld [tilespmem:s11+$0x8670]  }
0x1fc: {  	v14 =	vld [tilespmem:s11+$0x8680]  }
0x1fd: {  	v15 =	vld [tilespmem:s11+$0x8690]  }
0x1fe: {  	v5 =	vld [tilespmem:s11+$0x86A0]  }
0x1ff: {  	v4 =	vld [tilespmem:s11+$0x86B0]  }
0x200: {  	v3 =	vld [tilespmem:s11+$0x86C0]  }
0x201: {  	v2 =	vld [tilespmem:s11+$0x86D0]  }
0x202: {  	v1 =	vld [tilespmem:s11+$0x86E0]  }
0x203: {  	v0 =	vld [tilespmem:s11+$0x86F0]  }
0x204: {  	v16 =	vld [tilespmem:s11+$0x600]  }
0x205: {  	v17 =	vld [tilespmem:s11+$0x610]  }
0x206: {  	v18 =	vld [tilespmem:s11+$0x620]  }
0x207: {  	v19 =	vld [tilespmem:s11+$0x630]  }
0x208: {  	v20 =	vld [tilespmem:s11+$0x640]  }
0x209: {  	v12 =	vadd.f32 v12, v16;
	v16 =	vld [tilespmem:s11+$0x650]  }
0x20a: {  	v6 =	vadd.f32 v6, v17;
	v17 =	vld [tilespmem:s11+$0x660]  }
0x20b: {  	[tilespmem:s11+$0x600] =	vst v12;
	v8 =	vadd.f32 v8, v18;
	v12 =	vld [tilespmem:s11+$0x670]  }
0x20c: {  	[tilespmem:s11+$0x610] =	vst v6;
	v6 =	vadd.f32 v9, v19;
	v9 =	vld [tilespmem:s11+$0x680]  }
0x20d: {  	[tilespmem:s11+$0x620] =	vst v8;
	v8 =	vadd.f32 v10, v20;
	v10 =	vld [tilespmem:s11+$0x690]  }
.Ltmp5:
0x20e: {  	[tilespmem:s11+$0x630] =	vst v6;
	v16 =	vadd.f32 v7, v16;
	v7 =	vld [tilespmem:s11+$0x6A0];
	(pc) =	sbr.rel @p0 .LBB2_12-.Ltmp5, $4  }
0x20f: {  	[tilespmem:s11+$0x640] =	vst v8;
	v11 =	vadd.f32 v11, v17;
	v6 =	vld [tilespmem:s11+$0x6B0]  }
0x210: {  	[tilespmem:s11+$0x650] =	vst v16;
	v13 =	vadd.f32 v13, v12;
	v8 =	vld [tilespmem:s11+$0x6C0]  }
0x211: {  	[tilespmem:s11+$0x660] =	vst v11;
	v12 =	vadd.f32 v14, v9;
	v9 =	vld [tilespmem:s11+$0x6D0]  }
0x212: {  	s7 =	sadd.s32 $0x400, s7;
	[tilespmem:s11+$0x670] =	vst v13;
	v11 =	vadd.f32 v15, v10;
	v10 =	vld [tilespmem:s11+$0x6E0]  }
0x213: {  	[tilespmem:s11+$0x680] =	vst v12;
	v5 =	vadd.f32 v5, v7;
	v7 =	vld [tilespmem:s11+$0x6F0]  }
0x214: {  	[tilespmem:s11+$0x690] =	vst v11;
	v4 =	vadd.f32 v4, v6  }
0x215: {  	[tilespmem:s11+$0x6A0] =	vst v5;
	v3 =	vadd.f32 v3, v8  }
0x216: {  	[tilespmem:s11+$0x6B0] =	vst v4;
	v2 =	vadd.f32 v2, v9  }
0x217: {  	[tilespmem:s11+$0x6C0] =	vst v3;
	v1 =	vadd.f32 v1, v10  }
0x218: {  	[tilespmem:s11+$0x6D0] =	vst v2;
	v0 =	vadd.f32 v0, v7  }
0x219: {  	[tilespmem:s11+$0x6E0] =	vst v1  }
0x21a: {  	s3 =	rddreg [dreg:$0x9];
	[tilespmem:s11+$0x6F0] =	vst v0  }
0x21b: {  	[hbm4b:s3+s24] =	stream.strided.scatter [tilespmem:s22], [sflag:$0x2], $0x4000, s21, s24, $0x38;
	[tilespmem:$0x10600] =	vst v63  }
0x21c: {  	_ =	swait.ge [sflag:s9], $0x2000  }
0x21d: {  	[sflag:s9] =	ssyncset.done $0x0  }
0x21e: {  	[sflag:s9] =	ssyncadd.s32 $0xFFFFE000  }
0x21f: {  	_ =	swait.ge [sflag:s9], $0x2000  }
0x220: {  	[sflag:s9] =	ssyncset.done $0x0  }
0x221: {  	[sflag:s9] =	ssyncadd.s32 $0xFFFFE000  }
0x222: {  	_ =	swait.ge [sflag:s9], $0x2000  }
0x223: {  	[sflag:s9] =	ssyncset.done $0x0  }
0x224: {  	[sflag:s9] =	ssyncadd.s32 $0xFFFFE000  }
0x225: {  	_ =	swait.ge [sflag:s9], $0x2000  }
0x226: {  	[sflag:s9] =	ssyncset.done $0x0  }
0x227: {  	s11 =	simm.s32 $0x0;
	[sflag:s9] =	ssyncadd.s32 $0xFFFFE000  }
0x228: {  	v6 =	vld [tilespmem:s11+$0xC600]  }
0x229: {  	v7 =	vld [tilespmem:s11+$0xC610]  }
0x22a: {  	v8 =	vld [tilespmem:s11+$0xC620]  }
0x22b: {  	v9 =	vld [tilespmem:s11+$0xC630]  }
0x22c: {  	v10 =	vld [tilespmem:s11+$0xC640]  }
0x22d: {  	v11 =	vld [tilespmem:s11+$0xC650]  }
0x22e: {  	v12 =	vld [tilespmem:s11+$0xC660]  }
0x22f: {  	v13 =	vld [tilespmem:s11+$0xC670]  }
0x230: {  	v14 =	vld [tilespmem:s11+$0xC680]  }
0x231: {  	v15 =	vld [tilespmem:s11+$0xC690]  }
0x232: {  	v5 =	vld [tilespmem:s11+$0xC6A0]  }
0x233: {  	v4 =	vld [tilespmem:s11+$0xC6B0]  }
0x234: {  	v3 =	vld [tilespmem:s11+$0xC6C0]  }
0x235: {  	v2 =	vld [tilespmem:s11+$0xC6D0]  }
0x236: {  	v1 =	vld [tilespmem:s11+$0xC6E0]  }
0x237: {  	v0 =	vld [tilespmem:s11+$0xC6F0]  }
0x238: {  	v16 =	vld [tilespmem:s11+$0x4600]  }
0x239: {  	v17 =	vld [tilespmem:s11+$0x4610]  }
0x23a: {  	v18 =	vld [tilespmem:s11+$0x4620]  }
0x23b: {  	v19 =	vld [tilespmem:s11+$0x4630]  }
0x23c: {  	v20 =	vld [tilespmem:s11+$0x4640]  }
0x23d: {  	v60 =	vld [tilespmem:s11+$0x4650];
	v6 =	vadd.f32 v6, v16  }
0x23e: {  	v21 =	vld [tilespmem:s11+$0x4660];
	v7 =	vadd.f32 v7, v17  }
0x23f: {  	v61 =	vld [tilespmem:s11+$0x4670];
	[tilespmem:s11+$0x4600] =	vst v6;
	v6 =	vadd.f32 v8, v18  }
0x240: {  	v62 =	vld [tilespmem:s11+$0x4680];
	[tilespmem:s11+$0x4610] =	vst v7;
	v7 =	vadd.f32 v9, v19  }
0x241: {  	v63 =	vld [tilespmem:s11+$0x4690];
	[tilespmem:s11+$0x4620] =	vst v6;
	v6 =	vadd.f32 v10, v20  }
0x242: {  	v8 =	vadd.f32 v11, v60;
	[tilespmem:s11+$0x4630] =	vst v7;
	v7 =	vld [tilespmem:s11+$0x46A0]  }
0x243: {  	v9 =	vadd.f32 v12, v21;
	[tilespmem:s11+$0x4640] =	vst v6;
	v6 =	vld [tilespmem:s11+$0x46B0]  }
0x244: {  	[tilespmem:s11+$0x4650] =	vst v8;
	v8 =	vld [tilespmem:s11+$0x46C0];
	v10 =	vadd.f32 v13, v61  }
0x245: {  	v12 =	vadd.f32 v14, v62;
	[tilespmem:s11+$0x4660] =	vst v9;
	v9 =	vld [tilespmem:s11+$0x46D0]  }
0x246: {  	s7 =	simm.s32 $0x400;
	v11 =	vadd.f32 v15, v63;
	[tilespmem:s11+$0x4670] =	vst v10;
	v10 =	vld [tilespmem:s11+$0x46E0]  }
.LBB2_14:
0x247: {  	s3 =	sshra.s32 s7, $0x2;
	p0 =	sne.s32 s7, $0xFC00;
	[tilespmem:s11+$0x4680] =	vst v12;
	v5 =	vadd.f32 v5, v7;
	v7 =	vld [tilespmem:s11+$0x46F0]  }
0x248: {  	v12 =	vld [tilespmem:s3+$0xC600];
	[tilespmem:s11+$0x4690] =	vst v11;
	v4 =	vadd.f32 v4, v6  }
0x249: {  	v6 =	vld [tilespmem:s3+$0xC610];
	[tilespmem:s11+$0x46A0] =	vst v5;
	v3 =	vadd.f32 v3, v8  }
0x24a: {  	v8 =	vld [tilespmem:s3+$0xC620];
	[tilespmem:s11+$0x46B0] =	vst v4;
	v2 =	vadd.f32 v2, v9  }
0x24b: {  	v9 =	vld [tilespmem:s3+$0xC630];
	[tilespmem:s11+$0x46C0] =	vst v3;
	v1 =	vadd.f32 v1, v10  }
0x24c: {  	v10 =	vld [tilespmem:s3+$0xC640];
	[tilespmem:s11+$0x46D0] =	vst v2;
	v0 =	vadd.f32 v0, v7  }
0x24d: {  	v7 =	vld [tilespmem:s3+$0xC650];
	[tilespmem:s11+$0x46E0] =	vst v1  }
0x24e: {  	v11 =	vld [tilespmem:s3+$0xC660];
	[tilespmem:s11+$0x46F0] =	vst v0;
	s11 =	smov.u32 s3  }
0x24f: {  	v13 =	vld [tilespmem:s11+$0xC670]  }
0x250: {  	v14 =	vld [tilespmem:s11+$0xC680]  }
0x251: {  	v15 =	vld [tilespmem:s11+$0xC690]  }
0x252: {  	v5 =	vld [tilespmem:s11+$0xC6A0]  }
0x253: {  	v4 =	vld [tilespmem:s11+$0xC6B0]  }
0x254: {  	v3 =	vld [tilespmem:s11+$0xC6C0]  }
0x255: {  	v2 =	vld [tilespmem:s11+$0xC6D0]  }
0x256: {  	v1 =	vld [tilespmem:s11+$0xC6E0]  }
0x257: {  	v0 =	vld [tilespmem:s11+$0xC6F0]  }
0x258: {  	v16 =	vld [tilespmem:s11+$0x4600]  }
0x259: {  	v17 =	vld [tilespmem:s11+$0x4610]  }
0x25a: {  	v18 =	vld [tilespmem:s11+$0x4620]  }
0x25b: {  	v19 =	vld [tilespmem:s11+$0x4630]  }
0x25c: {  	v20 =	vld [tilespmem:s11+$0x4640]  }
0x25d: {  	v12 =	vadd.f32 v12, v16;
	v16 =	vld [tilespmem:s11+$0x4650]  }
0x25e: {  	v6 =	vadd.f32 v6, v17;
	v17 =	vld [tilespmem:s11+$0x4660]  }
0x25f: {  	[tilespmem:s11+$0x4600] =	vst v12;
	v8 =	vadd.f32 v8, v18;
	v12 =	vld [tilespmem:s11+$0x4670]  }
0x260: {  	[tilespmem:s11+$0x4610] =	vst v6;
	v6 =	vadd.f32 v9, v19;
	v9 =	vld [tilespmem:s11+$0x4680]  }
0x261: {  	[tilespmem:s11+$0x4620] =	vst v8;
	v8 =	vadd.f32 v10, v20;
	v10 =	vld [tilespmem:s11+$0x4690]  }
.Ltmp6:
0x262: {  	[tilespmem:s11+$0x4630] =	vst v6;
	v16 =	vadd.f32 v7, v16;
	v7 =	vld [tilespmem:s11+$0x46A0];
	(pc) =	sbr.rel @p0 .LBB2_14-.Ltmp6, $4  }
0x263: {  	[tilespmem:s11+$0x4640] =	vst v8;
	v11 =	vadd.f32 v11, v17;
	v6 =	vld [tilespmem:s11+$0x46B0]  }
0x264: {  	[tilespmem:s11+$0x4650] =	vst v16;
	v13 =	vadd.f32 v13, v12;
	v8 =	vld [tilespmem:s11+$0x46C0]  }
0x265: {  	[tilespmem:s11+$0x4660] =	vst v11;
	v12 =	vadd.f32 v14, v9;
	v9 =	vld [tilespmem:s11+$0x46D0]  }
0x266: {  	s7 =	sadd.s32 $0x400, s7;
	[tilespmem:s11+$0x4670] =	vst v13;
	v11 =	vadd.f32 v15, v10;
	v10 =	vld [tilespmem:s11+$0x46E0]  }
0x267: {  	[tilespmem:s11+$0x4680] =	vst v12;
	v5 =	vadd.f32 v5, v7;
	v63 =	vld [tilespmem:s11+$0x46F0]  }
0x268: {  	[tilespmem:s11+$0x4690] =	vst v11;
	v4 =	vadd.f32 v4, v6  }
0x269: {  	[tilespmem:s11+$0x46A0] =	vst v5;
	v3 =	vadd.f32 v3, v8  }
0x26a: {  	[tilespmem:s11+$0x46B0] =	vst v4;
	v2 =	vadd.f32 v2, v9  }
0x26b: {  	[tilespmem:s11+$0x46C0] =	vst v3;
	v1 =	vadd.f32 v1, v10  }
0x26c: {  	[tilespmem:s11+$0x46D0] =	vst v2;
	v0 =	vadd.f32 v0, v63  }
0x26d: {  	[tilespmem:s11+$0x46E0] =	vst v1  }
0x26e: {  	s3 =	rddreg [dreg:$0xa];
	[tilespmem:s11+$0x46F0] =	vst v0  }
0x26f: {  	[hbm4b:s3+s24] =	stream.strided.scatter [tilespmem:s31], [sflag:$0x3], $0x4000, s21, s24, $0x38;
	[tilespmem:$0x10600] =	vst v63  }
0x270: {  	_ =	swait.ge [sflag:s10], $0x4000  }
0x271: {  	[sflag:s10] =	ssyncset.done $0x0  }
0x272: {  	[sflag:s10] =	ssyncadd.s32 $0xFFFFC000  }
0x273: {  	_ =	swait.ge [sflag:s26], $0x4000  }
0x274: {  	s29 =	sadd.s32 $0x1, s29;
	s17 =	rddreg [dreg:$0xb]  }
0x275: {  	p0 =	sne.s32 s29, s17  }
.Ltmp7:
0x276: {  	_ = 	snop;
	(pc) =	sbr.rel @p0 .LBB2_1-.Ltmp7, $3  }
0x277: {  	_ =	sdelay $0x1  }
0x278: {  	[sflag:s26] =	ssyncset.done $0x0  }
0x279: {  	[sflag:s26] =	ssyncadd.s32 $0xFFFFC000  }
0x27a: {  	_ =	sfence.sel $0x180000  }
0x27b: {  	[bflag:$0x0] =	sbarrier.arrive $0xFFFF  }
0x27c: {  	_ =	strace $0x90000047  }
0x27d: {  	s0 =	stileid.u32;
	[bflag:$0x2] =	sbarrier.arrive $0xFFFF  }
0x27e: {  	p0 =	sne.s32 s0, $0x0;
	s0 =	rddreg [dreg:$0x2]  }
0x27f: {  	s0 =	sadd.s32 @!p0 $0x100000, s0  }
0x280: {  	[sflag:s0] =	ssyncadd.tile.s32 @!p0 $0x1;
	_ =	shalt  }
.Lfunc_end2:
_tile_overlayer_lowered:
.L_overlay_start_2:
0x281: {  	(tag) =	ssettag $0x2  }
0x282: {  	s0 =	rddreg [dreg:$0x0];
	s2 =	stileid.u32  }
0x283: {  	s1 =	rddreg [dreg:$0x1];
	p0 =	sne.s32 s2, $0x0  }
0x284: {  	s3 =	rddreg [dreg:$0x2];
	[bflag:$0x3] =	sbarrier.arrive $0xFFFF;
	s2 =	simm.s32 @!p0 $0x1C06  }
0x285: {  	[timem:s3], [sflag:s2] =	dma.local @!p0 [hbm:s0], s1  }
0x286: {  	s0 =	simm.s32 @!p0 $0x6  }
0x287: {  	_ =	swait.ge @!p0 [sflag:s0], s1  }
0x288: {  	s1 =	ssub.s32 @!p0 $0x0, s1;
	[sflag:s0] =	ssyncset.done @!p0 $0x0  }
0x289: {  	[sflag:s0] =	ssyncadd.s32 @!p0 s1  }
0x28a: {  	[bflag:$0x3] =	sbarrier.arrive $0xFFFF  }
0x28b: {  	_ =	shalt  }

// kernel: sparse-core-data-format-call.cloned.1.call-start
scs
called_computation_lowered:
.L_overlay_start_0:
0x0: {  	s2 =	sld [smem:$0x3FD9]  }
0x1: {  	s3 =	sld [smem:$0x3FFE];
	_ =	sdelay $0x1  }
0x2: {  	s1 =	srdreg.scid  }
0x3: {  	s0 =	sand.u32 $0x1, s1  }
0x4: {  	s18 =	sshll.u32 s0, $0xA;
	s2 =	sadd.s32 s3, s2  }
0x5: {  	s2 =	sadd.s32 s2, s18  }
0x6: {  	[smem:$0x3FC3] =	sst s2  }
0x7: {  	_ = 	snop  }
0x8: {  	s2 =	sld [smem:$0x3FD0];
	(tm) =	ssettm $0x1  }
0x9: {  	s19 =	sld [smem:$0x3FFB];
	_ =	sdelay $0x3  }
0xa: {  	_ =	strace s19  }
0xb: {  	s3 =	sld [smem:$0x3FFC];
	_ =	sdelay $0x3  }
0xc: {  	_ =	strace s3  }
0xd: {  	s3 =	sld [smem:$0x3FFD];
	_ =	sdelay $0x3  }
0xe: {  	_ =	strace s3  }
0xf: {  	_ =	strace $0x8FFFFFFF  }
0x10: {  	s20 =	sld [smem:$0x3FDB];
	_ =	sdelay $0x1  }
0x11: {  	s4 =	simm.s32 $_scs_section_size  }
0x12: {  	s5 =	simm.s32 $_size__tile_overlayer_lowered;
	s6 =	simm.s32 $_tile_overlayer_lowered  }
0x13: {  	s23 =	simm.s32 $0x1BFF;
	s22 =	sshll.u32 s6, $0x1;
	s3 =	sadd.s32 s4, s20  }
0x14: {  	s7 =	simm.s32 $0x0;
	s21 =	sshll.u32 s5, $0x1;
	s5 =	sadd.s32 s22, s3  }
0x15: {  	[timem:s7], [sflag:s23] =	dma.local [hbm:s5], s21  }
0x16: {  	_ =	swait.ge [sflag:s23], s21  }
0x17: {  	s4 =	ssub.s32 $0x0, s21;
	[sflag:s23] =	ssyncset.done $0x0  }
0x18: {  	[sflag:s23] =	ssyncadd.s32 s4;
	_ =	sdelay $0x1  }
0x19: {  	s24 =	simm.s32 $0x1B8B  }
0x1a: {  	_ =	swait.ge [sflag:s24], $0x1  }
0x1b: {  	[sflag:s24] =	ssyncset.done $0x0  }
0x1c: {  	s26 =	simm.s32 $0x1B8E;
	s25 =	sld [smem:$0x3FFE];
	[sflag:s24] =	ssyncadd.s32 $0xFFFFFFFF  }
0x1d: {  	s27 =	simm.s32 $execute0_lowered;
	[smem:$0x3FD2] =	sst s26  }
0x1e: {  	s5 =	sshll.u32 s27, $0x1;
	_ =	strace $0x80000049;
	[dreg:$0x1] =	wrdreg $0xFFFFFFFF  }
0x1f: {  	s28 =	simm.s32 $_size_execute0_lowered;
	s3 =	sadd.s32 s3, s5;
	[dreg:$0x0] =	wrdreg $0x0  }
0x20: {  	s5 =	sshll.u32 s28, $0x1;
	[dreg:$0x2] =	wrdreg s3  }
0x21: {  	[dreg:$0x3] =	wrdreg s5  }
0x22: {  	[dreg:$0x4] =	wrdreg $0xC0  }
0x23: {  	_ =	task [dreg:s7], $0x5FFFF  }
0x24: {  	[dreg:$0x1] =	wrdreg $0xFFFFFFFF  }
0x25: {  	[dreg:$0x0] =	wrdreg $0x60  }
0x26: {  	[dreg:$0x2] =	wrdreg s25  }
0x27: {  	[dreg:$0x3] =	wrdreg s2  }
0x28: {  	[dreg:$0x4] =	wrdreg $0x9  }
0x29: {  	_ =	task.clear_ibuf [dreg:s7], $0x5FFFF;
	_ =	strace $0x90000049  }
0x2a: {  	s29 =	simm.s32 $0x9;
	_ =	strace $0x8000004B  }
0x2b: {  	_ =	swait.ge [sflag:s29], $0x1  }
0x2c: {  	[sflag:s29] =	ssyncadd.s32 $0xFFFFFFFF  }
0x2d: {  	_ =	strace $0x9000004B  }
0x2e: {  	_ =	sfence  }
0x2f: {  	s30 =	sld [smem:$0x0];
	_ =	sdelay $0x2  }
0x30: {  	s31 =	sshll.u32 s1, $0xD;
	s1 =	sshrl.u32 s1, $0x2  }
0x31: {  	s3 =	sand.u32 $0x4000, s31;
	s1 =	sadd.s32 s1, s30  }
0x32: {  	s0 =	sor.u32 s3, s0;
	s1 =	sshll.u32 s1, $0x11  }
0x33: {  	s0 =	sor.u32 s1, s0  }
0x34: {  	s0 =	sadd.s32 $0x8F2B, s0  }
0x35: {  	[sflag:s0] =	ssyncadd.remote.s32 $0x1  }
0x36: {  	_ =	sfence.sel $0xFFFF  }
0x37: {  	[dreg:$0x0] =	wrdreg $0xFFFFFFFF;
	(pc) =	sbr.abs _section_cstart, $3  }
0x38: {  	[dreg:$0x1] =	wrdreg $0xFFFFFFFF  }
0x39: {  	_ =	task.clear_ibuf [dreg:s7], $0x2FFFF;
	_ =	strace $0x9FFFFFFF  }
0x3a: {  	(tm) =	ssettm $0x7FFFFFFF  }
0x3b: {  	_ =	shalt  }
tec
execute0_lowered:
.L_overlay_start_1:
0x0: {  	(tag) =	ssettag $0x1  }
0x1: {  	s0 =	srdreg.scid  }
0x2: {  	s1 =	sshll.u32 s0, $0x4  }
0x3: {  	s0 =	stileid.u32;
	s1 =	sand.u32 $0x10, s1  }
0x4: {  	s1 =	sor.u32 s0, s1  }
0x5: {  	s6 =	rddreg [dreg:$0x0];
	s4 =	simm.s32 $0x1;
	s2 =	sshll.u32 s1, $0x7  }
0x6: {  	s7 =	simm.s32 $0x2;
	s12 =	simm.s32 $0x0;
	s1 =	ssub.s32 $0x1000, s2  }
0x7: {  	s8 =	simm.s32 $0x8000;
	s13 =	simm.s32 $0x0;
	s3 =	sand.u32 $0xF80, s1  }
0x8: {  	s9 =	simm.s32 $0x0;
	s5 =	sshrl.u32 s1, $0xC;
	p0 =	sne.s32 s3, $0x0  }
.Ltmp0:
0x9: {  	s1 =	rddreg [dreg:$0x2];
	s4 =	simm.s32 @!p0 $0x0;
	(pc) =	sbr.rel .LBB1_1-.Ltmp0, $4  }
0xa: {  	s11 =	simm.s32 $0x0;
	s3 =	rddreg [dreg:$0x1];
	s5 =	sadd.s32 s4, s5  }
0xb: {  	_ =	strace $0x8000004A;
	s4 =	simm.s32 $0x1;
	s5 =	smul.u32 $0xC8, s5  }
0xc: {  	s6 =	sadd.s32 $0x33200, s6;
	s10 =	smov.u32 s2;
	[sflag:s4] =	ssyncpa.u1 $0x0  }
0xd: {  	p0 =	por $0x0, $0x0;
	[sflag:s7] =	ssyncpa.u1 $0x0;
	s7 =	sor.u32 $0x1, s5  }
.LBB1_4:
0xe: {  	s16 =	sshll.u32 s13, $0x3;
	s17 =	sand.u32 $0x78, s13  }
0xf: {  	s30 =	sand.u32 $0x7E00, s13;
	s12 =	sshll.u32 s12, $0xF;
	s16 =	sand.u32 $0xC00, s16  }
0x10: {  	[tilespmem:s15+$0x810 ss:$0x81] =	vst.msk $0xffff, v2;
	s31 =	sand.u32 $0x7, s13;
	s16 =	sor.u32 s17, s16;
	s17 =	sadd.s32 s3, s30  }
0x11: {  	[tilespmem:s15+$0x1020 ss:$0x81] =	vst.msk $0xffff, v0;
	s13 =	sshll.u32 s31, $0x12;
	s12 =	sadd.s32 s12, s17;
	s16 =	sshrl.u32 s16, $0x3  }
0x12: {  	[tilespmem:s15+$0x0 ss:$0x81] =	vst.msk $0xffff, v1;
	s13 =	sor.u32 $0x400, s13;
	s12 =	sadd.s32 s16, s12  }
0x13: {  	[hbm4b:s12+s13] =	stream.strided.scatter [tilespmem:s14], [sflag:$0x2], $0x2000, s8, s13, $0x20;
	[tilespmem:$0x8080] =	vst v63  }
.LBB1_5:
0x14: {  	s14 =	sadd.s32 $0x1, s9  }
0x15: {  	s12 =	sadd.s32 $0x1000, s10;
	s16 =	smov.u32 s10;
	p2 =	sgt.s32 s14, $0xC7  }
0x16: {  	s16 =	smov.u32 @p2 s12  }
0x17: {  	s14 =	simm.s32 @p2 $0x0;
	p2 =	sgt.s32 s16, $0xFFF  }
0x18: {  	s16 =	smov.u32 @p2 s2;
	p2 =	sne.s32 s11, s7  }
.Ltmp1:
0x19: {  	p1 =	slt.u32 s11, $0x2;
	(pc) =	sbr.rel @!p2 .LBB1_6-.Ltmp1, $4  }
0x1a: {  	s15 =	simm.s32 @!p1 $0x2  }
0x1b: {  	s13 =	smov.u32 s10;
	p0 =	por !p0, !p0;
	_ =	swait.ge @!p1 [sflag:s15], $0x2000  }
0x1c: {  	s12 =	smov.u32 s9;
	[sflag:s15] =	ssyncset.done @!p1 $0x0;
	s9 =	smov.u32 s14  }
0x1d: {  	s11 =	sadd.s32 $0x1, s11;
	[sflag:s15] =	ssyncadd.s32 @!p1 $0xFFFFE000;
	s10 =	smov.u32 s16  }
.LBB1_1:
0x1e: {  	p1 =	sge.u32 s11, s5  }
0x1f: {  	s14 =	sand.u32 @!p1 $0x1FFFFFF, s9  }
0x20: {  	s15 =	smulhi.u32 @!p1 $0x147AE15, s14;
	_ =	sdelay $0x1  }
0x21: {  	s15 =	smul.u32 @!p1 $0xC8, s15  }
0x22: {  	s16 =	sxor.u32 @!p1 $0xFFFFFFFF, s11;
	s17 =	smul.u32 @!p1 $0xC80, s10  }
0x23: {  	s31 =	sadd.s32 $0xFFFFFFFF, s11;
	s16 =	sshll.u32 @!p1 s16, $0xD;
	s14 =	ssub.s32 @!p1 s14, s15  }
0x24: {  	s15 =	sand.u32 @!p1 $0x2000, s16;
	s16 =	sadd.s32 @!p1 s6, s17;
	s14 =	sshll.u32 @!p1 s14, $0x4  }
0x25: {  	s17 =	simm.s32 @!p1 $0x6400;
	s14 =	sadd.s32 @!p1 s14, s16;
	s16 =	simm.s32 @!p1 $0x40  }
0x26: {  	[tilespmem:s15], [sflag:$0x1] =	stream.strided.gather @!p1 [hbm4b:s14+s16], $0x2000, s17, s16, $0x38;
	[tilespmem:$0x8080] =	vst v63  }
0x27: {  	p1 =	sge.u32 s31, s5  }
.Ltmp2:
0x28: {  	_ = 	snop;
	(pc) =	sbr.rel @p1 .LBB1_5-.Ltmp2, $1  }
0x29: {  	_ =	sdelay $0x3  }
0x2a: {  	s14 =	simm.s32 $0x1  }
0x2b: {  	_ =	swait.ge [sflag:s4], $0x2000;
	s14 =	simm.s32 @!p0 $0x0  }
0x2c: {  	[sflag:s4] =	ssyncset.done $0x0;
	s15 =	sshll.u32 s14, $0xD  }
0x2d: {  	[sflag:s4] =	ssyncadd.s32 $0xFFFFE000;
	s18 =	sor.u32 $0x20, s15  }
0x2e: {  	s14 =	smul.u32 $0x8100, s14;
	v3 =	vld [tilespmem:s18+$0x10]  }
0x2f: {  	s30 =	sand.u32 $0x1, s11;
	v2 =	vld [tilespmem:s18+$0xFFFFFFF0]  }
0x30: {  	s15 =	smul.u32 $0x8100, s30;
	s14 =	sshrl.u32 s14, $0x2;
	v0 =	vld [tilespmem:s18+$0x0]  }
0x31: {  	v1 =	vld [tilespmem:s18+$0xFFFFFFE0];
	s16 =	sor.u32 $0x4000, s14  }
0x32: {  	s31 =	sshrl.u32 s15, $0x2;
	s15 =	sadd.s32 $0x0, s16  }
0x33: {  	s17 =	simm.s32 $0x4;
	s18 =	sadd.s32 $0x40, s18;
	s14 =	sor.u32 $0x4000, s31;
	[tilespmem:s15+$0x1830 ss:$0x81] =	vst.msk $0xffff, v3  }
.LBB1_3:
0x34: {  	v3 =	vld [tilespmem:s18+$0x10];
	p1 =	sne.s32 s17, $0x1FC;
	[tilespmem:s15+$0x810 ss:$0x81] =	vst.msk $0xffff, v2;
	s19 =	smov.u32 s17;
	s17 =	sadd.s32 $0x4, s17  }
.Ltmp3:
0x35: {  	v2 =	vld [tilespmem:s18+$0xFFFFFFF0];
	[tilespmem:s15+$0x1020 ss:$0x81] =	vst.msk $0xffff, v0;
	(pc) =	sbr.rel @p1 .LBB1_3-.Ltmp3, $4  }
0x36: {  	v0 =	vld [tilespmem:s18+$0x0];
	[tilespmem:s15+$0x0 ss:$0x81] =	vst.msk $0xffff, v1  }
0x37: {  	s15 =	sshra.s32 s19, $0x2;
	v1 =	vld [tilespmem:s18+$0xFFFFFFE0]  }
0x38: {  	s15 =	sadd.s32 s15, s16  }
0x39: {  	s18 =	sadd.s32 $0x40, s18;
	[tilespmem:s15+$0x1830 ss:$0x81] =	vst.msk $0xffff, v3  }
.Ltmp4:
0x3a: {  	_ = 	snop;
	(pc) =	sbr.rel .LBB1_4-.Ltmp4, $1  }
0x3b: {  	_ =	sdelay $0x3  }
.LBB1_6:
0x3c: {  	_ =	sfence.sel $0x180000  }
0x3d: {  	s2 =	simm.s32 $0x1;
	[bflag:$0x0] =	sbarrier.arrive $0xFFFF  }
0x3e: {  	s31 =	simm.s32 $0x2;
	[sflag:s2] =	ssyncpa.u1 $0x1  }
0x3f: {  	[sflag:s31] =	ssyncpa.u1 $0x1  }
0x40: {  	p0 =	sne.s32 s0, $0x0;
	_ =	strace $0x9000004A  }
0x41: {  	s0 =	sadd.s32 @!p0 $0x100000, s1;
	[bflag:$0x2] =	sbarrier.arrive $0xFFFF  }
0x42: {  	[sflag:s0] =	ssyncadd.tile.s32 @!p0 $0x1;
	_ =	shalt  }
.Lfunc_end1:
_tile_overlayer_lowered:
.L_overlay_start_2:
0x43: {  	(tag) =	ssettag $0x2  }
0x44: {  	s0 =	rddreg [dreg:$0x0];
	s2 =	stileid.u32  }
0x45: {  	s1 =	rddreg [dreg:$0x1];
	p0 =	sne.s32 s2, $0x0  }
0x46: {  	s3 =	rddreg [dreg:$0x2];
	[bflag:$0x3] =	sbarrier.arrive $0xFFFF;
	s2 =	simm.s32 @!p0 $0x1C01  }
0x47: {  	[timem:s3], [sflag:s2] =	dma.local @!p0 [hbm:s0], s1  }
0x48: {  	s0 =	simm.s32 @!p0 $0x1  }
0x49: {  	_ =	swait.ge @!p0 [sflag:s0], s1  }
0x4a: {  	s1 =	ssub.s32 @!p0 $0x0, s1;
	[sflag:s0] =	ssyncset.done @!p0 $0x0  }
0x4b: {  	[sflag:s0] =	ssyncadd.s32 @!p0 s1  }
0x4c: {  	[bflag:$0x3] =	sbarrier.arrive $0xFFFF  }
0x4d: {  	_ =	shalt  }

</sc_bundles>
